<compile_context>
chip_gen: v7x
topology: tpu7x:2x2x1
jax: 0.10.2.dev20260603
libtpu: 0.0.44.dev20260713+nightly
codegen_flags: <defaults>
</compile_context>

<pallas_src>
import functools

import jax
import jax.numpy as jnp
from jax import lax
from jax.experimental import pallas as pl
from jax.experimental.pallas import tpu as pltpu
from jax.experimental.pallas import tpu_sc as plsc

N0 = 12500; N1 = 50000; E0 = 200000; E1 = 800000
DIM = 3; LAT = 32; HID = 64; OUT = 3; K = 3

NP0 = 12800
NP1 = 51200
E0P = 204800
E1P = 800000
IP = 3 * NP1

_F32 = jnp.float32


_NXP = 12800
_KCH = 512
_KBY = 128
_IMASK = (1 << 14) - 1


def _knn_body(posx_ref, pyT_ref, idx_ref):
    KMASK = jnp.int32(~_IMASK)
    IBIG = jnp.int32(0x7FFFFFFF)
    py0 = pyT_ref[0:1, :]
    py1 = pyT_ref[1:2, :]
    py2 = pyT_ref[2:3, :]
    iota = lax.broadcasted_iota(jnp.int32, (_KCH, _KBY), 0)

    def step(i, carry):
        A, B, C = carry
        px = posx_ref[pl.ds(i * _KCH, _KCH), :]
        dx = px[:, 0:1] - py0
        dy = px[:, 1:2] - py1
        dz = px[:, 2:3] - py2
        d2 = (dx * dx + dy * dy) + dz * dz
        keys = ((lax.bitcast_convert_type(d2, jnp.int32) & KMASK)
                | (iota + i * _KCH)).astype(jnp.int32)
        t1 = jnp.maximum(A, keys)
        A = jnp.minimum(A, keys)
        t2 = jnp.maximum(B, t1)
        B = jnp.minimum(B, t1)
        C = jnp.minimum(C, t2)
        return A, B, C

    full = jnp.full((_KCH, _KBY), IBIG, jnp.int32)
    A, B, C = lax.fori_loop(0, _NXP // _KCH, step, (full, full, full))
    Kk = jnp.concatenate([A, B, C], axis=0)
    for r in range(3):
        kmin = jnp.min(Kk, axis=0, keepdims=True)
        idx_ref[r:r + 1, :] = kmin & _IMASK
        Kk = jnp.where(Kk == kmin, IBIG, Kk)


def _knn_select(posx_pad, pos_y):
    ny = pos_y.shape[0]
    pyT = jnp.pad(pos_y, ((0, NP1 - ny), (0, 0))).T
    return pl.pallas_call(
        _knn_body,
        grid=(NP1 // _KBY,),
        in_specs=[pl.BlockSpec((_NXP, 3), lambda i: (0, 0)),
                  pl.BlockSpec((3, _KBY), lambda i: (0, i))],
        out_specs=pl.BlockSpec((3, _KBY), lambda i: (0, i)),
        out_shape=jax.ShapeDtypeStruct((3, NP1), jnp.int32),
    )(posx_pad, pyT)



def _sc_gather(table, idx, ch):
    ep = idx.shape[0]
    d = table.shape[1]
    count = ep // 32
    nch = count // ch
    mesh = plsc.VectorSubcoreMesh(core_axis_name="c", subcore_axis_name="s")

    @functools.partial(
        pl.kernel, mesh=mesh,
        out_type=jax.ShapeDtypeStruct((ep, d), _F32),
        scratch_types=[pltpu.VMEM((ch,), jnp.int32),
                       pltpu.VMEM((ch, d), _F32),
                       pltpu.SemaphoreType.DMA],
    )
    def k(table_hbm, idx_hbm, out_hbm, idx_v, rows_v, sem):
        wid = lax.axis_index("s") * 2 + lax.axis_index("c")
        base = wid * count

        @pl.loop(0, nch)
        def _(i):
            off = base + i * ch
            pltpu.sync_copy(idx_hbm.at[pl.ds(off, ch)], idx_v)
            pltpu.async_copy(table_hbm.at[idx_v], rows_v, sem).wait()
            pltpu.sync_copy(rows_v, out_hbm.at[pl.ds(off, ch)])

    return k(table, idx)


def _sc_scatter_add(rows, dstloc_flat, zeros_b, hbq, nb, ch):
    ep, rw = rows.shape
    count = ep // 16
    nch = count // ch
    stripe = hbq // 16
    mesh = plsc.VectorSubcoreMesh(core_axis_name="c", subcore_axis_name="s")

    @functools.partial(
        pl.kernel, mesh=mesh,
        out_type=jax.ShapeDtypeStruct((2 * nb * hbq, rw), _F32),
        scratch_types=[pltpu.VMEM_SHARED((hbq, rw), _F32),
                       pltpu.VMEM((ch,), jnp.int32),
                       pltpu.VMEM((ch, rw), _F32)],
    )
    def k(rows_hbm, dl_hbm, z_hbm, out_hbm, acc_sh, idx_v, rows_v):
        c = lax.axis_index("c")
        s = lax.axis_index("s")
        so = s * stripe
        for j in range(nb):
            q = c * nb + j
            pltpu.sync_copy(z_hbm.at[pl.ds(so, stripe)],
                            acc_sh.at[pl.ds(so, stripe)])
            plsc.subcore_barrier()

            @pl.loop(0, nch)
            def _(i):
                off = s * count + i * ch
                pltpu.sync_copy(dl_hbm.at[pl.ds(q * ep + off, ch)], idx_v)
                pltpu.sync_copy(rows_hbm.at[pl.ds(off, ch)], rows_v)
                pltpu.sync_copy(rows_v, acc_sh.at[idx_v], add=True)

            plsc.subcore_barrier()
            pltpu.sync_copy(acc_sh.at[pl.ds(so, stripe)],
                            out_hbm.at[pl.ds(q * hbq + so, stripe)])
            if j + 1 < nb:
                plsc.subcore_barrier()

    return k(rows, dstloc_flat, zeros_b)



def _dot(a, b):
    return lax.dot_general(a, b, (((1,), (0,)), ((), ())),
                           precision=lax.Precision.HIGHEST,
                           preferred_element_type=_F32)


def _prep(xp, posp, wlx, wlp, wrx, wrp, wep, fp):
    np_, finp = xp.shape
    bn = 1600

    def body(x_ref, p_ref, a_ref, b_ref, c_ref, d_ref, e_ref, u_ref, v_ref):
        x = x_ref[...]
        p = p_ref[...]
        xl = _dot(x, a_ref[...]) + _dot(p, b_ref[...])
        pw = _dot(p, e_ref[...])
        xr = _dot(x, c_ref[...]) + _dot(p, d_ref[...])
        u_ref[:, :fp] = xl
        u_ref[:, fp:2 * fp] = pw
        v_ref[:, :fp] = xr + pw
        if 2 * fp < 128:
            u_ref[:, 2 * fp:] = jnp.zeros((bn, 128 - 2 * fp), _F32)
        v_ref[:, fp:] = jnp.zeros((bn, 128 - fp), _F32)

    wspec = lambda w: pl.BlockSpec(w.shape, lambda i: (0, 0))
    return pl.pallas_call(
        body,
        grid=(np_ // bn,),
        in_specs=[pl.BlockSpec((bn, finp), lambda i: (i, 0)),
                  pl.BlockSpec((bn, 8), lambda i: (i, 0)),
                  wspec(wlx), wspec(wlp), wspec(wrx), wspec(wrp), wspec(wep)],
        out_specs=[pl.BlockSpec((bn, 128), lambda i: (i, 0)),
                   pl.BlockSpec((bn, 128), lambda i: (i, 0))],
        out_shape=[jax.ShapeDtypeStruct((np_, 128), _F32),
                   jax.ShapeDtypeStruct((np_, 128), _F32)],
    )(xp, posp, wlx, wlp, wrx, wrp, wep)


def _edge_kernel(gu, gv, att_p, n_edges, fp, rw):
    ep = gu.shape[0]
    be = 1600
    uw = gu.shape[1]
    vw = gv.shape[1]

    def body(gu_ref, gv_ref, att_ref, r_ref):
        m = gu_ref[:, :fp] - gu_ref[:, fp:2 * fp] + gv_ref[:, :fp]
        m = jnp.where(m >= 0, m, 0.2 * m)
        lg = jnp.sum(m * att_ref[...], axis=1, keepdims=True)
        pid = pl.program_id(0)
        row = lax.broadcasted_iota(jnp.int32, (be, 1), 0) + pid * be
        e = jnp.where(row < n_edges, jnp.exp(lg), 0.0)
        r_ref[:, :fp] = gu_ref[:, :fp] * e
        r_ref[:, fp:fp + 1] = e
        if fp + 1 < rw:
            r_ref[:, fp + 1:] = jnp.zeros((be, rw - fp - 1), _F32)

    return pl.pallas_call(
        body,
        grid=(ep // be,),
        in_specs=[pl.BlockSpec((be, uw), lambda i: (i, 0)),
                  pl.BlockSpec((be, vw), lambda i: (i, 0)),
                  pl.BlockSpec((1, fp), lambda i: (0, 0))],
        out_specs=pl.BlockSpec((be, rw), lambda i: (i, 0)),
        out_shape=jax.ShapeDtypeStruct((ep, rw), _F32),
    )(gu, gv, att_p)


def _finalize(num, bias_p, fp, do_elu):
    np_, rw = num.shape
    bn = 1600

    def body(n_ref, b_ref, o_ref):
        s = n_ref[:, fp:fp + 1]
        x = n_ref[:, :fp] / (s + 1e-30) + b_ref[...]
        if do_elu:
            x = jnp.where(x > 0, x, jnp.exp(x) - 1.0)
        o_ref[...] = x

    return pl.pallas_call(
        body,
        grid=(np_ // bn,),
        in_specs=[pl.BlockSpec((bn, rw), lambda i: (i, 0)),
                  pl.BlockSpec((1, fp), lambda i: (0, 0))],
        out_specs=pl.BlockSpec((bn, fp), lambda i: (i, 0)),
        out_shape=jax.ShapeDtypeStruct((np_, fp), _F32),
    )(num, bias_p)


def _interp_combine(g3, pyp):
    bi = 512

    def body(g_ref, py_ref, o_ref):
        py = py_ref[...]
        acc = None
        wsum = None
        for k in range(3):
            g = g_ref[k]
            dif = g[:, 64:67] - py
            dd = dif * dif
            d2 = (dd[:, 0:1] + dd[:, 1:2]) + dd[:, 2:3]
            w = 1.0 / jnp.maximum(d2, 1e-16)
            term = g[:, :64] * w
            acc = term if acc is None else acc + term
            wsum = w if wsum is None else wsum + w
        o_ref[...] = acc / wsum

    return pl.pallas_call(
        body,
        grid=(NP1 // bi,),
        in_specs=[pl.BlockSpec((3, bi, 128), lambda i: (0, i, 0)),
                  pl.BlockSpec((bi, 3), lambda i: (i, 0))],
        out_specs=pl.BlockSpec((bi, 64), lambda i: (i, 0)),
        out_shape=jax.ShapeDtypeStruct((NP1, 64), _F32),
    )(g3, pyp)



def _pad_w(w, rows, cols):
    return jnp.pad(w, ((0, rows - w.shape[0]), (0, cols - w.shape[1])))


def _gat_layer(xp, posp, src_p, dst_p, dstloc_flat, zeros_b,
               Wl, Wr, We, att, b, n_edges, hbq, nb, fp,
               gch, sch, do_elu):
    finp = xp.shape[1]
    fin_x = Wl.shape[0] - DIM
    wlx = _pad_w(Wl[:fin_x], finp, fp)
    wlp = _pad_w(Wl[fin_x:], 8, fp)
    wrx = _pad_w(Wr[:fin_x], finp, fp)
    wrp = _pad_w(Wr[fin_x:], 8, fp)
    wep = _pad_w(We, 8, fp)
    att_p = _pad_w(att[None, :], 1, fp)
    b_p = _pad_w(b[None, :], 1, fp)

    u, v = _prep(xp, posp, wlx, wlp, wrx, wrp, wep, fp)
    gu = _sc_gather(u, src_p, gch)
    gv = _sc_gather(v, dst_p, gch)
    rw = zeros_b.shape[1]
    r = _edge_kernel(gu, gv, att_p, n_edges, fp, rw)
    out2 = _sc_scatter_add(r, dstloc_flat, zeros_b, hbq, nb, sch)
    span = hbq - 128
    num = jnp.concatenate(
        [out2[q * hbq:q * hbq + span] for q in range(2 * nb)])
    return _finalize(num, b_p, fp, do_elu)


def _edge_setup(edge_index, ep, span, nbtot):
    e = edge_index.shape[1]
    src = jnp.pad(edge_index[0], (0, ep - e))
    dst = jnp.pad(edge_index[1], (0, ep - e))
    dpad = jnp.pad(edge_index[1], (0, ep - e),
                   constant_values=nbtot * span)
    locs = []
    for q in range(nbtot):
        lo = q * span
        locs.append(jnp.where((dpad >= lo) & (dpad < lo + span),
                              dpad - lo, span))
    return src, dst, jnp.concatenate(locs)


def kernel(latent, pos_0, pos_1, edge_index_0, edge_index_1,
           Wl0, Wr0, We0, att0, b0,
           Wl1, Wr1, We1, att1, b1,
           Wl2, Wr2, We2, att2, b2,
           Wl3, Wr3, We3, att3, b3):
    posx_pad = jnp.concatenate(
        [pos_0, jnp.full((_NXP - N0, 3), 1e9, _F32)])
    pos0p = jnp.pad(pos_0, ((0, NP0 - N0), (0, 5)))
    pos1p = jnp.pad(pos_1, ((0, NP1 - N1), (0, 5)))
    lat_p = jnp.pad(latent, ((0, NP0 - N0), (0, 0)))

    hbq, span = 6528, 6400
    nb0, nb1 = 1, 4
    src0, dst0, dl0 = _edge_setup(edge_index_0, E0P, span, 2 * nb0)
    src1, dst1, dl1 = _edge_setup(edge_index_1, E1P, span, 2 * nb1)
    zb = jnp.zeros((hbq, 128), _F32)

    x = _gat_layer(lat_p, pos0p, src0, dst0, dl0, zb,
                   Wl0, Wr0, We0, att0, b0, E0, hbq, nb0, 64,
                   400, 200, True)
    x = _gat_layer(x, pos0p, src0, dst0, dl0, zb,
                   Wl1, Wr1, We1, att1, b1, E0, hbq, nb0, 64,
                   400, 200, True)

    idx3 = _knn_select(posx_pad, pos_1)
    table = jnp.concatenate(
        [x, posx_pad, jnp.zeros((NP0, 61), _F32)], axis=1)
    g = _sc_gather(table, idx3.reshape(-1), 400)
    x = _interp_combine(g.reshape(3, NP1, 128), pos1p[:, :3])

    x = _gat_layer(x, pos1p, src1, dst1, dl1, zb,
                   Wl2, Wr2, We2, att2, b2, E1, hbq, nb1, 64,
                   200, 200, True)
    x = _gat_layer(x, pos1p, src1, dst1, dl1, zb,
                   Wl3, Wr3, We3, att3, b3, E1, hbq, nb1, 8,
                   200, 200, False)
    return x[:N1, :OUT]

# --- scband reference (transcript-rebuilt; emitter-appended) ---
"""Pipeline reference for scband-decoder-57956288692356 (READ-ONLY COPY).

The authoritative reference and input builder live on the scoring server;
editing this copy changes nothing except your own understanding.
"""

import jax, jax.numpy as jnp
import numpy as np

N0 = 12500; N1 = 50000; E0 = 200000; E1 = 800000
DIM = 3; LAT = 32; HID = 64; OUT = 3; K = 3


def setup_inputs(seed: int = 0):
    key = jax.random.key(seed)
    ks = jax.random.split(key, 32)
    inp = {}
    inp['latent'] = jax.random.normal(ks[0], (N0, LAT), dtype=jnp.float32)
    inp['pos_0'] = jax.random.uniform(ks[1], (N0, DIM), dtype=jnp.float32)
    inp['pos_1'] = jax.random.uniform(ks[2], (N1, DIM), dtype=jnp.float32)
    inp['edge_index_0'] = jax.random.randint(ks[3], (2, E0), 0, N0, dtype=jnp.int32)
    inp['edge_index_1'] = jax.random.randint(ks[4], (2, E1), 0, N1, dtype=jnp.int32)
    dims = [(LAT + DIM, HID), (HID + DIM, HID), (HID + DIM, HID), (HID + DIM, OUT)]
    i = 5
    for l, (fin, fout) in enumerate(dims):
        s = 1.0 / np.sqrt(fin)
        inp['Wl%d' % l] = jax.random.normal(ks[i], (fin, fout), dtype=jnp.float32) * s; i += 1
        inp['Wr%d' % l] = jax.random.normal(ks[i], (fin, fout), dtype=jnp.float32) * s; i += 1
        inp['We%d' % l] = jax.random.normal(ks[i], (DIM, fout), dtype=jnp.float32) * s; i += 1
        inp['att%d' % l] = jax.random.normal(ks[i], (fout,), dtype=jnp.float32) * (1.0 / np.sqrt(fout)); i += 1
        inp['b%d' % l] = jnp.zeros((fout,), dtype=jnp.float32)
    return inp


def _segment_softmax(logits, seg, num):
    m = jax.ops.segment_max(logits, seg, num_segments=num)
    m = jnp.where(jnp.isfinite(m), m, 0.0)
    e = jnp.exp(logits - m[seg])
    s = jax.ops.segment_sum(e, seg, num_segments=num)
    return e / (s[seg] + 1e-16)


def _gatv2(x, edge_index, edge_attr, Wl, Wr, We, att, b, num_nodes):
    # Faithful single-head GATv2Conv with edge features (PyG semantics):
    # m_ij = leaky_relu(Wl x_j + Wr x_i + We e_ij); alpha = softmax_i(att . m);
    # out_i = sum_j alpha_ij * (Wl x_j) + bias
    src = edge_index[0]
    dst = edge_index[1]
    xl = x @ Wl
    xr = x @ Wr
    m = xl[src] + xr[dst] + edge_attr @ We
    m = jax.nn.leaky_relu(m, 0.2)
    alpha = m @ att
    alpha = _segment_softmax(alpha, dst, num_nodes)
    out = jax.ops.segment_sum(xl[src] * alpha[:, None], dst, num_segments=num_nodes)
    return out + b


def _knn_interpolate(x, pos_x, pos_y, k=3, chunk=1000):
    # PyG knn_interpolate: inverse squared-distance weighted average of k-NN
    ny, d = pos_y.shape

    def body(py):
        d2 = jnp.sum((py[:, None, :] - pos_x[None, :, :]) ** 2, axis=-1)
        neg, idx = jax.lax.top_k(-d2, k)
        w = 1.0 / jnp.clip(-neg, 1e-16, None)
        xi = x[idx]
        return jnp.sum(xi * w[..., None], axis=1) / jnp.sum(w, axis=1, keepdims=True)

    ys = jax.lax.map(body, pos_y.reshape(-1, chunk, d))
    return ys.reshape(ny, -1)


def _edge_attr(edge_index, pos):
    return pos[edge_index[1]] - pos[edge_index[0]]


def _forward(latent, pos_0, pos_1, edge_index_0, edge_index_1, params):
    ea0 = _edge_attr(edge_index_0, pos_0)
    x = jax.nn.elu(_gatv2(jnp.concatenate([latent, pos_0], axis=1), edge_index_0, ea0, *params[0], N0))
    x = jax.nn.elu(_gatv2(jnp.concatenate([x, pos_0], axis=1), edge_index_0, ea0, *params[1], N0))
    x = _knn_interpolate(x, pos_0, pos_1, k=K)
    ea1 = _edge_attr(edge_index_1, pos_1)
    x = jax.nn.elu(_gatv2(jnp.concatenate([x, pos_1], axis=1), edge_index_1, ea1, *params[2], N1))
    out = _gatv2(jnp.concatenate([x, pos_1], axis=1), edge_index_1, ea1, *params[3], N1)
    return out


def reference(latent, pos_0, pos_1, edge_index_0, edge_index_1,
              Wl0, Wr0, We0, att0, b0,
              Wl1, Wr1, We1, att1, b1,
              Wl2, Wr2, We2, att2, b2,
              Wl3, Wr3, We3, att3, b3):
    params = [(Wl0, Wr0, We0, att0, b0),
              (Wl1, Wr1, We1, att1, b1),
              (Wl2, Wr2, We2, att2, b2),
              (Wl3, Wr3, We3, att3, b3)]
    return _forward(latent, pos_0, pos_1, edge_index_0, edge_index_1, params)

if __name__ == "__main__":
    import jax
    _d = setup_inputs()
    print(jax.jit(kernel)(*tuple(_d.values())))

</pallas_src>

<mosaic_0001>
#map = affine_map<(d0, d1) -> (0, 0)>
#map1 = affine_map<(d0, d1) -> (0)>
module attributes {stable_mosaic.version = 14 : i64} {
  func.func @k(%arg0: i32, %arg1: i32, %arg2: memref<12800x128xf32, #tpu.memory_space<hbm>>, %arg3: memref<204800xi32, #tpu.memory_space<hbm>>, %arg4: memref<204800x128xf32, #tpu.memory_space<hbm>>, %arg5: memref<400xi32, #tpu.memory_space<vmem>>, %arg6: memref<400x128xf32, #tpu.memory_space<vmem>>, %arg7: memref<!tpu.dma_semaphore, #tpu.memory_space<semaphore_mem>>) attributes {dimension_semantics = [#tpu.dimension_semantics<core_parallel>, #tpu.dimension_semantics<subcore_parallel>], iteration_bounds = array<i64: 2, 16>, scalar_prefetch = 0 : i64, scratch_operands = 3 : i64, tpu.core_type = #tpu.core_type<sc_vector_subcore>, window_params = [{transform_indices = #map}, {transform_indices = #map1}, {transform_indices = #map}]} {
    %mul3A = arith.constant 2 : i32
    %mul3A_0 = arith.muli %arg1, %mul3A : i32
    %add3A = arith.addi %mul3A_0, %arg0 : i32
    %mul3A_1 = arith.constant 6400 : i32
    %mul3A_2 = arith.muli %add3A, %mul3A_1 : i32
    %scan3A = arith.constant 0 : i32
    %scan3A_3 = arith.constant 16 : i32
    %scan3A_4 = arith.addi %scan3A, %scan3A_3 : i32
    %scan3A_5 = arith.constant 1 : i32
    scf.for %scan3A_7 = %scan3A to %scan3A_4 step %scan3A_5  : i32 {
      %mul3A_8 = arith.constant 1 : i32
      %mul3A_9 = arith.muli %scan3A_7, %mul3A_8 : i32
      %add3A_10 = arith.constant 0 : i32
      %add3A_11 = arith.addi %add3A_10, %mul3A_9 : i32
      %mul3A_12 = arith.constant 400 : i32
      %mul3A_13 = arith.muli %add3A_11, %mul3A_12 : i32
      %add3A_14 = arith.addi %mul3A_2, %mul3A_13 : i32
      "tpu.region"() ({
        %run_scoped3A = tpu.sem_alloc : memref<!tpu.dma_semaphore, #tpu.memory_space<semaphore_mem>>
        %dma_start3A_19 = tpu.memref_slice %arg3[%add3A_14] : memref<204800xi32, #tpu.memory_space<hbm>> -> memref<400xi32, #tpu.memory_space<hbm>>
        %dma_start3A_20 = tpu.memref_slice %arg3[%add3A_14] : memref<204800xi32, #tpu.memory_space<hbm>> -> memref<400xi32, #tpu.memory_space<hbm>>
        tpu.enqueue_dma source(%dma_start3A_20 : memref<400xi32, #tpu.memory_space<hbm>>) target(%arg5 : memref<400xi32, #tpu.memory_space<vmem>>) target_semaphore(%run_scoped3A : memref<!tpu.dma_semaphore, #tpu.memory_space<semaphore_mem>>)
        %dma_wait3A_21 = tpu.memref_slice %arg3[%add3A_14] : memref<204800xi32, #tpu.memory_space<hbm>> -> memref<400xi32, #tpu.memory_space<hbm>>
        %dma_wait3A_22 = tpu.memref_slice %arg3[%add3A_14] : memref<204800xi32, #tpu.memory_space<hbm>> -> memref<400xi32, #tpu.memory_space<hbm>>
        tpu.wait_dma2 semaphore(%run_scoped3A : memref<!tpu.dma_semaphore, #tpu.memory_space<semaphore_mem>>) src(%dma_wait3A_22 : memref<400xi32, #tpu.memory_space<hbm>>) dst(%arg5 : memref<400xi32, #tpu.memory_space<vmem>>)
        tpu.yield
      }) : () -> ()
      %dma_start3A = arith.constant 0 : i32
      %dma_start3A_15 = arith.constant 0 : i32
      %dma_start3A_16 = tpu.memref_slice %arg2[%dma_start3A, %dma_start3A_15] : memref<12800x128xf32, #tpu.memory_space<hbm>> -> memref<12800x128xf32, #tpu.memory_space<hbm>>
      tpu.enqueue_indirect_dma source(%dma_start3A_16 : memref<12800x128xf32, #tpu.memory_space<hbm>>) target(%arg6 : memref<400x128xf32, #tpu.memory_space<vmem>>) offsets(%arg5 : memref<400xi32, #tpu.memory_space<vmem>>) semaphore(%arg7 : memref<!tpu.dma_semaphore, #tpu.memory_space<semaphore_mem>>)
      %dma_wait3A = arith.constant 0 : i32
      %dma_wait3A_17 = arith.constant 0 : i32
      %dma_wait3A_18 = tpu.memref_slice %arg2[%dma_wait3A, %dma_wait3A_17] : memref<12800x128xf32, #tpu.memory_space<hbm>> -> memref<12800x128xf32, #tpu.memory_space<hbm>>
      tpu.wait_indirect_dma semaphore(%arg7 : memref<!tpu.dma_semaphore, #tpu.memory_space<semaphore_mem>>) src(%dma_wait3A_18 : memref<12800x128xf32, #tpu.memory_space<hbm>>) dst(%arg6 : memref<400x128xf32, #tpu.memory_space<vmem>>)
      "tpu.region"() ({
        %run_scoped3A = tpu.sem_alloc : memref<!tpu.dma_semaphore, #tpu.memory_space<semaphore_mem>>
        %dma_start3A_19 = arith.constant 0 : i32
        %dma_start3A_20 = tpu.memref_slice %arg4[%add3A_14, %dma_start3A_19] : memref<204800x128xf32, #tpu.memory_space<hbm>> -> memref<400x128xf32, #tpu.memory_space<hbm>>
        %dma_start3A_21 = arith.constant 0 : i32
        %dma_start3A_22 = tpu.memref_slice %arg4[%add3A_14, %dma_start3A_21] : memref<204800x128xf32, #tpu.memory_space<hbm>> -> memref<400x128xf32, #tpu.memory_space<hbm>>
        tpu.enqueue_dma source(%arg6 : memref<400x128xf32, #tpu.memory_space<vmem>>) target(%dma_start3A_22 : memref<400x128xf32, #tpu.memory_space<hbm>>) target_semaphore(%run_scoped3A : memref<!tpu.dma_semaphore, #tpu.memory_space<semaphore_mem>>)
        %dma_wait3A_23 = arith.constant 0 : i32
        %dma_wait3A_24 = tpu.memref_slice %arg4[%add3A_14, %dma_wait3A_23] : memref<204800x128xf32, #tpu.memory_space<hbm>> -> memref<400x128xf32, #tpu.memory_space<hbm>>
        %dma_wait3A_25 = arith.constant 0 : i32
        %dma_wait3A_26 = tpu.memref_slice %arg4[%add3A_14, %dma_wait3A_25] : memref<204800x128xf32, #tpu.memory_space<hbm>> -> memref<400x128xf32, #tpu.memory_space<hbm>>
        tpu.wait_dma2 semaphore(%run_scoped3A : memref<!tpu.dma_semaphore, #tpu.memory_space<semaphore_mem>>) src(%arg6 : memref<400x128xf32, #tpu.memory_space<vmem>>) dst(%dma_wait3A_26 : memref<400x128xf32, #tpu.memory_space<hbm>>)
        tpu.yield
      }) : () -> ()
    }
    %scan3A_6 = arith.constant 16 : i32
    return
  }
}

#map = affine_map<(d0, d1) -> (0, 0)>
#map1 = affine_map<(d0, d1) -> (0)>
module attributes {stable_mosaic.version = 14 : i64} {
  func.func @k(%arg0: i32, %arg1: i32, %arg2: memref<12800x128xf32, #tpu.memory_space<hbm>>, %arg3: memref<204800xi32, #tpu.memory_space<hbm>>, %arg4: memref<204800x128xf32, #tpu.memory_space<hbm>>, %arg5: memref<400xi32, #tpu.memory_space<vmem>>, %arg6: memref<400x128xf32, #tpu.memory_space<vmem>>, %arg7: memref<!tpu.dma_semaphore, #tpu.memory_space<semaphore_mem>>) attributes {dimension_semantics = [#tpu.dimension_semantics<core_parallel>, #tpu.dimension_semantics<subcore_parallel>], iteration_bounds = array<i64: 2, 16>, scalar_prefetch = 0 : i64, scratch_operands = 3 : i64, tpu.core_type = #tpu.core_type<sc_vector_subcore>, window_params = [{transform_indices = #map}, {transform_indices = #map1}, {transform_indices = #map}]} {
    %mul3A = arith.constant 2 : i32
    %mul3A_0 = arith.muli %arg1, %mul3A : i32
    %add3A = arith.addi %mul3A_0, %arg0 : i32
    %mul3A_1 = arith.constant 6400 : i32
    %mul3A_2 = arith.muli %add3A, %mul3A_1 : i32
    %scan3A = arith.constant 0 : i32
    %scan3A_3 = arith.constant 16 : i32
    %scan3A_4 = arith.addi %scan3A, %scan3A_3 : i32
    %scan3A_5 = arith.constant 1 : i32
    scf.for %scan3A_7 = %scan3A to %scan3A_4 step %scan3A_5  : i32 {
      %mul3A_8 = arith.constant 1 : i32
      %mul3A_9 = arith.muli %scan3A_7, %mul3A_8 : i32
      %add3A_10 = arith.constant 0 : i32
      %add3A_11 = arith.addi %add3A_10, %mul3A_9 : i32
      %mul3A_12 = arith.constant 400 : i32
      %mul3A_13 = arith.muli %add3A_11, %mul3A_12 : i32
      %add3A_14 = arith.addi %mul3A_2, %mul3A_13 : i32
      "tpu.region"() ({
        %run_scoped3A = tpu.sem_alloc : memref<!tpu.dma_semaphore, #tpu.memory_space<semaphore_mem>>
        %dma_start3A_19 = tpu.memref_slice %arg3[%add3A_14] : memref<204800xi32, #tpu.memory_space<hbm>> -> memref<400xi32, #tpu.memory_space<hbm>>
        %dma_start3A_20 = tpu.memref_slice %arg3[%add3A_14] : memref<204800xi32, #tpu.memory_space<hbm>> -> memref<400xi32, #tpu.memory_space<hbm>>
        tpu.enqueue_dma source(%dma_start3A_20 : memref<400xi32, #tpu.memory_space<hbm>>) target(%arg5 : memref<400xi32, #tpu.memory_space<vmem>>) target_semaphore(%run_scoped3A : memref<!tpu.dma_semaphore, #tpu.memory_space<semaphore_mem>>)
        %dma_wait3A_21 = tpu.memref_slice %arg3[%add3A_14] : memref<204800xi32, #tpu.memory_space<hbm>> -> memref<400xi32, #tpu.memory_space<hbm>>
        %dma_wait3A_22 = tpu.memref_slice %arg3[%add3A_14] : memref<204800xi32, #tpu.memory_space<hbm>> -> memref<400xi32, #tpu.memory_space<hbm>>
        tpu.wait_dma2 semaphore(%run_scoped3A : memref<!tpu.dma_semaphore, #tpu.memory_space<semaphore_mem>>) src(%dma_wait3A_22 : memref<400xi32, #tpu.memory_space<hbm>>) dst(%arg5 : memref<400xi32, #tpu.memory_space<vmem>>)
        tpu.yield
      }) : () -> ()
      %dma_start3A = arith.constant 0 : i32
      %dma_start3A_15 = arith.constant 0 : i32
      %dma_start3A_16 = tpu.memref_slice %arg2[%dma_start3A, %dma_start3A_15] : memref<12800x128xf32, #tpu.memory_space<hbm>> -> memref<12800x128xf32, #tpu.memory_space<hbm>>
      tpu.enqueue_indirect_dma source(%dma_start3A_16 : memref<12800x128xf32, #tpu.memory_space<hbm>>) target(%arg6 : memref<400x128xf32, #tpu.memory_space<vmem>>) offsets(%arg5 : memref<400xi32, #tpu.memory_space<vmem>>) semaphore(%arg7 : memref<!tpu.dma_semaphore, #tpu.memory_space<semaphore_mem>>)
      %dma_wait3A = arith.constant 0 : i32
      %dma_wait3A_17 = arith.constant 0 : i32
      %dma_wait3A_18 = tpu.memref_slice %arg2[%dma_wait3A, %dma_wait3A_17] : memref<12800x128xf32, #tpu.memory_space<hbm>> -> memref<12800x128xf32, #tpu.memory_space<hbm>>
      tpu.wait_indirect_dma semaphore(%arg7 : memref<!tpu.dma_semaphore, #tpu.memory_space<semaphore_mem>>) src(%dma_wait3A_18 : memref<12800x128xf32, #tpu.memory_space<hbm>>) dst(%arg6 : memref<400x128xf32, #tpu.memory_space<vmem>>)
      "tpu.region"() ({
        %run_scoped3A = tpu.sem_alloc : memref<!tpu.dma_semaphore, #tpu.memory_space<semaphore_mem>>
        %dma_start3A_19 = arith.constant 0 : i32
        %dma_start3A_20 = tpu.memref_slice %arg4[%add3A_14, %dma_start3A_19] : memref<204800x128xf32, #tpu.memory_space<hbm>> -> memref<400x128xf32, #tpu.memory_space<hbm>>
        %dma_start3A_21 = arith.constant 0 : i32
        %dma_start3A_22 = tpu.memref_slice %arg4[%add3A_14, %dma_start3A_21] : memref<204800x128xf32, #tpu.memory_space<hbm>> -> memref<400x128xf32, #tpu.memory_space<hbm>>
        tpu.enqueue_dma source(%arg6 : memref<400x128xf32, #tpu.memory_space<vmem>>) target(%dma_start3A_22 : memref<400x128xf32, #tpu.memory_space<hbm>>) target_semaphore(%run_scoped3A : memref<!tpu.dma_semaphore, #tpu.memory_space<semaphore_mem>>)
        %dma_wait3A_23 = arith.constant 0 : i32
        %dma_wait3A_24 = tpu.memref_slice %arg4[%add3A_14, %dma_wait3A_23] : memref<204800x128xf32, #tpu.memory_space<hbm>> -> memref<400x128xf32, #tpu.memory_space<hbm>>
        %dma_wait3A_25 = arith.constant 0 : i32
        %dma_wait3A_26 = tpu.memref_slice %arg4[%add3A_14, %dma_wait3A_25] : memref<204800x128xf32, #tpu.memory_space<hbm>> -> memref<400x128xf32, #tpu.memory_space<hbm>>
        tpu.wait_dma2 semaphore(%run_scoped3A : memref<!tpu.dma_semaphore, #tpu.memory_space<semaphore_mem>>) src(%arg6 : memref<400x128xf32, #tpu.memory_space<vmem>>) dst(%dma_wait3A_26 : memref<400x128xf32, #tpu.memory_space<hbm>>)
        tpu.yield
      }) : () -> ()
    }
    %scan3A_6 = arith.constant 16 : i32
    return
  }
}

#map = affine_map<(d0, d1) -> (0, 0)>
#map1 = affine_map<(d0, d1) -> (0)>
module attributes {stable_mosaic.version = 14 : i64} {
  func.func @k(%arg0: i32, %arg1: i32, %arg2: memref<204800x128xf32, #tpu.memory_space<hbm>>, %arg3: memref<409600xi32, #tpu.memory_space<hbm>>, %arg4: memref<6528x128xf32, #tpu.memory_space<hbm>>, %arg5: memref<13056x128xf32, #tpu.memory_space<hbm>>, %arg6: memref<6528x128xf32, #tpu.memory_space<vmem_shared>>, %arg7: memref<200xi32, #tpu.memory_space<vmem>>, %arg8: memref<200x128xf32, #tpu.memory_space<vmem>>) attributes {dimension_semantics = [#tpu.dimension_semantics<core_parallel>, #tpu.dimension_semantics<subcore_parallel>], iteration_bounds = array<i64: 2, 16>, scalar_prefetch = 0 : i64, scratch_operands = 3 : i64, tpu.core_type = #tpu.core_type<sc_vector_subcore>, window_params = [{transform_indices = #map}, {transform_indices = #map1}, {transform_indices = #map}, {transform_indices = #map}]} {
    %mul3A = arith.constant 408 : i32
    %mul3A_0 = arith.muli %arg1, %mul3A : i32
    %mul3A_1 = arith.constant 1 : i32
    %mul3A_2 = arith.muli %arg0, %mul3A_1 : i32
    %add3A = arith.constant 0 : i32
    %add3A_3 = arith.addi %mul3A_2, %add3A : i32
    "tpu.region"() ({
      %run_scoped3A = tpu.sem_alloc : memref<!tpu.dma_semaphore, #tpu.memory_space<semaphore_mem>>
      %dma_start3A = arith.constant 0 : i32
      %dma_start3A_12 = tpu.memref_slice %arg6[%mul3A_0, %dma_start3A] : memref<6528x128xf32, #tpu.memory_space<vmem_shared>> -> memref<408x128xf32, #tpu.memory_space<vmem_shared>>
      %dma_start3A_13 = arith.constant 0 : i32
      %dma_start3A_14 = tpu.memref_slice %arg4[%mul3A_0, %dma_start3A_13] : memref<6528x128xf32, #tpu.memory_space<hbm>> -> memref<408x128xf32, #tpu.memory_space<hbm>>
      tpu.enqueue_dma source(%dma_start3A_14 : memref<408x128xf32, #tpu.memory_space<hbm>>) target(%dma_start3A_12 : memref<408x128xf32, #tpu.memory_space<vmem_shared>>) target_semaphore(%run_scoped3A : memref<!tpu.dma_semaphore, #tpu.memory_space<semaphore_mem>>)
      %dma_wait3A = arith.constant 0 : i32
      %dma_wait3A_15 = tpu.memref_slice %arg6[%mul3A_0, %dma_wait3A] : memref<6528x128xf32, #tpu.memory_space<vmem_shared>> -> memref<408x128xf32, #tpu.memory_space<vmem_shared>>
      %dma_wait3A_16 = arith.constant 0 : i32
      %dma_wait3A_17 = tpu.memref_slice %arg4[%mul3A_0, %dma_wait3A_16] : memref<6528x128xf32, #tpu.memory_space<hbm>> -> memref<408x128xf32, #tpu.memory_space<hbm>>
      tpu.wait_dma2 semaphore(%run_scoped3A : memref<!tpu.dma_semaphore, #tpu.memory_space<semaphore_mem>>) src(%dma_wait3A_17 : memref<408x128xf32, #tpu.memory_space<hbm>>) dst(%dma_wait3A_15 : memref<408x128xf32, #tpu.memory_space<vmem_shared>>)
      tpu.yield
    }) : () -> ()
    %barrier3A = arith.constant 0 : index
    tpu.barrier barrier_id(%barrier3A)
    %scan3A = arith.constant 0 : i32
    %scan3A_4 = arith.constant 64 : i32
    %scan3A_5 = arith.addi %scan3A, %scan3A_4 : i32
    %scan3A_6 = arith.constant 1 : i32
    scf.for %scan3A_12 = %scan3A to %scan3A_5 step %scan3A_6  : i32 {
      %mul3A_13 = arith.constant 1 : i32
      %mul3A_14 = arith.muli %scan3A_12, %mul3A_13 : i32
      %add3A_15 = arith.constant 0 : i32
      %add3A_16 = arith.addi %add3A_15, %mul3A_14 : i32
      %mul3A_17 = arith.constant 12800 : i32
      %mul3A_18 = arith.muli %arg1, %mul3A_17 : i32
      %mul3A_19 = arith.constant 200 : i32
      %mul3A_20 = arith.muli %add3A_16, %mul3A_19 : i32
      %add3A_21 = arith.addi %mul3A_18, %mul3A_20 : i32
      %mul3A_22 = arith.constant 204800 : i32
      %mul3A_23 = arith.muli %add3A_3, %mul3A_22 : i32
      %add3A_24 = arith.addi %mul3A_23, %add3A_21 : i32
      "tpu.region"() ({
        %run_scoped3A = tpu.sem_alloc : memref<!tpu.dma_semaphore, #tpu.memory_space<semaphore_mem>>
        %dma_start3A = tpu.memref_slice %arg3[%add3A_24] : memref<409600xi32, #tpu.memory_space<hbm>> -> memref<200xi32, #tpu.memory_space<hbm>>
        %dma_start3A_25 = tpu.memref_slice %arg3[%add3A_24] : memref<409600xi32, #tpu.memory_space<hbm>> -> memref<200xi32, #tpu.memory_space<hbm>>
        tpu.enqueue_dma source(%dma_start3A_25 : memref<200xi32, #tpu.memory_space<hbm>>) target(%arg7 : memref<200xi32, #tpu.memory_space<vmem>>) target_semaphore(%run_scoped3A : memref<!tpu.dma_semaphore, #tpu.memory_space<semaphore_mem>>)
        %dma_wait3A = tpu.memref_slice %arg3[%add3A_24] : memref<409600xi32, #tpu.memory_space<hbm>> -> memref<200xi32, #tpu.memory_space<hbm>>
        %dma_wait3A_26 = tpu.memref_slice %arg3[%add3A_24] : memref<409600xi32, #tpu.memory_space<hbm>> -> memref<200xi32, #tpu.memory_space<hbm>>
        tpu.wait_dma2 semaphore(%run_scoped3A : memref<!tpu.dma_semaphore, #tpu.memory_space<semaphore_mem>>) src(%dma_wait3A_26 : memref<200xi32, #tpu.memory_space<hbm>>) dst(%arg7 : memref<200xi32, #tpu.memory_space<vmem>>)
        tpu.yield
      }) : () -> ()
      "tpu.region"() ({
        %run_scoped3A = tpu.sem_alloc : memref<!tpu.dma_semaphore, #tpu.memory_space<semaphore_mem>>
        %dma_start3A = arith.constant 0 : i32
        %dma_start3A_25 = tpu.memref_slice %arg2[%add3A_21, %dma_start3A] : memref<204800x128xf32, #tpu.memory_space<hbm>> -> memref<200x128xf32, #tpu.memory_space<hbm>>
        %dma_start3A_26 = arith.constant 0 : i32
        %dma_start3A_27 = tpu.memref_slice %arg2[%add3A_21, %dma_start3A_26] : memref<204800x128xf32, #tpu.memory_space<hbm>> -> memref<200x128xf32, #tpu.memory_space<hbm>>
        tpu.enqueue_dma source(%dma_start3A_27 : memref<200x128xf32, #tpu.memory_space<hbm>>) target(%arg8 : memref<200x128xf32, #tpu.memory_space<vmem>>) target_semaphore(%run_scoped3A : memref<!tpu.dma_semaphore, #tpu.memory_space<semaphore_mem>>)
        %dma_wait3A = arith.constant 0 : i32
        %dma_wait3A_28 = tpu.memref_slice %arg2[%add3A_21, %dma_wait3A] : memref<204800x128xf32, #tpu.memory_space<hbm>> -> memref<200x128xf32, #tpu.memory_space<hbm>>
        %dma_wait3A_29 = arith.constant 0 : i32
        %dma_wait3A_30 = tpu.memref_slice %arg2[%add3A_21, %dma_wait3A_29] : memref<204800x128xf32, #tpu.memory_space<hbm>> -> memref<200x128xf32, #tpu.memory_space<hbm>>
        tpu.wait_dma2 semaphore(%run_scoped3A : memref<!tpu.dma_semaphore, #tpu.memory_space<semaphore_mem>>) src(%dma_wait3A_30 : memref<200x128xf32, #tpu.memory_space<hbm>>) dst(%arg8 : memref<200x128xf32, #tpu.memory_space<vmem>>)
        tpu.yield
      }) : () -> ()
      "tpu.region"() ({
        %run_scoped3A = tpu.sem_alloc : memref<!tpu.dma_semaphore, #tpu.memory_space<semaphore_mem>>
        %dma_start3A = arith.constant 0 : i32
        %dma_start3A_25 = arith.constant 0 : i32
        %dma_start3A_26 = tpu.memref_slice %arg6[%dma_start3A, %dma_start3A_25] : memref<6528x128xf32, #tpu.memory_space<vmem_shared>> -> memref<6528x128xf32, #tpu.memory_space<vmem_shared>>
        tpu.enqueue_indirect_dma source(%arg8 : memref<200x128xf32, #tpu.memory_space<vmem>>) target(%dma_start3A_26 : memref<6528x128xf32, #tpu.memory_space<vmem_shared>>) offsets(%arg7 : memref<200xi32, #tpu.memory_space<vmem>>) semaphore(%run_scoped3A : memref<!tpu.dma_semaphore, #tpu.memory_space<semaphore_mem>>) {add = true}
        %dma_wait3A = arith.constant 0 : i32
        %dma_wait3A_27 = arith.constant 0 : i32
        %dma_wait3A_28 = tpu.memref_slice %arg6[%dma_wait3A, %dma_wait3A_27] : memref<6528x128xf32, #tpu.memory_space<vmem_shared>> -> memref<6528x128xf32, #tpu.memory_space<vmem_shared>>
        tpu.wait_indirect_dma semaphore(%run_scoped3A : memref<!tpu.dma_semaphore, #tpu.memory_space<semaphore_mem>>) src(%arg8 : memref<200x128xf32, #tpu.memory_space<vmem>>) dst(%dma_wait3A_28 : memref<6528x128xf32, #tpu.memory_space<vmem_shared>>)
        tpu.yield
      }) : () -> ()
    }
    %scan3A_7 = arith.constant 64 : i32
    %barrier3A_8 = arith.constant 0 : index
    tpu.barrier barrier_id(%barrier3A_8)
    %mul3A_9 = arith.constant 6528 : i32
    %mul3A_10 = arith.muli %add3A_3, %mul3A_9 : i32
    %add3A_11 = arith.addi %mul3A_10, %mul3A_0 : i32
    "tpu.region"() ({
      %run_scoped3A = tpu.sem_alloc : memref<!tpu.dma_semaphore, #tpu.memory_space<semaphore_mem>>
      %dma_start3A = arith.constant 0 : i32
      %dma_start3A_12 = tpu.memref_slice %arg5[%add3A_11, %dma_start3A] : memref<13056x128xf32, #tpu.memory_space<hbm>> -> memref<408x128xf32, #tpu.memory_space<hbm>>
      %dma_start3A_13 = arith.constant 0 : i32
      %dma_start3A_14 = tpu.memref_slice %arg6[%mul3A_0, %dma_start3A_13] : memref<6528x128xf32, #tpu.memory_space<vmem_shared>> -> memref<408x128xf32, #tpu.memory_space<vmem_shared>>
      tpu.enqueue_dma source(%dma_start3A_14 : memref<408x128xf32, #tpu.memory_space<vmem_shared>>) target(%dma_start3A_12 : memref<408x128xf32, #tpu.memory_space<hbm>>) target_semaphore(%run_scoped3A : memref<!tpu.dma_semaphore, #tpu.memory_space<semaphore_mem>>)
      %dma_wait3A = arith.constant 0 : i32
      %dma_wait3A_15 = tpu.memref_slice %arg5[%add3A_11, %dma_wait3A] : memref<13056x128xf32, #tpu.memory_space<hbm>> -> memref<408x128xf32, #tpu.memory_space<hbm>>
      %dma_wait3A_16 = arith.constant 0 : i32
      %dma_wait3A_17 = tpu.memref_slice %arg6[%mul3A_0, %dma_wait3A_16] : memref<6528x128xf32, #tpu.memory_space<vmem_shared>> -> memref<408x128xf32, #tpu.memory_space<vmem_shared>>
      tpu.wait_dma2 semaphore(%run_scoped3A : memref<!tpu.dma_semaphore, #tpu.memory_space<semaphore_mem>>) src(%dma_wait3A_17 : memref<408x128xf32, #tpu.memory_space<vmem_shared>>) dst(%dma_wait3A_15 : memref<408x128xf32, #tpu.memory_space<hbm>>)
      tpu.yield
    }) : () -> ()
    return
  }
}

#map = affine_map<(d0, d1) -> (0, 0)>
#map1 = affine_map<(d0, d1) -> (0)>
module attributes {stable_mosaic.version = 14 : i64} {
  func.func @k(%arg0: i32, %arg1: i32, %arg2: memref<12800x128xf32, #tpu.memory_space<hbm>>, %arg3: memref<204800xi32, #tpu.memory_space<hbm>>, %arg4: memref<204800x128xf32, #tpu.memory_space<hbm>>, %arg5: memref<400xi32, #tpu.memory_space<vmem>>, %arg6: memref<400x128xf32, #tpu.memory_space<vmem>>, %arg7: memref<!tpu.dma_semaphore, #tpu.memory_space<semaphore_mem>>) attributes {dimension_semantics = [#tpu.dimension_semantics<core_parallel>, #tpu.dimension_semantics<subcore_parallel>], iteration_bounds = array<i64: 2, 16>, scalar_prefetch = 0 : i64, scratch_operands = 3 : i64, tpu.core_type = #tpu.core_type<sc_vector_subcore>, window_params = [{transform_indices = #map}, {transform_indices = #map1}, {transform_indices = #map}]} {
    %mul3A = arith.constant 2 : i32
    %mul3A_0 = arith.muli %arg1, %mul3A : i32
    %add3A = arith.addi %mul3A_0, %arg0 : i32
    %mul3A_1 = arith.constant 6400 : i32
    %mul3A_2 = arith.muli %add3A, %mul3A_1 : i32
    %scan3A = arith.constant 0 : i32
    %scan3A_3 = arith.constant 16 : i32
    %scan3A_4 = arith.addi %scan3A, %scan3A_3 : i32
    %scan3A_5 = arith.constant 1 : i32
    scf.for %scan3A_7 = %scan3A to %scan3A_4 step %scan3A_5  : i32 {
      %mul3A_8 = arith.constant 1 : i32
      %mul3A_9 = arith.muli %scan3A_7, %mul3A_8 : i32
      %add3A_10 = arith.constant 0 : i32
      %add3A_11 = arith.addi %add3A_10, %mul3A_9 : i32
      %mul3A_12 = arith.constant 400 : i32
      %mul3A_13 = arith.muli %add3A_11, %mul3A_12 : i32
      %add3A_14 = arith.addi %mul3A_2, %mul3A_13 : i32
      "tpu.region"() ({
        %run_scoped3A = tpu.sem_alloc : memref<!tpu.dma_semaphore, #tpu.memory_space<semaphore_mem>>
        %dma_start3A_19 = tpu.memref_slice %arg3[%add3A_14] : memref<204800xi32, #tpu.memory_space<hbm>> -> memref<400xi32, #tpu.memory_space<hbm>>
        %dma_start3A_20 = tpu.memref_slice %arg3[%add3A_14] : memref<204800xi32, #tpu.memory_space<hbm>> -> memref<400xi32, #tpu.memory_space<hbm>>
        tpu.enqueue_dma source(%dma_start3A_20 : memref<400xi32, #tpu.memory_space<hbm>>) target(%arg5 : memref<400xi32, #tpu.memory_space<vmem>>) target_semaphore(%run_scoped3A : memref<!tpu.dma_semaphore, #tpu.memory_space<semaphore_mem>>)
        %dma_wait3A_21 = tpu.memref_slice %arg3[%add3A_14] : memref<204800xi32, #tpu.memory_space<hbm>> -> memref<400xi32, #tpu.memory_space<hbm>>
        %dma_wait3A_22 = tpu.memref_slice %arg3[%add3A_14] : memref<204800xi32, #tpu.memory_space<hbm>> -> memref<400xi32, #tpu.memory_space<hbm>>
        tpu.wait_dma2 semaphore(%run_scoped3A : memref<!tpu.dma_semaphore, #tpu.memory_space<semaphore_mem>>) src(%dma_wait3A_22 : memref<400xi32, #tpu.memory_space<hbm>>) dst(%arg5 : memref<400xi32, #tpu.memory_space<vmem>>)
        tpu.yield
      }) : () -> ()
      %dma_start3A = arith.constant 0 : i32
      %dma_start3A_15 = arith.constant 0 : i32
      %dma_start3A_16 = tpu.memref_slice %arg2[%dma_start3A, %dma_start3A_15] : memref<12800x128xf32, #tpu.memory_space<hbm>> -> memref<12800x128xf32, #tpu.memory_space<hbm>>
      tpu.enqueue_indirect_dma source(%dma_start3A_16 : memref<12800x128xf32, #tpu.memory_space<hbm>>) target(%arg6 : memref<400x128xf32, #tpu.memory_space<vmem>>) offsets(%arg5 : memref<400xi32, #tpu.memory_space<vmem>>) semaphore(%arg7 : memref<!tpu.dma_semaphore, #tpu.memory_space<semaphore_mem>>)
      %dma_wait3A = arith.constant 0 : i32
      %dma_wait3A_17 = arith.constant 0 : i32
      %dma_wait3A_18 = tpu.memref_slice %arg2[%dma_wait3A, %dma_wait3A_17] : memref<12800x128xf32, #tpu.memory_space<hbm>> -> memref<12800x128xf32, #tpu.memory_space<hbm>>
      tpu.wait_indirect_dma semaphore(%arg7 : memref<!tpu.dma_semaphore, #tpu.memory_space<semaphore_mem>>) src(%dma_wait3A_18 : memref<12800x128xf32, #tpu.memory_space<hbm>>) dst(%arg6 : memref<400x128xf32, #tpu.memory_space<vmem>>)
      "tpu.region"() ({
        %run_scoped3A = tpu.sem_alloc : memref<!tpu.dma_semaphore, #tpu.memory_space<semaphore_mem>>
        %dma_start3A_19 = arith.constant 0 : i32
        %dma_start3A_20 = tpu.memref_slice %arg4[%add3A_14, %dma_start3A_19] : memref<204800x128xf32, #tpu.memory_space<hbm>> -> memref<400x128xf32, #tpu.memory_space<hbm>>
        %dma_start3A_21 = arith.constant 0 : i32
        %dma_start3A_22 = tpu.memref_slice %arg4[%add3A_14, %dma_start3A_21] : memref<204800x128xf32, #tpu.memory_space<hbm>> -> memref<400x128xf32, #tpu.memory_space<hbm>>
        tpu.enqueue_dma source(%arg6 : memref<400x128xf32, #tpu.memory_space<vmem>>) target(%dma_start3A_22 : memref<400x128xf32, #tpu.memory_space<hbm>>) target_semaphore(%run_scoped3A : memref<!tpu.dma_semaphore, #tpu.memory_space<semaphore_mem>>)
        %dma_wait3A_23 = arith.constant 0 : i32
        %dma_wait3A_24 = tpu.memref_slice %arg4[%add3A_14, %dma_wait3A_23] : memref<204800x128xf32, #tpu.memory_space<hbm>> -> memref<400x128xf32, #tpu.memory_space<hbm>>
        %dma_wait3A_25 = arith.constant 0 : i32
        %dma_wait3A_26 = tpu.memref_slice %arg4[%add3A_14, %dma_wait3A_25] : memref<204800x128xf32, #tpu.memory_space<hbm>> -> memref<400x128xf32, #tpu.memory_space<hbm>>
        tpu.wait_dma2 semaphore(%run_scoped3A : memref<!tpu.dma_semaphore, #tpu.memory_space<semaphore_mem>>) src(%arg6 : memref<400x128xf32, #tpu.memory_space<vmem>>) dst(%dma_wait3A_26 : memref<400x128xf32, #tpu.memory_space<hbm>>)
        tpu.yield
      }) : () -> ()
    }
    %scan3A_6 = arith.constant 16 : i32
    return
  }
}

#map = affine_map<(d0, d1) -> (0, 0)>
#map1 = affine_map<(d0, d1) -> (0)>
module attributes {stable_mosaic.version = 14 : i64} {
  func.func @k(%arg0: i32, %arg1: i32, %arg2: memref<12800x128xf32, #tpu.memory_space<hbm>>, %arg3: memref<204800xi32, #tpu.memory_space<hbm>>, %arg4: memref<204800x128xf32, #tpu.memory_space<hbm>>, %arg5: memref<400xi32, #tpu.memory_space<vmem>>, %arg6: memref<400x128xf32, #tpu.memory_space<vmem>>, %arg7: memref<!tpu.dma_semaphore, #tpu.memory_space<semaphore_mem>>) attributes {dimension_semantics = [#tpu.dimension_semantics<core_parallel>, #tpu.dimension_semantics<subcore_parallel>], iteration_bounds = array<i64: 2, 16>, scalar_prefetch = 0 : i64, scratch_operands = 3 : i64, tpu.core_type = #tpu.core_type<sc_vector_subcore>, window_params = [{transform_indices = #map}, {transform_indices = #map1}, {transform_indices = #map}]} {
    %mul3A = arith.constant 2 : i32
    %mul3A_0 = arith.muli %arg1, %mul3A : i32
    %add3A = arith.addi %mul3A_0, %arg0 : i32
    %mul3A_1 = arith.constant 6400 : i32
    %mul3A_2 = arith.muli %add3A, %mul3A_1 : i32
    %scan3A = arith.constant 0 : i32
    %scan3A_3 = arith.constant 16 : i32
    %scan3A_4 = arith.addi %scan3A, %scan3A_3 : i32
    %scan3A_5 = arith.constant 1 : i32
    scf.for %scan3A_7 = %scan3A to %scan3A_4 step %scan3A_5  : i32 {
      %mul3A_8 = arith.constant 1 : i32
      %mul3A_9 = arith.muli %scan3A_7, %mul3A_8 : i32
      %add3A_10 = arith.constant 0 : i32
      %add3A_11 = arith.addi %add3A_10, %mul3A_9 : i32
      %mul3A_12 = arith.constant 400 : i32
      %mul3A_13 = arith.muli %add3A_11, %mul3A_12 : i32
      %add3A_14 = arith.addi %mul3A_2, %mul3A_13 : i32
      "tpu.region"() ({
        %run_scoped3A = tpu.sem_alloc : memref<!tpu.dma_semaphore, #tpu.memory_space<semaphore_mem>>
        %dma_start3A_19 = tpu.memref_slice %arg3[%add3A_14] : memref<204800xi32, #tpu.memory_space<hbm>> -> memref<400xi32, #tpu.memory_space<hbm>>
        %dma_start3A_20 = tpu.memref_slice %arg3[%add3A_14] : memref<204800xi32, #tpu.memory_space<hbm>> -> memref<400xi32, #tpu.memory_space<hbm>>
        tpu.enqueue_dma source(%dma_start3A_20 : memref<400xi32, #tpu.memory_space<hbm>>) target(%arg5 : memref<400xi32, #tpu.memory_space<vmem>>) target_semaphore(%run_scoped3A : memref<!tpu.dma_semaphore, #tpu.memory_space<semaphore_mem>>)
        %dma_wait3A_21 = tpu.memref_slice %arg3[%add3A_14] : memref<204800xi32, #tpu.memory_space<hbm>> -> memref<400xi32, #tpu.memory_space<hbm>>
        %dma_wait3A_22 = tpu.memref_slice %arg3[%add3A_14] : memref<204800xi32, #tpu.memory_space<hbm>> -> memref<400xi32, #tpu.memory_space<hbm>>
        tpu.wait_dma2 semaphore(%run_scoped3A : memref<!tpu.dma_semaphore, #tpu.memory_space<semaphore_mem>>) src(%dma_wait3A_22 : memref<400xi32, #tpu.memory_space<hbm>>) dst(%arg5 : memref<400xi32, #tpu.memory_space<vmem>>)
        tpu.yield
      }) : () -> ()
      %dma_start3A = arith.constant 0 : i32
      %dma_start3A_15 = arith.constant 0 : i32
      %dma_start3A_16 = tpu.memref_slice %arg2[%dma_start3A, %dma_start3A_15] : memref<12800x128xf32, #tpu.memory_space<hbm>> -> memref<12800x128xf32, #tpu.memory_space<hbm>>
      tpu.enqueue_indirect_dma source(%dma_start3A_16 : memref<12800x128xf32, #tpu.memory_space<hbm>>) target(%arg6 : memref<400x128xf32, #tpu.memory_space<vmem>>) offsets(%arg5 : memref<400xi32, #tpu.memory_space<vmem>>) semaphore(%arg7 : memref<!tpu.dma_semaphore, #tpu.memory_space<semaphore_mem>>)
      %dma_wait3A = arith.constant 0 : i32
      %dma_wait3A_17 = arith.constant 0 : i32
      %dma_wait3A_18 = tpu.memref_slice %arg2[%dma_wait3A, %dma_wait3A_17] : memref<12800x128xf32, #tpu.memory_space<hbm>> -> memref<12800x128xf32, #tpu.memory_space<hbm>>
      tpu.wait_indirect_dma semaphore(%arg7 : memref<!tpu.dma_semaphore, #tpu.memory_space<semaphore_mem>>) src(%dma_wait3A_18 : memref<12800x128xf32, #tpu.memory_space<hbm>>) dst(%arg6 : memref<400x128xf32, #tpu.memory_space<vmem>>)
      "tpu.region"() ({
        %run_scoped3A = tpu.sem_alloc : memref<!tpu.dma_semaphore, #tpu.memory_space<semaphore_mem>>
        %dma_start3A_19 = arith.constant 0 : i32
        %dma_start3A_20 = tpu.memref_slice %arg4[%add3A_14, %dma_start3A_19] : memref<204800x128xf32, #tpu.memory_space<hbm>> -> memref<400x128xf32, #tpu.memory_space<hbm>>
        %dma_start3A_21 = arith.constant 0 : i32
        %dma_start3A_22 = tpu.memref_slice %arg4[%add3A_14, %dma_start3A_21] : memref<204800x128xf32, #tpu.memory_space<hbm>> -> memref<400x128xf32, #tpu.memory_space<hbm>>
        tpu.enqueue_dma source(%arg6 : memref<400x128xf32, #tpu.memory_space<vmem>>) target(%dma_start3A_22 : memref<400x128xf32, #tpu.memory_space<hbm>>) target_semaphore(%run_scoped3A : memref<!tpu.dma_semaphore, #tpu.memory_space<semaphore_mem>>)
        %dma_wait3A_23 = arith.constant 0 : i32
        %dma_wait3A_24 = tpu.memref_slice %arg4[%add3A_14, %dma_wait3A_23] : memref<204800x128xf32, #tpu.memory_space<hbm>> -> memref<400x128xf32, #tpu.memory_space<hbm>>
        %dma_wait3A_25 = arith.constant 0 : i32
        %dma_wait3A_26 = tpu.memref_slice %arg4[%add3A_14, %dma_wait3A_25] : memref<204800x128xf32, #tpu.memory_space<hbm>> -> memref<400x128xf32, #tpu.memory_space<hbm>>
        tpu.wait_dma2 semaphore(%run_scoped3A : memref<!tpu.dma_semaphore, #tpu.memory_space<semaphore_mem>>) src(%arg6 : memref<400x128xf32, #tpu.memory_space<vmem>>) dst(%dma_wait3A_26 : memref<400x128xf32, #tpu.memory_space<hbm>>)
        tpu.yield
      }) : () -> ()
    }
    %scan3A_6 = arith.constant 16 : i32
    return
  }
}

#map = affine_map<(d0, d1) -> (0, 0)>
#map1 = affine_map<(d0, d1) -> (0)>
module attributes {stable_mosaic.version = 14 : i64} {
  func.func @k(%arg0: i32, %arg1: i32, %arg2: memref<204800x128xf32, #tpu.memory_space<hbm>>, %arg3: memref<409600xi32, #tpu.memory_space<hbm>>, %arg4: memref<6528x128xf32, #tpu.memory_space<hbm>>, %arg5: memref<13056x128xf32, #tpu.memory_space<hbm>>, %arg6: memref<6528x128xf32, #tpu.memory_space<vmem_shared>>, %arg7: memref<200xi32, #tpu.memory_space<vmem>>, %arg8: memref<200x128xf32, #tpu.memory_space<vmem>>) attributes {dimension_semantics = [#tpu.dimension_semantics<core_parallel>, #tpu.dimension_semantics<subcore_parallel>], iteration_bounds = array<i64: 2, 16>, scalar_prefetch = 0 : i64, scratch_operands = 3 : i64, tpu.core_type = #tpu.core_type<sc_vector_subcore>, window_params = [{transform_indices = #map}, {transform_indices = #map1}, {transform_indices = #map}, {transform_indices = #map}]} {
    %mul3A = arith.constant 408 : i32
    %mul3A_0 = arith.muli %arg1, %mul3A : i32
    %mul3A_1 = arith.constant 1 : i32
    %mul3A_2 = arith.muli %arg0, %mul3A_1 : i32
    %add3A = arith.constant 0 : i32
    %add3A_3 = arith.addi %mul3A_2, %add3A : i32
    "tpu.region"() ({
      %run_scoped3A = tpu.sem_alloc : memref<!tpu.dma_semaphore, #tpu.memory_space<semaphore_mem>>
      %dma_start3A = arith.constant 0 : i32
      %dma_start3A_12 = tpu.memref_slice %arg6[%mul3A_0, %dma_start3A] : memref<6528x128xf32, #tpu.memory_space<vmem_shared>> -> memref<408x128xf32, #tpu.memory_space<vmem_shared>>
      %dma_start3A_13 = arith.constant 0 : i32
      %dma_start3A_14 = tpu.memref_slice %arg4[%mul3A_0, %dma_start3A_13] : memref<6528x128xf32, #tpu.memory_space<hbm>> -> memref<408x128xf32, #tpu.memory_space<hbm>>
      tpu.enqueue_dma source(%dma_start3A_14 : memref<408x128xf32, #tpu.memory_space<hbm>>) target(%dma_start3A_12 : memref<408x128xf32, #tpu.memory_space<vmem_shared>>) target_semaphore(%run_scoped3A : memref<!tpu.dma_semaphore, #tpu.memory_space<semaphore_mem>>)
      %dma_wait3A = arith.constant 0 : i32
      %dma_wait3A_15 = tpu.memref_slice %arg6[%mul3A_0, %dma_wait3A] : memref<6528x128xf32, #tpu.memory_space<vmem_shared>> -> memref<408x128xf32, #tpu.memory_space<vmem_shared>>
      %dma_wait3A_16 = arith.constant 0 : i32
      %dma_wait3A_17 = tpu.memref_slice %arg4[%mul3A_0, %dma_wait3A_16] : memref<6528x128xf32, #tpu.memory_space<hbm>> -> memref<408x128xf32, #tpu.memory_space<hbm>>
      tpu.wait_dma2 semaphore(%run_scoped3A : memref<!tpu.dma_semaphore, #tpu.memory_space<semaphore_mem>>) src(%dma_wait3A_17 : memref<408x128xf32, #tpu.memory_space<hbm>>) dst(%dma_wait3A_15 : memref<408x128xf32, #tpu.memory_space<vmem_shared>>)
      tpu.yield
    }) : () -> ()
    %barrier3A = arith.constant 0 : index
    tpu.barrier barrier_id(%barrier3A)
    %scan3A = arith.constant 0 : i32
    %scan3A_4 = arith.constant 64 : i32
    %scan3A_5 = arith.addi %scan3A, %scan3A_4 : i32
    %scan3A_6 = arith.constant 1 : i32
    scf.for %scan3A_12 = %scan3A to %scan3A_5 step %scan3A_6  : i32 {
      %mul3A_13 = arith.constant 1 : i32
      %mul3A_14 = arith.muli %scan3A_12, %mul3A_13 : i32
      %add3A_15 = arith.constant 0 : i32
      %add3A_16 = arith.addi %add3A_15, %mul3A_14 : i32
      %mul3A_17 = arith.constant 12800 : i32
      %mul3A_18 = arith.muli %arg1, %mul3A_17 : i32
      %mul3A_19 = arith.constant 200 : i32
      %mul3A_20 = arith.muli %add3A_16, %mul3A_19 : i32
      %add3A_21 = arith.addi %mul3A_18, %mul3A_20 : i32
      %mul3A_22 = arith.constant 204800 : i32
      %mul3A_23 = arith.muli %add3A_3, %mul3A_22 : i32
      %add3A_24 = arith.addi %mul3A_23, %add3A_21 : i32
      "tpu.region"() ({
        %run_scoped3A = tpu.sem_alloc : memref<!tpu.dma_semaphore, #tpu.memory_space<semaphore_mem>>
        %dma_start3A = tpu.memref_slice %arg3[%add3A_24] : memref<409600xi32, #tpu.memory_space<hbm>> -> memref<200xi32, #tpu.memory_space<hbm>>
        %dma_start3A_25 = tpu.memref_slice %arg3[%add3A_24] : memref<409600xi32, #tpu.memory_space<hbm>> -> memref<200xi32, #tpu.memory_space<hbm>>
        tpu.enqueue_dma source(%dma_start3A_25 : memref<200xi32, #tpu.memory_space<hbm>>) target(%arg7 : memref<200xi32, #tpu.memory_space<vmem>>) target_semaphore(%run_scoped3A : memref<!tpu.dma_semaphore, #tpu.memory_space<semaphore_mem>>)
        %dma_wait3A = tpu.memref_slice %arg3[%add3A_24] : memref<409600xi32, #tpu.memory_space<hbm>> -> memref<200xi32, #tpu.memory_space<hbm>>
        %dma_wait3A_26 = tpu.memref_slice %arg3[%add3A_24] : memref<409600xi32, #tpu.memory_space<hbm>> -> memref<200xi32, #tpu.memory_space<hbm>>
        tpu.wait_dma2 semaphore(%run_scoped3A : memref<!tpu.dma_semaphore, #tpu.memory_space<semaphore_mem>>) src(%dma_wait3A_26 : memref<200xi32, #tpu.memory_space<hbm>>) dst(%arg7 : memref<200xi32, #tpu.memory_space<vmem>>)
        tpu.yield
      }) : () -> ()
      "tpu.region"() ({
        %run_scoped3A = tpu.sem_alloc : memref<!tpu.dma_semaphore, #tpu.memory_space<semaphore_mem>>
        %dma_start3A = arith.constant 0 : i32
        %dma_start3A_25 = tpu.memref_slice %arg2[%add3A_21, %dma_start3A] : memref<204800x128xf32, #tpu.memory_space<hbm>> -> memref<200x128xf32, #tpu.memory_space<hbm>>
        %dma_start3A_26 = arith.constant 0 : i32
        %dma_start3A_27 = tpu.memref_slice %arg2[%add3A_21, %dma_start3A_26] : memref<204800x128xf32, #tpu.memory_space<hbm>> -> memref<200x128xf32, #tpu.memory_space<hbm>>
        tpu.enqueue_dma source(%dma_start3A_27 : memref<200x128xf32, #tpu.memory_space<hbm>>) target(%arg8 : memref<200x128xf32, #tpu.memory_space<vmem>>) target_semaphore(%run_scoped3A : memref<!tpu.dma_semaphore, #tpu.memory_space<semaphore_mem>>)
        %dma_wait3A = arith.constant 0 : i32
        %dma_wait3A_28 = tpu.memref_slice %arg2[%add3A_21, %dma_wait3A] : memref<204800x128xf32, #tpu.memory_space<hbm>> -> memref<200x128xf32, #tpu.memory_space<hbm>>
        %dma_wait3A_29 = arith.constant 0 : i32
        %dma_wait3A_30 = tpu.memref_slice %arg2[%add3A_21, %dma_wait3A_29] : memref<204800x128xf32, #tpu.memory_space<hbm>> -> memref<200x128xf32, #tpu.memory_space<hbm>>
        tpu.wait_dma2 semaphore(%run_scoped3A : memref<!tpu.dma_semaphore, #tpu.memory_space<semaphore_mem>>) src(%dma_wait3A_30 : memref<200x128xf32, #tpu.memory_space<hbm>>) dst(%arg8 : memref<200x128xf32, #tpu.memory_space<vmem>>)
        tpu.yield
      }) : () -> ()
      "tpu.region"() ({
        %run_scoped3A = tpu.sem_alloc : memref<!tpu.dma_semaphore, #tpu.memory_space<semaphore_mem>>
        %dma_start3A = arith.constant 0 : i32
        %dma_start3A_25 = arith.constant 0 : i32
        %dma_start3A_26 = tpu.memref_slice %arg6[%dma_start3A, %dma_start3A_25] : memref<6528x128xf32, #tpu.memory_space<vmem_shared>> -> memref<6528x128xf32, #tpu.memory_space<vmem_shared>>
        tpu.enqueue_indirect_dma source(%arg8 : memref<200x128xf32, #tpu.memory_space<vmem>>) target(%dma_start3A_26 : memref<6528x128xf32, #tpu.memory_space<vmem_shared>>) offsets(%arg7 : memref<200xi32, #tpu.memory_space<vmem>>) semaphore(%run_scoped3A : memref<!tpu.dma_semaphore, #tpu.memory_space<semaphore_mem>>) {add = true}
        %dma_wait3A = arith.constant 0 : i32
        %dma_wait3A_27 = arith.constant 0 : i32
        %dma_wait3A_28 = tpu.memref_slice %arg6[%dma_wait3A, %dma_wait3A_27] : memref<6528x128xf32, #tpu.memory_space<vmem_shared>> -> memref<6528x128xf32, #tpu.memory_space<vmem_shared>>
        tpu.wait_indirect_dma semaphore(%run_scoped3A : memref<!tpu.dma_semaphore, #tpu.memory_space<semaphore_mem>>) src(%arg8 : memref<200x128xf32, #tpu.memory_space<vmem>>) dst(%dma_wait3A_28 : memref<6528x128xf32, #tpu.memory_space<vmem_shared>>)
        tpu.yield
      }) : () -> ()
    }
    %scan3A_7 = arith.constant 64 : i32
    %barrier3A_8 = arith.constant 0 : index
    tpu.barrier barrier_id(%barrier3A_8)
    %mul3A_9 = arith.constant 6528 : i32
    %mul3A_10 = arith.muli %add3A_3, %mul3A_9 : i32
    %add3A_11 = arith.addi %mul3A_10, %mul3A_0 : i32
    "tpu.region"() ({
      %run_scoped3A = tpu.sem_alloc : memref<!tpu.dma_semaphore, #tpu.memory_space<semaphore_mem>>
      %dma_start3A = arith.constant 0 : i32
      %dma_start3A_12 = tpu.memref_slice %arg5[%add3A_11, %dma_start3A] : memref<13056x128xf32, #tpu.memory_space<hbm>> -> memref<408x128xf32, #tpu.memory_space<hbm>>
      %dma_start3A_13 = arith.constant 0 : i32
      %dma_start3A_14 = tpu.memref_slice %arg6[%mul3A_0, %dma_start3A_13] : memref<6528x128xf32, #tpu.memory_space<vmem_shared>> -> memref<408x128xf32, #tpu.memory_space<vmem_shared>>
      tpu.enqueue_dma source(%dma_start3A_14 : memref<408x128xf32, #tpu.memory_space<vmem_shared>>) target(%dma_start3A_12 : memref<408x128xf32, #tpu.memory_space<hbm>>) target_semaphore(%run_scoped3A : memref<!tpu.dma_semaphore, #tpu.memory_space<semaphore_mem>>)
      %dma_wait3A = arith.constant 0 : i32
      %dma_wait3A_15 = tpu.memref_slice %arg5[%add3A_11, %dma_wait3A] : memref<13056x128xf32, #tpu.memory_space<hbm>> -> memref<408x128xf32, #tpu.memory_space<hbm>>
      %dma_wait3A_16 = arith.constant 0 : i32
      %dma_wait3A_17 = tpu.memref_slice %arg6[%mul3A_0, %dma_wait3A_16] : memref<6528x128xf32, #tpu.memory_space<vmem_shared>> -> memref<408x128xf32, #tpu.memory_space<vmem_shared>>
      tpu.wait_dma2 semaphore(%run_scoped3A : memref<!tpu.dma_semaphore, #tpu.memory_space<semaphore_mem>>) src(%dma_wait3A_17 : memref<408x128xf32, #tpu.memory_space<vmem_shared>>) dst(%dma_wait3A_15 : memref<408x128xf32, #tpu.memory_space<hbm>>)
      tpu.yield
    }) : () -> ()
    return
  }
}

#map = affine_map<(d0, d1) -> (0, 0)>
#map1 = affine_map<(d0, d1) -> (0)>
module attributes {stable_mosaic.version = 14 : i64} {
  func.func @k(%arg0: i32, %arg1: i32, %arg2: memref<12800x128xf32, #tpu.memory_space<hbm>>, %arg3: memref<153600xi32, #tpu.memory_space<hbm>>, %arg4: memref<153600x128xf32, #tpu.memory_space<hbm>>, %arg5: memref<400xi32, #tpu.memory_space<vmem>>, %arg6: memref<400x128xf32, #tpu.memory_space<vmem>>, %arg7: memref<!tpu.dma_semaphore, #tpu.memory_space<semaphore_mem>>) attributes {dimension_semantics = [#tpu.dimension_semantics<core_parallel>, #tpu.dimension_semantics<subcore_parallel>], iteration_bounds = array<i64: 2, 16>, scalar_prefetch = 0 : i64, scratch_operands = 3 : i64, tpu.core_type = #tpu.core_type<sc_vector_subcore>, window_params = [{transform_indices = #map}, {transform_indices = #map1}, {transform_indices = #map}]} {
    %mul3A = arith.constant 2 : i32
    %mul3A_0 = arith.muli %arg1, %mul3A : i32
    %add3A = arith.addi %mul3A_0, %arg0 : i32
    %mul3A_1 = arith.constant 4800 : i32
    %mul3A_2 = arith.muli %add3A, %mul3A_1 : i32
    %scan3A = arith.constant 0 : i32
    %scan3A_3 = arith.constant 12 : i32
    %scan3A_4 = arith.addi %scan3A, %scan3A_3 : i32
    %scan3A_5 = arith.constant 1 : i32
    scf.for %scan3A_7 = %scan3A to %scan3A_4 step %scan3A_5  : i32 {
      %mul3A_8 = arith.constant 1 : i32
      %mul3A_9 = arith.muli %scan3A_7, %mul3A_8 : i32
      %add3A_10 = arith.constant 0 : i32
      %add3A_11 = arith.addi %add3A_10, %mul3A_9 : i32
      %mul3A_12 = arith.constant 400 : i32
      %mul3A_13 = arith.muli %add3A_11, %mul3A_12 : i32
      %add3A_14 = arith.addi %mul3A_2, %mul3A_13 : i32
      "tpu.region"() ({
        %run_scoped3A = tpu.sem_alloc : memref<!tpu.dma_semaphore, #tpu.memory_space<semaphore_mem>>
        %dma_start3A_19 = tpu.memref_slice %arg3[%add3A_14] : memref<153600xi32, #tpu.memory_space<hbm>> -> memref<400xi32, #tpu.memory_space<hbm>>
        %dma_start3A_20 = tpu.memref_slice %arg3[%add3A_14] : memref<153600xi32, #tpu.memory_space<hbm>> -> memref<400xi32, #tpu.memory_space<hbm>>
        tpu.enqueue_dma source(%dma_start3A_20 : memref<400xi32, #tpu.memory_space<hbm>>) target(%arg5 : memref<400xi32, #tpu.memory_space<vmem>>) target_semaphore(%run_scoped3A : memref<!tpu.dma_semaphore, #tpu.memory_space<semaphore_mem>>)
        %dma_wait3A_21 = tpu.memref_slice %arg3[%add3A_14] : memref<153600xi32, #tpu.memory_space<hbm>> -> memref<400xi32, #tpu.memory_space<hbm>>
        %dma_wait3A_22 = tpu.memref_slice %arg3[%add3A_14] : memref<153600xi32, #tpu.memory_space<hbm>> -> memref<400xi32, #tpu.memory_space<hbm>>
        tpu.wait_dma2 semaphore(%run_scoped3A : memref<!tpu.dma_semaphore, #tpu.memory_space<semaphore_mem>>) src(%dma_wait3A_22 : memref<400xi32, #tpu.memory_space<hbm>>) dst(%arg5 : memref<400xi32, #tpu.memory_space<vmem>>)
        tpu.yield
      }) : () -> ()
      %dma_start3A = arith.constant 0 : i32
      %dma_start3A_15 = arith.constant 0 : i32
      %dma_start3A_16 = tpu.memref_slice %arg2[%dma_start3A, %dma_start3A_15] : memref<12800x128xf32, #tpu.memory_space<hbm>> -> memref<12800x128xf32, #tpu.memory_space<hbm>>
      tpu.enqueue_indirect_dma source(%dma_start3A_16 : memref<12800x128xf32, #tpu.memory_space<hbm>>) target(%arg6 : memref<400x128xf32, #tpu.memory_space<vmem>>) offsets(%arg5 : memref<400xi32, #tpu.memory_space<vmem>>) semaphore(%arg7 : memref<!tpu.dma_semaphore, #tpu.memory_space<semaphore_mem>>)
      %dma_wait3A = arith.constant 0 : i32
      %dma_wait3A_17 = arith.constant 0 : i32
      %dma_wait3A_18 = tpu.memref_slice %arg2[%dma_wait3A, %dma_wait3A_17] : memref<12800x128xf32, #tpu.memory_space<hbm>> -> memref<12800x128xf32, #tpu.memory_space<hbm>>
      tpu.wait_indirect_dma semaphore(%arg7 : memref<!tpu.dma_semaphore, #tpu.memory_space<semaphore_mem>>) src(%dma_wait3A_18 : memref<12800x128xf32, #tpu.memory_space<hbm>>) dst(%arg6 : memref<400x128xf32, #tpu.memory_space<vmem>>)
      "tpu.region"() ({
        %run_scoped3A = tpu.sem_alloc : memref<!tpu.dma_semaphore, #tpu.memory_space<semaphore_mem>>
        %dma_start3A_19 = arith.constant 0 : i32
        %dma_start3A_20 = tpu.memref_slice %arg4[%add3A_14, %dma_start3A_19] : memref<153600x128xf32, #tpu.memory_space<hbm>> -> memref<400x128xf32, #tpu.memory_space<hbm>>
        %dma_start3A_21 = arith.constant 0 : i32
        %dma_start3A_22 = tpu.memref_slice %arg4[%add3A_14, %dma_start3A_21] : memref<153600x128xf32, #tpu.memory_space<hbm>> -> memref<400x128xf32, #tpu.memory_space<hbm>>
        tpu.enqueue_dma source(%arg6 : memref<400x128xf32, #tpu.memory_space<vmem>>) target(%dma_start3A_22 : memref<400x128xf32, #tpu.memory_space<hbm>>) target_semaphore(%run_scoped3A : memref<!tpu.dma_semaphore, #tpu.memory_space<semaphore_mem>>)
        %dma_wait3A_23 = arith.constant 0 : i32
        %dma_wait3A_24 = tpu.memref_slice %arg4[%add3A_14, %dma_wait3A_23] : memref<153600x128xf32, #tpu.memory_space<hbm>> -> memref<400x128xf32, #tpu.memory_space<hbm>>
        %dma_wait3A_25 = arith.constant 0 : i32
        %dma_wait3A_26 = tpu.memref_slice %arg4[%add3A_14, %dma_wait3A_25] : memref<153600x128xf32, #tpu.memory_space<hbm>> -> memref<400x128xf32, #tpu.memory_space<hbm>>
        tpu.wait_dma2 semaphore(%run_scoped3A : memref<!tpu.dma_semaphore, #tpu.memory_space<semaphore_mem>>) src(%arg6 : memref<400x128xf32, #tpu.memory_space<vmem>>) dst(%dma_wait3A_26 : memref<400x128xf32, #tpu.memory_space<hbm>>)
        tpu.yield
      }) : () -> ()
    }
    %scan3A_6 = arith.constant 12 : i32
    return
  }
}

#map = affine_map<(d0, d1) -> (0, 0)>
#map1 = affine_map<(d0, d1) -> (0)>
module attributes {stable_mosaic.version = 14 : i64} {
  func.func @k(%arg0: i32, %arg1: i32, %arg2: memref<51200x128xf32, #tpu.memory_space<hbm>>, %arg3: memref<800000xi32, #tpu.memory_space<hbm>>, %arg4: memref<800000x128xf32, #tpu.memory_space<hbm>>, %arg5: memref<200xi32, #tpu.memory_space<vmem>>, %arg6: memref<200x128xf32, #tpu.memory_space<vmem>>, %arg7: memref<!tpu.dma_semaphore, #tpu.memory_space<semaphore_mem>>) attributes {dimension_semantics = [#tpu.dimension_semantics<core_parallel>, #tpu.dimension_semantics<subcore_parallel>], iteration_bounds = array<i64: 2, 16>, scalar_prefetch = 0 : i64, scratch_operands = 3 : i64, tpu.core_type = #tpu.core_type<sc_vector_subcore>, window_params = [{transform_indices = #map}, {transform_indices = #map1}, {transform_indices = #map}]} {
    %mul3A = arith.constant 2 : i32
    %mul3A_0 = arith.muli %arg1, %mul3A : i32
    %add3A = arith.addi %mul3A_0, %arg0 : i32
    %mul3A_1 = arith.constant 25000 : i32
    %mul3A_2 = arith.muli %add3A, %mul3A_1 : i32
    %scan3A = arith.constant 0 : i32
    %scan3A_3 = arith.constant 125 : i32
    %scan3A_4 = arith.addi %scan3A, %scan3A_3 : i32
    %scan3A_5 = arith.constant 1 : i32
    scf.for %scan3A_7 = %scan3A to %scan3A_4 step %scan3A_5  : i32 {
      %mul3A_8 = arith.constant 1 : i32
      %mul3A_9 = arith.muli %scan3A_7, %mul3A_8 : i32
      %add3A_10 = arith.constant 0 : i32
      %add3A_11 = arith.addi %add3A_10, %mul3A_9 : i32
      %mul3A_12 = arith.constant 200 : i32
      %mul3A_13 = arith.muli %add3A_11, %mul3A_12 : i32
      %add3A_14 = arith.addi %mul3A_2, %mul3A_13 : i32
      "tpu.region"() ({
        %run_scoped3A = tpu.sem_alloc : memref<!tpu.dma_semaphore, #tpu.memory_space<semaphore_mem>>
        %dma_start3A_19 = tpu.memref_slice %arg3[%add3A_14] : memref<800000xi32, #tpu.memory_space<hbm>> -> memref<200xi32, #tpu.memory_space<hbm>>
        %dma_start3A_20 = tpu.memref_slice %arg3[%add3A_14] : memref<800000xi32, #tpu.memory_space<hbm>> -> memref<200xi32, #tpu.memory_space<hbm>>
        tpu.enqueue_dma source(%dma_start3A_20 : memref<200xi32, #tpu.memory_space<hbm>>) target(%arg5 : memref<200xi32, #tpu.memory_space<vmem>>) target_semaphore(%run_scoped3A : memref<!tpu.dma_semaphore, #tpu.memory_space<semaphore_mem>>)
        %dma_wait3A_21 = tpu.memref_slice %arg3[%add3A_14] : memref<800000xi32, #tpu.memory_space<hbm>> -> memref<200xi32, #tpu.memory_space<hbm>>
        %dma_wait3A_22 = tpu.memref_slice %arg3[%add3A_14] : memref<800000xi32, #tpu.memory_space<hbm>> -> memref<200xi32, #tpu.memory_space<hbm>>
        tpu.wait_dma2 semaphore(%run_scoped3A : memref<!tpu.dma_semaphore, #tpu.memory_space<semaphore_mem>>) src(%dma_wait3A_22 : memref<200xi32, #tpu.memory_space<hbm>>) dst(%arg5 : memref<200xi32, #tpu.memory_space<vmem>>)
        tpu.yield
      }) : () -> ()
      %dma_start3A = arith.constant 0 : i32
      %dma_start3A_15 = arith.constant 0 : i32
      %dma_start3A_16 = tpu.memref_slice %arg2[%dma_start3A, %dma_start3A_15] : memref<51200x128xf32, #tpu.memory_space<hbm>> -> memref<51200x128xf32, #tpu.memory_space<hbm>>
      tpu.enqueue_indirect_dma source(%dma_start3A_16 : memref<51200x128xf32, #tpu.memory_space<hbm>>) target(%arg6 : memref<200x128xf32, #tpu.memory_space<vmem>>) offsets(%arg5 : memref<200xi32, #tpu.memory_space<vmem>>) semaphore(%arg7 : memref<!tpu.dma_semaphore, #tpu.memory_space<semaphore_mem>>)
      %dma_wait3A = arith.constant 0 : i32
      %dma_wait3A_17 = arith.constant 0 : i32
      %dma_wait3A_18 = tpu.memref_slice %arg2[%dma_wait3A, %dma_wait3A_17] : memref<51200x128xf32, #tpu.memory_space<hbm>> -> memref<51200x128xf32, #tpu.memory_space<hbm>>
      tpu.wait_indirect_dma semaphore(%arg7 : memref<!tpu.dma_semaphore, #tpu.memory_space<semaphore_mem>>) src(%dma_wait3A_18 : memref<51200x128xf32, #tpu.memory_space<hbm>>) dst(%arg6 : memref<200x128xf32, #tpu.memory_space<vmem>>)
      "tpu.region"() ({
        %run_scoped3A = tpu.sem_alloc : memref<!tpu.dma_semaphore, #tpu.memory_space<semaphore_mem>>
        %dma_start3A_19 = arith.constant 0 : i32
        %dma_start3A_20 = tpu.memref_slice %arg4[%add3A_14, %dma_start3A_19] : memref<800000x128xf32, #tpu.memory_space<hbm>> -> memref<200x128xf32, #tpu.memory_space<hbm>>
        %dma_start3A_21 = arith.constant 0 : i32
        %dma_start3A_22 = tpu.memref_slice %arg4[%add3A_14, %dma_start3A_21] : memref<800000x128xf32, #tpu.memory_space<hbm>> -> memref<200x128xf32, #tpu.memory_space<hbm>>
        tpu.enqueue_dma source(%arg6 : memref<200x128xf32, #tpu.memory_space<vmem>>) target(%dma_start3A_22 : memref<200x128xf32, #tpu.memory_space<hbm>>) target_semaphore(%run_scoped3A : memref<!tpu.dma_semaphore, #tpu.memory_space<semaphore_mem>>)
        %dma_wait3A_23 = arith.constant 0 : i32
        %dma_wait3A_24 = tpu.memref_slice %arg4[%add3A_14, %dma_wait3A_23] : memref<800000x128xf32, #tpu.memory_space<hbm>> -> memref<200x128xf32, #tpu.memory_space<hbm>>
        %dma_wait3A_25 = arith.constant 0 : i32
        %dma_wait3A_26 = tpu.memref_slice %arg4[%add3A_14, %dma_wait3A_25] : memref<800000x128xf32, #tpu.memory_space<hbm>> -> memref<200x128xf32, #tpu.memory_space<hbm>>
        tpu.wait_dma2 semaphore(%run_scoped3A : memref<!tpu.dma_semaphore, #tpu.memory_space<semaphore_mem>>) src(%arg6 : memref<200x128xf32, #tpu.memory_space<vmem>>) dst(%dma_wait3A_26 : memref<200x128xf32, #tpu.memory_space<hbm>>)
        tpu.yield
      }) : () -> ()
    }
    %scan3A_6 = arith.constant 125 : i32
    return
  }
}

#map = affine_map<(d0, d1) -> (0, 0)>
#map1 = affine_map<(d0, d1) -> (0)>
module attributes {stable_mosaic.version = 14 : i64} {
  func.func @k(%arg0: i32, %arg1: i32, %arg2: memref<51200x128xf32, #tpu.memory_space<hbm>>, %arg3: memref<800000xi32, #tpu.memory_space<hbm>>, %arg4: memref<800000x128xf32, #tpu.memory_space<hbm>>, %arg5: memref<200xi32, #tpu.memory_space<vmem>>, %arg6: memref<200x128xf32, #tpu.memory_space<vmem>>, %arg7: memref<!tpu.dma_semaphore, #tpu.memory_space<semaphore_mem>>) attributes {dimension_semantics = [#tpu.dimension_semantics<core_parallel>, #tpu.dimension_semantics<subcore_parallel>], iteration_bounds = array<i64: 2, 16>, scalar_prefetch = 0 : i64, scratch_operands = 3 : i64, tpu.core_type = #tpu.core_type<sc_vector_subcore>, window_params = [{transform_indices = #map}, {transform_indices = #map1}, {transform_indices = #map}]} {
    %mul3A = arith.constant 2 : i32
    %mul3A_0 = arith.muli %arg1, %mul3A : i32
    %add3A = arith.addi %mul3A_0, %arg0 : i32
    %mul3A_1 = arith.constant 25000 : i32
    %mul3A_2 = arith.muli %add3A, %mul3A_1 : i32
    %scan3A = arith.constant 0 : i32
    %scan3A_3 = arith.constant 125 : i32
    %scan3A_4 = arith.addi %scan3A, %scan3A_3 : i32
    %scan3A_5 = arith.constant 1 : i32
    scf.for %scan3A_7 = %scan3A to %scan3A_4 step %scan3A_5  : i32 {
      %mul3A_8 = arith.constant 1 : i32
      %mul3A_9 = arith.muli %scan3A_7, %mul3A_8 : i32
      %add3A_10 = arith.constant 0 : i32
      %add3A_11 = arith.addi %add3A_10, %mul3A_9 : i32
      %mul3A_12 = arith.constant 200 : i32
      %mul3A_13 = arith.muli %add3A_11, %mul3A_12 : i32
      %add3A_14 = arith.addi %mul3A_2, %mul3A_13 : i32
      "tpu.region"() ({
        %run_scoped3A = tpu.sem_alloc : memref<!tpu.dma_semaphore, #tpu.memory_space<semaphore_mem>>
        %dma_start3A_19 = tpu.memref_slice %arg3[%add3A_14] : memref<800000xi32, #tpu.memory_space<hbm>> -> memref<200xi32, #tpu.memory_space<hbm>>
        %dma_start3A_20 = tpu.memref_slice %arg3[%add3A_14] : memref<800000xi32, #tpu.memory_space<hbm>> -> memref<200xi32, #tpu.memory_space<hbm>>
        tpu.enqueue_dma source(%dma_start3A_20 : memref<200xi32, #tpu.memory_space<hbm>>) target(%arg5 : memref<200xi32, #tpu.memory_space<vmem>>) target_semaphore(%run_scoped3A : memref<!tpu.dma_semaphore, #tpu.memory_space<semaphore_mem>>)
        %dma_wait3A_21 = tpu.memref_slice %arg3[%add3A_14] : memref<800000xi32, #tpu.memory_space<hbm>> -> memref<200xi32, #tpu.memory_space<hbm>>
        %dma_wait3A_22 = tpu.memref_slice %arg3[%add3A_14] : memref<800000xi32, #tpu.memory_space<hbm>> -> memref<200xi32, #tpu.memory_space<hbm>>
        tpu.wait_dma2 semaphore(%run_scoped3A : memref<!tpu.dma_semaphore, #tpu.memory_space<semaphore_mem>>) src(%dma_wait3A_22 : memref<200xi32, #tpu.memory_space<hbm>>) dst(%arg5 : memref<200xi32, #tpu.memory_space<vmem>>)
        tpu.yield
      }) : () -> ()
      %dma_start3A = arith.constant 0 : i32
      %dma_start3A_15 = arith.constant 0 : i32
      %dma_start3A_16 = tpu.memref_slice %arg2[%dma_start3A, %dma_start3A_15] : memref<51200x128xf32, #tpu.memory_space<hbm>> -> memref<51200x128xf32, #tpu.memory_space<hbm>>
      tpu.enqueue_indirect_dma source(%dma_start3A_16 : memref<51200x128xf32, #tpu.memory_space<hbm>>) target(%arg6 : memref<200x128xf32, #tpu.memory_space<vmem>>) offsets(%arg5 : memref<200xi32, #tpu.memory_space<vmem>>) semaphore(%arg7 : memref<!tpu.dma_semaphore, #tpu.memory_space<semaphore_mem>>)
      %dma_wait3A = arith.constant 0 : i32
      %dma_wait3A_17 = arith.constant 0 : i32
      %dma_wait3A_18 = tpu.memref_slice %arg2[%dma_wait3A, %dma_wait3A_17] : memref<51200x128xf32, #tpu.memory_space<hbm>> -> memref<51200x128xf32, #tpu.memory_space<hbm>>
      tpu.wait_indirect_dma semaphore(%arg7 : memref<!tpu.dma_semaphore, #tpu.memory_space<semaphore_mem>>) src(%dma_wait3A_18 : memref<51200x128xf32, #tpu.memory_space<hbm>>) dst(%arg6 : memref<200x128xf32, #tpu.memory_space<vmem>>)
      "tpu.region"() ({
        %run_scoped3A = tpu.sem_alloc : memref<!tpu.dma_semaphore, #tpu.memory_space<semaphore_mem>>
        %dma_start3A_19 = arith.constant 0 : i32
        %dma_start3A_20 = tpu.memref_slice %arg4[%add3A_14, %dma_start3A_19] : memref<800000x128xf32, #tpu.memory_space<hbm>> -> memref<200x128xf32, #tpu.memory_space<hbm>>
        %dma_start3A_21 = arith.constant 0 : i32
        %dma_start3A_22 = tpu.memref_slice %arg4[%add3A_14, %dma_start3A_21] : memref<800000x128xf32, #tpu.memory_space<hbm>> -> memref<200x128xf32, #tpu.memory_space<hbm>>
        tpu.enqueue_dma source(%arg6 : memref<200x128xf32, #tpu.memory_space<vmem>>) target(%dma_start3A_22 : memref<200x128xf32, #tpu.memory_space<hbm>>) target_semaphore(%run_scoped3A : memref<!tpu.dma_semaphore, #tpu.memory_space<semaphore_mem>>)
        %dma_wait3A_23 = arith.constant 0 : i32
        %dma_wait3A_24 = tpu.memref_slice %arg4[%add3A_14, %dma_wait3A_23] : memref<800000x128xf32, #tpu.memory_space<hbm>> -> memref<200x128xf32, #tpu.memory_space<hbm>>
        %dma_wait3A_25 = arith.constant 0 : i32
        %dma_wait3A_26 = tpu.memref_slice %arg4[%add3A_14, %dma_wait3A_25] : memref<800000x128xf32, #tpu.memory_space<hbm>> -> memref<200x128xf32, #tpu.memory_space<hbm>>
        tpu.wait_dma2 semaphore(%run_scoped3A : memref<!tpu.dma_semaphore, #tpu.memory_space<semaphore_mem>>) src(%arg6 : memref<200x128xf32, #tpu.memory_space<vmem>>) dst(%dma_wait3A_26 : memref<200x128xf32, #tpu.memory_space<hbm>>)
        tpu.yield
      }) : () -> ()
    }
    %scan3A_6 = arith.constant 125 : i32
    return
  }
}

#map = affine_map<(d0, d1) -> (0, 0)>
#map1 = affine_map<(d0, d1) -> (0)>
module attributes {stable_mosaic.version = 14 : i64} {
  func.func @k(%arg0: i32, %arg1: i32, %arg2: memref<800000x128xf32, #tpu.memory_space<hbm>>, %arg3: memref<6400000xi32, #tpu.memory_space<hbm>>, %arg4: memref<6528x128xf32, #tpu.memory_space<hbm>>, %arg5: memref<52224x128xf32, #tpu.memory_space<hbm>>, %arg6: memref<6528x128xf32, #tpu.memory_space<vmem_shared>>, %arg7: memref<200xi32, #tpu.memory_space<vmem>>, %arg8: memref<200x128xf32, #tpu.memory_space<vmem>>) attributes {dimension_semantics = [#tpu.dimension_semantics<core_parallel>, #tpu.dimension_semantics<subcore_parallel>], iteration_bounds = array<i64: 2, 16>, scalar_prefetch = 0 : i64, scratch_operands = 3 : i64, tpu.core_type = #tpu.core_type<sc_vector_subcore>, window_params = [{transform_indices = #map}, {transform_indices = #map1}, {transform_indices = #map}, {transform_indices = #map}]} {
    %mul3A = arith.constant 408 : i32
    %mul3A_0 = arith.muli %arg1, %mul3A : i32
    %mul3A_1 = arith.constant 4 : i32
    %mul3A_2 = arith.muli %arg0, %mul3A_1 : i32
    %add3A = arith.constant 0 : i32
    %add3A_3 = arith.addi %mul3A_2, %add3A : i32
    "tpu.region"() ({
      %run_scoped3A = tpu.sem_alloc : memref<!tpu.dma_semaphore, #tpu.memory_space<semaphore_mem>>
      %dma_start3A = arith.constant 0 : i32
      %dma_start3A_57 = tpu.memref_slice %arg6[%mul3A_0, %dma_start3A] : memref<6528x128xf32, #tpu.memory_space<vmem_shared>> -> memref<408x128xf32, #tpu.memory_space<vmem_shared>>
      %dma_start3A_58 = arith.constant 0 : i32
      %dma_start3A_59 = tpu.memref_slice %arg4[%mul3A_0, %dma_start3A_58] : memref<6528x128xf32, #tpu.memory_space<hbm>> -> memref<408x128xf32, #tpu.memory_space<hbm>>
      tpu.enqueue_dma source(%dma_start3A_59 : memref<408x128xf32, #tpu.memory_space<hbm>>) target(%dma_start3A_57 : memref<408x128xf32, #tpu.memory_space<vmem_shared>>) target_semaphore(%run_scoped3A : memref<!tpu.dma_semaphore, #tpu.memory_space<semaphore_mem>>)
      %dma_wait3A = arith.constant 0 : i32
      %dma_wait3A_60 = tpu.memref_slice %arg6[%mul3A_0, %dma_wait3A] : memref<6528x128xf32, #tpu.memory_space<vmem_shared>> -> memref<408x128xf32, #tpu.memory_space<vmem_shared>>
      %dma_wait3A_61 = arith.constant 0 : i32
      %dma_wait3A_62 = tpu.memref_slice %arg4[%mul3A_0, %dma_wait3A_61] : memref<6528x128xf32, #tpu.memory_space<hbm>> -> memref<408x128xf32, #tpu.memory_space<hbm>>
      tpu.wait_dma2 semaphore(%run_scoped3A : memref<!tpu.dma_semaphore, #tpu.memory_space<semaphore_mem>>) src(%dma_wait3A_62 : memref<408x128xf32, #tpu.memory_space<hbm>>) dst(%dma_wait3A_60 : memref<408x128xf32, #tpu.memory_space<vmem_shared>>)
      tpu.yield
    }) : () -> ()
    %barrier3A = arith.constant 0 : index
    tpu.barrier barrier_id(%barrier3A)
    %scan3A = arith.constant 0 : i32
    %scan3A_4 = arith.constant 250 : i32
    %scan3A_5 = arith.addi %scan3A, %scan3A_4 : i32
    %scan3A_6 = arith.constant 1 : i32
    scf.for %scan3A_57 = %scan3A to %scan3A_5 step %scan3A_6  : i32 {
      %mul3A_58 = arith.constant 1 : i32
      %mul3A_59 = arith.muli %scan3A_57, %mul3A_58 : i32
      %add3A_60 = arith.constant 0 : i32
      %add3A_61 = arith.addi %add3A_60, %mul3A_59 : i32
      %mul3A_62 = arith.constant 50000 : i32
      %mul3A_63 = arith.muli %arg1, %mul3A_62 : i32
      %mul3A_64 = arith.constant 200 : i32
      %mul3A_65 = arith.muli %add3A_61, %mul3A_64 : i32
      %add3A_66 = arith.addi %mul3A_63, %mul3A_65 : i32
      %mul3A_67 = arith.constant 800000 : i32
      %mul3A_68 = arith.muli %add3A_3, %mul3A_67 : i32
      %add3A_69 = arith.addi %mul3A_68, %add3A_66 : i32
      "tpu.region"() ({
        %run_scoped3A = tpu.sem_alloc : memref<!tpu.dma_semaphore, #tpu.memory_space<semaphore_mem>>
        %dma_start3A = tpu.memref_slice %arg3[%add3A_69] : memref<6400000xi32, #tpu.memory_space<hbm>> -> memref<200xi32, #tpu.memory_space<hbm>>
        %dma_start3A_70 = tpu.memref_slice %arg3[%add3A_69] : memref<6400000xi32, #tpu.memory_space<hbm>> -> memref<200xi32, #tpu.memory_space<hbm>>
        tpu.enqueue_dma source(%dma_start3A_70 : memref<200xi32, #tpu.memory_space<hbm>>) target(%arg7 : memref<200xi32, #tpu.memory_space<vmem>>) target_semaphore(%run_scoped3A : memref<!tpu.dma_semaphore, #tpu.memory_space<semaphore_mem>>)
        %dma_wait3A = tpu.memref_slice %arg3[%add3A_69] : memref<6400000xi32, #tpu.memory_space<hbm>> -> memref<200xi32, #tpu.memory_space<hbm>>
        %dma_wait3A_71 = tpu.memref_slice %arg3[%add3A_69] : memref<6400000xi32, #tpu.memory_space<hbm>> -> memref<200xi32, #tpu.memory_space<hbm>>
        tpu.wait_dma2 semaphore(%run_scoped3A : memref<!tpu.dma_semaphore, #tpu.memory_space<semaphore_mem>>) src(%dma_wait3A_71 : memref<200xi32, #tpu.memory_space<hbm>>) dst(%arg7 : memref<200xi32, #tpu.memory_space<vmem>>)
        tpu.yield
      }) : () -> ()
      "tpu.region"() ({
        %run_scoped3A = tpu.sem_alloc : memref<!tpu.dma_semaphore, #tpu.memory_space<semaphore_mem>>
        %dma_start3A = arith.constant 0 : i32
        %dma_start3A_70 = tpu.memref_slice %arg2[%add3A_66, %dma_start3A] : memref<800000x128xf32, #tpu.memory_space<hbm>> -> memref<200x128xf32, #tpu.memory_space<hbm>>
        %dma_start3A_71 = arith.constant 0 : i32
        %dma_start3A_72 = tpu.memref_slice %arg2[%add3A_66, %dma_start3A_71] : memref<800000x128xf32, #tpu.memory_space<hbm>> -> memref<200x128xf32, #tpu.memory_space<hbm>>
        tpu.enqueue_dma source(%dma_start3A_72 : memref<200x128xf32, #tpu.memory_space<hbm>>) target(%arg8 : memref<200x128xf32, #tpu.memory_space<vmem>>) target_semaphore(%run_scoped3A : memref<!tpu.dma_semaphore, #tpu.memory_space<semaphore_mem>>)
        %dma_wait3A = arith.constant 0 : i32
        %dma_wait3A_73 = tpu.memref_slice %arg2[%add3A_66, %dma_wait3A] : memref<800000x128xf32, #tpu.memory_space<hbm>> -> memref<200x128xf32, #tpu.memory_space<hbm>>
        %dma_wait3A_74 = arith.constant 0 : i32
        %dma_wait3A_75 = tpu.memref_slice %arg2[%add3A_66, %dma_wait3A_74] : memref<800000x128xf32, #tpu.memory_space<hbm>> -> memref<200x128xf32, #tpu.memory_space<hbm>>
        tpu.wait_dma2 semaphore(%run_scoped3A : memref<!tpu.dma_semaphore, #tpu.memory_space<semaphore_mem>>) src(%dma_wait3A_75 : memref<200x128xf32, #tpu.memory_space<hbm>>) dst(%arg8 : memref<200x128xf32, #tpu.memory_space<vmem>>)
        tpu.yield
      }) : () -> ()
      "tpu.region"() ({
        %run_scoped3A = tpu.sem_alloc : memref<!tpu.dma_semaphore, #tpu.memory_space<semaphore_mem>>
        %dma_start3A = arith.constant 0 : i32
        %dma_start3A_70 = arith.constant 0 : i32
        %dma_start3A_71 = tpu.memref_slice %arg6[%dma_start3A, %dma_start3A_70] : memref<6528x128xf32, #tpu.memory_space<vmem_shared>> -> memref<6528x128xf32, #tpu.memory_space<vmem_shared>>
        tpu.enqueue_indirect_dma source(%arg8 : memref<200x128xf32, #tpu.memory_space<vmem>>) target(%dma_start3A_71 : memref<6528x128xf32, #tpu.memory_space<vmem_shared>>) offsets(%arg7 : memref<200xi32, #tpu.memory_space<vmem>>) semaphore(%run_scoped3A : memref<!tpu.dma_semaphore, #tpu.memory_space<semaphore_mem>>) {add = true}
        %dma_wait3A = arith.constant 0 : i32
        %dma_wait3A_72 = arith.constant 0 : i32
        %dma_wait3A_73 = tpu.memref_slice %arg6[%dma_wait3A, %dma_wait3A_72] : memref<6528x128xf32, #tpu.memory_space<vmem_shared>> -> memref<6528x128xf32, #tpu.memory_space<vmem_shared>>
        tpu.wait_indirect_dma semaphore(%run_scoped3A : memref<!tpu.dma_semaphore, #tpu.memory_space<semaphore_mem>>) src(%arg8 : memref<200x128xf32, #tpu.memory_space<vmem>>) dst(%dma_wait3A_73 : memref<6528x128xf32, #tpu.memory_space<vmem_shared>>)
        tpu.yield
      }) : () -> ()
    }
    %scan3A_7 = arith.constant 250 : i32
    %barrier3A_8 = arith.constant 0 : index
    tpu.barrier barrier_id(%barrier3A_8)
    %mul3A_9 = arith.constant 6528 : i32
    %mul3A_10 = arith.muli %add3A_3, %mul3A_9 : i32
    %add3A_11 = arith.addi %mul3A_10, %mul3A_0 : i32
    "tpu.region"() ({
      %run_scoped3A = tpu.sem_alloc : memref<!tpu.dma_semaphore, #tpu.memory_space<semaphore_mem>>
      %dma_start3A = arith.constant 0 : i32
      %dma_start3A_57 = tpu.memref_slice %arg5[%add3A_11, %dma_start3A] : memref<52224x128xf32, #tpu.memory_space<hbm>> -> memref<408x128xf32, #tpu.memory_space<hbm>>
      %dma_start3A_58 = arith.constant 0 : i32
      %dma_start3A_59 = tpu.memref_slice %arg6[%mul3A_0, %dma_start3A_58] : memref<6528x128xf32, #tpu.memory_space<vmem_shared>> -> memref<408x128xf32, #tpu.memory_space<vmem_shared>>
      tpu.enqueue_dma source(%dma_start3A_59 : memref<408x128xf32, #tpu.memory_space<vmem_shared>>) target(%dma_start3A_57 : memref<408x128xf32, #tpu.memory_space<hbm>>) target_semaphore(%run_scoped3A : memref<!tpu.dma_semaphore, #tpu.memory_space<semaphore_mem>>)
      %dma_wait3A = arith.constant 0 : i32
      %dma_wait3A_60 = tpu.memref_slice %arg5[%add3A_11, %dma_wait3A] : memref<52224x128xf32, #tpu.memory_space<hbm>> -> memref<408x128xf32, #tpu.memory_space<hbm>>
      %dma_wait3A_61 = arith.constant 0 : i32
      %dma_wait3A_62 = tpu.memref_slice %arg6[%mul3A_0, %dma_wait3A_61] : memref<6528x128xf32, #tpu.memory_space<vmem_shared>> -> memref<408x128xf32, #tpu.memory_space<vmem_shared>>
      tpu.wait_dma2 semaphore(%run_scoped3A : memref<!tpu.dma_semaphore, #tpu.memory_space<semaphore_mem>>) src(%dma_wait3A_62 : memref<408x128xf32, #tpu.memory_space<vmem_shared>>) dst(%dma_wait3A_60 : memref<408x128xf32, #tpu.memory_space<hbm>>)
      tpu.yield
    }) : () -> ()
    %barrier3A_12 = arith.constant 0 : index
    tpu.barrier barrier_id(%barrier3A_12)
    %mul3A_13 = arith.constant 4 : i32
    %mul3A_14 = arith.muli %arg0, %mul3A_13 : i32
    %add3A_15 = arith.constant 1 : i32
    %add3A_16 = arith.addi %mul3A_14, %add3A_15 : i32
    "tpu.region"() ({
      %run_scoped3A = tpu.sem_alloc : memref<!tpu.dma_semaphore, #tpu.memory_space<semaphore_mem>>
      %dma_start3A = arith.constant 0 : i32
      %dma_start3A_57 = tpu.memref_slice %arg6[%mul3A_0, %dma_start3A] : memref<6528x128xf32, #tpu.memory_space<vmem_shared>> -> memref<408x128xf32, #tpu.memory_space<vmem_shared>>
      %dma_start3A_58 = arith.constant 0 : i32
      %dma_start3A_59 = tpu.memref_slice %arg4[%mul3A_0, %dma_start3A_58] : memref<6528x128xf32, #tpu.memory_space<hbm>> -> memref<408x128xf32, #tpu.memory_space<hbm>>
      tpu.enqueue_dma source(%dma_start3A_59 : memref<408x128xf32, #tpu.memory_space<hbm>>) target(%dma_start3A_57 : memref<408x128xf32, #tpu.memory_space<vmem_shared>>) target_semaphore(%run_scoped3A : memref<!tpu.dma_semaphore, #tpu.memory_space<semaphore_mem>>)
      %dma_wait3A = arith.constant 0 : i32
      %dma_wait3A_60 = tpu.memref_slice %arg6[%mul3A_0, %dma_wait3A] : memref<6528x128xf32, #tpu.memory_space<vmem_shared>> -> memref<408x128xf32, #tpu.memory_space<vmem_shared>>
      %dma_wait3A_61 = arith.constant 0 : i32
      %dma_wait3A_62 = tpu.memref_slice %arg4[%mul3A_0, %dma_wait3A_61] : memref<6528x128xf32, #tpu.memory_space<hbm>> -> memref<408x128xf32, #tpu.memory_space<hbm>>
      tpu.wait_dma2 semaphore(%run_scoped3A : memref<!tpu.dma_semaphore, #tpu.memory_space<semaphore_mem>>) src(%dma_wait3A_62 : memref<408x128xf32, #tpu.memory_space<hbm>>) dst(%dma_wait3A_60 : memref<408x128xf32, #tpu.memory_space<vmem_shared>>)
      tpu.yield
    }) : () -> ()
    %barrier3A_17 = arith.constant 0 : index
    tpu.barrier barrier_id(%barrier3A_17)
    %scan3A_18 = arith.constant 0 : i32
    %scan3A_19 = arith.constant 250 : i32
    %scan3A_20 = arith.addi %scan3A_18, %scan3A_19 : i32
    %scan3A_21 = arith.constant 1 : i32
    scf.for %scan3A_57 = %scan3A_18 to %scan3A_20 step %scan3A_21  : i32 {
      %mul3A_58 = arith.constant 1 : i32
      %mul3A_59 = arith.muli %scan3A_57, %mul3A_58 : i32
      %add3A_60 = arith.constant 0 : i32
      %add3A_61 = arith.addi %add3A_60, %mul3A_59 : i32
      %mul3A_62 = arith.constant 50000 : i32
      %mul3A_63 = arith.muli %arg1, %mul3A_62 : i32
      %mul3A_64 = arith.constant 200 : i32
      %mul3A_65 = arith.muli %add3A_61, %mul3A_64 : i32
      %add3A_66 = arith.addi %mul3A_63, %mul3A_65 : i32
      %mul3A_67 = arith.constant 800000 : i32
      %mul3A_68 = arith.muli %add3A_16, %mul3A_67 : i32
      %add3A_69 = arith.addi %mul3A_68, %add3A_66 : i32
      "tpu.region"() ({
        %run_scoped3A = tpu.sem_alloc : memref<!tpu.dma_semaphore, #tpu.memory_space<semaphore_mem>>
        %dma_start3A = tpu.memref_slice %arg3[%add3A_69] : memref<6400000xi32, #tpu.memory_space<hbm>> -> memref<200xi32, #tpu.memory_space<hbm>>
        %dma_start3A_70 = tpu.memref_slice %arg3[%add3A_69] : memref<6400000xi32, #tpu.memory_space<hbm>> -> memref<200xi32, #tpu.memory_space<hbm>>
        tpu.enqueue_dma source(%dma_start3A_70 : memref<200xi32, #tpu.memory_space<hbm>>) target(%arg7 : memref<200xi32, #tpu.memory_space<vmem>>) target_semaphore(%run_scoped3A : memref<!tpu.dma_semaphore, #tpu.memory_space<semaphore_mem>>)
        %dma_wait3A = tpu.memref_slice %arg3[%add3A_69] : memref<6400000xi32, #tpu.memory_space<hbm>> -> memref<200xi32, #tpu.memory_space<hbm>>
        %dma_wait3A_71 = tpu.memref_slice %arg3[%add3A_69] : memref<6400000xi32, #tpu.memory_space<hbm>> -> memref<200xi32, #tpu.memory_space<hbm>>
        tpu.wait_dma2 semaphore(%run_scoped3A : memref<!tpu.dma_semaphore, #tpu.memory_space<semaphore_mem>>) src(%dma_wait3A_71 : memref<200xi32, #tpu.memory_space<hbm>>) dst(%arg7 : memref<200xi32, #tpu.memory_space<vmem>>)
        tpu.yield
      }) : () -> ()
      "tpu.region"() ({
        %run_scoped3A = tpu.sem_alloc : memref<!tpu.dma_semaphore, #tpu.memory_space<semaphore_mem>>
        %dma_start3A = arith.constant 0 : i32
        %dma_start3A_70 = tpu.memref_slice %arg2[%add3A_66, %dma_start3A] : memref<800000x128xf32, #tpu.memory_space<hbm>> -> memref<200x128xf32, #tpu.memory_space<hbm>>
        %dma_start3A_71 = arith.constant 0 : i32
        %dma_start3A_72 = tpu.memref_slice %arg2[%add3A_66, %dma_start3A_71] : memref<800000x128xf32, #tpu.memory_space<hbm>> -> memref<200x128xf32, #tpu.memory_space<hbm>>
        tpu.enqueue_dma source(%dma_start3A_72 : memref<200x128xf32, #tpu.memory_space<hbm>>) target(%arg8 : memref<200x128xf32, #tpu.memory_space<vmem>>) target_semaphore(%run_scoped3A : memref<!tpu.dma_semaphore, #tpu.memory_space<semaphore_mem>>)
        %dma_wait3A = arith.constant 0 : i32
        %dma_wait3A_73 = tpu.memref_slice %arg2[%add3A_66, %dma_wait3A] : memref<800000x128xf32, #tpu.memory_space<hbm>> -> memref<200x128xf32, #tpu.memory_space<hbm>>
        %dma_wait3A_74 = arith.constant 0 : i32
        %dma_wait3A_75 = tpu.memref_slice %arg2[%add3A_66, %dma_wait3A_74] : memref<800000x128xf32, #tpu.memory_space<hbm>> -> memref<200x128xf32, #tpu.memory_space<hbm>>
        tpu.wait_dma2 semaphore(%run_scoped3A : memref<!tpu.dma_semaphore, #tpu.memory_space<semaphore_mem>>) src(%dma_wait3A_75 : memref<200x128xf32, #tpu.memory_space<hbm>>) dst(%arg8 : memref<200x128xf32, #tpu.memory_space<vmem>>)
        tpu.yield
      }) : () -> ()
      "tpu.region"() ({
        %run_scoped3A = tpu.sem_alloc : memref<!tpu.dma_semaphore, #tpu.memory_space<semaphore_mem>>
        %dma_start3A = arith.constant 0 : i32
        %dma_start3A_70 = arith.constant 0 : i32
        %dma_start3A_71 = tpu.memref_slice %arg6[%dma_start3A, %dma_start3A_70] : memref<6528x128xf32, #tpu.memory_space<vmem_shared>> -> memref<6528x128xf32, #tpu.memory_space<vmem_shared>>
        tpu.enqueue_indirect_dma source(%arg8 : memref<200x128xf32, #tpu.memory_space<vmem>>) target(%dma_start3A_71 : memref<6528x128xf32, #tpu.memory_space<vmem_shared>>) offsets(%arg7 : memref<200xi32, #tpu.memory_space<vmem>>) semaphore(%run_scoped3A : memref<!tpu.dma_semaphore, #tpu.memory_space<semaphore_mem>>) {add = true}
        %dma_wait3A = arith.constant 0 : i32
        %dma_wait3A_72 = arith.constant 0 : i32
        %dma_wait3A_73 = tpu.memref_slice %arg6[%dma_wait3A, %dma_wait3A_72] : memref<6528x128xf32, #tpu.memory_space<vmem_shared>> -> memref<6528x128xf32, #tpu.memory_space<vmem_shared>>
        tpu.wait_indirect_dma semaphore(%run_scoped3A : memref<!tpu.dma_semaphore, #tpu.memory_space<semaphore_mem>>) src(%arg8 : memref<200x128xf32, #tpu.memory_space<vmem>>) dst(%dma_wait3A_73 : memref<6528x128xf32, #tpu.memory_space<vmem_shared>>)
        tpu.yield
      }) : () -> ()
    }
    %scan3A_22 = arith.constant 250 : i32
    %barrier3A_23 = arith.constant 0 : index
    tpu.barrier barrier_id(%barrier3A_23)
    %mul3A_24 = arith.constant 6528 : i32
    %mul3A_25 = arith.muli %add3A_16, %mul3A_24 : i32
    %add3A_26 = arith.addi %mul3A_25, %mul3A_0 : i32
    "tpu.region"() ({
      %run_scoped3A = tpu.sem_alloc : memref<!tpu.dma_semaphore, #tpu.memory_space<semaphore_mem>>
      %dma_start3A = arith.constant 0 : i32
      %dma_start3A_57 = tpu.memref_slice %arg5[%add3A_26, %dma_start3A] : memref<52224x128xf32, #tpu.memory_space<hbm>> -> memref<408x128xf32, #tpu.memory_space<hbm>>
      %dma_start3A_58 = arith.constant 0 : i32
      %dma_start3A_59 = tpu.memref_slice %arg6[%mul3A_0, %dma_start3A_58] : memref<6528x128xf32, #tpu.memory_space<vmem_shared>> -> memref<408x128xf32, #tpu.memory_space<vmem_shared>>
      tpu.enqueue_dma source(%dma_start3A_59 : memref<408x128xf32, #tpu.memory_space<vmem_shared>>) target(%dma_start3A_57 : memref<408x128xf32, #tpu.memory_space<hbm>>) target_semaphore(%run_scoped3A : memref<!tpu.dma_semaphore, #tpu.memory_space<semaphore_mem>>)
      %dma_wait3A = arith.constant 0 : i32
      %dma_wait3A_60 = tpu.memref_slice %arg5[%add3A_26, %dma_wait3A] : memref<52224x128xf32, #tpu.memory_space<hbm>> -> memref<408x128xf32, #tpu.memory_space<hbm>>
      %dma_wait3A_61 = arith.constant 0 : i32
      %dma_wait3A_62 = tpu.memref_slice %arg6[%mul3A_0, %dma_wait3A_61] : memref<6528x128xf32, #tpu.memory_space<vmem_shared>> -> memref<408x128xf32, #tpu.memory_space<vmem_shared>>
      tpu.wait_dma2 semaphore(%run_scoped3A : memref<!tpu.dma_semaphore, #tpu.memory_space<semaphore_mem>>) src(%dma_wait3A_62 : memref<408x128xf32, #tpu.memory_space<vmem_shared>>) dst(%dma_wait3A_60 : memref<408x128xf32, #tpu.memory_space<hbm>>)
      tpu.yield
    }) : () -> ()
    %barrier3A_27 = arith.constant 0 : index
    tpu.barrier barrier_id(%barrier3A_27)
    %mul3A_28 = arith.constant 4 : i32
    %mul3A_29 = arith.muli %arg0, %mul3A_28 : i32
    %add3A_30 = arith.constant 2 : i32
    %add3A_31 = arith.addi %mul3A_29, %add3A_30 : i32
    "tpu.region"() ({
      %run_scoped3A = tpu.sem_alloc : memref<!tpu.dma_semaphore, #tpu.memory_space<semaphore_mem>>
      %dma_start3A = arith.constant 0 : i32
      %dma_start3A_57 = tpu.memref_slice %arg6[%mul3A_0, %dma_start3A] : memref<6528x128xf32, #tpu.memory_space<vmem_shared>> -> memref<408x128xf32, #tpu.memory_space<vmem_shared>>
      %dma_start3A_58 = arith.constant 0 : i32
      %dma_start3A_59 = tpu.memref_slice %arg4[%mul3A_0, %dma_start3A_58] : memref<6528x128xf32, #tpu.memory_space<hbm>> -> memref<408x128xf32, #tpu.memory_space<hbm>>
      tpu.enqueue_dma source(%dma_start3A_59 : memref<408x128xf32, #tpu.memory_space<hbm>>) target(%dma_start3A_57 : memref<408x128xf32, #tpu.memory_space<vmem_shared>>) target_semaphore(%run_scoped3A : memref<!tpu.dma_semaphore, #tpu.memory_space<semaphore_mem>>)
      %dma_wait3A = arith.constant 0 : i32
      %dma_wait3A_60 = tpu.memref_slice %arg6[%mul3A_0, %dma_wait3A] : memref<6528x128xf32, #tpu.memory_space<vmem_shared>> -> memref<408x128xf32, #tpu.memory_space<vmem_shared>>
      %dma_wait3A_61 = arith.constant 0 : i32
      %dma_wait3A_62 = tpu.memref_slice %arg4[%mul3A_0, %dma_wait3A_61] : memref<6528x128xf32, #tpu.memory_space<hbm>> -> memref<408x128xf32, #tpu.memory_space<hbm>>
      tpu.wait_dma2 semaphore(%run_scoped3A : memref<!tpu.dma_semaphore, #tpu.memory_space<semaphore_mem>>) src(%dma_wait3A_62 : memref<408x128xf32, #tpu.memory_space<hbm>>) dst(%dma_wait3A_60 : memref<408x128xf32, #tpu.memory_space<vmem_shared>>)
      tpu.yield
    }) : () -> ()
    %barrier3A_32 = arith.constant 0 : index
    tpu.barrier barrier_id(%barrier3A_32)
    %scan3A_33 = arith.constant 0 : i32
    %scan3A_34 = arith.constant 250 : i32
    %scan3A_35 = arith.addi %scan3A_33, %scan3A_34 : i32
    %scan3A_36 = arith.constant 1 : i32
    scf.for %scan3A_57 = %scan3A_33 to %scan3A_35 step %scan3A_36  : i32 {
      %mul3A_58 = arith.constant 1 : i32
      %mul3A_59 = arith.muli %scan3A_57, %mul3A_58 : i32
      %add3A_60 = arith.constant 0 : i32
      %add3A_61 = arith.addi %add3A_60, %mul3A_59 : i32
      %mul3A_62 = arith.constant 50000 : i32
      %mul3A_63 = arith.muli %arg1, %mul3A_62 : i32
      %mul3A_64 = arith.constant 200 : i32
      %mul3A_65 = arith.muli %add3A_61, %mul3A_64 : i32
      %add3A_66 = arith.addi %mul3A_63, %mul3A_65 : i32
      %mul3A_67 = arith.constant 800000 : i32
      %mul3A_68 = arith.muli %add3A_31, %mul3A_67 : i32
      %add3A_69 = arith.addi %mul3A_68, %add3A_66 : i32
      "tpu.region"() ({
        %run_scoped3A = tpu.sem_alloc : memref<!tpu.dma_semaphore, #tpu.memory_space<semaphore_mem>>
        %dma_start3A = tpu.memref_slice %arg3[%add3A_69] : memref<6400000xi32, #tpu.memory_space<hbm>> -> memref<200xi32, #tpu.memory_space<hbm>>
        %dma_start3A_70 = tpu.memref_slice %arg3[%add3A_69] : memref<6400000xi32, #tpu.memory_space<hbm>> -> memref<200xi32, #tpu.memory_space<hbm>>
        tpu.enqueue_dma source(%dma_start3A_70 : memref<200xi32, #tpu.memory_space<hbm>>) target(%arg7 : memref<200xi32, #tpu.memory_space<vmem>>) target_semaphore(%run_scoped3A : memref<!tpu.dma_semaphore, #tpu.memory_space<semaphore_mem>>)
        %dma_wait3A = tpu.memref_slice %arg3[%add3A_69] : memref<6400000xi32, #tpu.memory_space<hbm>> -> memref<200xi32, #tpu.memory_space<hbm>>
        %dma_wait3A_71 = tpu.memref_slice %arg3[%add3A_69] : memref<6400000xi32, #tpu.memory_space<hbm>> -> memref<200xi32, #tpu.memory_space<hbm>>
        tpu.wait_dma2 semaphore(%run_scoped3A : memref<!tpu.dma_semaphore, #tpu.memory_space<semaphore_mem>>) src(%dma_wait3A_71 : memref<200xi32, #tpu.memory_space<hbm>>) dst(%arg7 : memref<200xi32, #tpu.memory_space<vmem>>)
        tpu.yield
      }) : () -> ()
      "tpu.region"() ({
        %run_scoped3A = tpu.sem_alloc : memref<!tpu.dma_semaphore, #tpu.memory_space<semaphore_mem>>
        %dma_start3A = arith.constant 0 : i32
        %dma_start3A_70 = tpu.memref_slice %arg2[%add3A_66, %dma_start3A] : memref<800000x128xf32, #tpu.memory_space<hbm>> -> memref<200x128xf32, #tpu.memory_space<hbm>>
        %dma_start3A_71 = arith.constant 0 : i32
        %dma_start3A_72 = tpu.memref_slice %arg2[%add3A_66, %dma_start3A_71] : memref<800000x128xf32, #tpu.memory_space<hbm>> -> memref<200x128xf32, #tpu.memory_space<hbm>>
        tpu.enqueue_dma source(%dma_start3A_72 : memref<200x128xf32, #tpu.memory_space<hbm>>) target(%arg8 : memref<200x128xf32, #tpu.memory_space<vmem>>) target_semaphore(%run_scoped3A : memref<!tpu.dma_semaphore, #tpu.memory_space<semaphore_mem>>)
        %dma_wait3A = arith.constant 0 : i32
        %dma_wait3A_73 = tpu.memref_slice %arg2[%add3A_66, %dma_wait3A] : memref<800000x128xf32, #tpu.memory_space<hbm>> -> memref<200x128xf32, #tpu.memory_space<hbm>>
        %dma_wait3A_74 = arith.constant 0 : i32
        %dma_wait3A_75 = tpu.memref_slice %arg2[%add3A_66, %dma_wait3A_74] : memref<800000x128xf32, #tpu.memory_space<hbm>> -> memref<200x128xf32, #tpu.memory_space<hbm>>
        tpu.wait_dma2 semaphore(%run_scoped3A : memref<!tpu.dma_semaphore, #tpu.memory_space<semaphore_mem>>) src(%dma_wait3A_75 : memref<200x128xf32, #tpu.memory_space<hbm>>) dst(%arg8 : memref<200x128xf32, #tpu.memory_space<vmem>>)
        tpu.yield
      }) : () -> ()
      "tpu.region"() ({
        %run_scoped3A = tpu.sem_alloc : memref<!tpu.dma_semaphore, #tpu.memory_space<semaphore_mem>>
        %dma_start3A = arith.constant 0 : i32
        %dma_start3A_70 = arith.constant 0 : i32
        %dma_start3A_71 = tpu.memref_slice %arg6[%dma_start3A, %dma_start3A_70] : memref<6528x128xf32, #tpu.memory_space<vmem_shared>> -> memref<6528x128xf32, #tpu.memory_space<vmem_shared>>
        tpu.enqueue_indirect_dma source(%arg8 : memref<200x128xf32, #tpu.memory_space<vmem>>) target(%dma_start3A_71 : memref<6528x128xf32, #tpu.memory_space<vmem_shared>>) offsets(%arg7 : memref<200xi32, #tpu.memory_space<vmem>>) semaphore(%run_scoped3A : memref<!tpu.dma_semaphore, #tpu.memory_space<semaphore_mem>>) {add = true}
        %dma_wait3A = arith.constant 0 : i32
        %dma_wait3A_72 = arith.constant 0 : i32
        %dma_wait3A_73 = tpu.memref_slice %arg6[%dma_wait3A, %dma_wait3A_72] : memref<6528x128xf32, #tpu.memory_space<vmem_shared>> -> memref<6528x128xf32, #tpu.memory_space<vmem_shared>>
        tpu.wait_indirect_dma semaphore(%run_scoped3A : memref<!tpu.dma_semaphore, #tpu.memory_space<semaphore_mem>>) src(%arg8 : memref<200x128xf32, #tpu.memory_space<vmem>>) dst(%dma_wait3A_73 : memref<6528x128xf32, #tpu.memory_space<vmem_shared>>)
        tpu.yield
      }) : () -> ()
    }
    %scan3A_37 = arith.constant 250 : i32
    %barrier3A_38 = arith.constant 0 : index
    tpu.barrier barrier_id(%barrier3A_38)
    %mul3A_39 = arith.constant 6528 : i32
    %mul3A_40 = arith.muli %add3A_31, %mul3A_39 : i32
    %add3A_41 = arith.addi %mul3A_40, %mul3A_0 : i32
    "tpu.region"() ({
      %run_scoped3A = tpu.sem_alloc : memref<!tpu.dma_semaphore, #tpu.memory_space<semaphore_mem>>
      %dma_start3A = arith.constant 0 : i32
      %dma_start3A_57 = tpu.memref_slice %arg5[%add3A_41, %dma_start3A] : memref<52224x128xf32, #tpu.memory_space<hbm>> -> memref<408x128xf32, #tpu.memory_space<hbm>>
      %dma_start3A_58 = arith.constant 0 : i32
      %dma_start3A_59 = tpu.memref_slice %arg6[%mul3A_0, %dma_start3A_58] : memref<6528x128xf32, #tpu.memory_space<vmem_shared>> -> memref<408x128xf32, #tpu.memory_space<vmem_shared>>
      tpu.enqueue_dma source(%dma_start3A_59 : memref<408x128xf32, #tpu.memory_space<vmem_shared>>) target(%dma_start3A_57 : memref<408x128xf32, #tpu.memory_space<hbm>>) target_semaphore(%run_scoped3A : memref<!tpu.dma_semaphore, #tpu.memory_space<semaphore_mem>>)
      %dma_wait3A = arith.constant 0 : i32
      %dma_wait3A_60 = tpu.memref_slice %arg5[%add3A_41, %dma_wait3A] : memref<52224x128xf32, #tpu.memory_space<hbm>> -> memref<408x128xf32, #tpu.memory_space<hbm>>
      %dma_wait3A_61 = arith.constant 0 : i32
      %dma_wait3A_62 = tpu.memref_slice %arg6[%mul3A_0, %dma_wait3A_61] : memref<6528x128xf32, #tpu.memory_space<vmem_shared>> -> memref<408x128xf32, #tpu.memory_space<vmem_shared>>
      tpu.wait_dma2 semaphore(%run_scoped3A : memref<!tpu.dma_semaphore, #tpu.memory_space<semaphore_mem>>) src(%dma_wait3A_62 : memref<408x128xf32, #tpu.memory_space<vmem_shared>>) dst(%dma_wait3A_60 : memref<408x128xf32, #tpu.memory_space<hbm>>)
      tpu.yield
    }) : () -> ()
    %barrier3A_42 = arith.constant 0 : index
    tpu.barrier barrier_id(%barrier3A_42)
    %mul3A_43 = arith.constant 4 : i32
    %mul3A_44 = arith.muli %arg0, %mul3A_43 : i32
    %add3A_45 = arith.constant 3 : i32
    %add3A_46 = arith.addi %mul3A_44, %add3A_45 : i32
    "tpu.region"() ({
      %run_scoped3A = tpu.sem_alloc : memref<!tpu.dma_semaphore, #tpu.memory_space<semaphore_mem>>
      %dma_start3A = arith.constant 0 : i32
      %dma_start3A_57 = tpu.memref_slice %arg6[%mul3A_0, %dma_start3A] : memref<6528x128xf32, #tpu.memory_space<vmem_shared>> -> memref<408x128xf32, #tpu.memory_space<vmem_shared>>
      %dma_start3A_58 = arith.constant 0 : i32
      %dma_start3A_59 = tpu.memref_slice %arg4[%mul3A_0, %dma_start3A_58] : memref<6528x128xf32, #tpu.memory_space<hbm>> -> memref<408x128xf32, #tpu.memory_space<hbm>>
      tpu.enqueue_dma source(%dma_start3A_59 : memref<408x128xf32, #tpu.memory_space<hbm>>) target(%dma_start3A_57 : memref<408x128xf32, #tpu.memory_space<vmem_shared>>) target_semaphore(%run_scoped3A : memref<!tpu.dma_semaphore, #tpu.memory_space<semaphore_mem>>)
      %dma_wait3A = arith.constant 0 : i32
      %dma_wait3A_60 = tpu.memref_slice %arg6[%mul3A_0, %dma_wait3A] : memref<6528x128xf32, #tpu.memory_space<vmem_shared>> -> memref<408x128xf32, #tpu.memory_space<vmem_shared>>
      %dma_wait3A_61 = arith.constant 0 : i32
      %dma_wait3A_62 = tpu.memref_slice %arg4[%mul3A_0, %dma_wait3A_61] : memref<6528x128xf32, #tpu.memory_space<hbm>> -> memref<408x128xf32, #tpu.memory_space<hbm>>
      tpu.wait_dma2 semaphore(%run_scoped3A : memref<!tpu.dma_semaphore, #tpu.memory_space<semaphore_mem>>) src(%dma_wait3A_62 : memref<408x128xf32, #tpu.memory_space<hbm>>) dst(%dma_wait3A_60 : memref<408x128xf32, #tpu.memory_space<vmem_shared>>)
      tpu.yield
    }) : () -> ()
    %barrier3A_47 = arith.constant 0 : index
    tpu.barrier barrier_id(%barrier3A_47)
    %scan3A_48 = arith.constant 0 : i32
    %scan3A_49 = arith.constant 250 : i32
    %scan3A_50 = arith.addi %scan3A_48, %scan3A_49 : i32
    %scan3A_51 = arith.constant 1 : i32
    scf.for %scan3A_57 = %scan3A_48 to %scan3A_50 step %scan3A_51  : i32 {
      %mul3A_58 = arith.constant 1 : i32
      %mul3A_59 = arith.muli %scan3A_57, %mul3A_58 : i32
      %add3A_60 = arith.constant 0 : i32
      %add3A_61 = arith.addi %add3A_60, %mul3A_59 : i32
      %mul3A_62 = arith.constant 50000 : i32
      %mul3A_63 = arith.muli %arg1, %mul3A_62 : i32
      %mul3A_64 = arith.constant 200 : i32
      %mul3A_65 = arith.muli %add3A_61, %mul3A_64 : i32
      %add3A_66 = arith.addi %mul3A_63, %mul3A_65 : i32
      %mul3A_67 = arith.constant 800000 : i32
      %mul3A_68 = arith.muli %add3A_46, %mul3A_67 : i32
      %add3A_69 = arith.addi %mul3A_68, %add3A_66 : i32
      "tpu.region"() ({
        %run_scoped3A = tpu.sem_alloc : memref<!tpu.dma_semaphore, #tpu.memory_space<semaphore_mem>>
        %dma_start3A = tpu.memref_slice %arg3[%add3A_69] : memref<6400000xi32, #tpu.memory_space<hbm>> -> memref<200xi32, #tpu.memory_space<hbm>>
        %dma_start3A_70 = tpu.memref_slice %arg3[%add3A_69] : memref<6400000xi32, #tpu.memory_space<hbm>> -> memref<200xi32, #tpu.memory_space<hbm>>
        tpu.enqueue_dma source(%dma_start3A_70 : memref<200xi32, #tpu.memory_space<hbm>>) target(%arg7 : memref<200xi32, #tpu.memory_space<vmem>>) target_semaphore(%run_scoped3A : memref<!tpu.dma_semaphore, #tpu.memory_space<semaphore_mem>>)
        %dma_wait3A = tpu.memref_slice %arg3[%add3A_69] : memref<6400000xi32, #tpu.memory_space<hbm>> -> memref<200xi32, #tpu.memory_space<hbm>>
        %dma_wait3A_71 = tpu.memref_slice %arg3[%add3A_69] : memref<6400000xi32, #tpu.memory_space<hbm>> -> memref<200xi32, #tpu.memory_space<hbm>>
        tpu.wait_dma2 semaphore(%run_scoped3A : memref<!tpu.dma_semaphore, #tpu.memory_space<semaphore_mem>>) src(%dma_wait3A_71 : memref<200xi32, #tpu.memory_space<hbm>>) dst(%arg7 : memref<200xi32, #tpu.memory_space<vmem>>)
        tpu.yield
      }) : () -> ()
      "tpu.region"() ({
        %run_scoped3A = tpu.sem_alloc : memref<!tpu.dma_semaphore, #tpu.memory_space<semaphore_mem>>
        %dma_start3A = arith.constant 0 : i32
        %dma_start3A_70 = tpu.memref_slice %arg2[%add3A_66, %dma_start3A] : memref<800000x128xf32, #tpu.memory_space<hbm>> -> memref<200x128xf32, #tpu.memory_space<hbm>>
        %dma_start3A_71 = arith.constant 0 : i32
        %dma_start3A_72 = tpu.memref_slice %arg2[%add3A_66, %dma_start3A_71] : memref<800000x128xf32, #tpu.memory_space<hbm>> -> memref<200x128xf32, #tpu.memory_space<hbm>>
        tpu.enqueue_dma source(%dma_start3A_72 : memref<200x128xf32, #tpu.memory_space<hbm>>) target(%arg8 : memref<200x128xf32, #tpu.memory_space<vmem>>) target_semaphore(%run_scoped3A : memref<!tpu.dma_semaphore, #tpu.memory_space<semaphore_mem>>)
        %dma_wait3A = arith.constant 0 : i32
        %dma_wait3A_73 = tpu.memref_slice %arg2[%add3A_66, %dma_wait3A] : memref<800000x128xf32, #tpu.memory_space<hbm>> -> memref<200x128xf32, #tpu.memory_space<hbm>>
        %dma_wait3A_74 = arith.constant 0 : i32
        %dma_wait3A_75 = tpu.memref_slice %arg2[%add3A_66, %dma_wait3A_74] : memref<800000x128xf32, #tpu.memory_space<hbm>> -> memref<200x128xf32, #tpu.memory_space<hbm>>
        tpu.wait_dma2 semaphore(%run_scoped3A : memref<!tpu.dma_semaphore, #tpu.memory_space<semaphore_mem>>) src(%dma_wait3A_75 : memref<200x128xf32, #tpu.memory_space<hbm>>) dst(%arg8 : memref<200x128xf32, #tpu.memory_space<vmem>>)
        tpu.yield
      }) : () -> ()
      "tpu.region"() ({
        %run_scoped3A = tpu.sem_alloc : memref<!tpu.dma_semaphore, #tpu.memory_space<semaphore_mem>>
        %dma_start3A = arith.constant 0 : i32
        %dma_start3A_70 = arith.constant 0 : i32
        %dma_start3A_71 = tpu.memref_slice %arg6[%dma_start3A, %dma_start3A_70] : memref<6528x128xf32, #tpu.memory_space<vmem_shared>> -> memref<6528x128xf32, #tpu.memory_space<vmem_shared>>
        tpu.enqueue_indirect_dma source(%arg8 : memref<200x128xf32, #tpu.memory_space<vmem>>) target(%dma_start3A_71 : memref<6528x128xf32, #tpu.memory_space<vmem_shared>>) offsets(%arg7 : memref<200xi32, #tpu.memory_space<vmem>>) semaphore(%run_scoped3A : memref<!tpu.dma_semaphore, #tpu.memory_space<semaphore_mem>>) {add = true}
        %dma_wait3A = arith.constant 0 : i32
        %dma_wait3A_72 = arith.constant 0 : i32
        %dma_wait3A_73 = tpu.memref_slice %arg6[%dma_wait3A, %dma_wait3A_72] : memref<6528x128xf32, #tpu.memory_space<vmem_shared>> -> memref<6528x128xf32, #tpu.memory_space<vmem_shared>>
        tpu.wait_indirect_dma semaphore(%run_scoped3A : memref<!tpu.dma_semaphore, #tpu.memory_space<semaphore_mem>>) src(%arg8 : memref<200x128xf32, #tpu.memory_space<vmem>>) dst(%dma_wait3A_73 : memref<6528x128xf32, #tpu.memory_space<vmem_shared>>)
        tpu.yield
      }) : () -> ()
    }
    %scan3A_52 = arith.constant 250 : i32
    %barrier3A_53 = arith.constant 0 : index
    tpu.barrier barrier_id(%barrier3A_53)
    %mul3A_54 = arith.constant 6528 : i32
    %mul3A_55 = arith.muli %add3A_46, %mul3A_54 : i32
    %add3A_56 = arith.addi %mul3A_55, %mul3A_0 : i32
    "tpu.region"() ({
      %run_scoped3A = tpu.sem_alloc : memref<!tpu.dma_semaphore, #tpu.memory_space<semaphore_mem>>
      %dma_start3A = arith.constant 0 : i32
      %dma_start3A_57 = tpu.memref_slice %arg5[%add3A_56, %dma_start3A] : memref<52224x128xf32, #tpu.memory_space<hbm>> -> memref<408x128xf32, #tpu.memory_space<hbm>>
      %dma_start3A_58 = arith.constant 0 : i32
      %dma_start3A_59 = tpu.memref_slice %arg6[%mul3A_0, %dma_start3A_58] : memref<6528x128xf32, #tpu.memory_space<vmem_shared>> -> memref<408x128xf32, #tpu.memory_space<vmem_shared>>
      tpu.enqueue_dma source(%dma_start3A_59 : memref<408x128xf32, #tpu.memory_space<vmem_shared>>) target(%dma_start3A_57 : memref<408x128xf32, #tpu.memory_space<hbm>>) target_semaphore(%run_scoped3A : memref<!tpu.dma_semaphore, #tpu.memory_space<semaphore_mem>>)
      %dma_wait3A = arith.constant 0 : i32
      %dma_wait3A_60 = tpu.memref_slice %arg5[%add3A_56, %dma_wait3A] : memref<52224x128xf32, #tpu.memory_space<hbm>> -> memref<408x128xf32, #tpu.memory_space<hbm>>
      %dma_wait3A_61 = arith.constant 0 : i32
      %dma_wait3A_62 = tpu.memref_slice %arg6[%mul3A_0, %dma_wait3A_61] : memref<6528x128xf32, #tpu.memory_space<vmem_shared>> -> memref<408x128xf32, #tpu.memory_space<vmem_shared>>
      tpu.wait_dma2 semaphore(%run_scoped3A : memref<!tpu.dma_semaphore, #tpu.memory_space<semaphore_mem>>) src(%dma_wait3A_62 : memref<408x128xf32, #tpu.memory_space<vmem_shared>>) dst(%dma_wait3A_60 : memref<408x128xf32, #tpu.memory_space<hbm>>)
      tpu.yield
    }) : () -> ()
    return
  }
}

#map = affine_map<(d0, d1) -> (0, 0)>
#map1 = affine_map<(d0, d1) -> (0)>
module attributes {stable_mosaic.version = 14 : i64} {
  func.func @k(%arg0: i32, %arg1: i32, %arg2: memref<51200x128xf32, #tpu.memory_space<hbm>>, %arg3: memref<800000xi32, #tpu.memory_space<hbm>>, %arg4: memref<800000x128xf32, #tpu.memory_space<hbm>>, %arg5: memref<200xi32, #tpu.memory_space<vmem>>, %arg6: memref<200x128xf32, #tpu.memory_space<vmem>>, %arg7: memref<!tpu.dma_semaphore, #tpu.memory_space<semaphore_mem>>) attributes {dimension_semantics = [#tpu.dimension_semantics<core_parallel>, #tpu.dimension_semantics<subcore_parallel>], iteration_bounds = array<i64: 2, 16>, scalar_prefetch = 0 : i64, scratch_operands = 3 : i64, tpu.core_type = #tpu.core_type<sc_vector_subcore>, window_params = [{transform_indices = #map}, {transform_indices = #map1}, {transform_indices = #map}]} {
    %mul3A = arith.constant 2 : i32
    %mul3A_0 = arith.muli %arg1, %mul3A : i32
    %add3A = arith.addi %mul3A_0, %arg0 : i32
    %mul3A_1 = arith.constant 25000 : i32
    %mul3A_2 = arith.muli %add3A, %mul3A_1 : i32
    %scan3A = arith.constant 0 : i32
    %scan3A_3 = arith.constant 125 : i32
    %scan3A_4 = arith.addi %scan3A, %scan3A_3 : i32
    %scan3A_5 = arith.constant 1 : i32
    scf.for %scan3A_7 = %scan3A to %scan3A_4 step %scan3A_5  : i32 {
      %mul3A_8 = arith.constant 1 : i32
      %mul3A_9 = arith.muli %scan3A_7, %mul3A_8 : i32
      %add3A_10 = arith.constant 0 : i32
      %add3A_11 = arith.addi %add3A_10, %mul3A_9 : i32
      %mul3A_12 = arith.constant 200 : i32
      %mul3A_13 = arith.muli %add3A_11, %mul3A_12 : i32
      %add3A_14 = arith.addi %mul3A_2, %mul3A_13 : i32
      "tpu.region"() ({
        %run_scoped3A = tpu.sem_alloc : memref<!tpu.dma_semaphore, #tpu.memory_space<semaphore_mem>>
        %dma_start3A_19 = tpu.memref_slice %arg3[%add3A_14] : memref<800000xi32, #tpu.memory_space<hbm>> -> memref<200xi32, #tpu.memory_space<hbm>>
        %dma_start3A_20 = tpu.memref_slice %arg3[%add3A_14] : memref<800000xi32, #tpu.memory_space<hbm>> -> memref<200xi32, #tpu.memory_space<hbm>>
        tpu.enqueue_dma source(%dma_start3A_20 : memref<200xi32, #tpu.memory_space<hbm>>) target(%arg5 : memref<200xi32, #tpu.memory_space<vmem>>) target_semaphore(%run_scoped3A : memref<!tpu.dma_semaphore, #tpu.memory_space<semaphore_mem>>)
        %dma_wait3A_21 = tpu.memref_slice %arg3[%add3A_14] : memref<800000xi32, #tpu.memory_space<hbm>> -> memref<200xi32, #tpu.memory_space<hbm>>
        %dma_wait3A_22 = tpu.memref_slice %arg3[%add3A_14] : memref<800000xi32, #tpu.memory_space<hbm>> -> memref<200xi32, #tpu.memory_space<hbm>>
        tpu.wait_dma2 semaphore(%run_scoped3A : memref<!tpu.dma_semaphore, #tpu.memory_space<semaphore_mem>>) src(%dma_wait3A_22 : memref<200xi32, #tpu.memory_space<hbm>>) dst(%arg5 : memref<200xi32, #tpu.memory_space<vmem>>)
        tpu.yield
      }) : () -> ()
      %dma_start3A = arith.constant 0 : i32
      %dma_start3A_15 = arith.constant 0 : i32
      %dma_start3A_16 = tpu.memref_slice %arg2[%dma_start3A, %dma_start3A_15] : memref<51200x128xf32, #tpu.memory_space<hbm>> -> memref<51200x128xf32, #tpu.memory_space<hbm>>
      tpu.enqueue_indirect_dma source(%dma_start3A_16 : memref<51200x128xf32, #tpu.memory_space<hbm>>) target(%arg6 : memref<200x128xf32, #tpu.memory_space<vmem>>) offsets(%arg5 : memref<200xi32, #tpu.memory_space<vmem>>) semaphore(%arg7 : memref<!tpu.dma_semaphore, #tpu.memory_space<semaphore_mem>>)
      %dma_wait3A = arith.constant 0 : i32
      %dma_wait3A_17 = arith.constant 0 : i32
      %dma_wait3A_18 = tpu.memref_slice %arg2[%dma_wait3A, %dma_wait3A_17] : memref<51200x128xf32, #tpu.memory_space<hbm>> -> memref<51200x128xf32, #tpu.memory_space<hbm>>
      tpu.wait_indirect_dma semaphore(%arg7 : memref<!tpu.dma_semaphore, #tpu.memory_space<semaphore_mem>>) src(%dma_wait3A_18 : memref<51200x128xf32, #tpu.memory_space<hbm>>) dst(%arg6 : memref<200x128xf32, #tpu.memory_space<vmem>>)
      "tpu.region"() ({
        %run_scoped3A = tpu.sem_alloc : memref<!tpu.dma_semaphore, #tpu.memory_space<semaphore_mem>>
        %dma_start3A_19 = arith.constant 0 : i32
        %dma_start3A_20 = tpu.memref_slice %arg4[%add3A_14, %dma_start3A_19] : memref<800000x128xf32, #tpu.memory_space<hbm>> -> memref<200x128xf32, #tpu.memory_space<hbm>>
        %dma_start3A_21 = arith.constant 0 : i32
        %dma_start3A_22 = tpu.memref_slice %arg4[%add3A_14, %dma_start3A_21] : memref<800000x128xf32, #tpu.memory_space<hbm>> -> memref<200x128xf32, #tpu.memory_space<hbm>>
        tpu.enqueue_dma source(%arg6 : memref<200x128xf32, #tpu.memory_space<vmem>>) target(%dma_start3A_22 : memref<200x128xf32, #tpu.memory_space<hbm>>) target_semaphore(%run_scoped3A : memref<!tpu.dma_semaphore, #tpu.memory_space<semaphore_mem>>)
        %dma_wait3A_23 = arith.constant 0 : i32
        %dma_wait3A_24 = tpu.memref_slice %arg4[%add3A_14, %dma_wait3A_23] : memref<800000x128xf32, #tpu.memory_space<hbm>> -> memref<200x128xf32, #tpu.memory_space<hbm>>
        %dma_wait3A_25 = arith.constant 0 : i32
        %dma_wait3A_26 = tpu.memref_slice %arg4[%add3A_14, %dma_wait3A_25] : memref<800000x128xf32, #tpu.memory_space<hbm>> -> memref<200x128xf32, #tpu.memory_space<hbm>>
        tpu.wait_dma2 semaphore(%run_scoped3A : memref<!tpu.dma_semaphore, #tpu.memory_space<semaphore_mem>>) src(%arg6 : memref<200x128xf32, #tpu.memory_space<vmem>>) dst(%dma_wait3A_26 : memref<200x128xf32, #tpu.memory_space<hbm>>)
        tpu.yield
      }) : () -> ()
    }
    %scan3A_6 = arith.constant 125 : i32
    return
  }
}

#map = affine_map<(d0, d1) -> (0, 0)>
#map1 = affine_map<(d0, d1) -> (0)>
module attributes {stable_mosaic.version = 14 : i64} {
  func.func @k(%arg0: i32, %arg1: i32, %arg2: memref<51200x128xf32, #tpu.memory_space<hbm>>, %arg3: memref<800000xi32, #tpu.memory_space<hbm>>, %arg4: memref<800000x128xf32, #tpu.memory_space<hbm>>, %arg5: memref<200xi32, #tpu.memory_space<vmem>>, %arg6: memref<200x128xf32, #tpu.memory_space<vmem>>, %arg7: memref<!tpu.dma_semaphore, #tpu.memory_space<semaphore_mem>>) attributes {dimension_semantics = [#tpu.dimension_semantics<core_parallel>, #tpu.dimension_semantics<subcore_parallel>], iteration_bounds = array<i64: 2, 16>, scalar_prefetch = 0 : i64, scratch_operands = 3 : i64, tpu.core_type = #tpu.core_type<sc_vector_subcore>, window_params = [{transform_indices = #map}, {transform_indices = #map1}, {transform_indices = #map}]} {
    %mul3A = arith.constant 2 : i32
    %mul3A_0 = arith.muli %arg1, %mul3A : i32
    %add3A = arith.addi %mul3A_0, %arg0 : i32
    %mul3A_1 = arith.constant 25000 : i32
    %mul3A_2 = arith.muli %add3A, %mul3A_1 : i32
    %scan3A = arith.constant 0 : i32
    %scan3A_3 = arith.constant 125 : i32
    %scan3A_4 = arith.addi %scan3A, %scan3A_3 : i32
    %scan3A_5 = arith.constant 1 : i32
    scf.for %scan3A_7 = %scan3A to %scan3A_4 step %scan3A_5  : i32 {
      %mul3A_8 = arith.constant 1 : i32
      %mul3A_9 = arith.muli %scan3A_7, %mul3A_8 : i32
      %add3A_10 = arith.constant 0 : i32
      %add3A_11 = arith.addi %add3A_10, %mul3A_9 : i32
      %mul3A_12 = arith.constant 200 : i32
      %mul3A_13 = arith.muli %add3A_11, %mul3A_12 : i32
      %add3A_14 = arith.addi %mul3A_2, %mul3A_13 : i32
      "tpu.region"() ({
        %run_scoped3A = tpu.sem_alloc : memref<!tpu.dma_semaphore, #tpu.memory_space<semaphore_mem>>
        %dma_start3A_19 = tpu.memref_slice %arg3[%add3A_14] : memref<800000xi32, #tpu.memory_space<hbm>> -> memref<200xi32, #tpu.memory_space<hbm>>
        %dma_start3A_20 = tpu.memref_slice %arg3[%add3A_14] : memref<800000xi32, #tpu.memory_space<hbm>> -> memref<200xi32, #tpu.memory_space<hbm>>
        tpu.enqueue_dma source(%dma_start3A_20 : memref<200xi32, #tpu.memory_space<hbm>>) target(%arg5 : memref<200xi32, #tpu.memory_space<vmem>>) target_semaphore(%run_scoped3A : memref<!tpu.dma_semaphore, #tpu.memory_space<semaphore_mem>>)
        %dma_wait3A_21 = tpu.memref_slice %arg3[%add3A_14] : memref<800000xi32, #tpu.memory_space<hbm>> -> memref<200xi32, #tpu.memory_space<hbm>>
        %dma_wait3A_22 = tpu.memref_slice %arg3[%add3A_14] : memref<800000xi32, #tpu.memory_space<hbm>> -> memref<200xi32, #tpu.memory_space<hbm>>
        tpu.wait_dma2 semaphore(%run_scoped3A : memref<!tpu.dma_semaphore, #tpu.memory_space<semaphore_mem>>) src(%dma_wait3A_22 : memref<200xi32, #tpu.memory_space<hbm>>) dst(%arg5 : memref<200xi32, #tpu.memory_space<vmem>>)
        tpu.yield
      }) : () -> ()
      %dma_start3A = arith.constant 0 : i32
      %dma_start3A_15 = arith.constant 0 : i32
      %dma_start3A_16 = tpu.memref_slice %arg2[%dma_start3A, %dma_start3A_15] : memref<51200x128xf32, #tpu.memory_space<hbm>> -> memref<51200x128xf32, #tpu.memory_space<hbm>>
      tpu.enqueue_indirect_dma source(%dma_start3A_16 : memref<51200x128xf32, #tpu.memory_space<hbm>>) target(%arg6 : memref<200x128xf32, #tpu.memory_space<vmem>>) offsets(%arg5 : memref<200xi32, #tpu.memory_space<vmem>>) semaphore(%arg7 : memref<!tpu.dma_semaphore, #tpu.memory_space<semaphore_mem>>)
      %dma_wait3A = arith.constant 0 : i32
      %dma_wait3A_17 = arith.constant 0 : i32
      %dma_wait3A_18 = tpu.memref_slice %arg2[%dma_wait3A, %dma_wait3A_17] : memref<51200x128xf32, #tpu.memory_space<hbm>> -> memref<51200x128xf32, #tpu.memory_space<hbm>>
      tpu.wait_indirect_dma semaphore(%arg7 : memref<!tpu.dma_semaphore, #tpu.memory_space<semaphore_mem>>) src(%dma_wait3A_18 : memref<51200x128xf32, #tpu.memory_space<hbm>>) dst(%arg6 : memref<200x128xf32, #tpu.memory_space<vmem>>)
      "tpu.region"() ({
        %run_scoped3A = tpu.sem_alloc : memref<!tpu.dma_semaphore, #tpu.memory_space<semaphore_mem>>
        %dma_start3A_19 = arith.constant 0 : i32
        %dma_start3A_20 = tpu.memref_slice %arg4[%add3A_14, %dma_start3A_19] : memref<800000x128xf32, #tpu.memory_space<hbm>> -> memref<200x128xf32, #tpu.memory_space<hbm>>
        %dma_start3A_21 = arith.constant 0 : i32
        %dma_start3A_22 = tpu.memref_slice %arg4[%add3A_14, %dma_start3A_21] : memref<800000x128xf32, #tpu.memory_space<hbm>> -> memref<200x128xf32, #tpu.memory_space<hbm>>
        tpu.enqueue_dma source(%arg6 : memref<200x128xf32, #tpu.memory_space<vmem>>) target(%dma_start3A_22 : memref<200x128xf32, #tpu.memory_space<hbm>>) target_semaphore(%run_scoped3A : memref<!tpu.dma_semaphore, #tpu.memory_space<semaphore_mem>>)
        %dma_wait3A_23 = arith.constant 0 : i32
        %dma_wait3A_24 = tpu.memref_slice %arg4[%add3A_14, %dma_wait3A_23] : memref<800000x128xf32, #tpu.memory_space<hbm>> -> memref<200x128xf32, #tpu.memory_space<hbm>>
        %dma_wait3A_25 = arith.constant 0 : i32
        %dma_wait3A_26 = tpu.memref_slice %arg4[%add3A_14, %dma_wait3A_25] : memref<800000x128xf32, #tpu.memory_space<hbm>> -> memref<200x128xf32, #tpu.memory_space<hbm>>
        tpu.wait_dma2 semaphore(%run_scoped3A : memref<!tpu.dma_semaphore, #tpu.memory_space<semaphore_mem>>) src(%arg6 : memref<200x128xf32, #tpu.memory_space<vmem>>) dst(%dma_wait3A_26 : memref<200x128xf32, #tpu.memory_space<hbm>>)
        tpu.yield
      }) : () -> ()
    }
    %scan3A_6 = arith.constant 125 : i32
    return
  }
}

#map = affine_map<(d0, d1) -> (0, 0)>
#map1 = affine_map<(d0, d1) -> (0)>
module attributes {stable_mosaic.version = 14 : i64} {
  func.func @k(%arg0: i32, %arg1: i32, %arg2: memref<800000x128xf32, #tpu.memory_space<hbm>>, %arg3: memref<6400000xi32, #tpu.memory_space<hbm>>, %arg4: memref<6528x128xf32, #tpu.memory_space<hbm>>, %arg5: memref<52224x128xf32, #tpu.memory_space<hbm>>, %arg6: memref<6528x128xf32, #tpu.memory_space<vmem_shared>>, %arg7: memref<200xi32, #tpu.memory_space<vmem>>, %arg8: memref<200x128xf32, #tpu.memory_space<vmem>>) attributes {dimension_semantics = [#tpu.dimension_semantics<core_parallel>, #tpu.dimension_semantics<subcore_parallel>], iteration_bounds = array<i64: 2, 16>, scalar_prefetch = 0 : i64, scratch_operands = 3 : i64, tpu.core_type = #tpu.core_type<sc_vector_subcore>, window_params = [{transform_indices = #map}, {transform_indices = #map1}, {transform_indices = #map}, {transform_indices = #map}]} {
    %mul3A = arith.constant 408 : i32
    %mul3A_0 = arith.muli %arg1, %mul3A : i32
    %mul3A_1 = arith.constant 4 : i32
    %mul3A_2 = arith.muli %arg0, %mul3A_1 : i32
    %add3A = arith.constant 0 : i32
    %add3A_3 = arith.addi %mul3A_2, %add3A : i32
    "tpu.region"() ({
      %run_scoped3A = tpu.sem_alloc : memref<!tpu.dma_semaphore, #tpu.memory_space<semaphore_mem>>
      %dma_start3A = arith.constant 0 : i32
      %dma_start3A_57 = tpu.memref_slice %arg6[%mul3A_0, %dma_start3A] : memref<6528x128xf32, #tpu.memory_space<vmem_shared>> -> memref<408x128xf32, #tpu.memory_space<vmem_shared>>
      %dma_start3A_58 = arith.constant 0 : i32
      %dma_start3A_59 = tpu.memref_slice %arg4[%mul3A_0, %dma_start3A_58] : memref<6528x128xf32, #tpu.memory_space<hbm>> -> memref<408x128xf32, #tpu.memory_space<hbm>>
      tpu.enqueue_dma source(%dma_start3A_59 : memref<408x128xf32, #tpu.memory_space<hbm>>) target(%dma_start3A_57 : memref<408x128xf32, #tpu.memory_space<vmem_shared>>) target_semaphore(%run_scoped3A : memref<!tpu.dma_semaphore, #tpu.memory_space<semaphore_mem>>)
      %dma_wait3A = arith.constant 0 : i32
      %dma_wait3A_60 = tpu.memref_slice %arg6[%mul3A_0, %dma_wait3A] : memref<6528x128xf32, #tpu.memory_space<vmem_shared>> -> memref<408x128xf32, #tpu.memory_space<vmem_shared>>
      %dma_wait3A_61 = arith.constant 0 : i32
      %dma_wait3A_62 = tpu.memref_slice %arg4[%mul3A_0, %dma_wait3A_61] : memref<6528x128xf32, #tpu.memory_space<hbm>> -> memref<408x128xf32, #tpu.memory_space<hbm>>
      tpu.wait_dma2 semaphore(%run_scoped3A : memref<!tpu.dma_semaphore, #tpu.memory_space<semaphore_mem>>) src(%dma_wait3A_62 : memref<408x128xf32, #tpu.memory_space<hbm>>) dst(%dma_wait3A_60 : memref<408x128xf32, #tpu.memory_space<vmem_shared>>)
      tpu.yield
    }) : () -> ()
    %barrier3A = arith.constant 0 : index
    tpu.barrier barrier_id(%barrier3A)
    %scan3A = arith.constant 0 : i32
    %scan3A_4 = arith.constant 250 : i32
    %scan3A_5 = arith.addi %scan3A, %scan3A_4 : i32
    %scan3A_6 = arith.constant 1 : i32
    scf.for %scan3A_57 = %scan3A to %scan3A_5 step %scan3A_6  : i32 {
      %mul3A_58 = arith.constant 1 : i32
      %mul3A_59 = arith.muli %scan3A_57, %mul3A_58 : i32
      %add3A_60 = arith.constant 0 : i32
      %add3A_61 = arith.addi %add3A_60, %mul3A_59 : i32
      %mul3A_62 = arith.constant 50000 : i32
      %mul3A_63 = arith.muli %arg1, %mul3A_62 : i32
      %mul3A_64 = arith.constant 200 : i32
      %mul3A_65 = arith.muli %add3A_61, %mul3A_64 : i32
      %add3A_66 = arith.addi %mul3A_63, %mul3A_65 : i32
      %mul3A_67 = arith.constant 800000 : i32
      %mul3A_68 = arith.muli %add3A_3, %mul3A_67 : i32
      %add3A_69 = arith.addi %mul3A_68, %add3A_66 : i32
      "tpu.region"() ({
        %run_scoped3A = tpu.sem_alloc : memref<!tpu.dma_semaphore, #tpu.memory_space<semaphore_mem>>
        %dma_start3A = tpu.memref_slice %arg3[%add3A_69] : memref<6400000xi32, #tpu.memory_space<hbm>> -> memref<200xi32, #tpu.memory_space<hbm>>
        %dma_start3A_70 = tpu.memref_slice %arg3[%add3A_69] : memref<6400000xi32, #tpu.memory_space<hbm>> -> memref<200xi32, #tpu.memory_space<hbm>>
        tpu.enqueue_dma source(%dma_start3A_70 : memref<200xi32, #tpu.memory_space<hbm>>) target(%arg7 : memref<200xi32, #tpu.memory_space<vmem>>) target_semaphore(%run_scoped3A : memref<!tpu.dma_semaphore, #tpu.memory_space<semaphore_mem>>)
        %dma_wait3A = tpu.memref_slice %arg3[%add3A_69] : memref<6400000xi32, #tpu.memory_space<hbm>> -> memref<200xi32, #tpu.memory_space<hbm>>
        %dma_wait3A_71 = tpu.memref_slice %arg3[%add3A_69] : memref<6400000xi32, #tpu.memory_space<hbm>> -> memref<200xi32, #tpu.memory_space<hbm>>
        tpu.wait_dma2 semaphore(%run_scoped3A : memref<!tpu.dma_semaphore, #tpu.memory_space<semaphore_mem>>) src(%dma_wait3A_71 : memref<200xi32, #tpu.memory_space<hbm>>) dst(%arg7 : memref<200xi32, #tpu.memory_space<vmem>>)
        tpu.yield
      }) : () -> ()
      "tpu.region"() ({
        %run_scoped3A = tpu.sem_alloc : memref<!tpu.dma_semaphore, #tpu.memory_space<semaphore_mem>>
        %dma_start3A = arith.constant 0 : i32
        %dma_start3A_70 = tpu.memref_slice %arg2[%add3A_66, %dma_start3A] : memref<800000x128xf32, #tpu.memory_space<hbm>> -> memref<200x128xf32, #tpu.memory_space<hbm>>
        %dma_start3A_71 = arith.constant 0 : i32
        %dma_start3A_72 = tpu.memref_slice %arg2[%add3A_66, %dma_start3A_71] : memref<800000x128xf32, #tpu.memory_space<hbm>> -> memref<200x128xf32, #tpu.memory_space<hbm>>
        tpu.enqueue_dma source(%dma_start3A_72 : memref<200x128xf32, #tpu.memory_space<hbm>>) target(%arg8 : memref<200x128xf32, #tpu.memory_space<vmem>>) target_semaphore(%run_scoped3A : memref<!tpu.dma_semaphore, #tpu.memory_space<semaphore_mem>>)
        %dma_wait3A = arith.constant 0 : i32
        %dma_wait3A_73 = tpu.memref_slice %arg2[%add3A_66, %dma_wait3A] : memref<800000x128xf32, #tpu.memory_space<hbm>> -> memref<200x128xf32, #tpu.memory_space<hbm>>
        %dma_wait3A_74 = arith.constant 0 : i32
        %dma_wait3A_75 = tpu.memref_slice %arg2[%add3A_66, %dma_wait3A_74] : memref<800000x128xf32, #tpu.memory_space<hbm>> -> memref<200x128xf32, #tpu.memory_space<hbm>>
        tpu.wait_dma2 semaphore(%run_scoped3A : memref<!tpu.dma_semaphore, #tpu.memory_space<semaphore_mem>>) src(%dma_wait3A_75 : memref<200x128xf32, #tpu.memory_space<hbm>>) dst(%arg8 : memref<200x128xf32, #tpu.memory_space<vmem>>)
        tpu.yield
      }) : () -> ()
      "tpu.region"() ({
        %run_scoped3A = tpu.sem_alloc : memref<!tpu.dma_semaphore, #tpu.memory_space<semaphore_mem>>
        %dma_start3A = arith.constant 0 : i32
        %dma_start3A_70 = arith.constant 0 : i32
        %dma_start3A_71 = tpu.memref_slice %arg6[%dma_start3A, %dma_start3A_70] : memref<6528x128xf32, #tpu.memory_space<vmem_shared>> -> memref<6528x128xf32, #tpu.memory_space<vmem_shared>>
        tpu.enqueue_indirect_dma source(%arg8 : memref<200x128xf32, #tpu.memory_space<vmem>>) target(%dma_start3A_71 : memref<6528x128xf32, #tpu.memory_space<vmem_shared>>) offsets(%arg7 : memref<200xi32, #tpu.memory_space<vmem>>) semaphore(%run_scoped3A : memref<!tpu.dma_semaphore, #tpu.memory_space<semaphore_mem>>) {add = true}
        %dma_wait3A = arith.constant 0 : i32
        %dma_wait3A_72 = arith.constant 0 : i32
        %dma_wait3A_73 = tpu.memref_slice %arg6[%dma_wait3A, %dma_wait3A_72] : memref<6528x128xf32, #tpu.memory_space<vmem_shared>> -> memref<6528x128xf32, #tpu.memory_space<vmem_shared>>
        tpu.wait_indirect_dma semaphore(%run_scoped3A : memref<!tpu.dma_semaphore, #tpu.memory_space<semaphore_mem>>) src(%arg8 : memref<200x128xf32, #tpu.memory_space<vmem>>) dst(%dma_wait3A_73 : memref<6528x128xf32, #tpu.memory_space<vmem_shared>>)
        tpu.yield
      }) : () -> ()
    }
    %scan3A_7 = arith.constant 250 : i32
    %barrier3A_8 = arith.constant 0 : index
    tpu.barrier barrier_id(%barrier3A_8)
    %mul3A_9 = arith.constant 6528 : i32
    %mul3A_10 = arith.muli %add3A_3, %mul3A_9 : i32
    %add3A_11 = arith.addi %mul3A_10, %mul3A_0 : i32
    "tpu.region"() ({
      %run_scoped3A = tpu.sem_alloc : memref<!tpu.dma_semaphore, #tpu.memory_space<semaphore_mem>>
      %dma_start3A = arith.constant 0 : i32
      %dma_start3A_57 = tpu.memref_slice %arg5[%add3A_11, %dma_start3A] : memref<52224x128xf32, #tpu.memory_space<hbm>> -> memref<408x128xf32, #tpu.memory_space<hbm>>
      %dma_start3A_58 = arith.constant 0 : i32
      %dma_start3A_59 = tpu.memref_slice %arg6[%mul3A_0, %dma_start3A_58] : memref<6528x128xf32, #tpu.memory_space<vmem_shared>> -> memref<408x128xf32, #tpu.memory_space<vmem_shared>>
      tpu.enqueue_dma source(%dma_start3A_59 : memref<408x128xf32, #tpu.memory_space<vmem_shared>>) target(%dma_start3A_57 : memref<408x128xf32, #tpu.memory_space<hbm>>) target_semaphore(%run_scoped3A : memref<!tpu.dma_semaphore, #tpu.memory_space<semaphore_mem>>)
      %dma_wait3A = arith.constant 0 : i32
      %dma_wait3A_60 = tpu.memref_slice %arg5[%add3A_11, %dma_wait3A] : memref<52224x128xf32, #tpu.memory_space<hbm>> -> memref<408x128xf32, #tpu.memory_space<hbm>>
      %dma_wait3A_61 = arith.constant 0 : i32
      %dma_wait3A_62 = tpu.memref_slice %arg6[%mul3A_0, %dma_wait3A_61] : memref<6528x128xf32, #tpu.memory_space<vmem_shared>> -> memref<408x128xf32, #tpu.memory_space<vmem_shared>>
      tpu.wait_dma2 semaphore(%run_scoped3A : memref<!tpu.dma_semaphore, #tpu.memory_space<semaphore_mem>>) src(%dma_wait3A_62 : memref<408x128xf32, #tpu.memory_space<vmem_shared>>) dst(%dma_wait3A_60 : memref<408x128xf32, #tpu.memory_space<hbm>>)
      tpu.yield
    }) : () -> ()
    %barrier3A_12 = arith.constant 0 : index
    tpu.barrier barrier_id(%barrier3A_12)
    %mul3A_13 = arith.constant 4 : i32
    %mul3A_14 = arith.muli %arg0, %mul3A_13 : i32
    %add3A_15 = arith.constant 1 : i32
    %add3A_16 = arith.addi %mul3A_14, %add3A_15 : i32
    "tpu.region"() ({
      %run_scoped3A = tpu.sem_alloc : memref<!tpu.dma_semaphore, #tpu.memory_space<semaphore_mem>>
      %dma_start3A = arith.constant 0 : i32
      %dma_start3A_57 = tpu.memref_slice %arg6[%mul3A_0, %dma_start3A] : memref<6528x128xf32, #tpu.memory_space<vmem_shared>> -> memref<408x128xf32, #tpu.memory_space<vmem_shared>>
      %dma_start3A_58 = arith.constant 0 : i32
      %dma_start3A_59 = tpu.memref_slice %arg4[%mul3A_0, %dma_start3A_58] : memref<6528x128xf32, #tpu.memory_space<hbm>> -> memref<408x128xf32, #tpu.memory_space<hbm>>
      tpu.enqueue_dma source(%dma_start3A_59 : memref<408x128xf32, #tpu.memory_space<hbm>>) target(%dma_start3A_57 : memref<408x128xf32, #tpu.memory_space<vmem_shared>>) target_semaphore(%run_scoped3A : memref<!tpu.dma_semaphore, #tpu.memory_space<semaphore_mem>>)
      %dma_wait3A = arith.constant 0 : i32
      %dma_wait3A_60 = tpu.memref_slice %arg6[%mul3A_0, %dma_wait3A] : memref<6528x128xf32, #tpu.memory_space<vmem_shared>> -> memref<408x128xf32, #tpu.memory_space<vmem_shared>>
      %dma_wait3A_61 = arith.constant 0 : i32
      %dma_wait3A_62 = tpu.memref_slice %arg4[%mul3A_0, %dma_wait3A_61] : memref<6528x128xf32, #tpu.memory_space<hbm>> -> memref<408x128xf32, #tpu.memory_space<hbm>>
      tpu.wait_dma2 semaphore(%run_scoped3A : memref<!tpu.dma_semaphore, #tpu.memory_space<semaphore_mem>>) src(%dma_wait3A_62 : memref<408x128xf32, #tpu.memory_space<hbm>>) dst(%dma_wait3A_60 : memref<408x128xf32, #tpu.memory_space<vmem_shared>>)
      tpu.yield
    }) : () -> ()
    %barrier3A_17 = arith.constant 0 : index
    tpu.barrier barrier_id(%barrier3A_17)
    %scan3A_18 = arith.constant 0 : i32
    %scan3A_19 = arith.constant 250 : i32
    %scan3A_20 = arith.addi %scan3A_18, %scan3A_19 : i32
    %scan3A_21 = arith.constant 1 : i32
    scf.for %scan3A_57 = %scan3A_18 to %scan3A_20 step %scan3A_21  : i32 {
      %mul3A_58 = arith.constant 1 : i32
      %mul3A_59 = arith.muli %scan3A_57, %mul3A_58 : i32
      %add3A_60 = arith.constant 0 : i32
      %add3A_61 = arith.addi %add3A_60, %mul3A_59 : i32
      %mul3A_62 = arith.constant 50000 : i32
      %mul3A_63 = arith.muli %arg1, %mul3A_62 : i32
      %mul3A_64 = arith.constant 200 : i32
      %mul3A_65 = arith.muli %add3A_61, %mul3A_64 : i32
      %add3A_66 = arith.addi %mul3A_63, %mul3A_65 : i32
      %mul3A_67 = arith.constant 800000 : i32
      %mul3A_68 = arith.muli %add3A_16, %mul3A_67 : i32
      %add3A_69 = arith.addi %mul3A_68, %add3A_66 : i32
      "tpu.region"() ({
        %run_scoped3A = tpu.sem_alloc : memref<!tpu.dma_semaphore, #tpu.memory_space<semaphore_mem>>
        %dma_start3A = tpu.memref_slice %arg3[%add3A_69] : memref<6400000xi32, #tpu.memory_space<hbm>> -> memref<200xi32, #tpu.memory_space<hbm>>
        %dma_start3A_70 = tpu.memref_slice %arg3[%add3A_69] : memref<6400000xi32, #tpu.memory_space<hbm>> -> memref<200xi32, #tpu.memory_space<hbm>>
        tpu.enqueue_dma source(%dma_start3A_70 : memref<200xi32, #tpu.memory_space<hbm>>) target(%arg7 : memref<200xi32, #tpu.memory_space<vmem>>) target_semaphore(%run_scoped3A : memref<!tpu.dma_semaphore, #tpu.memory_space<semaphore_mem>>)
        %dma_wait3A = tpu.memref_slice %arg3[%add3A_69] : memref<6400000xi32, #tpu.memory_space<hbm>> -> memref<200xi32, #tpu.memory_space<hbm>>
        %dma_wait3A_71 = tpu.memref_slice %arg3[%add3A_69] : memref<6400000xi32, #tpu.memory_space<hbm>> -> memref<200xi32, #tpu.memory_space<hbm>>
        tpu.wait_dma2 semaphore(%run_scoped3A : memref<!tpu.dma_semaphore, #tpu.memory_space<semaphore_mem>>) src(%dma_wait3A_71 : memref<200xi32, #tpu.memory_space<hbm>>) dst(%arg7 : memref<200xi32, #tpu.memory_space<vmem>>)
        tpu.yield
      }) : () -> ()
      "tpu.region"() ({
        %run_scoped3A = tpu.sem_alloc : memref<!tpu.dma_semaphore, #tpu.memory_space<semaphore_mem>>
        %dma_start3A = arith.constant 0 : i32
        %dma_start3A_70 = tpu.memref_slice %arg2[%add3A_66, %dma_start3A] : memref<800000x128xf32, #tpu.memory_space<hbm>> -> memref<200x128xf32, #tpu.memory_space<hbm>>
        %dma_start3A_71 = arith.constant 0 : i32
        %dma_start3A_72 = tpu.memref_slice %arg2[%add3A_66, %dma_start3A_71] : memref<800000x128xf32, #tpu.memory_space<hbm>> -> memref<200x128xf32, #tpu.memory_space<hbm>>
        tpu.enqueue_dma source(%dma_start3A_72 : memref<200x128xf32, #tpu.memory_space<hbm>>) target(%arg8 : memref<200x128xf32, #tpu.memory_space<vmem>>) target_semaphore(%run_scoped3A : memref<!tpu.dma_semaphore, #tpu.memory_space<semaphore_mem>>)
        %dma_wait3A = arith.constant 0 : i32
        %dma_wait3A_73 = tpu.memref_slice %arg2[%add3A_66, %dma_wait3A] : memref<800000x128xf32, #tpu.memory_space<hbm>> -> memref<200x128xf32, #tpu.memory_space<hbm>>
        %dma_wait3A_74 = arith.constant 0 : i32
        %dma_wait3A_75 = tpu.memref_slice %arg2[%add3A_66, %dma_wait3A_74] : memref<800000x128xf32, #tpu.memory_space<hbm>> -> memref<200x128xf32, #tpu.memory_space<hbm>>
        tpu.wait_dma2 semaphore(%run_scoped3A : memref<!tpu.dma_semaphore, #tpu.memory_space<semaphore_mem>>) src(%dma_wait3A_75 : memref<200x128xf32, #tpu.memory_space<hbm>>) dst(%arg8 : memref<200x128xf32, #tpu.memory_space<vmem>>)
        tpu.yield
      }) : () -> ()
      "tpu.region"() ({
        %run_scoped3A = tpu.sem_alloc : memref<!tpu.dma_semaphore, #tpu.memory_space<semaphore_mem>>
        %dma_start3A = arith.constant 0 : i32
        %dma_start3A_70 = arith.constant 0 : i32
        %dma_start3A_71 = tpu.memref_slice %arg6[%dma_start3A, %dma_start3A_70] : memref<6528x128xf32, #tpu.memory_space<vmem_shared>> -> memref<6528x128xf32, #tpu.memory_space<vmem_shared>>
        tpu.enqueue_indirect_dma source(%arg8 : memref<200x128xf32, #tpu.memory_space<vmem>>) target(%dma_start3A_71 : memref<6528x128xf32, #tpu.memory_space<vmem_shared>>) offsets(%arg7 : memref<200xi32, #tpu.memory_space<vmem>>) semaphore(%run_scoped3A : memref<!tpu.dma_semaphore, #tpu.memory_space<semaphore_mem>>) {add = true}
        %dma_wait3A = arith.constant 0 : i32
        %dma_wait3A_72 = arith.constant 0 : i32
        %dma_wait3A_73 = tpu.memref_slice %arg6[%dma_wait3A, %dma_wait3A_72] : memref<6528x128xf32, #tpu.memory_space<vmem_shared>> -> memref<6528x128xf32, #tpu.memory_space<vmem_shared>>
        tpu.wait_indirect_dma semaphore(%run_scoped3A : memref<!tpu.dma_semaphore, #tpu.memory_space<semaphore_mem>>) src(%arg8 : memref<200x128xf32, #tpu.memory_space<vmem>>) dst(%dma_wait3A_73 : memref<6528x128xf32, #tpu.memory_space<vmem_shared>>)
        tpu.yield
      }) : () -> ()
    }
    %scan3A_22 = arith.constant 250 : i32
    %barrier3A_23 = arith.constant 0 : index
    tpu.barrier barrier_id(%barrier3A_23)
    %mul3A_24 = arith.constant 6528 : i32
    %mul3A_25 = arith.muli %add3A_16, %mul3A_24 : i32
    %add3A_26 = arith.addi %mul3A_25, %mul3A_0 : i32
    "tpu.region"() ({
      %run_scoped3A = tpu.sem_alloc : memref<!tpu.dma_semaphore, #tpu.memory_space<semaphore_mem>>
      %dma_start3A = arith.constant 0 : i32
      %dma_start3A_57 = tpu.memref_slice %arg5[%add3A_26, %dma_start3A] : memref<52224x128xf32, #tpu.memory_space<hbm>> -> memref<408x128xf32, #tpu.memory_space<hbm>>
      %dma_start3A_58 = arith.constant 0 : i32
      %dma_start3A_59 = tpu.memref_slice %arg6[%mul3A_0, %dma_start3A_58] : memref<6528x128xf32, #tpu.memory_space<vmem_shared>> -> memref<408x128xf32, #tpu.memory_space<vmem_shared>>
      tpu.enqueue_dma source(%dma_start3A_59 : memref<408x128xf32, #tpu.memory_space<vmem_shared>>) target(%dma_start3A_57 : memref<408x128xf32, #tpu.memory_space<hbm>>) target_semaphore(%run_scoped3A : memref<!tpu.dma_semaphore, #tpu.memory_space<semaphore_mem>>)
      %dma_wait3A = arith.constant 0 : i32
      %dma_wait3A_60 = tpu.memref_slice %arg5[%add3A_26, %dma_wait3A] : memref<52224x128xf32, #tpu.memory_space<hbm>> -> memref<408x128xf32, #tpu.memory_space<hbm>>
      %dma_wait3A_61 = arith.constant 0 : i32
      %dma_wait3A_62 = tpu.memref_slice %arg6[%mul3A_0, %dma_wait3A_61] : memref<6528x128xf32, #tpu.memory_space<vmem_shared>> -> memref<408x128xf32, #tpu.memory_space<vmem_shared>>
      tpu.wait_dma2 semaphore(%run_scoped3A : memref<!tpu.dma_semaphore, #tpu.memory_space<semaphore_mem>>) src(%dma_wait3A_62 : memref<408x128xf32, #tpu.memory_space<vmem_shared>>) dst(%dma_wait3A_60 : memref<408x128xf32, #tpu.memory_space<hbm>>)
      tpu.yield
    }) : () -> ()
    %barrier3A_27 = arith.constant 0 : index
    tpu.barrier barrier_id(%barrier3A_27)
    %mul3A_28 = arith.constant 4 : i32
    %mul3A_29 = arith.muli %arg0, %mul3A_28 : i32
    %add3A_30 = arith.constant 2 : i32
    %add3A_31 = arith.addi %mul3A_29, %add3A_30 : i32
    "tpu.region"() ({
      %run_scoped3A = tpu.sem_alloc : memref<!tpu.dma_semaphore, #tpu.memory_space<semaphore_mem>>
      %dma_start3A = arith.constant 0 : i32
      %dma_start3A_57 = tpu.memref_slice %arg6[%mul3A_0, %dma_start3A] : memref<6528x128xf32, #tpu.memory_space<vmem_shared>> -> memref<408x128xf32, #tpu.memory_space<vmem_shared>>
      %dma_start3A_58 = arith.constant 0 : i32
      %dma_start3A_59 = tpu.memref_slice %arg4[%mul3A_0, %dma_start3A_58] : memref<6528x128xf32, #tpu.memory_space<hbm>> -> memref<408x128xf32, #tpu.memory_space<hbm>>
      tpu.enqueue_dma source(%dma_start3A_59 : memref<408x128xf32, #tpu.memory_space<hbm>>) target(%dma_start3A_57 : memref<408x128xf32, #tpu.memory_space<vmem_shared>>) target_semaphore(%run_scoped3A : memref<!tpu.dma_semaphore, #tpu.memory_space<semaphore_mem>>)
      %dma_wait3A = arith.constant 0 : i32
      %dma_wait3A_60 = tpu.memref_slice %arg6[%mul3A_0, %dma_wait3A] : memref<6528x128xf32, #tpu.memory_space<vmem_shared>> -> memref<408x128xf32, #tpu.memory_space<vmem_shared>>
      %dma_wait3A_61 = arith.constant 0 : i32
      %dma_wait3A_62 = tpu.memref_slice %arg4[%mul3A_0, %dma_wait3A_61] : memref<6528x128xf32, #tpu.memory_space<hbm>> -> memref<408x128xf32, #tpu.memory_space<hbm>>
      tpu.wait_dma2 semaphore(%run_scoped3A : memref<!tpu.dma_semaphore, #tpu.memory_space<semaphore_mem>>) src(%dma_wait3A_62 : memref<408x128xf32, #tpu.memory_space<hbm>>) dst(%dma_wait3A_60 : memref<408x128xf32, #tpu.memory_space<vmem_shared>>)
      tpu.yield
    }) : () -> ()
    %barrier3A_32 = arith.constant 0 : index
    tpu.barrier barrier_id(%barrier3A_32)
    %scan3A_33 = arith.constant 0 : i32
    %scan3A_34 = arith.constant 250 : i32
    %scan3A_35 = arith.addi %scan3A_33, %scan3A_34 : i32
    %scan3A_36 = arith.constant 1 : i32
    scf.for %scan3A_57 = %scan3A_33 to %scan3A_35 step %scan3A_36  : i32 {
      %mul3A_58 = arith.constant 1 : i32
      %mul3A_59 = arith.muli %scan3A_57, %mul3A_58 : i32
      %add3A_60 = arith.constant 0 : i32
      %add3A_61 = arith.addi %add3A_60, %mul3A_59 : i32
      %mul3A_62 = arith.constant 50000 : i32
      %mul3A_63 = arith.muli %arg1, %mul3A_62 : i32
      %mul3A_64 = arith.constant 200 : i32
      %mul3A_65 = arith.muli %add3A_61, %mul3A_64 : i32
      %add3A_66 = arith.addi %mul3A_63, %mul3A_65 : i32
      %mul3A_67 = arith.constant 800000 : i32
      %mul3A_68 = arith.muli %add3A_31, %mul3A_67 : i32
      %add3A_69 = arith.addi %mul3A_68, %add3A_66 : i32
      "tpu.region"() ({
        %run_scoped3A = tpu.sem_alloc : memref<!tpu.dma_semaphore, #tpu.memory_space<semaphore_mem>>
        %dma_start3A = tpu.memref_slice %arg3[%add3A_69] : memref<6400000xi32, #tpu.memory_space<hbm>> -> memref<200xi32, #tpu.memory_space<hbm>>
        %dma_start3A_70 = tpu.memref_slice %arg3[%add3A_69] : memref<6400000xi32, #tpu.memory_space<hbm>> -> memref<200xi32, #tpu.memory_space<hbm>>
        tpu.enqueue_dma source(%dma_start3A_70 : memref<200xi32, #tpu.memory_space<hbm>>) target(%arg7 : memref<200xi32, #tpu.memory_space<vmem>>) target_semaphore(%run_scoped3A : memref<!tpu.dma_semaphore, #tpu.memory_space<semaphore_mem>>)
        %dma_wait3A = tpu.memref_slice %arg3[%add3A_69] : memref<6400000xi32, #tpu.memory_space<hbm>> -> memref<200xi32, #tpu.memory_space<hbm>>
        %dma_wait3A_71 = tpu.memref_slice %arg3[%add3A_69] : memref<6400000xi32, #tpu.memory_space<hbm>> -> memref<200xi32, #tpu.memory_space<hbm>>
        tpu.wait_dma2 semaphore(%run_scoped3A : memref<!tpu.dma_semaphore, #tpu.memory_space<semaphore_mem>>) src(%dma_wait3A_71 : memref<200xi32, #tpu.memory_space<hbm>>) dst(%arg7 : memref<200xi32, #tpu.memory_space<vmem>>)
        tpu.yield
      }) : () -> ()
      "tpu.region"() ({
        %run_scoped3A = tpu.sem_alloc : memref<!tpu.dma_semaphore, #tpu.memory_space<semaphore_mem>>
        %dma_start3A = arith.constant 0 : i32
        %dma_start3A_70 = tpu.memref_slice %arg2[%add3A_66, %dma_start3A] : memref<800000x128xf32, #tpu.memory_space<hbm>> -> memref<200x128xf32, #tpu.memory_space<hbm>>
        %dma_start3A_71 = arith.constant 0 : i32
        %dma_start3A_72 = tpu.memref_slice %arg2[%add3A_66, %dma_start3A_71] : memref<800000x128xf32, #tpu.memory_space<hbm>> -> memref<200x128xf32, #tpu.memory_space<hbm>>
        tpu.enqueue_dma source(%dma_start3A_72 : memref<200x128xf32, #tpu.memory_space<hbm>>) target(%arg8 : memref<200x128xf32, #tpu.memory_space<vmem>>) target_semaphore(%run_scoped3A : memref<!tpu.dma_semaphore, #tpu.memory_space<semaphore_mem>>)
        %dma_wait3A = arith.constant 0 : i32
        %dma_wait3A_73 = tpu.memref_slice %arg2[%add3A_66, %dma_wait3A] : memref<800000x128xf32, #tpu.memory_space<hbm>> -> memref<200x128xf32, #tpu.memory_space<hbm>>
        %dma_wait3A_74 = arith.constant 0 : i32
        %dma_wait3A_75 = tpu.memref_slice %arg2[%add3A_66, %dma_wait3A_74] : memref<800000x128xf32, #tpu.memory_space<hbm>> -> memref<200x128xf32, #tpu.memory_space<hbm>>
        tpu.wait_dma2 semaphore(%run_scoped3A : memref<!tpu.dma_semaphore, #tpu.memory_space<semaphore_mem>>) src(%dma_wait3A_75 : memref<200x128xf32, #tpu.memory_space<hbm>>) dst(%arg8 : memref<200x128xf32, #tpu.memory_space<vmem>>)
        tpu.yield
      }) : () -> ()
      "tpu.region"() ({
        %run_scoped3A = tpu.sem_alloc : memref<!tpu.dma_semaphore, #tpu.memory_space<semaphore_mem>>
        %dma_start3A = arith.constant 0 : i32
        %dma_start3A_70 = arith.constant 0 : i32
        %dma_start3A_71 = tpu.memref_slice %arg6[%dma_start3A, %dma_start3A_70] : memref<6528x128xf32, #tpu.memory_space<vmem_shared>> -> memref<6528x128xf32, #tpu.memory_space<vmem_shared>>
        tpu.enqueue_indirect_dma source(%arg8 : memref<200x128xf32, #tpu.memory_space<vmem>>) target(%dma_start3A_71 : memref<6528x128xf32, #tpu.memory_space<vmem_shared>>) offsets(%arg7 : memref<200xi32, #tpu.memory_space<vmem>>) semaphore(%run_scoped3A : memref<!tpu.dma_semaphore, #tpu.memory_space<semaphore_mem>>) {add = true}
        %dma_wait3A = arith.constant 0 : i32
        %dma_wait3A_72 = arith.constant 0 : i32
        %dma_wait3A_73 = tpu.memref_slice %arg6[%dma_wait3A, %dma_wait3A_72] : memref<6528x128xf32, #tpu.memory_space<vmem_shared>> -> memref<6528x128xf32, #tpu.memory_space<vmem_shared>>
        tpu.wait_indirect_dma semaphore(%run_scoped3A : memref<!tpu.dma_semaphore, #tpu.memory_space<semaphore_mem>>) src(%arg8 : memref<200x128xf32, #tpu.memory_space<vmem>>) dst(%dma_wait3A_73 : memref<6528x128xf32, #tpu.memory_space<vmem_shared>>)
        tpu.yield
      }) : () -> ()
    }
    %scan3A_37 = arith.constant 250 : i32
    %barrier3A_38 = arith.constant 0 : index
    tpu.barrier barrier_id(%barrier3A_38)
    %mul3A_39 = arith.constant 6528 : i32
    %mul3A_40 = arith.muli %add3A_31, %mul3A_39 : i32
    %add3A_41 = arith.addi %mul3A_40, %mul3A_0 : i32
    "tpu.region"() ({
      %run_scoped3A = tpu.sem_alloc : memref<!tpu.dma_semaphore, #tpu.memory_space<semaphore_mem>>
      %dma_start3A = arith.constant 0 : i32
      %dma_start3A_57 = tpu.memref_slice %arg5[%add3A_41, %dma_start3A] : memref<52224x128xf32, #tpu.memory_space<hbm>> -> memref<408x128xf32, #tpu.memory_space<hbm>>
      %dma_start3A_58 = arith.constant 0 : i32
      %dma_start3A_59 = tpu.memref_slice %arg6[%mul3A_0, %dma_start3A_58] : memref<6528x128xf32, #tpu.memory_space<vmem_shared>> -> memref<408x128xf32, #tpu.memory_space<vmem_shared>>
      tpu.enqueue_dma source(%dma_start3A_59 : memref<408x128xf32, #tpu.memory_space<vmem_shared>>) target(%dma_start3A_57 : memref<408x128xf32, #tpu.memory_space<hbm>>) target_semaphore(%run_scoped3A : memref<!tpu.dma_semaphore, #tpu.memory_space<semaphore_mem>>)
      %dma_wait3A = arith.constant 0 : i32
      %dma_wait3A_60 = tpu.memref_slice %arg5[%add3A_41, %dma_wait3A] : memref<52224x128xf32, #tpu.memory_space<hbm>> -> memref<408x128xf32, #tpu.memory_space<hbm>>
      %dma_wait3A_61 = arith.constant 0 : i32
      %dma_wait3A_62 = tpu.memref_slice %arg6[%mul3A_0, %dma_wait3A_61] : memref<6528x128xf32, #tpu.memory_space<vmem_shared>> -> memref<408x128xf32, #tpu.memory_space<vmem_shared>>
      tpu.wait_dma2 semaphore(%run_scoped3A : memref<!tpu.dma_semaphore, #tpu.memory_space<semaphore_mem>>) src(%dma_wait3A_62 : memref<408x128xf32, #tpu.memory_space<vmem_shared>>) dst(%dma_wait3A_60 : memref<408x128xf32, #tpu.memory_space<hbm>>)
      tpu.yield
    }) : () -> ()
    %barrier3A_42 = arith.constant 0 : index
    tpu.barrier barrier_id(%barrier3A_42)
    %mul3A_43 = arith.constant 4 : i32
    %mul3A_44 = arith.muli %arg0, %mul3A_43 : i32
    %add3A_45 = arith.constant 3 : i32
    %add3A_46 = arith.addi %mul3A_44, %add3A_45 : i32
    "tpu.region"() ({
      %run_scoped3A = tpu.sem_alloc : memref<!tpu.dma_semaphore, #tpu.memory_space<semaphore_mem>>
      %dma_start3A = arith.constant 0 : i32
      %dma_start3A_57 = tpu.memref_slice %arg6[%mul3A_0, %dma_start3A] : memref<6528x128xf32, #tpu.memory_space<vmem_shared>> -> memref<408x128xf32, #tpu.memory_space<vmem_shared>>
      %dma_start3A_58 = arith.constant 0 : i32
      %dma_start3A_59 = tpu.memref_slice %arg4[%mul3A_0, %dma_start3A_58] : memref<6528x128xf32, #tpu.memory_space<hbm>> -> memref<408x128xf32, #tpu.memory_space<hbm>>
      tpu.enqueue_dma source(%dma_start3A_59 : memref<408x128xf32, #tpu.memory_space<hbm>>) target(%dma_start3A_57 : memref<408x128xf32, #tpu.memory_space<vmem_shared>>) target_semaphore(%run_scoped3A : memref<!tpu.dma_semaphore, #tpu.memory_space<semaphore_mem>>)
      %dma_wait3A = arith.constant 0 : i32
      %dma_wait3A_60 = tpu.memref_slice %arg6[%mul3A_0, %dma_wait3A] : memref<6528x128xf32, #tpu.memory_space<vmem_shared>> -> memref<408x128xf32, #tpu.memory_space<vmem_shared>>
      %dma_wait3A_61 = arith.constant 0 : i32
      %dma_wait3A_62 = tpu.memref_slice %arg4[%mul3A_0, %dma_wait3A_61] : memref<6528x128xf32, #tpu.memory_space<hbm>> -> memref<408x128xf32, #tpu.memory_space<hbm>>
      tpu.wait_dma2 semaphore(%run_scoped3A : memref<!tpu.dma_semaphore, #tpu.memory_space<semaphore_mem>>) src(%dma_wait3A_62 : memref<408x128xf32, #tpu.memory_space<hbm>>) dst(%dma_wait3A_60 : memref<408x128xf32, #tpu.memory_space<vmem_shared>>)
      tpu.yield
    }) : () -> ()
    %barrier3A_47 = arith.constant 0 : index
    tpu.barrier barrier_id(%barrier3A_47)
    %scan3A_48 = arith.constant 0 : i32
    %scan3A_49 = arith.constant 250 : i32
    %scan3A_50 = arith.addi %scan3A_48, %scan3A_49 : i32
    %scan3A_51 = arith.constant 1 : i32
    scf.for %scan3A_57 = %scan3A_48 to %scan3A_50 step %scan3A_51  : i32 {
      %mul3A_58 = arith.constant 1 : i32
      %mul3A_59 = arith.muli %scan3A_57, %mul3A_58 : i32
      %add3A_60 = arith.constant 0 : i32
      %add3A_61 = arith.addi %add3A_60, %mul3A_59 : i32
      %mul3A_62 = arith.constant 50000 : i32
      %mul3A_63 = arith.muli %arg1, %mul3A_62 : i32
      %mul3A_64 = arith.constant 200 : i32
      %mul3A_65 = arith.muli %add3A_61, %mul3A_64 : i32
      %add3A_66 = arith.addi %mul3A_63, %mul3A_65 : i32
      %mul3A_67 = arith.constant 800000 : i32
      %mul3A_68 = arith.muli %add3A_46, %mul3A_67 : i32
      %add3A_69 = arith.addi %mul3A_68, %add3A_66 : i32
      "tpu.region"() ({
        %run_scoped3A = tpu.sem_alloc : memref<!tpu.dma_semaphore, #tpu.memory_space<semaphore_mem>>
        %dma_start3A = tpu.memref_slice %arg3[%add3A_69] : memref<6400000xi32, #tpu.memory_space<hbm>> -> memref<200xi32, #tpu.memory_space<hbm>>
        %dma_start3A_70 = tpu.memref_slice %arg3[%add3A_69] : memref<6400000xi32, #tpu.memory_space<hbm>> -> memref<200xi32, #tpu.memory_space<hbm>>
        tpu.enqueue_dma source(%dma_start3A_70 : memref<200xi32, #tpu.memory_space<hbm>>) target(%arg7 : memref<200xi32, #tpu.memory_space<vmem>>) target_semaphore(%run_scoped3A : memref<!tpu.dma_semaphore, #tpu.memory_space<semaphore_mem>>)
        %dma_wait3A = tpu.memref_slice %arg3[%add3A_69] : memref<6400000xi32, #tpu.memory_space<hbm>> -> memref<200xi32, #tpu.memory_space<hbm>>
        %dma_wait3A_71 = tpu.memref_slice %arg3[%add3A_69] : memref<6400000xi32, #tpu.memory_space<hbm>> -> memref<200xi32, #tpu.memory_space<hbm>>
        tpu.wait_dma2 semaphore(%run_scoped3A : memref<!tpu.dma_semaphore, #tpu.memory_space<semaphore_mem>>) src(%dma_wait3A_71 : memref<200xi32, #tpu.memory_space<hbm>>) dst(%arg7 : memref<200xi32, #tpu.memory_space<vmem>>)
        tpu.yield
      }) : () -> ()
      "tpu.region"() ({
        %run_scoped3A = tpu.sem_alloc : memref<!tpu.dma_semaphore, #tpu.memory_space<semaphore_mem>>
        %dma_start3A = arith.constant 0 : i32
        %dma_start3A_70 = tpu.memref_slice %arg2[%add3A_66, %dma_start3A] : memref<800000x128xf32, #tpu.memory_space<hbm>> -> memref<200x128xf32, #tpu.memory_space<hbm>>
        %dma_start3A_71 = arith.constant 0 : i32
        %dma_start3A_72 = tpu.memref_slice %arg2[%add3A_66, %dma_start3A_71] : memref<800000x128xf32, #tpu.memory_space<hbm>> -> memref<200x128xf32, #tpu.memory_space<hbm>>
        tpu.enqueue_dma source(%dma_start3A_72 : memref<200x128xf32, #tpu.memory_space<hbm>>) target(%arg8 : memref<200x128xf32, #tpu.memory_space<vmem>>) target_semaphore(%run_scoped3A : memref<!tpu.dma_semaphore, #tpu.memory_space<semaphore_mem>>)
        %dma_wait3A = arith.constant 0 : i32
        %dma_wait3A_73 = tpu.memref_slice %arg2[%add3A_66, %dma_wait3A] : memref<800000x128xf32, #tpu.memory_space<hbm>> -> memref<200x128xf32, #tpu.memory_space<hbm>>
        %dma_wait3A_74 = arith.constant 0 : i32
        %dma_wait3A_75 = tpu.memref_slice %arg2[%add3A_66, %dma_wait3A_74] : memref<800000x128xf32, #tpu.memory_space<hbm>> -> memref<200x128xf32, #tpu.memory_space<hbm>>
        tpu.wait_dma2 semaphore(%run_scoped3A : memref<!tpu.dma_semaphore, #tpu.memory_space<semaphore_mem>>) src(%dma_wait3A_75 : memref<200x128xf32, #tpu.memory_space<hbm>>) dst(%arg8 : memref<200x128xf32, #tpu.memory_space<vmem>>)
        tpu.yield
      }) : () -> ()
      "tpu.region"() ({
        %run_scoped3A = tpu.sem_alloc : memref<!tpu.dma_semaphore, #tpu.memory_space<semaphore_mem>>
        %dma_start3A = arith.constant 0 : i32
        %dma_start3A_70 = arith.constant 0 : i32
        %dma_start3A_71 = tpu.memref_slice %arg6[%dma_start3A, %dma_start3A_70] : memref<6528x128xf32, #tpu.memory_space<vmem_shared>> -> memref<6528x128xf32, #tpu.memory_space<vmem_shared>>
        tpu.enqueue_indirect_dma source(%arg8 : memref<200x128xf32, #tpu.memory_space<vmem>>) target(%dma_start3A_71 : memref<6528x128xf32, #tpu.memory_space<vmem_shared>>) offsets(%arg7 : memref<200xi32, #tpu.memory_space<vmem>>) semaphore(%run_scoped3A : memref<!tpu.dma_semaphore, #tpu.memory_space<semaphore_mem>>) {add = true}
        %dma_wait3A = arith.constant 0 : i32
        %dma_wait3A_72 = arith.constant 0 : i32
        %dma_wait3A_73 = tpu.memref_slice %arg6[%dma_wait3A, %dma_wait3A_72] : memref<6528x128xf32, #tpu.memory_space<vmem_shared>> -> memref<6528x128xf32, #tpu.memory_space<vmem_shared>>
        tpu.wait_indirect_dma semaphore(%run_scoped3A : memref<!tpu.dma_semaphore, #tpu.memory_space<semaphore_mem>>) src(%arg8 : memref<200x128xf32, #tpu.memory_space<vmem>>) dst(%dma_wait3A_73 : memref<6528x128xf32, #tpu.memory_space<vmem_shared>>)
        tpu.yield
      }) : () -> ()
    }
    %scan3A_52 = arith.constant 250 : i32
    %barrier3A_53 = arith.constant 0 : index
    tpu.barrier barrier_id(%barrier3A_53)
    %mul3A_54 = arith.constant 6528 : i32
    %mul3A_55 = arith.muli %add3A_46, %mul3A_54 : i32
    %add3A_56 = arith.addi %mul3A_55, %mul3A_0 : i32
    "tpu.region"() ({
      %run_scoped3A = tpu.sem_alloc : memref<!tpu.dma_semaphore, #tpu.memory_space<semaphore_mem>>
      %dma_start3A = arith.constant 0 : i32
      %dma_start3A_57 = tpu.memref_slice %arg5[%add3A_56, %dma_start3A] : memref<52224x128xf32, #tpu.memory_space<hbm>> -> memref<408x128xf32, #tpu.memory_space<hbm>>
      %dma_start3A_58 = arith.constant 0 : i32
      %dma_start3A_59 = tpu.memref_slice %arg6[%mul3A_0, %dma_start3A_58] : memref<6528x128xf32, #tpu.memory_space<vmem_shared>> -> memref<408x128xf32, #tpu.memory_space<vmem_shared>>
      tpu.enqueue_dma source(%dma_start3A_59 : memref<408x128xf32, #tpu.memory_space<vmem_shared>>) target(%dma_start3A_57 : memref<408x128xf32, #tpu.memory_space<hbm>>) target_semaphore(%run_scoped3A : memref<!tpu.dma_semaphore, #tpu.memory_space<semaphore_mem>>)
      %dma_wait3A = arith.constant 0 : i32
      %dma_wait3A_60 = tpu.memref_slice %arg5[%add3A_56, %dma_wait3A] : memref<52224x128xf32, #tpu.memory_space<hbm>> -> memref<408x128xf32, #tpu.memory_space<hbm>>
      %dma_wait3A_61 = arith.constant 0 : i32
      %dma_wait3A_62 = tpu.memref_slice %arg6[%mul3A_0, %dma_wait3A_61] : memref<6528x128xf32, #tpu.memory_space<vmem_shared>> -> memref<408x128xf32, #tpu.memory_space<vmem_shared>>
      tpu.wait_dma2 semaphore(%run_scoped3A : memref<!tpu.dma_semaphore, #tpu.memory_space<semaphore_mem>>) src(%dma_wait3A_62 : memref<408x128xf32, #tpu.memory_space<vmem_shared>>) dst(%dma_wait3A_60 : memref<408x128xf32, #tpu.memory_space<hbm>>)
      tpu.yield
    }) : () -> ()
    return
  }
}

module attributes {stable_mosaic.version = 14 : i64} {
  func.func @body(%arg0: i32, %arg1: memref<1600x32xf32, #tpu.memory_space<vmem>>, %arg2: memref<1600x8xf32, #tpu.memory_space<vmem>>, %arg3: memref<32x64xf32, #tpu.memory_space<vmem>>, %arg4: memref<8x64xf32, #tpu.memory_space<vmem>>, %arg5: memref<32x64xf32, #tpu.memory_space<vmem>>, %arg6: memref<8x64xf32, #tpu.memory_space<vmem>>, %arg7: memref<8x64xf32, #tpu.memory_space<vmem>>, %arg8: memref<1600x128xf32, #tpu.memory_space<vmem>>, %arg9: memref<1600x128xf32, #tpu.memory_space<vmem>>) attributes {dimension_semantics = [#tpu.dimension_semantics<arbitrary>], iteration_bounds = array<i64: 8>, scalar_prefetch = 0 : i64, scratch_operands = 0 : i64, tpu.core_type = #tpu.core_type<tc>, window_params = [{transform_indices = @transform_0, window_bounds = array<i64: 1600, 32>}, {transform_indices = @transform_1, window_bounds = array<i64: 1600, 8>}, {pipeline_mode = #tpu.pipeline_mode<synchronous>, transform_indices = @transform_2, window_bounds = array<i64: 32, 64>}, {pipeline_mode = #tpu.pipeline_mode<synchronous>, transform_indices = @transform_3, window_bounds = array<i64: 8, 64>}, {pipeline_mode = #tpu.pipeline_mode<synchronous>, transform_indices = @transform_4, window_bounds = array<i64: 32, 64>}, {pipeline_mode = #tpu.pipeline_mode<synchronous>, transform_indices = @transform_5, window_bounds = array<i64: 8, 64>}, {pipeline_mode = #tpu.pipeline_mode<synchronous>, transform_indices = @transform_6, window_bounds = array<i64: 8, 64>}, {transform_indices = @transform_7, window_bounds = array<i64: 1600, 128>}, {transform_indices = @transform_8, window_bounds = array<i64: 1600, 128>}]} {
    %get3A = arith.constant 0 : index
    %get3A_0 = arith.constant 0 : index
    %get3A_1 = vector.load %arg1[%get3A, %get3A_0] : memref<1600x32xf32, #tpu.memory_space<vmem>>, vector<1600x32xf32>
    %get3A_2 = arith.constant 0 : index
    %get3A_3 = arith.constant 0 : index
    %get3A_4 = vector.load %arg2[%get3A_2, %get3A_3] : memref<1600x8xf32, #tpu.memory_space<vmem>>, vector<1600x8xf32>
    %get3A_5 = arith.constant 0 : index
    %get3A_6 = arith.constant 0 : index
    %get3A_7 = vector.load %arg3[%get3A_5, %get3A_6] : memref<32x64xf32, #tpu.memory_space<vmem>>, vector<32x64xf32>
    %dot_general3A = arith.constant dense<0.000000e+00> : vector<1600x64xf32>
    %dot_general3A_8 = tpu.matmul %get3A_1, %get3A_7, %dot_general3A {dimension_numbers = #tpu.dot_dimension_numbers<[1], [0], [0], [1], [0, 0, 1, 1], [], []>, precision = #tpu.contract_precision<fp32>, transpose_lhs_hint = false} : vector<1600x32xf32>, vector<32x64xf32>, vector<1600x64xf32> -> vector<1600x64xf32>
    %get3A_9 = arith.constant 0 : index
    %get3A_10 = arith.constant 0 : index
    %get3A_11 = vector.load %arg4[%get3A_9, %get3A_10] : memref<8x64xf32, #tpu.memory_space<vmem>>, vector<8x64xf32>
    %dot_general3A_12 = arith.constant dense<0.000000e+00> : vector<1600x64xf32>
    %dot_general3A_13 = tpu.matmul %get3A_4, %get3A_11, %dot_general3A_12 {dimension_numbers = #tpu.dot_dimension_numbers<[1], [0], [0], [1], [0, 0, 1, 1], [], []>, precision = #tpu.contract_precision<fp32>, transpose_lhs_hint = false} : vector<1600x8xf32>, vector<8x64xf32>, vector<1600x64xf32> -> vector<1600x64xf32>
    %add3A = arith.addf %dot_general3A_8, %dot_general3A_13 : vector<1600x64xf32>
    %get3A_14 = arith.constant 0 : index
    %get3A_15 = arith.constant 0 : index
    %get3A_16 = vector.load %arg7[%get3A_14, %get3A_15] : memref<8x64xf32, #tpu.memory_space<vmem>>, vector<8x64xf32>
    %dot_general3A_17 = arith.constant dense<0.000000e+00> : vector<1600x64xf32>
    %dot_general3A_18 = tpu.matmul %get3A_4, %get3A_16, %dot_general3A_17 {dimension_numbers = #tpu.dot_dimension_numbers<[1], [0], [0], [1], [0, 0, 1, 1], [], []>, precision = #tpu.contract_precision<fp32>, transpose_lhs_hint = false} : vector<1600x8xf32>, vector<8x64xf32>, vector<1600x64xf32> -> vector<1600x64xf32>
    %get3A_19 = arith.constant 0 : index
    %get3A_20 = arith.constant 0 : index
    %get3A_21 = vector.load %arg5[%get3A_19, %get3A_20] : memref<32x64xf32, #tpu.memory_space<vmem>>, vector<32x64xf32>
    %dot_general3A_22 = arith.constant dense<0.000000e+00> : vector<1600x64xf32>
    %dot_general3A_23 = tpu.matmul %get3A_1, %get3A_21, %dot_general3A_22 {dimension_numbers = #tpu.dot_dimension_numbers<[1], [0], [0], [1], [0, 0, 1, 1], [], []>, precision = #tpu.contract_precision<fp32>, transpose_lhs_hint = false} : vector<1600x32xf32>, vector<32x64xf32>, vector<1600x64xf32> -> vector<1600x64xf32>
    %get3A_24 = arith.constant 0 : index
    %get3A_25 = arith.constant 0 : index
    %get3A_26 = vector.load %arg6[%get3A_24, %get3A_25] : memref<8x64xf32, #tpu.memory_space<vmem>>, vector<8x64xf32>
    %dot_general3A_27 = arith.constant dense<0.000000e+00> : vector<1600x64xf32>
    %dot_general3A_28 = tpu.matmul %get3A_4, %get3A_26, %dot_general3A_27 {dimension_numbers = #tpu.dot_dimension_numbers<[1], [0], [0], [1], [0, 0, 1, 1], [], []>, precision = #tpu.contract_precision<fp32>, transpose_lhs_hint = false} : vector<1600x8xf32>, vector<8x64xf32>, vector<1600x64xf32> -> vector<1600x64xf32>
    %add3A_29 = arith.addf %dot_general3A_23, %dot_general3A_28 : vector<1600x64xf32>
    %swap3A = arith.constant 0 : index
    %swap3A_30 = arith.constant 0 : index
    %swap3A_31 = vector.load %arg8[%swap3A, %swap3A_30] : memref<1600x128xf32, #tpu.memory_space<vmem>>, vector<1600x64xf32>
    tpu.vector_store %arg8[%swap3A, %swap3A_30], %add3A {strides = array<i32>} : memref<1600x128xf32, #tpu.memory_space<vmem>>, vector<1600x64xf32>,
    %swap3A_32 = arith.constant 0 : index
    %swap3A_33 = arith.constant 64 : index
    %swap3A_34 = vector.load %arg8[%swap3A_32, %swap3A_33] : memref<1600x128xf32, #tpu.memory_space<vmem>>, vector<1600x64xf32>
    tpu.vector_store %arg8[%swap3A_32, %swap3A_33], %dot_general3A_18 {strides = array<i32>} : memref<1600x128xf32, #tpu.memory_space<vmem>>, vector<1600x64xf32>,
    %add3A_35 = arith.addf %add3A_29, %dot_general3A_18 : vector<1600x64xf32>
    %swap3A_36 = arith.constant 0 : index
    %swap3A_37 = arith.constant 0 : index
    %swap3A_38 = vector.load %arg9[%swap3A_36, %swap3A_37] : memref<1600x128xf32, #tpu.memory_space<vmem>>, vector<1600x64xf32>
    tpu.vector_store %arg9[%swap3A_36, %swap3A_37], %add3A_35 {strides = array<i32>} : memref<1600x128xf32, #tpu.memory_space<vmem>>, vector<1600x64xf32>,
    %broadcast_in_dim3A = arith.constant 0.000000e+00 : f32
    %broadcast_in_dim3A_39 = vector.broadcast %broadcast_in_dim3A : f32 to vector<1600x64xf32>
    %swap3A_40 = arith.constant 0 : index
    %swap3A_41 = arith.constant 64 : index
    %swap3A_42 = vector.load %arg9[%swap3A_40, %swap3A_41] : memref<1600x128xf32, #tpu.memory_space<vmem>>, vector<1600x64xf32>
    tpu.vector_store %arg9[%swap3A_40, %swap3A_41], %broadcast_in_dim3A_39 {strides = array<i32>} : memref<1600x128xf32, #tpu.memory_space<vmem>>, vector<1600x64xf32>,
    return
  }
  func.func @transform_0(%arg0: i32) -> (i32, i32) {
    %c0_i32 = arith.constant 0 : i32
    %c0_i32_0 = arith.constant 0 : i32
    return %arg0, %c0_i32 : i32, i32
  }
  func.func @transform_1(%arg0: i32) -> (i32, i32) {
    %c0_i32 = arith.constant 0 : i32
    %c0_i32_0 = arith.constant 0 : i32
    return %arg0, %c0_i32 : i32, i32
  }
  func.func @transform_2(%arg0: i32) -> (i32, i32) {
    %c0_i32 = arith.constant 0 : i32
    %c0_i32_0 = arith.constant 0 : i32
    %c0_i32_1 = arith.constant 0 : i32
    return %c0_i32, %c0_i32_0 : i32, i32
  }
  func.func @transform_3(%arg0: i32) -> (i32, i32) {
    %c0_i32 = arith.constant 0 : i32
    %c0_i32_0 = arith.constant 0 : i32
    %c0_i32_1 = arith.constant 0 : i32
    return %c0_i32, %c0_i32_0 : i32, i32
  }
  func.func @transform_4(%arg0: i32) -> (i32, i32) {
    %c0_i32 = arith.constant 0 : i32
    %c0_i32_0 = arith.constant 0 : i32
    %c0_i32_1 = arith.constant 0 : i32
    return %c0_i32, %c0_i32_0 : i32, i32
  }
  func.func @transform_5(%arg0: i32) -> (i32, i32) {
    %c0_i32 = arith.constant 0 : i32
    %c0_i32_0 = arith.constant 0 : i32
    %c0_i32_1 = arith.constant 0 : i32
    return %c0_i32, %c0_i32_0 : i32, i32
  }
  func.func @transform_6(%arg0: i32) -> (i32, i32) {
    %c0_i32 = arith.constant 0 : i32
    %c0_i32_0 = arith.constant 0 : i32
    %c0_i32_1 = arith.constant 0 : i32
    return %c0_i32, %c0_i32_0 : i32, i32
  }
  func.func @transform_7(%arg0: i32) -> (i32, i32) {
    %c0_i32 = arith.constant 0 : i32
    %c0_i32_0 = arith.constant 0 : i32
    return %arg0, %c0_i32 : i32, i32
  }
  func.func @transform_8(%arg0: i32) -> (i32, i32) {
    %c0_i32 = arith.constant 0 : i32
    %c0_i32_0 = arith.constant 0 : i32
    return %arg0, %c0_i32 : i32, i32
  }
}

module attributes {stable_mosaic.version = 14 : i64} {
  func.func @body(%arg0: i32, %arg1: memref<1600x128xf32, #tpu.memory_space<vmem>>, %arg2: memref<1600x128xf32, #tpu.memory_space<vmem>>, %arg3: memref<1x64xf32, #tpu.memory_space<vmem>>, %arg4: memref<1600x128xf32, #tpu.memory_space<vmem>>) attributes {dimension_semantics = [#tpu.dimension_semantics<arbitrary>], iteration_bounds = array<i64: 128>, scalar_prefetch = 0 : i64, scratch_operands = 0 : i64, tpu.core_type = #tpu.core_type<tc>, window_params = [{transform_indices = @transform_0, window_bounds = array<i64: 1600, 128>}, {transform_indices = @transform_1, window_bounds = array<i64: 1600, 128>}, {pipeline_mode = #tpu.pipeline_mode<synchronous>, transform_indices = @transform_2, window_bounds = array<i64: 1, 64>}, {transform_indices = @transform_3, window_bounds = array<i64: 1600, 128>}]} {
    %get3A = arith.constant 0 : index
    %get3A_0 = arith.constant 0 : index
    %get3A_1 = vector.load %arg1[%get3A, %get3A_0] : memref<1600x128xf32, #tpu.memory_space<vmem>>, vector<1600x64xf32>
    %get3A_2 = arith.constant 0 : index
    %get3A_3 = arith.constant 64 : index
    %get3A_4 = vector.load %arg1[%get3A_2, %get3A_3] : memref<1600x128xf32, #tpu.memory_space<vmem>>, vector<1600x64xf32>
    %sub3A = arith.subf %get3A_1, %get3A_4 : vector<1600x64xf32>
    %get3A_5 = arith.constant 0 : index
    %get3A_6 = arith.constant 0 : index
    %get3A_7 = vector.load %arg2[%get3A_5, %get3A_6] : memref<1600x128xf32, #tpu.memory_space<vmem>>, vector<1600x64xf32>
    %add3A = arith.addf %sub3A, %get3A_7 : vector<1600x64xf32>
    %ge3A = arith.constant 0.000000e+00 : f32
    %ge3A_8 = vector.broadcast %ge3A : f32 to vector<1600x64xf32>
    %ge3A_9 = arith.cmpf oge, %add3A, %ge3A_8 : vector<1600x64xf32>
    %mul3A = arith.constant 2.000000e-01 : f32
    %mul3A_10 = vector.broadcast %mul3A : f32 to vector<1600x64xf32>
    %mul3A_11 = arith.mulf %mul3A_10, %add3A : vector<1600x64xf32>
    %select_n3A = arith.select %ge3A_9, %add3A, %mul3A_11 : vector<1600x64xi1>, vector<1600x64xf32>
    %get3A_12 = arith.constant 0 : index
    %get3A_13 = arith.constant 0 : index
    %get3A_14 = vector.load %arg3[%get3A_12, %get3A_13] : memref<1x64xf32, #tpu.memory_space<vmem>>, vector<1x64xf32>
    %mul3A_15 = vector.broadcast %get3A_14 : vector<1x64xf32> to vector<1600x64xf32>
    %mul3A_16 = arith.mulf %select_n3A, %mul3A_15 : vector<1600x64xf32>
    %reduce_sum3A = arith.constant dense<0.000000e+00> : vector<1600xf32>
    %reduce_sum3A_17 = vector.multi_reduction <add>, %mul3A_16, %reduce_sum3A [1] : vector<1600x64xf32> to vector<1600xf32>
    %broadcast_in_dim3A = vector.shape_cast %reduce_sum3A_17 : vector<1600xf32> to vector<1600x1xf32>
    %iota3A = tpu.iota {dimensions = array<i32: 0>} : vector<1600x1xi32>
    %mul3A_18 = arith.constant 1600 : i32
    %mul3A_19 = arith.muli %arg0, %mul3A_18 : i32
    %add3A_20 = vector.broadcast %mul3A_19 : i32 to vector<1600x1xi32>
    %add3A_21 = arith.addi %iota3A, %add3A_20 : vector<1600x1xi32>
    %lt3A = arith.constant 200000 : i32
    %lt3A_22 = vector.broadcast %lt3A : i32 to vector<1600x1xi32>
    %lt3A_23 = arith.cmpi slt, %add3A_21, %lt3A_22 : vector<1600x1xi32>
    %exp3A = math.exp %broadcast_in_dim3A : vector<1600x1xf32>
    %jit3A = arith.constant 0.000000e+00 : f32
    %broadcast_in_dim3A_24 = vector.broadcast %jit3A : f32 to vector<1600x1xf32>
    %select_n3A_25 = arith.select %lt3A_23, %exp3A, %broadcast_in_dim3A_24 : vector<1600x1xi1>, vector<1600x1xf32>
    %get3A_26 = arith.constant 0 : index
    %get3A_27 = arith.constant 0 : index
    %get3A_28 = vector.load %arg1[%get3A_26, %get3A_27] : memref<1600x128xf32, #tpu.memory_space<vmem>>, vector<1600x64xf32>
    %mul3A_29 = vector.broadcast %select_n3A_25 : vector<1600x1xf32> to vector<1600x64xf32>
    %mul3A_30 = arith.mulf %get3A_28, %mul3A_29 : vector<1600x64xf32>
    %swap3A = arith.constant 0 : index
    %swap3A_31 = arith.constant 0 : index
    %swap3A_32 = vector.load %arg4[%swap3A, %swap3A_31] : memref<1600x128xf32, #tpu.memory_space<vmem>>, vector<1600x64xf32>
    tpu.vector_store %arg4[%swap3A, %swap3A_31], %mul3A_30 {strides = array<i32>} : memref<1600x128xf32, #tpu.memory_space<vmem>>, vector<1600x64xf32>,
    %swap3A_33 = arith.constant 0 : index
    %swap3A_34 = arith.constant 64 : index
    %swap3A_35 = vector.load %arg4[%swap3A_33, %swap3A_34] : memref<1600x128xf32, #tpu.memory_space<vmem>>, vector<1600x1xf32>
    tpu.vector_store %arg4[%swap3A_33, %swap3A_34], %select_n3A_25 {strides = array<i32>} : memref<1600x128xf32, #tpu.memory_space<vmem>>, vector<1600x1xf32>,
    %broadcast_in_dim3A_36 = arith.constant 0.000000e+00 : f32
    %broadcast_in_dim3A_37 = vector.broadcast %broadcast_in_dim3A_36 : f32 to vector<1600x63xf32>
    %swap3A_38 = arith.constant 0 : index
    %swap3A_39 = arith.constant 65 : index
    %swap3A_40 = vector.load %arg4[%swap3A_38, %swap3A_39] : memref<1600x128xf32, #tpu.memory_space<vmem>>, vector<1600x63xf32>
    tpu.vector_store %arg4[%swap3A_38, %swap3A_39], %broadcast_in_dim3A_37 {strides = array<i32>} : memref<1600x128xf32, #tpu.memory_space<vmem>>, vector<1600x63xf32>,
    return
  }
  func.func @transform_0(%arg0: i32) -> (i32, i32) {
    %c0_i32 = arith.constant 0 : i32
    %c0_i32_0 = arith.constant 0 : i32
    return %arg0, %c0_i32 : i32, i32
  }
  func.func @transform_1(%arg0: i32) -> (i32, i32) {
    %c0_i32 = arith.constant 0 : i32
    %c0_i32_0 = arith.constant 0 : i32
    return %arg0, %c0_i32 : i32, i32
  }
  func.func @transform_2(%arg0: i32) -> (i32, i32) {
    %c0_i32 = arith.constant 0 : i32
    %c0_i32_0 = arith.constant 0 : i32
    %c0_i32_1 = arith.constant 0 : i32
    return %c0_i32, %c0_i32_0 : i32, i32
  }
  func.func @transform_3(%arg0: i32) -> (i32, i32) {
    %c0_i32 = arith.constant 0 : i32
    %c0_i32_0 = arith.constant 0 : i32
    return %arg0, %c0_i32 : i32, i32
  }
}

module attributes {stable_mosaic.version = 14 : i64} {
  func.func @body(%arg0: i32, %arg1: memref<1600x128xf32, #tpu.memory_space<vmem>>, %arg2: memref<1x64xf32, #tpu.memory_space<vmem>>, %arg3: memref<1600x64xf32, #tpu.memory_space<vmem>>) attributes {dimension_semantics = [#tpu.dimension_semantics<arbitrary>], iteration_bounds = array<i64: 8>, scalar_prefetch = 0 : i64, scratch_operands = 0 : i64, tpu.core_type = #tpu.core_type<tc>, window_params = [{transform_indices = @transform_0, window_bounds = array<i64: 1600, 128>}, {pipeline_mode = #tpu.pipeline_mode<synchronous>, transform_indices = @transform_1, window_bounds = array<i64: 1, 64>}, {transform_indices = @transform_2, window_bounds = array<i64: 1600, 64>}]} {
    %get3A = arith.constant 0 : index
    %get3A_0 = arith.constant 64 : index
    %get3A_1 = vector.load %arg1[%get3A, %get3A_0] : memref<1600x128xf32, #tpu.memory_space<vmem>>, vector<1600x1xf32>
    %get3A_2 = arith.constant 0 : index
    %get3A_3 = arith.constant 0 : index
    %get3A_4 = vector.load %arg1[%get3A_2, %get3A_3] : memref<1600x128xf32, #tpu.memory_space<vmem>>, vector<1600x64xf32>
    %add3A = arith.constant 1.000000e-30 : f32
    %add3A_5 = vector.broadcast %add3A : f32 to vector<1600x1xf32>
    %add3A_6 = arith.addf %get3A_1, %add3A_5 : vector<1600x1xf32>
    %div3A = vector.broadcast %add3A_6 : vector<1600x1xf32> to vector<1600x64xf32>
    %div3A_7 = arith.divf %get3A_4, %div3A : vector<1600x64xf32>
    %get3A_8 = arith.constant 0 : index
    %get3A_9 = arith.constant 0 : index
    %get3A_10 = vector.load %arg2[%get3A_8, %get3A_9] : memref<1x64xf32, #tpu.memory_space<vmem>>, vector<1x64xf32>
    %add3A_11 = vector.broadcast %get3A_10 : vector<1x64xf32> to vector<1600x64xf32>
    %add3A_12 = arith.addf %div3A_7, %add3A_11 : vector<1600x64xf32>
    %gt3A = arith.constant 0.000000e+00 : f32
    %gt3A_13 = vector.broadcast %gt3A : f32 to vector<1600x64xf32>
    %gt3A_14 = arith.cmpf ogt, %add3A_12, %gt3A_13 : vector<1600x64xf32>
    %exp3A = math.exp %add3A_12 : vector<1600x64xf32>
    %sub3A = arith.constant 1.000000e+00 : f32
    %sub3A_15 = vector.broadcast %sub3A : f32 to vector<1600x64xf32>
    %sub3A_16 = arith.subf %exp3A, %sub3A_15 : vector<1600x64xf32>
    %select_n3A = arith.select %gt3A_14, %add3A_12, %sub3A_16 : vector<1600x64xi1>, vector<1600x64xf32>
    %swap3A = arith.constant 0 : index
    %swap3A_17 = arith.constant 0 : index
    %swap3A_18 = vector.load %arg3[%swap3A, %swap3A_17] : memref<1600x64xf32, #tpu.memory_space<vmem>>, vector<1600x64xf32>
    tpu.vector_store %arg3[%swap3A, %swap3A_17], %select_n3A {strides = array<i32>} : memref<1600x64xf32, #tpu.memory_space<vmem>>, vector<1600x64xf32>,
    return
  }
  func.func @transform_0(%arg0: i32) -> (i32, i32) {
    %c0_i32 = arith.constant 0 : i32
    %c0_i32_0 = arith.constant 0 : i32
    return %arg0, %c0_i32 : i32, i32
  }
  func.func @transform_1(%arg0: i32) -> (i32, i32) {
    %c0_i32 = arith.constant 0 : i32
    %c0_i32_0 = arith.constant 0 : i32
    %c0_i32_1 = arith.constant 0 : i32
    return %c0_i32, %c0_i32_0 : i32, i32
  }
  func.func @transform_2(%arg0: i32) -> (i32, i32) {
    %c0_i32 = arith.constant 0 : i32
    %c0_i32_0 = arith.constant 0 : i32
    return %arg0, %c0_i32 : i32, i32
  }
}

module attributes {stable_mosaic.version = 14 : i64} {
  func.func @body(%arg0: i32, %arg1: memref<1600x64xf32, #tpu.memory_space<vmem>>, %arg2: memref<1600x8xf32, #tpu.memory_space<vmem>>, %arg3: memref<64x64xf32, #tpu.memory_space<vmem>>, %arg4: memref<8x64xf32, #tpu.memory_space<vmem>>, %arg5: memref<64x64xf32, #tpu.memory_space<vmem>>, %arg6: memref<8x64xf32, #tpu.memory_space<vmem>>, %arg7: memref<8x64xf32, #tpu.memory_space<vmem>>, %arg8: memref<1600x128xf32, #tpu.memory_space<vmem>>, %arg9: memref<1600x128xf32, #tpu.memory_space<vmem>>) attributes {dimension_semantics = [#tpu.dimension_semantics<arbitrary>], iteration_bounds = array<i64: 8>, scalar_prefetch = 0 : i64, scratch_operands = 0 : i64, tpu.core_type = #tpu.core_type<tc>, window_params = [{transform_indices = @transform_0, window_bounds = array<i64: 1600, 64>}, {transform_indices = @transform_1, window_bounds = array<i64: 1600, 8>}, {pipeline_mode = #tpu.pipeline_mode<synchronous>, transform_indices = @transform_2, window_bounds = array<i64: 64, 64>}, {pipeline_mode = #tpu.pipeline_mode<synchronous>, transform_indices = @transform_3, window_bounds = array<i64: 8, 64>}, {pipeline_mode = #tpu.pipeline_mode<synchronous>, transform_indices = @transform_4, window_bounds = array<i64: 64, 64>}, {pipeline_mode = #tpu.pipeline_mode<synchronous>, transform_indices = @transform_5, window_bounds = array<i64: 8, 64>}, {pipeline_mode = #tpu.pipeline_mode<synchronous>, transform_indices = @transform_6, window_bounds = array<i64: 8, 64>}, {transform_indices = @transform_7, window_bounds = array<i64: 1600, 128>}, {transform_indices = @transform_8, window_bounds = array<i64: 1600, 128>}]} {
    %get3A = arith.constant 0 : index
    %get3A_0 = arith.constant 0 : index
    %get3A_1 = vector.load %arg1[%get3A, %get3A_0] : memref<1600x64xf32, #tpu.memory_space<vmem>>, vector<1600x64xf32>
    %get3A_2 = arith.constant 0 : index
    %get3A_3 = arith.constant 0 : index
    %get3A_4 = vector.load %arg2[%get3A_2, %get3A_3] : memref<1600x8xf32, #tpu.memory_space<vmem>>, vector<1600x8xf32>
    %get3A_5 = arith.constant 0 : index
    %get3A_6 = arith.constant 0 : index
    %get3A_7 = vector.load %arg3[%get3A_5, %get3A_6] : memref<64x64xf32, #tpu.memory_space<vmem>>, vector<64x64xf32>
    %dot_general3A = arith.constant dense<0.000000e+00> : vector<1600x64xf32>
    %dot_general3A_8 = tpu.matmul %get3A_1, %get3A_7, %dot_general3A {dimension_numbers = #tpu.dot_dimension_numbers<[1], [0], [0], [1], [0, 0, 1, 1], [], []>, precision = #tpu.contract_precision<fp32>, transpose_lhs_hint = false} : vector<1600x64xf32>, vector<64x64xf32>, vector<1600x64xf32> -> vector<1600x64xf32>
    %get3A_9 = arith.constant 0 : index
    %get3A_10 = arith.constant 0 : index
    %get3A_11 = vector.load %arg4[%get3A_9, %get3A_10] : memref<8x64xf32, #tpu.memory_space<vmem>>, vector<8x64xf32>
    %dot_general3A_12 = arith.constant dense<0.000000e+00> : vector<1600x64xf32>
    %dot_general3A_13 = tpu.matmul %get3A_4, %get3A_11, %dot_general3A_12 {dimension_numbers = #tpu.dot_dimension_numbers<[1], [0], [0], [1], [0, 0, 1, 1], [], []>, precision = #tpu.contract_precision<fp32>, transpose_lhs_hint = false} : vector<1600x8xf32>, vector<8x64xf32>, vector<1600x64xf32> -> vector<1600x64xf32>
    %add3A = arith.addf %dot_general3A_8, %dot_general3A_13 : vector<1600x64xf32>
    %get3A_14 = arith.constant 0 : index
    %get3A_15 = arith.constant 0 : index
    %get3A_16 = vector.load %arg7[%get3A_14, %get3A_15] : memref<8x64xf32, #tpu.memory_space<vmem>>, vector<8x64xf32>
    %dot_general3A_17 = arith.constant dense<0.000000e+00> : vector<1600x64xf32>
    %dot_general3A_18 = tpu.matmul %get3A_4, %get3A_16, %dot_general3A_17 {dimension_numbers = #tpu.dot_dimension_numbers<[1], [0], [0], [1], [0, 0, 1, 1], [], []>, precision = #tpu.contract_precision<fp32>, transpose_lhs_hint = false} : vector<1600x8xf32>, vector<8x64xf32>, vector<1600x64xf32> -> vector<1600x64xf32>
    %get3A_19 = arith.constant 0 : index
    %get3A_20 = arith.constant 0 : index
    %get3A_21 = vector.load %arg5[%get3A_19, %get3A_20] : memref<64x64xf32, #tpu.memory_space<vmem>>, vector<64x64xf32>
    %dot_general3A_22 = arith.constant dense<0.000000e+00> : vector<1600x64xf32>
    %dot_general3A_23 = tpu.matmul %get3A_1, %get3A_21, %dot_general3A_22 {dimension_numbers = #tpu.dot_dimension_numbers<[1], [0], [0], [1], [0, 0, 1, 1], [], []>, precision = #tpu.contract_precision<fp32>, transpose_lhs_hint = false} : vector<1600x64xf32>, vector<64x64xf32>, vector<1600x64xf32> -> vector<1600x64xf32>
    %get3A_24 = arith.constant 0 : index
    %get3A_25 = arith.constant 0 : index
    %get3A_26 = vector.load %arg6[%get3A_24, %get3A_25] : memref<8x64xf32, #tpu.memory_space<vmem>>, vector<8x64xf32>
    %dot_general3A_27 = arith.constant dense<0.000000e+00> : vector<1600x64xf32>
    %dot_general3A_28 = tpu.matmul %get3A_4, %get3A_26, %dot_general3A_27 {dimension_numbers = #tpu.dot_dimension_numbers<[1], [0], [0], [1], [0, 0, 1, 1], [], []>, precision = #tpu.contract_precision<fp32>, transpose_lhs_hint = false} : vector<1600x8xf32>, vector<8x64xf32>, vector<1600x64xf32> -> vector<1600x64xf32>
    %add3A_29 = arith.addf %dot_general3A_23, %dot_general3A_28 : vector<1600x64xf32>
    %swap3A = arith.constant 0 : index
    %swap3A_30 = arith.constant 0 : index
    %swap3A_31 = vector.load %arg8[%swap3A, %swap3A_30] : memref<1600x128xf32, #tpu.memory_space<vmem>>, vector<1600x64xf32>
    tpu.vector_store %arg8[%swap3A, %swap3A_30], %add3A {strides = array<i32>} : memref<1600x128xf32, #tpu.memory_space<vmem>>, vector<1600x64xf32>,
    %swap3A_32 = arith.constant 0 : index
    %swap3A_33 = arith.constant 64 : index
    %swap3A_34 = vector.load %arg8[%swap3A_32, %swap3A_33] : memref<1600x128xf32, #tpu.memory_space<vmem>>, vector<1600x64xf32>
    tpu.vector_store %arg8[%swap3A_32, %swap3A_33], %dot_general3A_18 {strides = array<i32>} : memref<1600x128xf32, #tpu.memory_space<vmem>>, vector<1600x64xf32>,
    %add3A_35 = arith.addf %add3A_29, %dot_general3A_18 : vector<1600x64xf32>
    %swap3A_36 = arith.constant 0 : index
    %swap3A_37 = arith.constant 0 : index
    %swap3A_38 = vector.load %arg9[%swap3A_36, %swap3A_37] : memref<1600x128xf32, #tpu.memory_space<vmem>>, vector<1600x64xf32>
    tpu.vector_store %arg9[%swap3A_36, %swap3A_37], %add3A_35 {strides = array<i32>} : memref<1600x128xf32, #tpu.memory_space<vmem>>, vector<1600x64xf32>,
    %broadcast_in_dim3A = arith.constant 0.000000e+00 : f32
    %broadcast_in_dim3A_39 = vector.broadcast %broadcast_in_dim3A : f32 to vector<1600x64xf32>
    %swap3A_40 = arith.constant 0 : index
    %swap3A_41 = arith.constant 64 : index
    %swap3A_42 = vector.load %arg9[%swap3A_40, %swap3A_41] : memref<1600x128xf32, #tpu.memory_space<vmem>>, vector<1600x64xf32>
    tpu.vector_store %arg9[%swap3A_40, %swap3A_41], %broadcast_in_dim3A_39 {strides = array<i32>} : memref<1600x128xf32, #tpu.memory_space<vmem>>, vector<1600x64xf32>,
    return
  }
  func.func @transform_0(%arg0: i32) -> (i32, i32) {
    %c0_i32 = arith.constant 0 : i32
    %c0_i32_0 = arith.constant 0 : i32
    return %arg0, %c0_i32 : i32, i32
  }
  func.func @transform_1(%arg0: i32) -> (i32, i32) {
    %c0_i32 = arith.constant 0 : i32
    %c0_i32_0 = arith.constant 0 : i32
    return %arg0, %c0_i32 : i32, i32
  }
  func.func @transform_2(%arg0: i32) -> (i32, i32) {
    %c0_i32 = arith.constant 0 : i32
    %c0_i32_0 = arith.constant 0 : i32
    %c0_i32_1 = arith.constant 0 : i32
    return %c0_i32, %c0_i32_0 : i32, i32
  }
  func.func @transform_3(%arg0: i32) -> (i32, i32) {
    %c0_i32 = arith.constant 0 : i32
    %c0_i32_0 = arith.constant 0 : i32
    %c0_i32_1 = arith.constant 0 : i32
    return %c0_i32, %c0_i32_0 : i32, i32
  }
  func.func @transform_4(%arg0: i32) -> (i32, i32) {
    %c0_i32 = arith.constant 0 : i32
    %c0_i32_0 = arith.constant 0 : i32
    %c0_i32_1 = arith.constant 0 : i32
    return %c0_i32, %c0_i32_0 : i32, i32
  }
  func.func @transform_5(%arg0: i32) -> (i32, i32) {
    %c0_i32 = arith.constant 0 : i32
    %c0_i32_0 = arith.constant 0 : i32
    %c0_i32_1 = arith.constant 0 : i32
    return %c0_i32, %c0_i32_0 : i32, i32
  }
  func.func @transform_6(%arg0: i32) -> (i32, i32) {
    %c0_i32 = arith.constant 0 : i32
    %c0_i32_0 = arith.constant 0 : i32
    %c0_i32_1 = arith.constant 0 : i32
    return %c0_i32, %c0_i32_0 : i32, i32
  }
  func.func @transform_7(%arg0: i32) -> (i32, i32) {
    %c0_i32 = arith.constant 0 : i32
    %c0_i32_0 = arith.constant 0 : i32
    return %arg0, %c0_i32 : i32, i32
  }
  func.func @transform_8(%arg0: i32) -> (i32, i32) {
    %c0_i32 = arith.constant 0 : i32
    %c0_i32_0 = arith.constant 0 : i32
    return %arg0, %c0_i32 : i32, i32
  }
}

module attributes {stable_mosaic.version = 14 : i64} {
  func.func @_knn_body(%arg0: i32, %arg1: memref<12800x3xf32, #tpu.memory_space<vmem>>, %arg2: memref<3x128xf32, #tpu.memory_space<vmem>>, %arg3: memref<3x128xi32, #tpu.memory_space<vmem>>) attributes {dimension_semantics = [#tpu.dimension_semantics<arbitrary>], iteration_bounds = array<i64: 400>, scalar_prefetch = 0 : i64, scratch_operands = 0 : i64, tpu.core_type = #tpu.core_type<tc>, window_params = [{pipeline_mode = #tpu.pipeline_mode<synchronous>, transform_indices = @transform_0, window_bounds = array<i64: 12800, 3>}, {transform_indices = @transform_1, window_bounds = array<i64: 3, 128>}, {transform_indices = @transform_2, window_bounds = array<i64: 3, 128>}]} {
    %get3A = arith.constant 0 : index
    %get3A_0 = arith.constant 0 : index
    %get3A_1 = vector.load %arg2[%get3A, %get3A_0] : memref<3x128xf32, #tpu.memory_space<vmem>>, vector<1x128xf32>
    %get3A_2 = arith.constant 1 : index
    %get3A_3 = arith.constant 0 : index
    %get3A_4 = vector.load %arg2[%get3A_2, %get3A_3] : memref<3x128xf32, #tpu.memory_space<vmem>>, vector<1x128xf32>
    %get3A_5 = arith.constant 2 : index
    %get3A_6 = arith.constant 0 : index
    %get3A_7 = vector.load %arg2[%get3A_5, %get3A_6] : memref<3x128xf32, #tpu.memory_space<vmem>>, vector<1x128xf32>
    %iota3A = tpu.iota {dimensions = array<i32: 0>} : vector<512x128xi32>
    %broadcast_in_dim3A = arith.constant 2147483647 : i32
    %broadcast_in_dim3A_8 = vector.broadcast %broadcast_in_dim3A : i32 to vector<512x128xi32>
    %scan3A = arith.constant -16384 : i32
    %scan3A_9 = arith.constant 0 : i32
    %scan3A_10 = arith.constant 25 : i32
    %scan3A_11 = arith.addi %scan3A_9, %scan3A_10 : i32
    %scan3A_12 = arith.constant 1 : i32
    %scan3A_13:3 = scf.for %scan3A_46 = %scan3A_9 to %scan3A_11 step %scan3A_12 iter_args(%scan3A_47 = %broadcast_in_dim3A_8, %scan3A_48 = %broadcast_in_dim3A_8, %scan3A_49 = %broadcast_in_dim3A_8) -> (vector<512x128xi32>, vector<512x128xi32>, vector<512x128xi32>)  : i32 {
      %mul3A = arith.constant 512 : i32
      %mul3A_50 = arith.muli %scan3A_46, %mul3A : i32
      %get3A_51 = arith.index_cast %mul3A_50 : i32 to index
      %get3A_52 = arith.constant 0 : index
      %get3A_53 = vector.load %arg1[%get3A_51, %get3A_52] : memref<12800x3xf32, #tpu.memory_space<vmem>>, vector<512x3xf32>
      %slice3A = vector.extract_strided_slice %get3A_53 {offsets = [0, 0], sizes = [512, 1], strides = [1, 1]} : vector<512x3xf32> to vector<512x1xf32>
      %sub3A = vector.broadcast %slice3A : vector<512x1xf32> to vector<512x128xf32>
      %sub3A_54 = vector.broadcast %get3A_1 : vector<1x128xf32> to vector<512x128xf32>
      %sub3A_55 = arith.subf %sub3A, %sub3A_54 : vector<512x128xf32>
      %slice3A_56 = vector.extract_strided_slice %get3A_53 {offsets = [0, 1], sizes = [512, 1], strides = [1, 1]} : vector<512x3xf32> to vector<512x1xf32>
      %sub3A_57 = vector.broadcast %slice3A_56 : vector<512x1xf32> to vector<512x128xf32>
      %sub3A_58 = vector.broadcast %get3A_4 : vector<1x128xf32> to vector<512x128xf32>
      %sub3A_59 = arith.subf %sub3A_57, %sub3A_58 : vector<512x128xf32>
      %slice3A_60 = vector.extract_strided_slice %get3A_53 {offsets = [0, 2], sizes = [512, 1], strides = [1, 1]} : vector<512x3xf32> to vector<512x1xf32>
      %sub3A_61 = vector.broadcast %slice3A_60 : vector<512x1xf32> to vector<512x128xf32>
      %sub3A_62 = vector.broadcast %get3A_7 : vector<1x128xf32> to vector<512x128xf32>
      %sub3A_63 = arith.subf %sub3A_61, %sub3A_62 : vector<512x128xf32>
      %mul3A_64 = arith.mulf %sub3A_55, %sub3A_55 : vector<512x128xf32>
      %mul3A_65 = arith.mulf %sub3A_59, %sub3A_59 : vector<512x128xf32>
      %add3A = arith.addf %mul3A_64, %mul3A_65 : vector<512x128xf32>
      %mul3A_66 = arith.mulf %sub3A_63, %sub3A_63 : vector<512x128xf32>
      %add3A_67 = arith.addf %add3A, %mul3A_66 : vector<512x128xf32>
      %bitcast_convert_type3A = tpu.bitcast %add3A_67 : vector<512x128xf32> -> vector<512x128xi32>
      %and3A_68 = vector.broadcast %scan3A : i32 to vector<512x128xi32>
      %and3A_69 = arith.andi %bitcast_convert_type3A, %and3A_68 : vector<512x128xi32>
      %mul3A_70 = arith.constant 512 : i32
      %mul3A_71 = arith.muli %scan3A_46, %mul3A_70 : i32
      %add3A_72 = vector.broadcast %mul3A_71 : i32 to vector<512x128xi32>
      %add3A_73 = arith.addi %iota3A, %add3A_72 : vector<512x128xi32>
      %or3A = arith.ori %and3A_69, %add3A_73 : vector<512x128xi32>
      %max3A = arith.maxsi %scan3A_47, %or3A : vector<512x128xi32>
      %min3A = arith.minsi %scan3A_47, %or3A : vector<512x128xi32>
      %max3A_74 = arith.maxsi %scan3A_48, %max3A : vector<512x128xi32>
      %min3A_75 = arith.minsi %scan3A_48, %max3A : vector<512x128xi32>
      %min3A_76 = arith.minsi %scan3A_49, %max3A_74 : vector<512x128xi32>
      scf.yield %min3A, %min3A_75, %min3A_76 : vector<512x128xi32>, vector<512x128xi32>, vector<512x128xi32>
    }
    %scan3A_14 = arith.constant 25 : i32
    %concatenate3A = tpu.concatenate %scan3A_13#0, %scan3A_13#1, %scan3A_13#2 in 0 : vector<512x128xi32>, vector<512x128xi32>, vector<512x128xi32> -> vector<1536x128xi32>
    %reduce_min3A = arith.constant dense<2147483647> : vector<128xi32>
    %reduce_min3A_15 = vector.multi_reduction <minsi>, %concatenate3A, %reduce_min3A [0] : vector<1536x128xi32> to vector<128xi32>
    %broadcast_in_dim3A_16 = vector.shape_cast %reduce_min3A_15 : vector<128xi32> to vector<1x128xi32>
    %and3A = arith.constant 16383 : i32
    %and3A_17 = vector.broadcast %and3A : i32 to vector<1x128xi32>
    %and3A_18 = arith.andi %broadcast_in_dim3A_16, %and3A_17 : vector<1x128xi32>
    %swap3A = arith.constant 0 : index
    %swap3A_19 = arith.constant 0 : index
    %swap3A_20 = vector.load %arg3[%swap3A, %swap3A_19] : memref<3x128xi32, #tpu.memory_space<vmem>>, vector<1x128xi32>
    tpu.vector_store %arg3[%swap3A, %swap3A_19], %and3A_18 {strides = array<i32>} : memref<3x128xi32, #tpu.memory_space<vmem>>, vector<1x128xi32>,
    %eq3A = vector.broadcast %broadcast_in_dim3A_16 : vector<1x128xi32> to vector<1536x128xi32>
    %eq3A_21 = arith.cmpi eq, %concatenate3A, %eq3A : vector<1536x128xi32>
    %jit3A = arith.constant 2147483647 : i32
    %broadcast_in_dim3A_22 = vector.broadcast %jit3A : i32 to vector<1536x128xi32>
    %select_n3A = arith.select %eq3A_21, %broadcast_in_dim3A_22, %concatenate3A : vector<1536x128xi1>, vector<1536x128xi32>
    %reduce_min3A_23 = arith.constant dense<2147483647> : vector<128xi32>
    %reduce_min3A_24 = vector.multi_reduction <minsi>, %select_n3A, %reduce_min3A_23 [0] : vector<1536x128xi32> to vector<128xi32>
    %broadcast_in_dim3A_25 = vector.shape_cast %reduce_min3A_24 : vector<128xi32> to vector<1x128xi32>
    %and3A_26 = arith.constant 16383 : i32
    %and3A_27 = vector.broadcast %and3A_26 : i32 to vector<1x128xi32>
    %and3A_28 = arith.andi %broadcast_in_dim3A_25, %and3A_27 : vector<1x128xi32>
    %swap3A_29 = arith.constant 1 : index
    %swap3A_30 = arith.constant 0 : index
    %swap3A_31 = vector.load %arg3[%swap3A_29, %swap3A_30] : memref<3x128xi32, #tpu.memory_space<vmem>>, vector<1x128xi32>
    tpu.vector_store %arg3[%swap3A_29, %swap3A_30], %and3A_28 {strides = array<i32>} : memref<3x128xi32, #tpu.memory_space<vmem>>, vector<1x128xi32>,
    %eq3A_32 = vector.broadcast %broadcast_in_dim3A_25 : vector<1x128xi32> to vector<1536x128xi32>
    %eq3A_33 = arith.cmpi eq, %select_n3A, %eq3A_32 : vector<1536x128xi32>
    %jit3A_34 = arith.constant 2147483647 : i32
    %broadcast_in_dim3A_35 = vector.broadcast %jit3A_34 : i32 to vector<1536x128xi32>
    %select_n3A_36 = arith.select %eq3A_33, %broadcast_in_dim3A_35, %select_n3A : vector<1536x128xi1>, vector<1536x128xi32>
    %reduce_min3A_37 = arith.constant dense<2147483647> : vector<128xi32>
    %reduce_min3A_38 = vector.multi_reduction <minsi>, %select_n3A_36, %reduce_min3A_37 [0] : vector<1536x128xi32> to vector<128xi32>
    %broadcast_in_dim3A_39 = vector.shape_cast %reduce_min3A_38 : vector<128xi32> to vector<1x128xi32>
    %and3A_40 = arith.constant 16383 : i32
    %and3A_41 = vector.broadcast %and3A_40 : i32 to vector<1x128xi32>
    %and3A_42 = arith.andi %broadcast_in_dim3A_39, %and3A_41 : vector<1x128xi32>
    %swap3A_43 = arith.constant 2 : index
    %swap3A_44 = arith.constant 0 : index
    %swap3A_45 = vector.load %arg3[%swap3A_43, %swap3A_44] : memref<3x128xi32, #tpu.memory_space<vmem>>, vector<1x128xi32>
    tpu.vector_store %arg3[%swap3A_43, %swap3A_44], %and3A_42 {strides = array<i32>} : memref<3x128xi32, #tpu.memory_space<vmem>>, vector<1x128xi32>,
    return
  }
  func.func @transform_0(%arg0: i32) -> (i32, i32) {
    %c0_i32 = arith.constant 0 : i32
    %c0_i32_0 = arith.constant 0 : i32
    %c0_i32_1 = arith.constant 0 : i32
    return %c0_i32, %c0_i32_0 : i32, i32
  }
  func.func @transform_1(%arg0: i32) -> (i32, i32) {
    %c0_i32 = arith.constant 0 : i32
    %c0_i32_0 = arith.constant 0 : i32
    return %c0_i32, %arg0 : i32, i32
  }
  func.func @transform_2(%arg0: i32) -> (i32, i32) {
    %c0_i32 = arith.constant 0 : i32
    %c0_i32_0 = arith.constant 0 : i32
    return %c0_i32, %arg0 : i32, i32
  }
}

module attributes {stable_mosaic.version = 14 : i64} {
  func.func @body(%arg0: i32, %arg1: memref<3x512x128xf32, #tpu.memory_space<vmem>>, %arg2: memref<512x3xf32, #tpu.memory_space<vmem>>, %arg3: memref<512x64xf32, #tpu.memory_space<vmem>>) attributes {dimension_semantics = [#tpu.dimension_semantics<arbitrary>], iteration_bounds = array<i64: 100>, scalar_prefetch = 0 : i64, scratch_operands = 0 : i64, tpu.core_type = #tpu.core_type<tc>, window_params = [{transform_indices = @transform_0, window_bounds = array<i64: 3, 512, 128>}, {transform_indices = @transform_1, window_bounds = array<i64: 512, 3>}, {transform_indices = @transform_2, window_bounds = array<i64: 512, 64>}]} {
    %get3A = arith.constant 0 : index
    %get3A_0 = arith.constant 0 : index
    %get3A_1 = vector.load %arg2[%get3A, %get3A_0] : memref<512x3xf32, #tpu.memory_space<vmem>>, vector<512x3xf32>
    %get3A_2 = arith.constant 0 : index
    %get3A_3 = arith.constant 0 : index
    %get3A_4 = arith.constant 0 : index
    %get3A_5 = vector.load %arg1[%get3A_2, %get3A_3, %get3A_4] : memref<3x512x128xf32, #tpu.memory_space<vmem>>, vector<1x512x128xf32>
    %get3A_6 = vector.shape_cast %get3A_5 : vector<1x512x128xf32> to vector<512x128xf32>
    %slice3A = vector.extract_strided_slice %get3A_6 {offsets = [0, 64], sizes = [512, 3], strides = [1, 1]} : vector<512x128xf32> to vector<512x3xf32>
    %sub3A = arith.subf %slice3A, %get3A_1 : vector<512x3xf32>
    %mul3A = arith.mulf %sub3A, %sub3A : vector<512x3xf32>
    %slice3A_7 = vector.extract_strided_slice %mul3A {offsets = [0, 0], sizes = [512, 1], strides = [1, 1]} : vector<512x3xf32> to vector<512x1xf32>
    %slice3A_8 = vector.extract_strided_slice %mul3A {offsets = [0, 1], sizes = [512, 1], strides = [1, 1]} : vector<512x3xf32> to vector<512x1xf32>
    %add3A = arith.addf %slice3A_7, %slice3A_8 : vector<512x1xf32>
    %slice3A_9 = vector.extract_strided_slice %mul3A {offsets = [0, 2], sizes = [512, 1], strides = [1, 1]} : vector<512x3xf32> to vector<512x1xf32>
    %add3A_10 = arith.addf %add3A, %slice3A_9 : vector<512x1xf32>
    %max3A = arith.constant 1.000000e-16 : f32
    %max3A_11 = vector.broadcast %max3A : f32 to vector<512x1xf32>
    %max3A_12 = arith.maximumf %add3A_10, %max3A_11 : vector<512x1xf32>
    %div3A = arith.constant 1.000000e+00 : f32
    %div3A_13 = vector.broadcast %div3A : f32 to vector<512x1xf32>
    %div3A_14 = arith.divf %div3A_13, %max3A_12 : vector<512x1xf32>
    %slice3A_15 = vector.extract_strided_slice %get3A_6 {offsets = [0, 0], sizes = [512, 64], strides = [1, 1]} : vector<512x128xf32> to vector<512x64xf32>
    %mul3A_16 = vector.broadcast %div3A_14 : vector<512x1xf32> to vector<512x64xf32>
    %mul3A_17 = arith.mulf %slice3A_15, %mul3A_16 : vector<512x64xf32>
    %get3A_18 = arith.constant 1 : index
    %get3A_19 = arith.constant 0 : index
    %get3A_20 = arith.constant 0 : index
    %get3A_21 = vector.load %arg1[%get3A_18, %get3A_19, %get3A_20] : memref<3x512x128xf32, #tpu.memory_space<vmem>>, vector<1x512x128xf32>
    %get3A_22 = vector.shape_cast %get3A_21 : vector<1x512x128xf32> to vector<512x128xf32>
    %slice3A_23 = vector.extract_strided_slice %get3A_22 {offsets = [0, 64], sizes = [512, 3], strides = [1, 1]} : vector<512x128xf32> to vector<512x3xf32>
    %sub3A_24 = arith.subf %slice3A_23, %get3A_1 : vector<512x3xf32>
    %mul3A_25 = arith.mulf %sub3A_24, %sub3A_24 : vector<512x3xf32>
    %slice3A_26 = vector.extract_strided_slice %mul3A_25 {offsets = [0, 0], sizes = [512, 1], strides = [1, 1]} : vector<512x3xf32> to vector<512x1xf32>
    %slice3A_27 = vector.extract_strided_slice %mul3A_25 {offsets = [0, 1], sizes = [512, 1], strides = [1, 1]} : vector<512x3xf32> to vector<512x1xf32>
    %add3A_28 = arith.addf %slice3A_26, %slice3A_27 : vector<512x1xf32>
    %slice3A_29 = vector.extract_strided_slice %mul3A_25 {offsets = [0, 2], sizes = [512, 1], strides = [1, 1]} : vector<512x3xf32> to vector<512x1xf32>
    %add3A_30 = arith.addf %add3A_28, %slice3A_29 : vector<512x1xf32>
    %max3A_31 = arith.constant 1.000000e-16 : f32
    %max3A_32 = vector.broadcast %max3A_31 : f32 to vector<512x1xf32>
    %max3A_33 = arith.maximumf %add3A_30, %max3A_32 : vector<512x1xf32>
    %div3A_34 = arith.constant 1.000000e+00 : f32
    %div3A_35 = vector.broadcast %div3A_34 : f32 to vector<512x1xf32>
    %div3A_36 = arith.divf %div3A_35, %max3A_33 : vector<512x1xf32>
    %slice3A_37 = vector.extract_strided_slice %get3A_22 {offsets = [0, 0], sizes = [512, 64], strides = [1, 1]} : vector<512x128xf32> to vector<512x64xf32>
    %mul3A_38 = vector.broadcast %div3A_36 : vector<512x1xf32> to vector<512x64xf32>
    %mul3A_39 = arith.mulf %slice3A_37, %mul3A_38 : vector<512x64xf32>
    %add3A_40 = arith.addf %mul3A_17, %mul3A_39 : vector<512x64xf32>
    %add3A_41 = arith.addf %div3A_14, %div3A_36 : vector<512x1xf32>
    %get3A_42 = arith.constant 2 : index
    %get3A_43 = arith.constant 0 : index
    %get3A_44 = arith.constant 0 : index
    %get3A_45 = vector.load %arg1[%get3A_42, %get3A_43, %get3A_44] : memref<3x512x128xf32, #tpu.memory_space<vmem>>, vector<1x512x128xf32>
    %get3A_46 = vector.shape_cast %get3A_45 : vector<1x512x128xf32> to vector<512x128xf32>
    %slice3A_47 = vector.extract_strided_slice %get3A_46 {offsets = [0, 64], sizes = [512, 3], strides = [1, 1]} : vector<512x128xf32> to vector<512x3xf32>
    %sub3A_48 = arith.subf %slice3A_47, %get3A_1 : vector<512x3xf32>
    %mul3A_49 = arith.mulf %sub3A_48, %sub3A_48 : vector<512x3xf32>
    %slice3A_50 = vector.extract_strided_slice %mul3A_49 {offsets = [0, 0], sizes = [512, 1], strides = [1, 1]} : vector<512x3xf32> to vector<512x1xf32>
    %slice3A_51 = vector.extract_strided_slice %mul3A_49 {offsets = [0, 1], sizes = [512, 1], strides = [1, 1]} : vector<512x3xf32> to vector<512x1xf32>
    %add3A_52 = arith.addf %slice3A_50, %slice3A_51 : vector<512x1xf32>
    %slice3A_53 = vector.extract_strided_slice %mul3A_49 {offsets = [0, 2], sizes = [512, 1], strides = [1, 1]} : vector<512x3xf32> to vector<512x1xf32>
    %add3A_54 = arith.addf %add3A_52, %slice3A_53 : vector<512x1xf32>
    %max3A_55 = arith.constant 1.000000e-16 : f32
    %max3A_56 = vector.broadcast %max3A_55 : f32 to vector<512x1xf32>
    %max3A_57 = arith.maximumf %add3A_54, %max3A_56 : vector<512x1xf32>
    %div3A_58 = arith.constant 1.000000e+00 : f32
    %div3A_59 = vector.broadcast %div3A_58 : f32 to vector<512x1xf32>
    %div3A_60 = arith.divf %div3A_59, %max3A_57 : vector<512x1xf32>
    %slice3A_61 = vector.extract_strided_slice %get3A_46 {offsets = [0, 0], sizes = [512, 64], strides = [1, 1]} : vector<512x128xf32> to vector<512x64xf32>
    %mul3A_62 = vector.broadcast %div3A_60 : vector<512x1xf32> to vector<512x64xf32>
    %mul3A_63 = arith.mulf %slice3A_61, %mul3A_62 : vector<512x64xf32>
    %add3A_64 = arith.addf %add3A_40, %mul3A_63 : vector<512x64xf32>
    %add3A_65 = arith.addf %add3A_41, %div3A_60 : vector<512x1xf32>
    %div3A_66 = vector.broadcast %add3A_65 : vector<512x1xf32> to vector<512x64xf32>
    %div3A_67 = arith.divf %add3A_64, %div3A_66 : vector<512x64xf32>
    %swap3A = arith.constant 0 : index
    %swap3A_68 = arith.constant 0 : index
    %swap3A_69 = vector.load %arg3[%swap3A, %swap3A_68] : memref<512x64xf32, #tpu.memory_space<vmem>>, vector<512x64xf32>
    tpu.vector_store %arg3[%swap3A, %swap3A_68], %div3A_67 {strides = array<i32>} : memref<512x64xf32, #tpu.memory_space<vmem>>, vector<512x64xf32>,
    return
  }
  func.func @transform_0(%arg0: i32) -> (i32, i32, i32) {
    %c0_i32 = arith.constant 0 : i32
    %c0_i32_0 = arith.constant 0 : i32
    %c0_i32_1 = arith.constant 0 : i32
    return %c0_i32, %arg0, %c0_i32_0 : i32, i32, i32
  }
  func.func @transform_1(%arg0: i32) -> (i32, i32) {
    %c0_i32 = arith.constant 0 : i32
    %c0_i32_0 = arith.constant 0 : i32
    return %arg0, %c0_i32 : i32, i32
  }
  func.func @transform_2(%arg0: i32) -> (i32, i32) {
    %c0_i32 = arith.constant 0 : i32
    %c0_i32_0 = arith.constant 0 : i32
    return %arg0, %c0_i32 : i32, i32
  }
}

module attributes {stable_mosaic.version = 14 : i64} {
  func.func @body(%arg0: i32, %arg1: memref<1600x64xf32, #tpu.memory_space<vmem>>, %arg2: memref<1600x8xf32, #tpu.memory_space<vmem>>, %arg3: memref<64x64xf32, #tpu.memory_space<vmem>>, %arg4: memref<8x64xf32, #tpu.memory_space<vmem>>, %arg5: memref<64x64xf32, #tpu.memory_space<vmem>>, %arg6: memref<8x64xf32, #tpu.memory_space<vmem>>, %arg7: memref<8x64xf32, #tpu.memory_space<vmem>>, %arg8: memref<1600x128xf32, #tpu.memory_space<vmem>>, %arg9: memref<1600x128xf32, #tpu.memory_space<vmem>>) attributes {dimension_semantics = [#tpu.dimension_semantics<arbitrary>], iteration_bounds = array<i64: 32>, scalar_prefetch = 0 : i64, scratch_operands = 0 : i64, tpu.core_type = #tpu.core_type<tc>, window_params = [{transform_indices = @transform_0, window_bounds = array<i64: 1600, 64>}, {transform_indices = @transform_1, window_bounds = array<i64: 1600, 8>}, {pipeline_mode = #tpu.pipeline_mode<synchronous>, transform_indices = @transform_2, window_bounds = array<i64: 64, 64>}, {pipeline_mode = #tpu.pipeline_mode<synchronous>, transform_indices = @transform_3, window_bounds = array<i64: 8, 64>}, {pipeline_mode = #tpu.pipeline_mode<synchronous>, transform_indices = @transform_4, window_bounds = array<i64: 64, 64>}, {pipeline_mode = #tpu.pipeline_mode<synchronous>, transform_indices = @transform_5, window_bounds = array<i64: 8, 64>}, {pipeline_mode = #tpu.pipeline_mode<synchronous>, transform_indices = @transform_6, window_bounds = array<i64: 8, 64>}, {transform_indices = @transform_7, window_bounds = array<i64: 1600, 128>}, {transform_indices = @transform_8, window_bounds = array<i64: 1600, 128>}]} {
    %get3A = arith.constant 0 : index
    %get3A_0 = arith.constant 0 : index
    %get3A_1 = vector.load %arg1[%get3A, %get3A_0] : memref<1600x64xf32, #tpu.memory_space<vmem>>, vector<1600x64xf32>
    %get3A_2 = arith.constant 0 : index
    %get3A_3 = arith.constant 0 : index
    %get3A_4 = vector.load %arg2[%get3A_2, %get3A_3] : memref<1600x8xf32, #tpu.memory_space<vmem>>, vector<1600x8xf32>
    %get3A_5 = arith.constant 0 : index
    %get3A_6 = arith.constant 0 : index
    %get3A_7 = vector.load %arg3[%get3A_5, %get3A_6] : memref<64x64xf32, #tpu.memory_space<vmem>>, vector<64x64xf32>
    %dot_general3A = arith.constant dense<0.000000e+00> : vector<1600x64xf32>
    %dot_general3A_8 = tpu.matmul %get3A_1, %get3A_7, %dot_general3A {dimension_numbers = #tpu.dot_dimension_numbers<[1], [0], [0], [1], [0, 0, 1, 1], [], []>, precision = #tpu.contract_precision<fp32>, transpose_lhs_hint = false} : vector<1600x64xf32>, vector<64x64xf32>, vector<1600x64xf32> -> vector<1600x64xf32>
    %get3A_9 = arith.constant 0 : index
    %get3A_10 = arith.constant 0 : index
    %get3A_11 = vector.load %arg4[%get3A_9, %get3A_10] : memref<8x64xf32, #tpu.memory_space<vmem>>, vector<8x64xf32>
    %dot_general3A_12 = arith.constant dense<0.000000e+00> : vector<1600x64xf32>
    %dot_general3A_13 = tpu.matmul %get3A_4, %get3A_11, %dot_general3A_12 {dimension_numbers = #tpu.dot_dimension_numbers<[1], [0], [0], [1], [0, 0, 1, 1], [], []>, precision = #tpu.contract_precision<fp32>, transpose_lhs_hint = false} : vector<1600x8xf32>, vector<8x64xf32>, vector<1600x64xf32> -> vector<1600x64xf32>
    %add3A = arith.addf %dot_general3A_8, %dot_general3A_13 : vector<1600x64xf32>
    %get3A_14 = arith.constant 0 : index
    %get3A_15 = arith.constant 0 : index
    %get3A_16 = vector.load %arg7[%get3A_14, %get3A_15] : memref<8x64xf32, #tpu.memory_space<vmem>>, vector<8x64xf32>
    %dot_general3A_17 = arith.constant dense<0.000000e+00> : vector<1600x64xf32>
    %dot_general3A_18 = tpu.matmul %get3A_4, %get3A_16, %dot_general3A_17 {dimension_numbers = #tpu.dot_dimension_numbers<[1], [0], [0], [1], [0, 0, 1, 1], [], []>, precision = #tpu.contract_precision<fp32>, transpose_lhs_hint = false} : vector<1600x8xf32>, vector<8x64xf32>, vector<1600x64xf32> -> vector<1600x64xf32>
    %get3A_19 = arith.constant 0 : index
    %get3A_20 = arith.constant 0 : index
    %get3A_21 = vector.load %arg5[%get3A_19, %get3A_20] : memref<64x64xf32, #tpu.memory_space<vmem>>, vector<64x64xf32>
    %dot_general3A_22 = arith.constant dense<0.000000e+00> : vector<1600x64xf32>
    %dot_general3A_23 = tpu.matmul %get3A_1, %get3A_21, %dot_general3A_22 {dimension_numbers = #tpu.dot_dimension_numbers<[1], [0], [0], [1], [0, 0, 1, 1], [], []>, precision = #tpu.contract_precision<fp32>, transpose_lhs_hint = false} : vector<1600x64xf32>, vector<64x64xf32>, vector<1600x64xf32> -> vector<1600x64xf32>
    %get3A_24 = arith.constant 0 : index
    %get3A_25 = arith.constant 0 : index
    %get3A_26 = vector.load %arg6[%get3A_24, %get3A_25] : memref<8x64xf32, #tpu.memory_space<vmem>>, vector<8x64xf32>
    %dot_general3A_27 = arith.constant dense<0.000000e+00> : vector<1600x64xf32>
    %dot_general3A_28 = tpu.matmul %get3A_4, %get3A_26, %dot_general3A_27 {dimension_numbers = #tpu.dot_dimension_numbers<[1], [0], [0], [1], [0, 0, 1, 1], [], []>, precision = #tpu.contract_precision<fp32>, transpose_lhs_hint = false} : vector<1600x8xf32>, vector<8x64xf32>, vector<1600x64xf32> -> vector<1600x64xf32>
    %add3A_29 = arith.addf %dot_general3A_23, %dot_general3A_28 : vector<1600x64xf32>
    %swap3A = arith.constant 0 : index
    %swap3A_30 = arith.constant 0 : index
    %swap3A_31 = vector.load %arg8[%swap3A, %swap3A_30] : memref<1600x128xf32, #tpu.memory_space<vmem>>, vector<1600x64xf32>
    tpu.vector_store %arg8[%swap3A, %swap3A_30], %add3A {strides = array<i32>} : memref<1600x128xf32, #tpu.memory_space<vmem>>, vector<1600x64xf32>,
    %swap3A_32 = arith.constant 0 : index
    %swap3A_33 = arith.constant 64 : index
    %swap3A_34 = vector.load %arg8[%swap3A_32, %swap3A_33] : memref<1600x128xf32, #tpu.memory_space<vmem>>, vector<1600x64xf32>
    tpu.vector_store %arg8[%swap3A_32, %swap3A_33], %dot_general3A_18 {strides = array<i32>} : memref<1600x128xf32, #tpu.memory_space<vmem>>, vector<1600x64xf32>,
    %add3A_35 = arith.addf %add3A_29, %dot_general3A_18 : vector<1600x64xf32>
    %swap3A_36 = arith.constant 0 : index
    %swap3A_37 = arith.constant 0 : index
    %swap3A_38 = vector.load %arg9[%swap3A_36, %swap3A_37] : memref<1600x128xf32, #tpu.memory_space<vmem>>, vector<1600x64xf32>
    tpu.vector_store %arg9[%swap3A_36, %swap3A_37], %add3A_35 {strides = array<i32>} : memref<1600x128xf32, #tpu.memory_space<vmem>>, vector<1600x64xf32>,
    %broadcast_in_dim3A = arith.constant 0.000000e+00 : f32
    %broadcast_in_dim3A_39 = vector.broadcast %broadcast_in_dim3A : f32 to vector<1600x64xf32>
    %swap3A_40 = arith.constant 0 : index
    %swap3A_41 = arith.constant 64 : index
    %swap3A_42 = vector.load %arg9[%swap3A_40, %swap3A_41] : memref<1600x128xf32, #tpu.memory_space<vmem>>, vector<1600x64xf32>
    tpu.vector_store %arg9[%swap3A_40, %swap3A_41], %broadcast_in_dim3A_39 {strides = array<i32>} : memref<1600x128xf32, #tpu.memory_space<vmem>>, vector<1600x64xf32>,
    return
  }
  func.func @transform_0(%arg0: i32) -> (i32, i32) {
    %c0_i32 = arith.constant 0 : i32
    %c0_i32_0 = arith.constant 0 : i32
    return %arg0, %c0_i32 : i32, i32
  }
  func.func @transform_1(%arg0: i32) -> (i32, i32) {
    %c0_i32 = arith.constant 0 : i32
    %c0_i32_0 = arith.constant 0 : i32
    return %arg0, %c0_i32 : i32, i32
  }
  func.func @transform_2(%arg0: i32) -> (i32, i32) {
    %c0_i32 = arith.constant 0 : i32
    %c0_i32_0 = arith.constant 0 : i32
    %c0_i32_1 = arith.constant 0 : i32
    return %c0_i32, %c0_i32_0 : i32, i32
  }
  func.func @transform_3(%arg0: i32) -> (i32, i32) {
    %c0_i32 = arith.constant 0 : i32
    %c0_i32_0 = arith.constant 0 : i32
    %c0_i32_1 = arith.constant 0 : i32
    return %c0_i32, %c0_i32_0 : i32, i32
  }
  func.func @transform_4(%arg0: i32) -> (i32, i32) {
    %c0_i32 = arith.constant 0 : i32
    %c0_i32_0 = arith.constant 0 : i32
    %c0_i32_1 = arith.constant 0 : i32
    return %c0_i32, %c0_i32_0 : i32, i32
  }
  func.func @transform_5(%arg0: i32) -> (i32, i32) {
    %c0_i32 = arith.constant 0 : i32
    %c0_i32_0 = arith.constant 0 : i32
    %c0_i32_1 = arith.constant 0 : i32
    return %c0_i32, %c0_i32_0 : i32, i32
  }
  func.func @transform_6(%arg0: i32) -> (i32, i32) {
    %c0_i32 = arith.constant 0 : i32
    %c0_i32_0 = arith.constant 0 : i32
    %c0_i32_1 = arith.constant 0 : i32
    return %c0_i32, %c0_i32_0 : i32, i32
  }
  func.func @transform_7(%arg0: i32) -> (i32, i32) {
    %c0_i32 = arith.constant 0 : i32
    %c0_i32_0 = arith.constant 0 : i32
    return %arg0, %c0_i32 : i32, i32
  }
  func.func @transform_8(%arg0: i32) -> (i32, i32) {
    %c0_i32 = arith.constant 0 : i32
    %c0_i32_0 = arith.constant 0 : i32
    return %arg0, %c0_i32 : i32, i32
  }
}

module attributes {stable_mosaic.version = 14 : i64} {
  func.func @body(%arg0: i32, %arg1: memref<1600x128xf32, #tpu.memory_space<vmem>>, %arg2: memref<1600x128xf32, #tpu.memory_space<vmem>>, %arg3: memref<1x64xf32, #tpu.memory_space<vmem>>, %arg4: memref<1600x128xf32, #tpu.memory_space<vmem>>) attributes {dimension_semantics = [#tpu.dimension_semantics<arbitrary>], iteration_bounds = array<i64: 500>, scalar_prefetch = 0 : i64, scratch_operands = 0 : i64, tpu.core_type = #tpu.core_type<tc>, window_params = [{transform_indices = @transform_0, window_bounds = array<i64: 1600, 128>}, {transform_indices = @transform_1, window_bounds = array<i64: 1600, 128>}, {pipeline_mode = #tpu.pipeline_mode<synchronous>, transform_indices = @transform_2, window_bounds = array<i64: 1, 64>}, {transform_indices = @transform_3, window_bounds = array<i64: 1600, 128>}]} {
    %get3A = arith.constant 0 : index
    %get3A_0 = arith.constant 0 : index
    %get3A_1 = vector.load %arg1[%get3A, %get3A_0] : memref<1600x128xf32, #tpu.memory_space<vmem>>, vector<1600x64xf32>
    %get3A_2 = arith.constant 0 : index
    %get3A_3 = arith.constant 64 : index
    %get3A_4 = vector.load %arg1[%get3A_2, %get3A_3] : memref<1600x128xf32, #tpu.memory_space<vmem>>, vector<1600x64xf32>
    %sub3A = arith.subf %get3A_1, %get3A_4 : vector<1600x64xf32>
    %get3A_5 = arith.constant 0 : index
    %get3A_6 = arith.constant 0 : index
    %get3A_7 = vector.load %arg2[%get3A_5, %get3A_6] : memref<1600x128xf32, #tpu.memory_space<vmem>>, vector<1600x64xf32>
    %add3A = arith.addf %sub3A, %get3A_7 : vector<1600x64xf32>
    %ge3A = arith.constant 0.000000e+00 : f32
    %ge3A_8 = vector.broadcast %ge3A : f32 to vector<1600x64xf32>
    %ge3A_9 = arith.cmpf oge, %add3A, %ge3A_8 : vector<1600x64xf32>
    %mul3A = arith.constant 2.000000e-01 : f32
    %mul3A_10 = vector.broadcast %mul3A : f32 to vector<1600x64xf32>
    %mul3A_11 = arith.mulf %mul3A_10, %add3A : vector<1600x64xf32>
    %select_n3A = arith.select %ge3A_9, %add3A, %mul3A_11 : vector<1600x64xi1>, vector<1600x64xf32>
    %get3A_12 = arith.constant 0 : index
    %get3A_13 = arith.constant 0 : index
    %get3A_14 = vector.load %arg3[%get3A_12, %get3A_13] : memref<1x64xf32, #tpu.memory_space<vmem>>, vector<1x64xf32>
    %mul3A_15 = vector.broadcast %get3A_14 : vector<1x64xf32> to vector<1600x64xf32>
    %mul3A_16 = arith.mulf %select_n3A, %mul3A_15 : vector<1600x64xf32>
    %reduce_sum3A = arith.constant dense<0.000000e+00> : vector<1600xf32>
    %reduce_sum3A_17 = vector.multi_reduction <add>, %mul3A_16, %reduce_sum3A [1] : vector<1600x64xf32> to vector<1600xf32>
    %broadcast_in_dim3A = vector.shape_cast %reduce_sum3A_17 : vector<1600xf32> to vector<1600x1xf32>
    %iota3A = tpu.iota {dimensions = array<i32: 0>} : vector<1600x1xi32>
    %mul3A_18 = arith.constant 1600 : i32
    %mul3A_19 = arith.muli %arg0, %mul3A_18 : i32
    %add3A_20 = vector.broadcast %mul3A_19 : i32 to vector<1600x1xi32>
    %add3A_21 = arith.addi %iota3A, %add3A_20 : vector<1600x1xi32>
    %lt3A = arith.constant 800000 : i32
    %lt3A_22 = vector.broadcast %lt3A : i32 to vector<1600x1xi32>
    %lt3A_23 = arith.cmpi slt, %add3A_21, %lt3A_22 : vector<1600x1xi32>
    %exp3A = math.exp %broadcast_in_dim3A : vector<1600x1xf32>
    %jit3A = arith.constant 0.000000e+00 : f32
    %broadcast_in_dim3A_24 = vector.broadcast %jit3A : f32 to vector<1600x1xf32>
    %select_n3A_25 = arith.select %lt3A_23, %exp3A, %broadcast_in_dim3A_24 : vector<1600x1xi1>, vector<1600x1xf32>
    %get3A_26 = arith.constant 0 : index
    %get3A_27 = arith.constant 0 : index
    %get3A_28 = vector.load %arg1[%get3A_26, %get3A_27] : memref<1600x128xf32, #tpu.memory_space<vmem>>, vector<1600x64xf32>
    %mul3A_29 = vector.broadcast %select_n3A_25 : vector<1600x1xf32> to vector<1600x64xf32>
    %mul3A_30 = arith.mulf %get3A_28, %mul3A_29 : vector<1600x64xf32>
    %swap3A = arith.constant 0 : index
    %swap3A_31 = arith.constant 0 : index
    %swap3A_32 = vector.load %arg4[%swap3A, %swap3A_31] : memref<1600x128xf32, #tpu.memory_space<vmem>>, vector<1600x64xf32>
    tpu.vector_store %arg4[%swap3A, %swap3A_31], %mul3A_30 {strides = array<i32>} : memref<1600x128xf32, #tpu.memory_space<vmem>>, vector<1600x64xf32>,
    %swap3A_33 = arith.constant 0 : index
    %swap3A_34 = arith.constant 64 : index
    %swap3A_35 = vector.load %arg4[%swap3A_33, %swap3A_34] : memref<1600x128xf32, #tpu.memory_space<vmem>>, vector<1600x1xf32>
    tpu.vector_store %arg4[%swap3A_33, %swap3A_34], %select_n3A_25 {strides = array<i32>} : memref<1600x128xf32, #tpu.memory_space<vmem>>, vector<1600x1xf32>,
    %broadcast_in_dim3A_36 = arith.constant 0.000000e+00 : f32
    %broadcast_in_dim3A_37 = vector.broadcast %broadcast_in_dim3A_36 : f32 to vector<1600x63xf32>
    %swap3A_38 = arith.constant 0 : index
    %swap3A_39 = arith.constant 65 : index
    %swap3A_40 = vector.load %arg4[%swap3A_38, %swap3A_39] : memref<1600x128xf32, #tpu.memory_space<vmem>>, vector<1600x63xf32>
    tpu.vector_store %arg4[%swap3A_38, %swap3A_39], %broadcast_in_dim3A_37 {strides = array<i32>} : memref<1600x128xf32, #tpu.memory_space<vmem>>, vector<1600x63xf32>,
    return
  }
  func.func @transform_0(%arg0: i32) -> (i32, i32) {
    %c0_i32 = arith.constant 0 : i32
    %c0_i32_0 = arith.constant 0 : i32
    return %arg0, %c0_i32 : i32, i32
  }
  func.func @transform_1(%arg0: i32) -> (i32, i32) {
    %c0_i32 = arith.constant 0 : i32
    %c0_i32_0 = arith.constant 0 : i32
    return %arg0, %c0_i32 : i32, i32
  }
  func.func @transform_2(%arg0: i32) -> (i32, i32) {
    %c0_i32 = arith.constant 0 : i32
    %c0_i32_0 = arith.constant 0 : i32
    %c0_i32_1 = arith.constant 0 : i32
    return %c0_i32, %c0_i32_0 : i32, i32
  }
  func.func @transform_3(%arg0: i32) -> (i32, i32) {
    %c0_i32 = arith.constant 0 : i32
    %c0_i32_0 = arith.constant 0 : i32
    return %arg0, %c0_i32 : i32, i32
  }
}

module attributes {stable_mosaic.version = 14 : i64} {
  func.func @body(%arg0: i32, %arg1: memref<1600x128xf32, #tpu.memory_space<vmem>>, %arg2: memref<1x64xf32, #tpu.memory_space<vmem>>, %arg3: memref<1600x64xf32, #tpu.memory_space<vmem>>) attributes {dimension_semantics = [#tpu.dimension_semantics<arbitrary>], iteration_bounds = array<i64: 32>, scalar_prefetch = 0 : i64, scratch_operands = 0 : i64, tpu.core_type = #tpu.core_type<tc>, window_params = [{transform_indices = @transform_0, window_bounds = array<i64: 1600, 128>}, {pipeline_mode = #tpu.pipeline_mode<synchronous>, transform_indices = @transform_1, window_bounds = array<i64: 1, 64>}, {transform_indices = @transform_2, window_bounds = array<i64: 1600, 64>}]} {
    %get3A = arith.constant 0 : index
    %get3A_0 = arith.constant 64 : index
    %get3A_1 = vector.load %arg1[%get3A, %get3A_0] : memref<1600x128xf32, #tpu.memory_space<vmem>>, vector<1600x1xf32>
    %get3A_2 = arith.constant 0 : index
    %get3A_3 = arith.constant 0 : index
    %get3A_4 = vector.load %arg1[%get3A_2, %get3A_3] : memref<1600x128xf32, #tpu.memory_space<vmem>>, vector<1600x64xf32>
    %add3A = arith.constant 1.000000e-30 : f32
    %add3A_5 = vector.broadcast %add3A : f32 to vector<1600x1xf32>
    %add3A_6 = arith.addf %get3A_1, %add3A_5 : vector<1600x1xf32>
    %div3A = vector.broadcast %add3A_6 : vector<1600x1xf32> to vector<1600x64xf32>
    %div3A_7 = arith.divf %get3A_4, %div3A : vector<1600x64xf32>
    %get3A_8 = arith.constant 0 : index
    %get3A_9 = arith.constant 0 : index
    %get3A_10 = vector.load %arg2[%get3A_8, %get3A_9] : memref<1x64xf32, #tpu.memory_space<vmem>>, vector<1x64xf32>
    %add3A_11 = vector.broadcast %get3A_10 : vector<1x64xf32> to vector<1600x64xf32>
    %add3A_12 = arith.addf %div3A_7, %add3A_11 : vector<1600x64xf32>
    %gt3A = arith.constant 0.000000e+00 : f32
    %gt3A_13 = vector.broadcast %gt3A : f32 to vector<1600x64xf32>
    %gt3A_14 = arith.cmpf ogt, %add3A_12, %gt3A_13 : vector<1600x64xf32>
    %exp3A = math.exp %add3A_12 : vector<1600x64xf32>
    %sub3A = arith.constant 1.000000e+00 : f32
    %sub3A_15 = vector.broadcast %sub3A : f32 to vector<1600x64xf32>
    %sub3A_16 = arith.subf %exp3A, %sub3A_15 : vector<1600x64xf32>
    %select_n3A = arith.select %gt3A_14, %add3A_12, %sub3A_16 : vector<1600x64xi1>, vector<1600x64xf32>
    %swap3A = arith.constant 0 : index
    %swap3A_17 = arith.constant 0 : index
    %swap3A_18 = vector.load %arg3[%swap3A, %swap3A_17] : memref<1600x64xf32, #tpu.memory_space<vmem>>, vector<1600x64xf32>
    tpu.vector_store %arg3[%swap3A, %swap3A_17], %select_n3A {strides = array<i32>} : memref<1600x64xf32, #tpu.memory_space<vmem>>, vector<1600x64xf32>,
    return
  }
  func.func @transform_0(%arg0: i32) -> (i32, i32) {
    %c0_i32 = arith.constant 0 : i32
    %c0_i32_0 = arith.constant 0 : i32
    return %arg0, %c0_i32 : i32, i32
  }
  func.func @transform_1(%arg0: i32) -> (i32, i32) {
    %c0_i32 = arith.constant 0 : i32
    %c0_i32_0 = arith.constant 0 : i32
    %c0_i32_1 = arith.constant 0 : i32
    return %c0_i32, %c0_i32_0 : i32, i32
  }
  func.func @transform_2(%arg0: i32) -> (i32, i32) {
    %c0_i32 = arith.constant 0 : i32
    %c0_i32_0 = arith.constant 0 : i32
    return %arg0, %c0_i32 : i32, i32
  }
}

module attributes {stable_mosaic.version = 14 : i64} {
  func.func @body(%arg0: i32, %arg1: memref<1600x64xf32, #tpu.memory_space<vmem>>, %arg2: memref<1600x8xf32, #tpu.memory_space<vmem>>, %arg3: memref<64x8xf32, #tpu.memory_space<vmem>>, %arg4: memref<8x8xf32, #tpu.memory_space<vmem>>, %arg5: memref<64x8xf32, #tpu.memory_space<vmem>>, %arg6: memref<8x8xf32, #tpu.memory_space<vmem>>, %arg7: memref<8x8xf32, #tpu.memory_space<vmem>>, %arg8: memref<1600x128xf32, #tpu.memory_space<vmem>>, %arg9: memref<1600x128xf32, #tpu.memory_space<vmem>>) attributes {dimension_semantics = [#tpu.dimension_semantics<arbitrary>], iteration_bounds = array<i64: 32>, scalar_prefetch = 0 : i64, scratch_operands = 0 : i64, tpu.core_type = #tpu.core_type<tc>, window_params = [{transform_indices = @transform_0, window_bounds = array<i64: 1600, 64>}, {transform_indices = @transform_1, window_bounds = array<i64: 1600, 8>}, {pipeline_mode = #tpu.pipeline_mode<synchronous>, transform_indices = @transform_2, window_bounds = array<i64: 64, 8>}, {pipeline_mode = #tpu.pipeline_mode<synchronous>, transform_indices = @transform_3, window_bounds = array<i64: 8, 8>}, {pipeline_mode = #tpu.pipeline_mode<synchronous>, transform_indices = @transform_4, window_bounds = array<i64: 64, 8>}, {pipeline_mode = #tpu.pipeline_mode<synchronous>, transform_indices = @transform_5, window_bounds = array<i64: 8, 8>}, {pipeline_mode = #tpu.pipeline_mode<synchronous>, transform_indices = @transform_6, window_bounds = array<i64: 8, 8>}, {transform_indices = @transform_7, window_bounds = array<i64: 1600, 128>}, {transform_indices = @transform_8, window_bounds = array<i64: 1600, 128>}]} {
    %get3A = arith.constant 0 : index
    %get3A_0 = arith.constant 0 : index
    %get3A_1 = vector.load %arg1[%get3A, %get3A_0] : memref<1600x64xf32, #tpu.memory_space<vmem>>, vector<1600x64xf32>
    %get3A_2 = arith.constant 0 : index
    %get3A_3 = arith.constant 0 : index
    %get3A_4 = vector.load %arg2[%get3A_2, %get3A_3] : memref<1600x8xf32, #tpu.memory_space<vmem>>, vector<1600x8xf32>
    %get3A_5 = arith.constant 0 : index
    %get3A_6 = arith.constant 0 : index
    %get3A_7 = vector.load %arg3[%get3A_5, %get3A_6] : memref<64x8xf32, #tpu.memory_space<vmem>>, vector<64x8xf32>
    %dot_general3A = arith.constant dense<0.000000e+00> : vector<1600x8xf32>
    %dot_general3A_8 = tpu.matmul %get3A_1, %get3A_7, %dot_general3A {dimension_numbers = #tpu.dot_dimension_numbers<[1], [0], [0], [1], [0, 0, 1, 1], [], []>, precision = #tpu.contract_precision<fp32>, transpose_lhs_hint = false} : vector<1600x64xf32>, vector<64x8xf32>, vector<1600x8xf32> -> vector<1600x8xf32>
    %get3A_9 = arith.constant 0 : index
    %get3A_10 = arith.constant 0 : index
    %get3A_11 = vector.load %arg4[%get3A_9, %get3A_10] : memref<8x8xf32, #tpu.memory_space<vmem>>, vector<8x8xf32>
    %dot_general3A_12 = arith.constant dense<0.000000e+00> : vector<1600x8xf32>
    %dot_general3A_13 = tpu.matmul %get3A_4, %get3A_11, %dot_general3A_12 {dimension_numbers = #tpu.dot_dimension_numbers<[1], [0], [0], [1], [0, 0, 1, 1], [], []>, precision = #tpu.contract_precision<fp32>, transpose_lhs_hint = false} : vector<1600x8xf32>, vector<8x8xf32>, vector<1600x8xf32> -> vector<1600x8xf32>
    %add3A = arith.addf %dot_general3A_8, %dot_general3A_13 : vector<1600x8xf32>
    %get3A_14 = arith.constant 0 : index
    %get3A_15 = arith.constant 0 : index
    %get3A_16 = vector.load %arg7[%get3A_14, %get3A_15] : memref<8x8xf32, #tpu.memory_space<vmem>>, vector<8x8xf32>
    %dot_general3A_17 = arith.constant dense<0.000000e+00> : vector<1600x8xf32>
    %dot_general3A_18 = tpu.matmul %get3A_4, %get3A_16, %dot_general3A_17 {dimension_numbers = #tpu.dot_dimension_numbers<[1], [0], [0], [1], [0, 0, 1, 1], [], []>, precision = #tpu.contract_precision<fp32>, transpose_lhs_hint = false} : vector<1600x8xf32>, vector<8x8xf32>, vector<1600x8xf32> -> vector<1600x8xf32>
    %get3A_19 = arith.constant 0 : index
    %get3A_20 = arith.constant 0 : index
    %get3A_21 = vector.load %arg5[%get3A_19, %get3A_20] : memref<64x8xf32, #tpu.memory_space<vmem>>, vector<64x8xf32>
    %dot_general3A_22 = arith.constant dense<0.000000e+00> : vector<1600x8xf32>
    %dot_general3A_23 = tpu.matmul %get3A_1, %get3A_21, %dot_general3A_22 {dimension_numbers = #tpu.dot_dimension_numbers<[1], [0], [0], [1], [0, 0, 1, 1], [], []>, precision = #tpu.contract_precision<fp32>, transpose_lhs_hint = false} : vector<1600x64xf32>, vector<64x8xf32>, vector<1600x8xf32> -> vector<1600x8xf32>
    %get3A_24 = arith.constant 0 : index
    %get3A_25 = arith.constant 0 : index
    %get3A_26 = vector.load %arg6[%get3A_24, %get3A_25] : memref<8x8xf32, #tpu.memory_space<vmem>>, vector<8x8xf32>
    %dot_general3A_27 = arith.constant dense<0.000000e+00> : vector<1600x8xf32>
    %dot_general3A_28 = tpu.matmul %get3A_4, %get3A_26, %dot_general3A_27 {dimension_numbers = #tpu.dot_dimension_numbers<[1], [0], [0], [1], [0, 0, 1, 1], [], []>, precision = #tpu.contract_precision<fp32>, transpose_lhs_hint = false} : vector<1600x8xf32>, vector<8x8xf32>, vector<1600x8xf32> -> vector<1600x8xf32>
    %add3A_29 = arith.addf %dot_general3A_23, %dot_general3A_28 : vector<1600x8xf32>
    %swap3A = arith.constant 0 : index
    %swap3A_30 = arith.constant 0 : index
    %swap3A_31 = vector.load %arg8[%swap3A, %swap3A_30] : memref<1600x128xf32, #tpu.memory_space<vmem>>, vector<1600x8xf32>
    tpu.vector_store %arg8[%swap3A, %swap3A_30], %add3A {strides = array<i32>} : memref<1600x128xf32, #tpu.memory_space<vmem>>, vector<1600x8xf32>,
    %swap3A_32 = arith.constant 0 : index
    %swap3A_33 = arith.constant 8 : index
    %swap3A_34 = vector.load %arg8[%swap3A_32, %swap3A_33] : memref<1600x128xf32, #tpu.memory_space<vmem>>, vector<1600x8xf32>
    tpu.vector_store %arg8[%swap3A_32, %swap3A_33], %dot_general3A_18 {strides = array<i32>} : memref<1600x128xf32, #tpu.memory_space<vmem>>, vector<1600x8xf32>,
    %add3A_35 = arith.addf %add3A_29, %dot_general3A_18 : vector<1600x8xf32>
    %swap3A_36 = arith.constant 0 : index
    %swap3A_37 = arith.constant 0 : index
    %swap3A_38 = vector.load %arg9[%swap3A_36, %swap3A_37] : memref<1600x128xf32, #tpu.memory_space<vmem>>, vector<1600x8xf32>
    tpu.vector_store %arg9[%swap3A_36, %swap3A_37], %add3A_35 {strides = array<i32>} : memref<1600x128xf32, #tpu.memory_space<vmem>>, vector<1600x8xf32>,
    %broadcast_in_dim3A = arith.constant 0.000000e+00 : f32
    %broadcast_in_dim3A_39 = vector.broadcast %broadcast_in_dim3A : f32 to vector<1600x112xf32>
    %swap3A_40 = arith.constant 0 : index
    %swap3A_41 = arith.constant 16 : index
    %swap3A_42 = vector.load %arg8[%swap3A_40, %swap3A_41] : memref<1600x128xf32, #tpu.memory_space<vmem>>, vector<1600x112xf32>
    tpu.vector_store %arg8[%swap3A_40, %swap3A_41], %broadcast_in_dim3A_39 {strides = array<i32>} : memref<1600x128xf32, #tpu.memory_space<vmem>>, vector<1600x112xf32>,
    %broadcast_in_dim3A_43 = arith.constant 0.000000e+00 : f32
    %broadcast_in_dim3A_44 = vector.broadcast %broadcast_in_dim3A_43 : f32 to vector<1600x120xf32>
    %swap3A_45 = arith.constant 0 : index
    %swap3A_46 = arith.constant 8 : index
    %swap3A_47 = vector.load %arg9[%swap3A_45, %swap3A_46] : memref<1600x128xf32, #tpu.memory_space<vmem>>, vector<1600x120xf32>
    tpu.vector_store %arg9[%swap3A_45, %swap3A_46], %broadcast_in_dim3A_44 {strides = array<i32>} : memref<1600x128xf32, #tpu.memory_space<vmem>>, vector<1600x120xf32>,
    return
  }
  func.func @transform_0(%arg0: i32) -> (i32, i32) {
    %c0_i32 = arith.constant 0 : i32
    %c0_i32_0 = arith.constant 0 : i32
    return %arg0, %c0_i32 : i32, i32
  }
  func.func @transform_1(%arg0: i32) -> (i32, i32) {
    %c0_i32 = arith.constant 0 : i32
    %c0_i32_0 = arith.constant 0 : i32
    return %arg0, %c0_i32 : i32, i32
  }
  func.func @transform_2(%arg0: i32) -> (i32, i32) {
    %c0_i32 = arith.constant 0 : i32
    %c0_i32_0 = arith.constant 0 : i32
    %c0_i32_1 = arith.constant 0 : i32
    return %c0_i32, %c0_i32_0 : i32, i32
  }
  func.func @transform_3(%arg0: i32) -> (i32, i32) {
    %c0_i32 = arith.constant 0 : i32
    %c0_i32_0 = arith.constant 0 : i32
    %c0_i32_1 = arith.constant 0 : i32
    return %c0_i32, %c0_i32_0 : i32, i32
  }
  func.func @transform_4(%arg0: i32) -> (i32, i32) {
    %c0_i32 = arith.constant 0 : i32
    %c0_i32_0 = arith.constant 0 : i32
    %c0_i32_1 = arith.constant 0 : i32
    return %c0_i32, %c0_i32_0 : i32, i32
  }
  func.func @transform_5(%arg0: i32) -> (i32, i32) {
    %c0_i32 = arith.constant 0 : i32
    %c0_i32_0 = arith.constant 0 : i32
    %c0_i32_1 = arith.constant 0 : i32
    return %c0_i32, %c0_i32_0 : i32, i32
  }
  func.func @transform_6(%arg0: i32) -> (i32, i32) {
    %c0_i32 = arith.constant 0 : i32
    %c0_i32_0 = arith.constant 0 : i32
    %c0_i32_1 = arith.constant 0 : i32
    return %c0_i32, %c0_i32_0 : i32, i32
  }
  func.func @transform_7(%arg0: i32) -> (i32, i32) {
    %c0_i32 = arith.constant 0 : i32
    %c0_i32_0 = arith.constant 0 : i32
    return %arg0, %c0_i32 : i32, i32
  }
  func.func @transform_8(%arg0: i32) -> (i32, i32) {
    %c0_i32 = arith.constant 0 : i32
    %c0_i32_0 = arith.constant 0 : i32
    return %arg0, %c0_i32 : i32, i32
  }
}

module attributes {stable_mosaic.version = 14 : i64} {
  func.func @body(%arg0: i32, %arg1: memref<1600x128xf32, #tpu.memory_space<vmem>>, %arg2: memref<1600x128xf32, #tpu.memory_space<vmem>>, %arg3: memref<1x8xf32, #tpu.memory_space<vmem>>, %arg4: memref<1600x128xf32, #tpu.memory_space<vmem>>) attributes {dimension_semantics = [#tpu.dimension_semantics<arbitrary>], iteration_bounds = array<i64: 500>, scalar_prefetch = 0 : i64, scratch_operands = 0 : i64, tpu.core_type = #tpu.core_type<tc>, window_params = [{transform_indices = @transform_0, window_bounds = array<i64: 1600, 128>}, {transform_indices = @transform_1, window_bounds = array<i64: 1600, 128>}, {pipeline_mode = #tpu.pipeline_mode<synchronous>, transform_indices = @transform_2, window_bounds = array<i64: 1, 8>}, {transform_indices = @transform_3, window_bounds = array<i64: 1600, 128>}]} {
    %get3A = arith.constant 0 : index
    %get3A_0 = arith.constant 0 : index
    %get3A_1 = vector.load %arg1[%get3A, %get3A_0] : memref<1600x128xf32, #tpu.memory_space<vmem>>, vector<1600x8xf32>
    %get3A_2 = arith.constant 0 : index
    %get3A_3 = arith.constant 8 : index
    %get3A_4 = vector.load %arg1[%get3A_2, %get3A_3] : memref<1600x128xf32, #tpu.memory_space<vmem>>, vector<1600x8xf32>
    %sub3A = arith.subf %get3A_1, %get3A_4 : vector<1600x8xf32>
    %get3A_5 = arith.constant 0 : index
    %get3A_6 = arith.constant 0 : index
    %get3A_7 = vector.load %arg2[%get3A_5, %get3A_6] : memref<1600x128xf32, #tpu.memory_space<vmem>>, vector<1600x8xf32>
    %add3A = arith.addf %sub3A, %get3A_7 : vector<1600x8xf32>
    %ge3A = arith.constant 0.000000e+00 : f32
    %ge3A_8 = vector.broadcast %ge3A : f32 to vector<1600x8xf32>
    %ge3A_9 = arith.cmpf oge, %add3A, %ge3A_8 : vector<1600x8xf32>
    %mul3A = arith.constant 2.000000e-01 : f32
    %mul3A_10 = vector.broadcast %mul3A : f32 to vector<1600x8xf32>
    %mul3A_11 = arith.mulf %mul3A_10, %add3A : vector<1600x8xf32>
    %select_n3A = arith.select %ge3A_9, %add3A, %mul3A_11 : vector<1600x8xi1>, vector<1600x8xf32>
    %get3A_12 = arith.constant 0 : index
    %get3A_13 = arith.constant 0 : index
    %get3A_14 = vector.load %arg3[%get3A_12, %get3A_13] : memref<1x8xf32, #tpu.memory_space<vmem>>, vector<1x8xf32>
    %mul3A_15 = vector.broadcast %get3A_14 : vector<1x8xf32> to vector<1600x8xf32>
    %mul3A_16 = arith.mulf %select_n3A, %mul3A_15 : vector<1600x8xf32>
    %reduce_sum3A = arith.constant dense<0.000000e+00> : vector<1600xf32>
    %reduce_sum3A_17 = vector.multi_reduction <add>, %mul3A_16, %reduce_sum3A [1] : vector<1600x8xf32> to vector<1600xf32>
    %broadcast_in_dim3A = vector.shape_cast %reduce_sum3A_17 : vector<1600xf32> to vector<1600x1xf32>
    %iota3A = tpu.iota {dimensions = array<i32: 0>} : vector<1600x1xi32>
    %mul3A_18 = arith.constant 1600 : i32
    %mul3A_19 = arith.muli %arg0, %mul3A_18 : i32
    %add3A_20 = vector.broadcast %mul3A_19 : i32 to vector<1600x1xi32>
    %add3A_21 = arith.addi %iota3A, %add3A_20 : vector<1600x1xi32>
    %lt3A = arith.constant 800000 : i32
    %lt3A_22 = vector.broadcast %lt3A : i32 to vector<1600x1xi32>
    %lt3A_23 = arith.cmpi slt, %add3A_21, %lt3A_22 : vector<1600x1xi32>
    %exp3A = math.exp %broadcast_in_dim3A : vector<1600x1xf32>
    %jit3A = arith.constant 0.000000e+00 : f32
    %broadcast_in_dim3A_24 = vector.broadcast %jit3A : f32 to vector<1600x1xf32>
    %select_n3A_25 = arith.select %lt3A_23, %exp3A, %broadcast_in_dim3A_24 : vector<1600x1xi1>, vector<1600x1xf32>
    %get3A_26 = arith.constant 0 : index
    %get3A_27 = arith.constant 0 : index
    %get3A_28 = vector.load %arg1[%get3A_26, %get3A_27] : memref<1600x128xf32, #tpu.memory_space<vmem>>, vector<1600x8xf32>
    %mul3A_29 = vector.broadcast %select_n3A_25 : vector<1600x1xf32> to vector<1600x8xf32>
    %mul3A_30 = arith.mulf %get3A_28, %mul3A_29 : vector<1600x8xf32>
    %swap3A = arith.constant 0 : index
    %swap3A_31 = arith.constant 0 : index
    %swap3A_32 = vector.load %arg4[%swap3A, %swap3A_31] : memref<1600x128xf32, #tpu.memory_space<vmem>>, vector<1600x8xf32>
    tpu.vector_store %arg4[%swap3A, %swap3A_31], %mul3A_30 {strides = array<i32>} : memref<1600x128xf32, #tpu.memory_space<vmem>>, vector<1600x8xf32>,
    %swap3A_33 = arith.constant 0 : index
    %swap3A_34 = arith.constant 8 : index
    %swap3A_35 = vector.load %arg4[%swap3A_33, %swap3A_34] : memref<1600x128xf32, #tpu.memory_space<vmem>>, vector<1600x1xf32>
    tpu.vector_store %arg4[%swap3A_33, %swap3A_34], %select_n3A_25 {strides = array<i32>} : memref<1600x128xf32, #tpu.memory_space<vmem>>, vector<1600x1xf32>,
    %broadcast_in_dim3A_36 = arith.constant 0.000000e+00 : f32
    %broadcast_in_dim3A_37 = vector.broadcast %broadcast_in_dim3A_36 : f32 to vector<1600x119xf32>
    %swap3A_38 = arith.constant 0 : index
    %swap3A_39 = arith.constant 9 : index
    %swap3A_40 = vector.load %arg4[%swap3A_38, %swap3A_39] : memref<1600x128xf32, #tpu.memory_space<vmem>>, vector<1600x119xf32>
    tpu.vector_store %arg4[%swap3A_38, %swap3A_39], %broadcast_in_dim3A_37 {strides = array<i32>} : memref<1600x128xf32, #tpu.memory_space<vmem>>, vector<1600x119xf32>,
    return
  }
  func.func @transform_0(%arg0: i32) -> (i32, i32) {
    %c0_i32 = arith.constant 0 : i32
    %c0_i32_0 = arith.constant 0 : i32
    return %arg0, %c0_i32 : i32, i32
  }
  func.func @transform_1(%arg0: i32) -> (i32, i32) {
    %c0_i32 = arith.constant 0 : i32
    %c0_i32_0 = arith.constant 0 : i32
    return %arg0, %c0_i32 : i32, i32
  }
  func.func @transform_2(%arg0: i32) -> (i32, i32) {
    %c0_i32 = arith.constant 0 : i32
    %c0_i32_0 = arith.constant 0 : i32
    %c0_i32_1 = arith.constant 0 : i32
    return %c0_i32, %c0_i32_0 : i32, i32
  }
  func.func @transform_3(%arg0: i32) -> (i32, i32) {
    %c0_i32 = arith.constant 0 : i32
    %c0_i32_0 = arith.constant 0 : i32
    return %arg0, %c0_i32 : i32, i32
  }
}

module attributes {stable_mosaic.version = 14 : i64} {
  func.func @body(%arg0: i32, %arg1: memref<1600x128xf32, #tpu.memory_space<vmem>>, %arg2: memref<1x8xf32, #tpu.memory_space<vmem>>, %arg3: memref<1600x8xf32, #tpu.memory_space<vmem>>) attributes {dimension_semantics = [#tpu.dimension_semantics<arbitrary>], iteration_bounds = array<i64: 32>, scalar_prefetch = 0 : i64, scratch_operands = 0 : i64, tpu.core_type = #tpu.core_type<tc>, window_params = [{transform_indices = @transform_0, window_bounds = array<i64: 1600, 128>}, {pipeline_mode = #tpu.pipeline_mode<synchronous>, transform_indices = @transform_1, window_bounds = array<i64: 1, 8>}, {transform_indices = @transform_2, window_bounds = array<i64: 1600, 8>}]} {
    %get3A = arith.constant 0 : index
    %get3A_0 = arith.constant 8 : index
    %get3A_1 = vector.load %arg1[%get3A, %get3A_0] : memref<1600x128xf32, #tpu.memory_space<vmem>>, vector<1600x1xf32>
    %get3A_2 = arith.constant 0 : index
    %get3A_3 = arith.constant 0 : index
    %get3A_4 = vector.load %arg1[%get3A_2, %get3A_3] : memref<1600x128xf32, #tpu.memory_space<vmem>>, vector<1600x8xf32>
    %add3A = arith.constant 1.000000e-30 : f32
    %add3A_5 = vector.broadcast %add3A : f32 to vector<1600x1xf32>
    %add3A_6 = arith.addf %get3A_1, %add3A_5 : vector<1600x1xf32>
    %div3A = vector.broadcast %add3A_6 : vector<1600x1xf32> to vector<1600x8xf32>
    %div3A_7 = arith.divf %get3A_4, %div3A : vector<1600x8xf32>
    %get3A_8 = arith.constant 0 : index
    %get3A_9 = arith.constant 0 : index
    %get3A_10 = vector.load %arg2[%get3A_8, %get3A_9] : memref<1x8xf32, #tpu.memory_space<vmem>>, vector<1x8xf32>
    %add3A_11 = vector.broadcast %get3A_10 : vector<1x8xf32> to vector<1600x8xf32>
    %add3A_12 = arith.addf %div3A_7, %add3A_11 : vector<1600x8xf32>
    %swap3A = arith.constant 0 : index
    %swap3A_13 = arith.constant 0 : index
    %swap3A_14 = vector.load %arg3[%swap3A, %swap3A_13] : memref<1600x8xf32, #tpu.memory_space<vmem>>, vector<1600x8xf32>
    tpu.vector_store %arg3[%swap3A, %swap3A_13], %add3A_12 {strides = array<i32>} : memref<1600x8xf32, #tpu.memory_space<vmem>>, vector<1600x8xf32>,
    return
  }
  func.func @transform_0(%arg0: i32) -> (i32, i32) {
    %c0_i32 = arith.constant 0 : i32
    %c0_i32_0 = arith.constant 0 : i32
    return %arg0, %c0_i32 : i32, i32
  }
  func.func @transform_1(%arg0: i32) -> (i32, i32) {
    %c0_i32 = arith.constant 0 : i32
    %c0_i32_0 = arith.constant 0 : i32
    %c0_i32_1 = arith.constant 0 : i32
    return %c0_i32, %c0_i32_0 : i32, i32
  }
  func.func @transform_2(%arg0: i32) -> (i32, i32) {
    %c0_i32 = arith.constant 0 : i32
    %c0_i32_0 = arith.constant 0 : i32
    return %arg0, %c0_i32 : i32, i32
  }
}

</mosaic_0001>

<sc_bundles>
// kernel: kernel.29.cloned.1.call-start
scs
__scs_entry_jumppad:
0x0: {  	(pc) =	sbr.rel $0x88, $3  }
0x1: {  	(tag) =	ssettag $0x0;
	lr =	simm.s32 $0x1  }
0x2: {  	[smem:$0x3F88] =	sst lr;
	_ =	strace $0xD0000000  }
0x3: {  	_ = 	snop  }
0x4: {  	_ = 	snop  }
0x5: {  	_ = 	snop  }
0x6: {  	_ = 	snop  }
0x7: {  	_ = 	snop  }
__scs_overlays_trampoline_lowered:
0x8: {  	[smem:$0x3F97] =	sst s0  }
0x9: {  	[smem:$0x3F98] =	sst s1  }
0xa: {  	[smem:$0x3F99] =	sst s2  }
0xb: {  	[smem:$0x3F9A] =	sst s3  }
0xc: {  	[smem:$0x3F9B] =	sst s4  }
0xd: {  	[smem:$0x3F9C] =	sst s5  }
0xe: {  	[smem:$0x3F9D] =	sst s6  }
0xf: {  	[smem:$0x3F9E] =	sst s7  }
0x10: {  	[smem:$0x3F9F] =	sst s8  }
0x11: {  	[smem:$0x3FA0] =	sst s9;
	s0 =	simm.s32 @!p0 $0x0  }
0x12: {  	s1 =	sld [smem:$0x3F86];
	s0 =	simm.s32 @p0 $0x1  }
0x13: {  	[smem:$0x3FA1] =	sst s0;
	s0 =	simm.s32 @!p1 $0x0  }
0x14: {  	s2 =	sld [smem:$0x3F85];
	s0 =	simm.s32 @p1 $0x1  }
0x15: {  	[smem:$0x3FA2] =	sst s0;
	s0 =	simm.s32 @!p2 $0x0  }
0x16: {  	s3 =	sld [smem:$0x3FDB];
	s0 =	simm.s32 @p2 $0x1  }
0x17: {  	s4 =	simm.s32 $0x1BF5;
	[smem:$0x3FA4] =	sst s0  }
0x18: {  	s0 =	sld [smem:$0x3F87];
	_ =	swait.ge [sflag:s4], $0x0  }
0x19: {  	s7 =	sld [smem:$0x3F88]  }
0x1a: {  	s8 =	sadd.s32 $0xFFFFE003, lr  }
0x1b: {  	s9 =	sadd.s32 $0xFFFFFEF7, lr;
	s5 =	simm.s32 $0xFFFFFFFF;
	p2 =	slt.u32 s8, $0xFFFFF086  }
0x1c: {  	p1 =	slt.u32 s9, $0xF7A;
	s5 =	simm.s32 @!p2 $0x0  }
0x1d: {  	s5 =	simm.s32 @p1 $0x1;
	p0 =	seq.s32 s7, s2  }
0x1e: {  	s7 =	smul.u32 @!p0 $0xF7A, s2;
	p2 =	seq.s32 @!p0 s5, $0x0  }
0x1f: {  	s9 =	smul.u32 $0xF7A, s1;
	s8 =	simm.s32 @!p0 $0x1BF5;
	p2 =	por !p2, p0  }
0x20: {  	[sflag:s8] =	ssyncset.s32 @!p0 $0xFFFFF086;
	s6 =	sadd.s32 @!p0 s3, s7;
	s7 =	simm.s32 @!p0 $0x108  }
0x21: {  	s3 =	sadd.s32 s3, s9;
	s6 =	sadd.s32 @!p0 $0x88, s6;
	s7 =	simm.s32 @p2 $0x1082  }
0x22: {  	[simem:s7], [sflag:s8] =	dma.local @!p0 [hbm:s6], $0xF7A  }
0x23: {  	s9 =	sor.u32 $0xD0000000, s2;
	s6 =	simm.s32 $0x108;
	_ =	swait.ge @!p0 [sflag:s8], $0x0  }
0x24: {  	s3 =	sadd.s32 $0x88, s3;
	s6 =	simm.s32 @!p1 $0x1082;
	[sflag:s4] =	ssyncset.s32 $0xFFFFF086  }
0x25: {  	[simem:s6], [sflag:s4] =	dma.local [hbm:s3], $0xF7A  }
0x26: {  	[smem:$0x3F88] =	sst s1;
	(tag) =	ssettag s2;
	_ =	strace s9  }
0x27: {  	s1 =	sld [smem:$0x3F98]  }
0x28: {  	s2 =	sld [smem:$0x3F99]  }
0x29: {  	s4 =	sld [smem:$0x3F9B]  }
0x2a: {  	p0 =	seq.s32 s5, $0x0;
	s5 =	sld [smem:$0x3F9C]  }
0x2b: {  	s6 =	sld [smem:$0x3F9D]  }
0x2c: {  	s7 =	sld [smem:$0x3F9E]  }
0x2d: {  	s3 =	simm.s32 $0x108;
	s8 =	sld [smem:$0x3F9F]  }
0x2e: {  	s3 =	simm.s32 @!p0 $0x1082;
	s9 =	sld [smem:$0x3FA0]  }
0x2f: {  	lr =	sadd.s32 s0, s3;
	s0 =	sld [smem:$0x3F97]  }
0x30: {  	s3 =	sld [smem:$0x3F9A]  }
0x31: {  	[smem:$0x3FA3] =	sst s10  }
0x32: {  	s10 =	sld [smem:$0x3FA1];
	_ =	sdelay $0x3  }
0x33: {  	p0 =	seq.s32 s10, $0x1;
	s10 =	sld [smem:$0x3FA3];
	_ =	sdelay $0x3  }
0x34: {  	[smem:$0x3FA3] =	sst s10  }
0x35: {  	s10 =	sld [smem:$0x3FA2];
	_ =	sdelay $0x3  }
0x36: {  	p1 =	seq.s32 s10, $0x1;
	s10 =	sld [smem:$0x3FA3];
	_ =	sdelay $0x3  }
0x37: {  	[smem:$0x3FA3] =	sst s10  }
0x38: {  	s10 =	sld [smem:$0x3FA4]  }
0x39: {  	_ = 	snop;
	(pc) =	sbr.ind lr, $3  }
0x3a: {  	_ = 	snop  }
0x3b: {  	_ = 	snop  }
0x3c: {  	p2 =	seq.s32 s10, $0x1;
	s10 =	sld [smem:$0x3FA3]  }
0x3d: {  	_ =	shalt  }
0x3e: {  	_ =	shalt  }
0x3f: {  	_ =	shalt  }
0x40: {  	_ =	shalt  }
0x41: {  	_ =	shalt  }
0x42: {  	_ =	shalt  }
0x43: {  	_ =	shalt  }
0x44: {  	_ =	shalt  }
0x45: {  	_ =	shalt  }
0x46: {  	_ =	shalt  }
0x47: {  	_ =	shalt  }
0x48: {  	_ =	shalt  }
0x49: {  	_ =	shalt  }
0x4a: {  	_ =	shalt  }
0x4b: {  	_ =	shalt  }
0x4c: {  	_ =	shalt  }
0x4d: {  	_ =	shalt  }
0x4e: {  	_ =	shalt  }
0x4f: {  	_ =	shalt  }
0x50: {  	_ =	shalt  }
0x51: {  	_ =	shalt  }
0x52: {  	_ =	shalt  }
0x53: {  	_ =	shalt  }
0x54: {  	_ =	shalt  }
0x55: {  	_ =	shalt  }
0x56: {  	_ =	shalt  }
0x57: {  	_ =	shalt  }
0x58: {  	_ =	shalt  }
0x59: {  	_ =	shalt  }
0x5a: {  	_ =	shalt  }
0x5b: {  	_ =	shalt  }
0x5c: {  	_ =	shalt  }
0x5d: {  	_ =	shalt  }
0x5e: {  	_ =	shalt  }
0x5f: {  	_ =	shalt  }
0x60: {  	_ =	shalt  }
0x61: {  	_ =	shalt  }
0x62: {  	_ =	shalt  }
0x63: {  	_ =	shalt  }
0x64: {  	_ =	shalt  }
0x65: {  	_ =	shalt  }
0x66: {  	_ =	shalt  }
0x67: {  	_ =	shalt  }
0x68: {  	_ =	shalt  }
0x69: {  	_ =	shalt  }
0x6a: {  	_ =	shalt  }
0x6b: {  	_ =	shalt  }
0x6c: {  	_ =	shalt  }
0x6d: {  	_ =	shalt  }
0x6e: {  	_ =	shalt  }
0x6f: {  	_ =	shalt  }
0x70: {  	_ =	shalt  }
0x71: {  	_ =	shalt  }
0x72: {  	_ =	shalt  }
0x73: {  	_ =	shalt  }
0x74: {  	_ =	shalt  }
0x75: {  	_ =	shalt  }
0x76: {  	_ =	shalt  }
0x77: {  	_ =	shalt  }
0x78: {  	_ =	shalt  }
0x79: {  	_ =	shalt  }
0x7a: {  	_ =	shalt  }
0x7b: {  	_ =	shalt  }
0x7c: {  	_ =	shalt  }
0x7d: {  	_ =	shalt  }
0x7e: {  	_ =	shalt  }
0x7f: {  	_ =	shalt  }
0x80: {  	_ =	shalt  }
0x81: {  	_ =	shalt  }
0x82: {  	_ =	shalt  }
0x83: {  	_ =	shalt  }
0x84: {  	_ =	shalt  }
0x85: {  	_ =	shalt  }
0x86: {  	_ =	shalt  }
0x87: {  	_ =	shalt  }
.Lfunc_end0:
.L_simem_size_0:
called_computation_lowered:
.L_overlay_start_0:
0x88: {  	s2 =	sld [smem:$0x3FD9]  }
0x89: {  	s3 =	sld [smem:$0x3FFE];
	_ =	sdelay $0x1  }
0x8a: {  	s1 =	srdreg.scid  }
0x8b: {  	s0 =	sand.u32 $0x1, s1  }
0x8c: {  	s17 =	sshll.u32 s0, $0xA;
	s2 =	sadd.s32 s3, s2  }
0x8d: {  	s2 =	sadd.s32 s2, s17  }
0x8e: {  	[smem:$0x3FAF] =	sst s2  }
0x8f: {  	_ = 	snop  }
0x90: {  	(tm) =	ssettm $0x1  }
0x91: {  	s18 =	sld [smem:$0x3FFB];
	_ =	sdelay $0x3  }
0x92: {  	_ =	strace s18  }
0x93: {  	s2 =	sld [smem:$0x3FFC];
	_ =	sdelay $0x3  }
0x94: {  	_ =	strace s2  }
0x95: {  	s2 =	sld [smem:$0x3FFD];
	_ =	sdelay $0x3  }
0x96: {  	_ =	strace s2  }
0x97: {  	_ =	strace $0x8FFFFFFF  }
0x98: {  	s19 =	sld [smem:$0x3FDB];
	_ =	sdelay $0x1  }
0x99: {  	s20 =	simm.s32 $_scs_section_size  }
0x9a: {  	s4 =	simm.s32 $_size__tile_overlayer_lowered;
	s5 =	simm.s32 $_tile_overlayer_lowered  }
0x9b: {  	s6 =	simm.s32 $0x1BFF;
	s21 =	sshll.u32 s5, $0x1;
	s3 =	sadd.s32 s20, s19  }
0x9c: {  	s22 =	simm.s32 $0x0;
	s4 =	sshll.u32 s4, $0x1;
	s5 =	sadd.s32 s21, s3  }
0x9d: {  	[timem:s22], [sflag:s6] =	dma.local [hbm:s5], s4  }
0x9e: {  	_ =	swait.ge [sflag:s6], s4  }
0x9f: {  	s4 =	ssub.s32 $0x0, s4;
	[sflag:s6] =	ssyncset.done $0x0  }
0xa0: {  	[sflag:s6] =	ssyncadd.s32 s4;
	_ =	sdelay $0x1  }
0xa1: {  	s23 =	simm.s32 $0x1B8B  }
0xa2: {  	_ =	swait.ge [sflag:s23], $0x1  }
0xa3: {  	[sflag:s23] =	ssyncset.done $0x0  }
0xa4: {  	[sflag:s23] =	ssyncadd.s32 $0xFFFFFFFF  }
0xa5: {  	s4 =	sld [smem:$0x0]  }
0xa6: {  	s5 =	sand.u32 $0xFFFFFFFE, s1  }
0xa7: {  	p0 =	sne.s32 s1, s5  }
0xa8: {  	s5 =	sshll.u32 @p0 s5, $0xE  }
0xa9: {  	s5 =	sadd.s32 @p0 $0x11B8D, s5;
	s6 =	sshll.u32 @p0 s4, $0x11  }
0xaa: {  	s5 =	sor.u32 @p0 s6, s5  }
0xab: {  	[sflag:s5] =	ssyncadd.remote.s32 @p0 $0x1;
	_ =	sdelay $0x1  }
0xac: {  	s5 =	simm.s32 @p0 $0x1B8D  }
0xad: {  	_ =	swait.eq @p0 [sflag:s5], $0x1  }
0xae: {  	[sflag:s5] =	ssyncadd.s32 @p0 $0xFFFFFFFF  }
0xaf: {  	s6 =	sshll.u32 @!p0 s1, $0xE  }
0xb0: {  	s6 =	sor.u32 @!p0 $0x4000, s6;
	s5 =	simm.s32 @!p0 $0x1B8D  }
0xb1: {  	s4 =	sshll.u32 @!p0 s4, $0x11;
	s6 =	sadd.s32 @!p0 $0x11B8D, s6;
	_ =	swait.eq @!p0 [sflag:s5], $0x1  }
0xb2: {  	s4 =	sor.u32 @!p0 s4, s6;
	[sflag:s5] =	ssyncadd.s32 @!p0 $0xFFFFFFFF  }
0xb3: {  	s25 =	simm.s32 $0x1B8E;
	s24 =	sld [smem:$0x3FFE];
	[sflag:s4] =	ssyncadd.remote.s32 @!p0 $0x1  }
0xb4: {  	s26 =	simm.s32 $execute0_lowered;
	[smem:$0x3FD2] =	sst s25  }
0xb5: {  	s5 =	sshll.u32 s26, $0x1;
	_ =	strace $0x80000049;
	[dreg:$0x1] =	wrdreg $0xFFFFFFFF  }
0xb6: {  	s28 =	simm.s32 $_size_execute0_lowered;
	s3 =	sadd.s32 s3, s5;
	[dreg:$0x0] =	wrdreg $0x0  }
0xb7: {  	s5 =	sshll.u32 s28, $0x1;
	[dreg:$0x2] =	wrdreg s3  }
0xb8: {  	[dreg:$0x3] =	wrdreg s5  }
0xb9: {  	[dreg:$0x4] =	wrdreg $0xC0  }
0xba: {  	_ =	task [dreg:s22], $0x5FFFF  }
0xbb: {  	[dreg:$0x1] =	wrdreg $0xFFFFFFFF  }
0xbc: {  	[dreg:$0x0] =	wrdreg $0x60  }
0xbd: {  	[dreg:$0x2] =	wrdreg s24  }
0xbe: {  	[dreg:$0x3] =	wrdreg $0x9  }
0xbf: {  	_ =	task.clear_ibuf [dreg:s22], $0x4FFFF;
	_ =	strace $0x90000049  }
0xc0: {  	s29 =	simm.s32 $0x9;
	_ =	strace $0x8000004B  }
0xc1: {  	_ =	swait.ge [sflag:s29], $0x1  }
0xc2: {  	[sflag:s29] =	ssyncadd.s32 $0xFFFFFFFF  }
0xc3: {  	_ =	strace $0x9000004B  }
0xc4: {  	_ =	sfence  }
0xc5: {  	s30 =	sld [smem:$0x0];
	_ =	sdelay $0x2  }
0xc6: {  	s31 =	sshll.u32 s1, $0xD;
	s1 =	sshrl.u32 s1, $0x2  }
0xc7: {  	s4 =	sand.u32 $0x4000, s31;
	s1 =	sadd.s32 s1, s30  }
0xc8: {  	s0 =	sor.u32 s4, s0;
	s1 =	sshll.u32 s1, $0x11  }
0xc9: {  	s0 =	sor.u32 s1, s0  }
0xca: {  	s0 =	sadd.s32 $0x8F2B, s0  }
0xcb: {  	[sflag:s0] =	ssyncadd.remote.s32 $0x1  }
0xcc: {  	_ =	sfence.sel $0xFFFF  }
0xcd: {  	[dreg:$0x0] =	wrdreg $0xFFFFFFFF;
	(pc) =	sbr.abs _section_cstart, $3  }
0xce: {  	[dreg:$0x1] =	wrdreg $0xFFFFFFFF  }
0xcf: {  	_ =	task.clear_ibuf [dreg:s22], $0x2FFFF;
	_ =	strace $0x9FFFFFFF  }
0xd0: {  	(tm) =	ssettm $0x7FFFFFFF  }
0xd1: {  	_ =	shalt  }
tec
execute0_lowered:
.L_overlay_start_1:
0x0: {  	(tag) =	ssettag $0x1  }
0x1: {  	s4 =	rddreg [dreg:$0x0]  }
0x2: {  	s0 =	rddreg [dreg:$0x1]  }
0x3: {  	s3 =	srdreg.scid;
	s1 =	stileid.u32;
	s2 =	simm.s32 $0x0  }
0x4: {  	s10 =	simm.s32 $0x1;
	s11 =	simm.s32 $0x0;
	s6 =	smul.u32 $0x3200, s1  }
0x5: {  	s5 =	sand.u32 $0x1, s3;
	[smem:$0x7FF] =	sst s2;
	s8 =	smul.u32 $0x32000, s1  }
0x6: {  	s3 =	sadd.s32 $0xB0200, s4;
	s7 =	smul.u32 $0x1900, s5;
	s9 =	ssub.s32 $0x2, s5  }
0x7: {  	_ =	strace $0x8000004A;
	s5 =	smul.u32 $0x19000, s5;
	s31 =	sshrl.u32 s9, $0x1  }
0x8: {  	s30 =	sadd.s32 s8, s4;
	s6 =	sadd.s32 s7, s6;
	s8 =	ssub.s32 s9, s31  }
0x9: {  	s5 =	sadd.s32 s5, s30;
	s7 =	simm.s32 $0x2;
	s6 =	sshrl.u32 s6, $0x3  }
0xa: {  	s9 =	simm.s32 $0x200;
	s5 =	sadd.s32 $0x408600, s5;
	s6 =	sadd.s32 s6, s4  }
0xb: {  	s4 =	smax.u32 s8, $0x1;
	s8 =	simm.s32 $0x190;
	s6 =	sadd.s32 $0x402200, s6  }
.LBB2_1:
0xc: {  	s12 =	sadd.s32 $0x0, s6  }
0xd: {  	[tilespmem:s2], [sflag:$0x2] =	stream.linear.gather [hbm4b:s12+s2], $0x190, $0x38;
	[tilespmem:$0xCA00] =	vst v63  }
0xe: {  	_ =	swait.ge [sflag:s7], $0x190  }
0xf: {  	[sflag:s7] =	ssyncset.done $0x0  }
0x10: {  	[sflag:s7] =	ssyncadd.s32 $0xFFFFFE70  }
0x11: {  	[tilespmem:s9], [sflag:$0x1] =	stream.indirect.gather [hbm4b:s3+s8], $0x80, s2, s8, $0xb8;
	[tilespmem:$0xCA00] =	vst v63  }
0x12: {  	_ =	swait.ge [sflag:s10], $0xC800  }
0x13: {  	[sflag:s10] =	ssyncset.done $0x0  }
0x14: {  	[sflag:s10] =	ssyncadd.s32 $0xFFFF3800  }
0x15: {  	[hbm4b:s5+s2] =	stream.linear.scatter [tilespmem:s9], [sflag:$0x2], $0xC800, $0x38;
	[tilespmem:$0xCA00] =	vst v63  }
0x16: {  	s13 =	simm.s32 $0x32;
	_ =	swait.ge [sflag:s7], $0xC800  }
0x17: {  	s14 =	simm.s32 $0x64;
	s12 =	sadd.s32 $0x1900, s5;
	[sflag:s7] =	ssyncset.done $0x0  }
.LBB2_2:
0x18: {  	s15 =	sadd.s32 s13, s6  }
0x19: {  	[sflag:s7] =	ssyncadd.s32 $0xFFFF3800;
	s13 =	smov.u32 s14;
	s16 =	sadd.s32 $0x32, s14  }
0x1a: {  	[tilespmem:s2], [sflag:$0x2] =	stream.linear.gather [hbm4b:s15+s2], $0x190, $0x38;
	[tilespmem:$0xCA00] =	vst v63  }
0x1b: {  	p0 =	sne.s32 s14, $0x2EE;
	_ =	swait.ge [sflag:s7], $0x190  }
0x1c: {  	[sflag:s7] =	ssyncset.done $0x0  }
0x1d: {  	[sflag:s7] =	ssyncadd.s32 $0xFFFFFE70  }
0x1e: {  	[tilespmem:s9], [sflag:$0x1] =	stream.indirect.gather [hbm4b:s3+s8], $0x80, s2, s8, $0xb8;
	[tilespmem:$0xCA00] =	vst v63  }
0x1f: {  	_ =	swait.ge [sflag:s10], $0xC800  }
.Ltmp0:
0x20: {  	[sflag:s10] =	ssyncset.done $0x0;
	(pc) =	sbr.rel @p0 .LBB2_2-.Ltmp0, $4  }
0x21: {  	[sflag:s10] =	ssyncadd.s32 $0xFFFF3800  }
0x22: {  	[hbm4b:s12+s2] =	stream.linear.scatter [tilespmem:s9], [sflag:$0x2], $0xC800, $0x38;
	[tilespmem:$0xCA00] =	vst v63  }
0x23: {  	_ =	swait.ge [sflag:s7], $0xC800  }
0x24: {  	s14 =	smov.u32 s16;
	s12 =	sadd.s32 $0x1900, s12;
	[sflag:s7] =	ssyncset.done $0x0  }
0x25: {  	s13 =	sadd.s32 s13, s6;
	[sflag:s7] =	ssyncadd.s32 $0xFFFF3800  }
0x26: {  	[tilespmem:s2], [sflag:$0x2] =	stream.linear.gather [hbm4b:s13+s2], $0x190, $0x38;
	[tilespmem:$0xCA00] =	vst v63  }
0x27: {  	_ =	swait.ge [sflag:s7], $0x190  }
0x28: {  	[sflag:s7] =	ssyncset.done $0x0  }
0x29: {  	[sflag:s7] =	ssyncadd.s32 $0xFFFFFE70  }
0x2a: {  	[tilespmem:s9], [sflag:$0x1] =	stream.indirect.gather [hbm4b:s3+s8], $0x80, s2, s8, $0xb8;
	[tilespmem:$0xCA00] =	vst v63  }
0x2b: {  	s11 =	sadd.s32 $0x1, s11;
	_ =	swait.ge [sflag:s10], $0xC800  }
0x2c: {  	p0 =	sne.s32 s11, s4;
	[sflag:s10] =	ssyncset.done $0x0  }
.Ltmp1:
0x2d: {  	[sflag:s10] =	ssyncadd.s32 $0xFFFF3800;
	(pc) =	sbr.rel @p0 .LBB2_1-.Ltmp1, $4  }
0x2e: {  	[hbm4b:s12+s2] =	stream.linear.scatter [tilespmem:s9], [sflag:$0x2], $0xC800, $0x38;
	[tilespmem:$0xCA00] =	vst v63  }
0x2f: {  	_ =	swait.ge [sflag:s7], $0xC800  }
0x30: {  	[sflag:s7] =	ssyncset.done $0x0  }
0x31: {  	[sflag:s7] =	ssyncadd.s32 $0xFFFF3800  }
0x32: {  	_ =	sfence.sel $0x180000  }
0x33: {  	[bflag:$0x0] =	sbarrier.arrive $0xFFFF  }
0x34: {  	p0 =	sne.s32 s1, $0x0;
	_ =	strace $0x9000004A  }
0x35: {  	s0 =	sadd.s32 @!p0 $0x100000, s0;
	[bflag:$0x2] =	sbarrier.arrive $0xFFFF  }
0x36: {  	[sflag:s0] =	ssyncadd.tile.s32 @!p0 $0x1;
	_ =	shalt  }
.Lfunc_end2:
_tile_overlayer_lowered:
.L_overlay_start_2:
0x37: {  	(tag) =	ssettag $0x2  }
0x38: {  	s0 =	rddreg [dreg:$0x0];
	s2 =	stileid.u32  }
0x39: {  	s1 =	rddreg [dreg:$0x1];
	p0 =	sne.s32 s2, $0x0  }
0x3a: {  	s3 =	rddreg [dreg:$0x2];
	[bflag:$0x3] =	sbarrier.arrive $0xFFFF;
	s2 =	simm.s32 @!p0 $0x1C02  }
0x3b: {  	[timem:s3], [sflag:s2] =	dma.local @!p0 [hbm:s0], s1  }
0x3c: {  	s0 =	simm.s32 @!p0 $0x2  }
0x3d: {  	_ =	swait.ge @!p0 [sflag:s0], s1  }
0x3e: {  	s1 =	ssub.s32 @!p0 $0x0, s1;
	[sflag:s0] =	ssyncset.done @!p0 $0x0  }
0x3f: {  	[sflag:s0] =	ssyncadd.s32 @!p0 s1  }
0x40: {  	[bflag:$0x3] =	sbarrier.arrive $0xFFFF  }
0x41: {  	_ =	shalt  }

// kernel: kernel.32.cloned.1.call-start
scs
__scs_entry_jumppad:
0x0: {  	(pc) =	sbr.rel $0x88, $3  }
0x1: {  	(tag) =	ssettag $0x0;
	lr =	simm.s32 $0x1  }
0x2: {  	[smem:$0x3F88] =	sst lr;
	_ =	strace $0xD0000000  }
0x3: {  	_ = 	snop  }
0x4: {  	_ = 	snop  }
0x5: {  	_ = 	snop  }
0x6: {  	_ = 	snop  }
0x7: {  	_ = 	snop  }
__scs_overlays_trampoline_lowered:
0x8: {  	[smem:$0x3F97] =	sst s0  }
0x9: {  	[smem:$0x3F98] =	sst s1  }
0xa: {  	[smem:$0x3F99] =	sst s2  }
0xb: {  	[smem:$0x3F9A] =	sst s3  }
0xc: {  	[smem:$0x3F9B] =	sst s4  }
0xd: {  	[smem:$0x3F9C] =	sst s5  }
0xe: {  	[smem:$0x3F9D] =	sst s6  }
0xf: {  	[smem:$0x3F9E] =	sst s7  }
0x10: {  	[smem:$0x3F9F] =	sst s8  }
0x11: {  	[smem:$0x3FA0] =	sst s9;
	s0 =	simm.s32 @!p0 $0x0  }
0x12: {  	s1 =	sld [smem:$0x3F86];
	s0 =	simm.s32 @p0 $0x1  }
0x13: {  	[smem:$0x3FA1] =	sst s0;
	s0 =	simm.s32 @!p1 $0x0  }
0x14: {  	s2 =	sld [smem:$0x3F85];
	s0 =	simm.s32 @p1 $0x1  }
0x15: {  	[smem:$0x3FA2] =	sst s0;
	s0 =	simm.s32 @!p2 $0x0  }
0x16: {  	s3 =	sld [smem:$0x3FDB];
	s0 =	simm.s32 @p2 $0x1  }
0x17: {  	s4 =	simm.s32 $0x1BF5;
	[smem:$0x3FA4] =	sst s0  }
0x18: {  	s0 =	sld [smem:$0x3F87];
	_ =	swait.ge [sflag:s4], $0x0  }
0x19: {  	s7 =	sld [smem:$0x3F88]  }
0x1a: {  	s8 =	sadd.s32 $0xFFFFE003, lr  }
0x1b: {  	s9 =	sadd.s32 $0xFFFFFEF7, lr;
	s5 =	simm.s32 $0xFFFFFFFF;
	p2 =	slt.u32 s8, $0xFFFFF086  }
0x1c: {  	p1 =	slt.u32 s9, $0xF7A;
	s5 =	simm.s32 @!p2 $0x0  }
0x1d: {  	s5 =	simm.s32 @p1 $0x1;
	p0 =	seq.s32 s7, s2  }
0x1e: {  	s7 =	smul.u32 @!p0 $0xF7A, s2;
	p2 =	seq.s32 @!p0 s5, $0x0  }
0x1f: {  	s9 =	smul.u32 $0xF7A, s1;
	s8 =	simm.s32 @!p0 $0x1BF5;
	p2 =	por !p2, p0  }
0x20: {  	[sflag:s8] =	ssyncset.s32 @!p0 $0xFFFFF086;
	s6 =	sadd.s32 @!p0 s3, s7;
	s7 =	simm.s32 @!p0 $0x108  }
0x21: {  	s3 =	sadd.s32 s3, s9;
	s6 =	sadd.s32 @!p0 $0x88, s6;
	s7 =	simm.s32 @p2 $0x1082  }
0x22: {  	[simem:s7], [sflag:s8] =	dma.local @!p0 [hbm:s6], $0xF7A  }
0x23: {  	s9 =	sor.u32 $0xD0000000, s2;
	s6 =	simm.s32 $0x108;
	_ =	swait.ge @!p0 [sflag:s8], $0x0  }
0x24: {  	s3 =	sadd.s32 $0x88, s3;
	s6 =	simm.s32 @!p1 $0x1082;
	[sflag:s4] =	ssyncset.s32 $0xFFFFF086  }
0x25: {  	[simem:s6], [sflag:s4] =	dma.local [hbm:s3], $0xF7A  }
0x26: {  	[smem:$0x3F88] =	sst s1;
	(tag) =	ssettag s2;
	_ =	strace s9  }
0x27: {  	s1 =	sld [smem:$0x3F98]  }
0x28: {  	s2 =	sld [smem:$0x3F99]  }
0x29: {  	s4 =	sld [smem:$0x3F9B]  }
0x2a: {  	p0 =	seq.s32 s5, $0x0;
	s5 =	sld [smem:$0x3F9C]  }
0x2b: {  	s6 =	sld [smem:$0x3F9D]  }
0x2c: {  	s7 =	sld [smem:$0x3F9E]  }
0x2d: {  	s3 =	simm.s32 $0x108;
	s8 =	sld [smem:$0x3F9F]  }
0x2e: {  	s3 =	simm.s32 @!p0 $0x1082;
	s9 =	sld [smem:$0x3FA0]  }
0x2f: {  	lr =	sadd.s32 s0, s3;
	s0 =	sld [smem:$0x3F97]  }
0x30: {  	s3 =	sld [smem:$0x3F9A]  }
0x31: {  	[smem:$0x3FA3] =	sst s10  }
0x32: {  	s10 =	sld [smem:$0x3FA1];
	_ =	sdelay $0x3  }
0x33: {  	p0 =	seq.s32 s10, $0x1;
	s10 =	sld [smem:$0x3FA3];
	_ =	sdelay $0x3  }
0x34: {  	[smem:$0x3FA3] =	sst s10  }
0x35: {  	s10 =	sld [smem:$0x3FA2];
	_ =	sdelay $0x3  }
0x36: {  	p1 =	seq.s32 s10, $0x1;
	s10 =	sld [smem:$0x3FA3];
	_ =	sdelay $0x3  }
0x37: {  	[smem:$0x3FA3] =	sst s10  }
0x38: {  	s10 =	sld [smem:$0x3FA4]  }
0x39: {  	_ = 	snop;
	(pc) =	sbr.ind lr, $3  }
0x3a: {  	_ = 	snop  }
0x3b: {  	_ = 	snop  }
0x3c: {  	p2 =	seq.s32 s10, $0x1;
	s10 =	sld [smem:$0x3FA3]  }
0x3d: {  	_ =	shalt  }
0x3e: {  	_ =	shalt  }
0x3f: {  	_ =	shalt  }
0x40: {  	_ =	shalt  }
0x41: {  	_ =	shalt  }
0x42: {  	_ =	shalt  }
0x43: {  	_ =	shalt  }
0x44: {  	_ =	shalt  }
0x45: {  	_ =	shalt  }
0x46: {  	_ =	shalt  }
0x47: {  	_ =	shalt  }
0x48: {  	_ =	shalt  }
0x49: {  	_ =	shalt  }
0x4a: {  	_ =	shalt  }
0x4b: {  	_ =	shalt  }
0x4c: {  	_ =	shalt  }
0x4d: {  	_ =	shalt  }
0x4e: {  	_ =	shalt  }
0x4f: {  	_ =	shalt  }
0x50: {  	_ =	shalt  }
0x51: {  	_ =	shalt  }
0x52: {  	_ =	shalt  }
0x53: {  	_ =	shalt  }
0x54: {  	_ =	shalt  }
0x55: {  	_ =	shalt  }
0x56: {  	_ =	shalt  }
0x57: {  	_ =	shalt  }
0x58: {  	_ =	shalt  }
0x59: {  	_ =	shalt  }
0x5a: {  	_ =	shalt  }
0x5b: {  	_ =	shalt  }
0x5c: {  	_ =	shalt  }
0x5d: {  	_ =	shalt  }
0x5e: {  	_ =	shalt  }
0x5f: {  	_ =	shalt  }
0x60: {  	_ =	shalt  }
0x61: {  	_ =	shalt  }
0x62: {  	_ =	shalt  }
0x63: {  	_ =	shalt  }
0x64: {  	_ =	shalt  }
0x65: {  	_ =	shalt  }
0x66: {  	_ =	shalt  }
0x67: {  	_ =	shalt  }
0x68: {  	_ =	shalt  }
0x69: {  	_ =	shalt  }
0x6a: {  	_ =	shalt  }
0x6b: {  	_ =	shalt  }
0x6c: {  	_ =	shalt  }
0x6d: {  	_ =	shalt  }
0x6e: {  	_ =	shalt  }
0x6f: {  	_ =	shalt  }
0x70: {  	_ =	shalt  }
0x71: {  	_ =	shalt  }
0x72: {  	_ =	shalt  }
0x73: {  	_ =	shalt  }
0x74: {  	_ =	shalt  }
0x75: {  	_ =	shalt  }
0x76: {  	_ =	shalt  }
0x77: {  	_ =	shalt  }
0x78: {  	_ =	shalt  }
0x79: {  	_ =	shalt  }
0x7a: {  	_ =	shalt  }
0x7b: {  	_ =	shalt  }
0x7c: {  	_ =	shalt  }
0x7d: {  	_ =	shalt  }
0x7e: {  	_ =	shalt  }
0x7f: {  	_ =	shalt  }
0x80: {  	_ =	shalt  }
0x81: {  	_ =	shalt  }
0x82: {  	_ =	shalt  }
0x83: {  	_ =	shalt  }
0x84: {  	_ =	shalt  }
0x85: {  	_ =	shalt  }
0x86: {  	_ =	shalt  }
0x87: {  	_ =	shalt  }
.Lfunc_end0:
.L_simem_size_0:
called_computation.1_lowered:
.L_overlay_start_0:
0x88: {  	s2 =	sld [smem:$0x3FD9]  }
0x89: {  	s3 =	sld [smem:$0x3FFE];
	_ =	sdelay $0x1  }
0x8a: {  	s1 =	srdreg.scid  }
0x8b: {  	s0 =	sand.u32 $0x1, s1  }
0x8c: {  	s16 =	sshll.u32 s0, $0xA;
	s2 =	sadd.s32 s3, s2  }
0x8d: {  	s2 =	sadd.s32 s2, s16  }
0x8e: {  	[smem:$0x3FAF] =	sst s2  }
0x8f: {  	_ = 	snop  }
0x90: {  	(tm) =	ssettm $0x1  }
0x91: {  	s17 =	sld [smem:$0x3FFB];
	_ =	sdelay $0x3  }
0x92: {  	_ =	strace s17  }
0x93: {  	s2 =	sld [smem:$0x3FFC];
	_ =	sdelay $0x3  }
0x94: {  	_ =	strace s2  }
0x95: {  	s2 =	sld [smem:$0x3FFD];
	_ =	sdelay $0x3  }
0x96: {  	_ =	strace s2  }
0x97: {  	_ =	strace $0x8FFFFFFF  }
0x98: {  	s18 =	sld [smem:$0x3FDB];
	_ =	sdelay $0x1  }
0x99: {  	s19 =	simm.s32 $_scs_section_size  }
0x9a: {  	s4 =	simm.s32 $_size__tile_overlayer_lowered;
	s5 =	simm.s32 $_tile_overlayer_lowered  }
0x9b: {  	s22 =	simm.s32 $0x1BFF;
	s21 =	sshll.u32 s5, $0x1;
	s2 =	sadd.s32 s19, s18  }
0x9c: {  	s6 =	simm.s32 $0x0;
	s20 =	sshll.u32 s4, $0x1;
	s4 =	sadd.s32 s21, s2  }
0x9d: {  	[timem:s6], [sflag:s22] =	dma.local [hbm:s4], s20  }
0x9e: {  	_ =	swait.ge [sflag:s22], s20  }
0x9f: {  	s3 =	ssub.s32 $0x0, s20;
	[sflag:s22] =	ssyncset.done $0x0  }
0xa0: {  	[sflag:s22] =	ssyncadd.s32 s3;
	_ =	sdelay $0x1  }
0xa1: {  	s23 =	simm.s32 $0x1B8B  }
0xa2: {  	_ =	swait.ge [sflag:s23], $0x1  }
0xa3: {  	[sflag:s23] =	ssyncset.done $0x0  }
0xa4: {  	s25 =	simm.s32 $0x1B8E;
	s24 =	sld [smem:$0x3FFE];
	[sflag:s23] =	ssyncadd.s32 $0xFFFFFFFF  }
0xa5: {  	s26 =	simm.s32 $execute0_lowered;
	[smem:$0x3FD2] =	sst s25  }
0xa6: {  	s4 =	sshll.u32 s26, $0x1;
	_ =	strace $0x80000046;
	[dreg:$0x1] =	wrdreg $0xFFFFFFFF  }
0xa7: {  	s28 =	simm.s32 $_size_execute0_lowered;
	s2 =	sadd.s32 s2, s4;
	[dreg:$0x0] =	wrdreg $0x0  }
0xa8: {  	s4 =	sshll.u32 s28, $0x1;
	[dreg:$0x2] =	wrdreg s2  }
0xa9: {  	[dreg:$0x3] =	wrdreg s4  }
0xaa: {  	[dreg:$0x4] =	wrdreg $0xC0  }
0xab: {  	_ =	task [dreg:s6], $0x5FFFF  }
0xac: {  	[dreg:$0x1] =	wrdreg $0xFFFFFFFF  }
0xad: {  	[dreg:$0x0] =	wrdreg $0x60  }
0xae: {  	[dreg:$0x2] =	wrdreg s24  }
0xaf: {  	[dreg:$0x3] =	wrdreg $0xA  }
0xb0: {  	_ =	task.clear_ibuf [dreg:s6], $0x4FFFF;
	_ =	strace $0x90000046  }
0xb1: {  	s29 =	simm.s32 $0xA;
	_ =	strace $0x80000048  }
0xb2: {  	_ =	swait.ge [sflag:s29], $0x1  }
0xb3: {  	[sflag:s29] =	ssyncadd.s32 $0xFFFFFFFF  }
0xb4: {  	_ =	strace $0x90000048  }
0xb5: {  	_ =	sfence  }
0xb6: {  	s30 =	sld [smem:$0x0];
	_ =	sdelay $0x2  }
0xb7: {  	s31 =	sshll.u32 s1, $0xD;
	s1 =	sshrl.u32 s1, $0x2  }
0xb8: {  	s3 =	sand.u32 $0x4000, s31;
	s1 =	sadd.s32 s1, s30  }
0xb9: {  	s0 =	sor.u32 s3, s0;
	s1 =	sshll.u32 s1, $0x11  }
0xba: {  	s0 =	sor.u32 s1, s0  }
0xbb: {  	s0 =	sadd.s32 $0x8F2B, s0  }
0xbc: {  	[sflag:s0] =	ssyncadd.remote.s32 $0x1  }
0xbd: {  	_ =	sfence.sel $0xFFFF  }
0xbe: {  	[dreg:$0x0] =	wrdreg $0xFFFFFFFF;
	(pc) =	sbr.abs _section_cstart, $3  }
0xbf: {  	[dreg:$0x1] =	wrdreg $0xFFFFFFFF  }
0xc0: {  	_ =	task.clear_ibuf [dreg:s6], $0x2FFFF;
	_ =	strace $0x9FFFFFFF  }
0xc1: {  	(tm) =	ssettm $0x7FFFFFFF  }
tec
execute0_lowered:
.L_overlay_start_1:
0x0: {  	(tag) =	ssettag $0x1  }
0x1: {  	s4 =	rddreg [dreg:$0x0]  }
0x2: {  	s0 =	rddreg [dreg:$0x1]  }
0x3: {  	s3 =	srdreg.scid;
	s1 =	stileid.u32;
	s2 =	simm.s32 $0x0  }
0x4: {  	s10 =	simm.s32 $0x1;
	s11 =	simm.s32 $0x0;
	s6 =	smul.u32 $0x3200, s1  }
0x5: {  	s5 =	sand.u32 $0x1, s3;
	[smem:$0x7FF] =	sst s2;
	s8 =	smul.u32 $0x32000, s1  }
0x6: {  	s3 =	sadd.s32 $0x7E200, s4;
	s7 =	smul.u32 $0x1900, s5;
	s9 =	ssub.s32 $0x2, s5  }
0x7: {  	_ =	strace $0x80000047;
	s5 =	smul.u32 $0x19000, s5;
	s31 =	sshrl.u32 s9, $0x1  }
0x8: {  	s30 =	sadd.s32 s8, s4;
	s6 =	sadd.s32 s7, s6;
	s8 =	ssub.s32 s9, s31  }
0x9: {  	s5 =	sadd.s32 s5, s30;
	s7 =	simm.s32 $0x2;
	s6 =	sshrl.u32 s6, $0x3  }
0xa: {  	s9 =	simm.s32 $0x200;
	s5 =	sadd.s32 $0xE2200, s5;
	s6 =	sadd.s32 s6, s4  }
0xb: {  	s4 =	smax.u32 s8, $0x1;
	s8 =	simm.s32 $0x190;
	s6 =	sadd.s32 $0x15000, s6  }
.LBB2_1:
0xc: {  	s12 =	sadd.s32 $0x0, s6  }
0xd: {  	[tilespmem:s2], [sflag:$0x2] =	stream.linear.gather [hbm4b:s12+s2], $0x190, $0x38;
	[tilespmem:$0xCA00] =	vst v63  }
0xe: {  	_ =	swait.ge [sflag:s7], $0x190  }
0xf: {  	[sflag:s7] =	ssyncset.done $0x0  }
0x10: {  	[sflag:s7] =	ssyncadd.s32 $0xFFFFFE70  }
0x11: {  	[tilespmem:s9], [sflag:$0x1] =	stream.indirect.gather [hbm4b:s3+s8], $0x80, s2, s8, $0xb8;
	[tilespmem:$0xCA00] =	vst v63  }
0x12: {  	_ =	swait.ge [sflag:s10], $0xC800  }
0x13: {  	[sflag:s10] =	ssyncset.done $0x0  }
0x14: {  	[sflag:s10] =	ssyncadd.s32 $0xFFFF3800  }
0x15: {  	[hbm4b:s5+s2] =	stream.linear.scatter [tilespmem:s9], [sflag:$0x2], $0xC800, $0x38;
	[tilespmem:$0xCA00] =	vst v63  }
0x16: {  	s13 =	simm.s32 $0x32;
	_ =	swait.ge [sflag:s7], $0xC800  }
0x17: {  	s14 =	simm.s32 $0x64;
	s12 =	sadd.s32 $0x1900, s5;
	[sflag:s7] =	ssyncset.done $0x0  }
.LBB2_2:
0x18: {  	s15 =	sadd.s32 s13, s6  }
0x19: {  	[sflag:s7] =	ssyncadd.s32 $0xFFFF3800;
	s13 =	smov.u32 s14;
	s16 =	sadd.s32 $0x32, s14  }
0x1a: {  	[tilespmem:s2], [sflag:$0x2] =	stream.linear.gather [hbm4b:s15+s2], $0x190, $0x38;
	[tilespmem:$0xCA00] =	vst v63  }
0x1b: {  	p0 =	sne.s32 s14, $0x2EE;
	_ =	swait.ge [sflag:s7], $0x190  }
0x1c: {  	[sflag:s7] =	ssyncset.done $0x0  }
0x1d: {  	[sflag:s7] =	ssyncadd.s32 $0xFFFFFE70  }
0x1e: {  	[tilespmem:s9], [sflag:$0x1] =	stream.indirect.gather [hbm4b:s3+s8], $0x80, s2, s8, $0xb8;
	[tilespmem:$0xCA00] =	vst v63  }
0x1f: {  	_ =	swait.ge [sflag:s10], $0xC800  }
.Ltmp0:
0x20: {  	[sflag:s10] =	ssyncset.done $0x0;
	(pc) =	sbr.rel @p0 .LBB2_2-.Ltmp0, $4  }
0x21: {  	[sflag:s10] =	ssyncadd.s32 $0xFFFF3800  }
0x22: {  	[hbm4b:s12+s2] =	stream.linear.scatter [tilespmem:s9], [sflag:$0x2], $0xC800, $0x38;
	[tilespmem:$0xCA00] =	vst v63  }
0x23: {  	_ =	swait.ge [sflag:s7], $0xC800  }
0x24: {  	s14 =	smov.u32 s16;
	s12 =	sadd.s32 $0x1900, s12;
	[sflag:s7] =	ssyncset.done $0x0  }
0x25: {  	s13 =	sadd.s32 s13, s6;
	[sflag:s7] =	ssyncadd.s32 $0xFFFF3800  }
0x26: {  	[tilespmem:s2], [sflag:$0x2] =	stream.linear.gather [hbm4b:s13+s2], $0x190, $0x38;
	[tilespmem:$0xCA00] =	vst v63  }
0x27: {  	_ =	swait.ge [sflag:s7], $0x190  }
0x28: {  	[sflag:s7] =	ssyncset.done $0x0  }
0x29: {  	[sflag:s7] =	ssyncadd.s32 $0xFFFFFE70  }
0x2a: {  	[tilespmem:s9], [sflag:$0x1] =	stream.indirect.gather [hbm4b:s3+s8], $0x80, s2, s8, $0xb8;
	[tilespmem:$0xCA00] =	vst v63  }
0x2b: {  	s11 =	sadd.s32 $0x1, s11;
	_ =	swait.ge [sflag:s10], $0xC800  }
0x2c: {  	p0 =	sne.s32 s11, s4;
	[sflag:s10] =	ssyncset.done $0x0  }
.Ltmp1:
0x2d: {  	[sflag:s10] =	ssyncadd.s32 $0xFFFF3800;
	(pc) =	sbr.rel @p0 .LBB2_1-.Ltmp1, $4  }
0x2e: {  	[hbm4b:s12+s2] =	stream.linear.scatter [tilespmem:s9], [sflag:$0x2], $0xC800, $0x38;
	[tilespmem:$0xCA00] =	vst v63  }
0x2f: {  	_ =	swait.ge [sflag:s7], $0xC800  }
0x30: {  	[sflag:s7] =	ssyncset.done $0x0  }
0x31: {  	[sflag:s7] =	ssyncadd.s32 $0xFFFF3800  }
0x32: {  	_ =	sfence.sel $0x180000  }
0x33: {  	[bflag:$0x0] =	sbarrier.arrive $0xFFFF  }
0x34: {  	p0 =	sne.s32 s1, $0x0;
	_ =	strace $0x90000047  }
0x35: {  	s0 =	sadd.s32 @!p0 $0x100000, s0;
	[bflag:$0x2] =	sbarrier.arrive $0xFFFF  }
0x36: {  	[sflag:s0] =	ssyncadd.tile.s32 @!p0 $0x1;
	_ =	shalt  }
.Lfunc_end2:
_tile_overlayer_lowered:
.L_overlay_start_2:
0x37: {  	(tag) =	ssettag $0x2  }
0x38: {  	s0 =	rddreg [dreg:$0x0];
	s2 =	stileid.u32  }
0x39: {  	s1 =	rddreg [dreg:$0x1];
	p0 =	sne.s32 s2, $0x0  }
0x3a: {  	s3 =	rddreg [dreg:$0x2];
	[bflag:$0x3] =	sbarrier.arrive $0xFFFF;
	s2 =	simm.s32 @!p0 $0x1C02  }
0x3b: {  	[timem:s3], [sflag:s2] =	dma.local @!p0 [hbm:s0], s1  }
0x3c: {  	s0 =	simm.s32 @!p0 $0x2  }
0x3d: {  	_ =	swait.ge @!p0 [sflag:s0], s1  }
0x3e: {  	s1 =	ssub.s32 @!p0 $0x0, s1;
	[sflag:s0] =	ssyncset.done @!p0 $0x0  }
0x3f: {  	[sflag:s0] =	ssyncadd.s32 @!p0 s1  }
0x40: {  	[bflag:$0x3] =	sbarrier.arrive $0xFFFF  }
0x41: {  	_ =	shalt  }

// kernel: kernel.35.cloned.1.call-start
scs
__scs_entry_jumppad:
0x0: {  	(pc) =	sbr.rel $0x88, $3  }
0x1: {  	(tag) =	ssettag $0x0;
	lr =	simm.s32 $0x1  }
0x2: {  	[smem:$0x3F88] =	sst lr;
	_ =	strace $0xD0000000  }
0x3: {  	_ = 	snop  }
0x4: {  	_ = 	snop  }
0x5: {  	_ = 	snop  }
0x6: {  	_ = 	snop  }
0x7: {  	_ = 	snop  }
__scs_overlays_trampoline_lowered:
0x8: {  	[smem:$0x3F97] =	sst s0  }
0x9: {  	[smem:$0x3F98] =	sst s1  }
0xa: {  	[smem:$0x3F99] =	sst s2  }
0xb: {  	[smem:$0x3F9A] =	sst s3  }
0xc: {  	[smem:$0x3F9B] =	sst s4  }
0xd: {  	[smem:$0x3F9C] =	sst s5  }
0xe: {  	[smem:$0x3F9D] =	sst s6  }
0xf: {  	[smem:$0x3F9E] =	sst s7  }
0x10: {  	[smem:$0x3F9F] =	sst s8  }
0x11: {  	[smem:$0x3FA0] =	sst s9;
	s0 =	simm.s32 @!p0 $0x0  }
0x12: {  	s1 =	sld [smem:$0x3F86];
	s0 =	simm.s32 @p0 $0x1  }
0x13: {  	[smem:$0x3FA1] =	sst s0;
	s0 =	simm.s32 @!p1 $0x0  }
0x14: {  	s2 =	sld [smem:$0x3F85];
	s0 =	simm.s32 @p1 $0x1  }
0x15: {  	[smem:$0x3FA2] =	sst s0;
	s0 =	simm.s32 @!p2 $0x0  }
0x16: {  	s3 =	sld [smem:$0x3FDB];
	s0 =	simm.s32 @p2 $0x1  }
0x17: {  	s4 =	simm.s32 $0x1BF5;
	[smem:$0x3FA4] =	sst s0  }
0x18: {  	s0 =	sld [smem:$0x3F87];
	_ =	swait.ge [sflag:s4], $0x0  }
0x19: {  	s7 =	sld [smem:$0x3F88]  }
0x1a: {  	s8 =	sadd.s32 $0xFFFFE003, lr  }
0x1b: {  	s9 =	sadd.s32 $0xFFFFFEF7, lr;
	s5 =	simm.s32 $0xFFFFFFFF;
	p2 =	slt.u32 s8, $0xFFFFF086  }
0x1c: {  	p1 =	slt.u32 s9, $0xF7A;
	s5 =	simm.s32 @!p2 $0x0  }
0x1d: {  	s5 =	simm.s32 @p1 $0x1;
	p0 =	seq.s32 s7, s2  }
0x1e: {  	s7 =	smul.u32 @!p0 $0xF7A, s2;
	p2 =	seq.s32 @!p0 s5, $0x0  }
0x1f: {  	s9 =	smul.u32 $0xF7A, s1;
	s8 =	simm.s32 @!p0 $0x1BF5;
	p2 =	por !p2, p0  }
0x20: {  	[sflag:s8] =	ssyncset.s32 @!p0 $0xFFFFF086;
	s6 =	sadd.s32 @!p0 s3, s7;
	s7 =	simm.s32 @!p0 $0x108  }
0x21: {  	s3 =	sadd.s32 s3, s9;
	s6 =	sadd.s32 @!p0 $0x88, s6;
	s7 =	simm.s32 @p2 $0x1082  }
0x22: {  	[simem:s7], [sflag:s8] =	dma.local @!p0 [hbm:s6], $0xF7A  }
0x23: {  	s9 =	sor.u32 $0xD0000000, s2;
	s6 =	simm.s32 $0x108;
	_ =	swait.ge @!p0 [sflag:s8], $0x0  }
0x24: {  	s3 =	sadd.s32 $0x88, s3;
	s6 =	simm.s32 @!p1 $0x1082;
	[sflag:s4] =	ssyncset.s32 $0xFFFFF086  }
0x25: {  	[simem:s6], [sflag:s4] =	dma.local [hbm:s3], $0xF7A  }
0x26: {  	[smem:$0x3F88] =	sst s1;
	(tag) =	ssettag s2;
	_ =	strace s9  }
0x27: {  	s1 =	sld [smem:$0x3F98]  }
0x28: {  	s2 =	sld [smem:$0x3F99]  }
0x29: {  	s4 =	sld [smem:$0x3F9B]  }
0x2a: {  	p0 =	seq.s32 s5, $0x0;
	s5 =	sld [smem:$0x3F9C]  }
0x2b: {  	s6 =	sld [smem:$0x3F9D]  }
0x2c: {  	s7 =	sld [smem:$0x3F9E]  }
0x2d: {  	s3 =	simm.s32 $0x108;
	s8 =	sld [smem:$0x3F9F]  }
0x2e: {  	s3 =	simm.s32 @!p0 $0x1082;
	s9 =	sld [smem:$0x3FA0]  }
0x2f: {  	lr =	sadd.s32 s0, s3;
	s0 =	sld [smem:$0x3F97]  }
0x30: {  	s3 =	sld [smem:$0x3F9A]  }
0x31: {  	[smem:$0x3FA3] =	sst s10  }
0x32: {  	s10 =	sld [smem:$0x3FA1];
	_ =	sdelay $0x3  }
0x33: {  	p0 =	seq.s32 s10, $0x1;
	s10 =	sld [smem:$0x3FA3];
	_ =	sdelay $0x3  }
0x34: {  	[smem:$0x3FA3] =	sst s10  }
0x35: {  	s10 =	sld [smem:$0x3FA2];
	_ =	sdelay $0x3  }
0x36: {  	p1 =	seq.s32 s10, $0x1;
	s10 =	sld [smem:$0x3FA3];
	_ =	sdelay $0x3  }
0x37: {  	[smem:$0x3FA3] =	sst s10  }
0x38: {  	s10 =	sld [smem:$0x3FA4]  }
0x39: {  	_ = 	snop;
	(pc) =	sbr.ind lr, $3  }
0x3a: {  	_ = 	snop  }
0x3b: {  	_ = 	snop  }
0x3c: {  	p2 =	seq.s32 s10, $0x1;
	s10 =	sld [smem:$0x3FA3]  }
0x3d: {  	_ =	shalt  }
0x3e: {  	_ =	shalt  }
0x3f: {  	_ =	shalt  }
0x40: {  	_ =	shalt  }
0x41: {  	_ =	shalt  }
0x42: {  	_ =	shalt  }
0x43: {  	_ =	shalt  }
0x44: {  	_ =	shalt  }
0x45: {  	_ =	shalt  }
0x46: {  	_ =	shalt  }
0x47: {  	_ =	shalt  }
0x48: {  	_ =	shalt  }
0x49: {  	_ =	shalt  }
0x4a: {  	_ =	shalt  }
0x4b: {  	_ =	shalt  }
0x4c: {  	_ =	shalt  }
0x4d: {  	_ =	shalt  }
0x4e: {  	_ =	shalt  }
0x4f: {  	_ =	shalt  }
0x50: {  	_ =	shalt  }
0x51: {  	_ =	shalt  }
0x52: {  	_ =	shalt  }
0x53: {  	_ =	shalt  }
0x54: {  	_ =	shalt  }
0x55: {  	_ =	shalt  }
0x56: {  	_ =	shalt  }
0x57: {  	_ =	shalt  }
0x58: {  	_ =	shalt  }
0x59: {  	_ =	shalt  }
0x5a: {  	_ =	shalt  }
0x5b: {  	_ =	shalt  }
0x5c: {  	_ =	shalt  }
0x5d: {  	_ =	shalt  }
0x5e: {  	_ =	shalt  }
0x5f: {  	_ =	shalt  }
0x60: {  	_ =	shalt  }
0x61: {  	_ =	shalt  }
0x62: {  	_ =	shalt  }
0x63: {  	_ =	shalt  }
0x64: {  	_ =	shalt  }
0x65: {  	_ =	shalt  }
0x66: {  	_ =	shalt  }
0x67: {  	_ =	shalt  }
0x68: {  	_ =	shalt  }
0x69: {  	_ =	shalt  }
0x6a: {  	_ =	shalt  }
0x6b: {  	_ =	shalt  }
0x6c: {  	_ =	shalt  }
0x6d: {  	_ =	shalt  }
0x6e: {  	_ =	shalt  }
0x6f: {  	_ =	shalt  }
0x70: {  	_ =	shalt  }
0x71: {  	_ =	shalt  }
0x72: {  	_ =	shalt  }
0x73: {  	_ =	shalt  }
0x74: {  	_ =	shalt  }
0x75: {  	_ =	shalt  }
0x76: {  	_ =	shalt  }
0x77: {  	_ =	shalt  }
0x78: {  	_ =	shalt  }
0x79: {  	_ =	shalt  }
0x7a: {  	_ =	shalt  }
0x7b: {  	_ =	shalt  }
0x7c: {  	_ =	shalt  }
0x7d: {  	_ =	shalt  }
0x7e: {  	_ =	shalt  }
0x7f: {  	_ =	shalt  }
0x80: {  	_ =	shalt  }
0x81: {  	_ =	shalt  }
0x82: {  	_ =	shalt  }
0x83: {  	_ =	shalt  }
0x84: {  	_ =	shalt  }
0x85: {  	_ =	shalt  }
0x86: {  	_ =	shalt  }
0x87: {  	_ =	shalt  }
.Lfunc_end0:
.L_simem_size_0:
called_computation.2_lowered:
.L_overlay_start_0:
0x88: {  	s2 =	sld [smem:$0x3FD9]  }
0x89: {  	s3 =	sld [smem:$0x3FFE];
	_ =	sdelay $0x1  }
0x8a: {  	s1 =	srdreg.scid  }
0x8b: {  	s0 =	sand.u32 $0x1, s1  }
0x8c: {  	s16 =	sshll.u32 s0, $0xA;
	s2 =	sadd.s32 s3, s2  }
0x8d: {  	s2 =	sadd.s32 s2, s16  }
0x8e: {  	[smem:$0x3FAF] =	sst s2  }
0x8f: {  	_ = 	snop  }
0x90: {  	(tm) =	ssettm $0x1  }
0x91: {  	s17 =	sld [smem:$0x3FFB];
	_ =	sdelay $0x3  }
0x92: {  	_ =	strace s17  }
0x93: {  	s2 =	sld [smem:$0x3FFC];
	_ =	sdelay $0x3  }
0x94: {  	_ =	strace s2  }
0x95: {  	s2 =	sld [smem:$0x3FFD];
	_ =	sdelay $0x3  }
0x96: {  	_ =	strace s2  }
0x97: {  	_ =	strace $0x8FFFFFFF  }
0x98: {  	s18 =	sld [smem:$0x3FDB];
	_ =	sdelay $0x1  }
0x99: {  	s19 =	simm.s32 $_scs_section_size  }
0x9a: {  	s4 =	simm.s32 $_size__tile_overlayer_lowered;
	s5 =	simm.s32 $_tile_overlayer_lowered  }
0x9b: {  	s22 =	simm.s32 $0x1BFF;
	s21 =	sshll.u32 s5, $0x1;
	s2 =	sadd.s32 s19, s18  }
0x9c: {  	s6 =	simm.s32 $0x0;
	s20 =	sshll.u32 s4, $0x1;
	s4 =	sadd.s32 s21, s2  }
0x9d: {  	[timem:s6], [sflag:s22] =	dma.local [hbm:s4], s20  }
0x9e: {  	_ =	swait.ge [sflag:s22], s20  }
0x9f: {  	s3 =	ssub.s32 $0x0, s20;
	[sflag:s22] =	ssyncset.done $0x0  }
0xa0: {  	[sflag:s22] =	ssyncadd.s32 s3;
	_ =	sdelay $0x1  }
0xa1: {  	s23 =	simm.s32 $0x1B8B  }
0xa2: {  	_ =	swait.ge [sflag:s23], $0x1  }
0xa3: {  	[sflag:s23] =	ssyncset.done $0x0  }
0xa4: {  	s25 =	simm.s32 $0x1B8E;
	s24 =	sld [smem:$0x3FFE];
	[sflag:s23] =	ssyncadd.s32 $0xFFFFFFFF  }
0xa5: {  	s26 =	simm.s32 $execute0_lowered;
	[smem:$0x3FD2] =	sst s25  }
0xa6: {  	s4 =	sshll.u32 s26, $0x1;
	_ =	strace $0x8000004C;
	[dreg:$0x1] =	wrdreg $0xFFFFFFFF  }
0xa7: {  	s28 =	simm.s32 $_size_execute0_lowered;
	s2 =	sadd.s32 s2, s4;
	[dreg:$0x0] =	wrdreg $0x0  }
0xa8: {  	s4 =	sshll.u32 s28, $0x1;
	[dreg:$0x2] =	wrdreg s2  }
0xa9: {  	[dreg:$0x3] =	wrdreg s4  }
0xaa: {  	[dreg:$0x4] =	wrdreg $0xC0  }
0xab: {  	_ =	task [dreg:s6], $0x5FFFF  }
0xac: {  	[dreg:$0x1] =	wrdreg $0xFFFFFFFF  }
0xad: {  	[dreg:$0x0] =	wrdreg $0x60  }
0xae: {  	[dreg:$0x2] =	wrdreg s24  }
0xaf: {  	[dreg:$0x3] =	wrdreg $0x0  }
0xb0: {  	[dreg:$0x4] =	wrdreg $0x9  }
0xb1: {  	_ =	task.clear_ibuf [dreg:s6], $0x5FFFF;
	_ =	strace $0x9000004C  }
0xb2: {  	s29 =	simm.s32 $0x9;
	_ =	strace $0x8000004E  }
0xb3: {  	_ =	swait.ge [sflag:s29], $0x1  }
0xb4: {  	[sflag:s29] =	ssyncadd.s32 $0xFFFFFFFF  }
0xb5: {  	_ =	strace $0x9000004E  }
0xb6: {  	_ =	sfence  }
0xb7: {  	s30 =	sld [smem:$0x0];
	_ =	sdelay $0x2  }
0xb8: {  	s31 =	sshll.u32 s1, $0xD;
	s1 =	sshrl.u32 s1, $0x2  }
0xb9: {  	s3 =	sand.u32 $0x4000, s31;
	s1 =	sadd.s32 s1, s30  }
0xba: {  	s0 =	sor.u32 s3, s0;
	s1 =	sshll.u32 s1, $0x11  }
0xbb: {  	s0 =	sor.u32 s1, s0  }
0xbc: {  	s0 =	sadd.s32 $0x8F2B, s0  }
0xbd: {  	[sflag:s0] =	ssyncadd.remote.s32 $0x1  }
0xbe: {  	_ =	sfence.sel $0xFFFF  }
0xbf: {  	[dreg:$0x0] =	wrdreg $0xFFFFFFFF;
	(pc) =	sbr.abs _section_cstart, $3  }
0xc0: {  	[dreg:$0x1] =	wrdreg $0xFFFFFFFF  }
0xc1: {  	_ =	task.clear_ibuf [dreg:s6], $0x2FFFF;
	_ =	strace $0x9FFFFFFF  }
0xc2: {  	(tm) =	ssettm $0x7FFFFFFF  }
0xc3: {  	_ =	shalt  }
tec
execute0_lowered:
.L_overlay_start_1:
0x0: {  	(tag) =	ssettag $0x1  }
0x1: {  	s0 =	stileid.u32;
	s4 =	rddreg [dreg:$0x0]  }
0x2: {  	s1 =	srdreg.scid;
	s2 =	rddreg [dreg:$0x1]  }
0x3: {  	s3 =	simm.s32 $0x0;
	s12 =	simm.s32 $0xCC00;
	s6 =	smul.u32 $0x3200, s0  }
0x4: {  	s13 =	simm.s32 $0xCD00;
	s14 =	simm.s32 $0xC8;
	s8 =	smul.u32 $0x32000, s0  }
0x5: {  	s5 =	sand.u32 $0x1, s1;
	s1 =	rddreg [dreg:$0x2];
	s26 =	smul.u32 $0x1980, s0  }
0x6: {  	s15 =	simm.s32 $0x0;
	[smem:$0x7FF] =	sst s3;
	s11 =	smul.u32 $0x33000, s0  }
0x7: {  	s31 =	sshll.u32 s0, $0x6;
	s7 =	smul.u32 $0x32000, s5;
	_ =	strace $0x8000004D  }
0x8: {  	s9 =	smul.u32 $0x19800, s5;
	s5 =	ssub.s32 $0x2, s5;
	s8 =	sadd.s32 s8, s4  }
0x9: {  	s29 =	sshrl.u32 s5, $0x1;
	s30 =	sshrl.u32 s11, $0x2;
	s6 =	sadd.s32 s6, s7  }
0xa: {  	s28 =	sadd.s32 s26, s9;
	s7 =	sadd.s32 s26, s4;
	s9 =	ssub.s32 s5, s29  }
0xb: {  	s11 =	sadd.s32 s30, s2;
	s5 =	sor.u32 $0x1C01, s31;
	s6 =	sshrl.u32 s6, $0x3  }
0xc: {  	s8 =	sadd.s32 $0x728600, s8;
	s10 =	sadd.s32 s6, s4;
	s6 =	sadd.s32 s28, s4  }
0xd: {  	s4 =	sadd.s32 $0x408600, s7;
	s7 =	smax.u32 s9, $0x1;
	s6 =	sadd.s32 $0x421E00, s6  }
0xe: {  	s9 =	sadd.s32 $0x8800, s10;
	s10 =	sshrl.u32 s11, $0x3;
	s11 =	simm.s32 $0x1  }
.LBB2_1:
0xf: {  	[spmem:s10], [sflag:s5] =	dma.local [hbm:s4], $0x1980  }
0x10: {  	_ =	swait.ge [sflag:s11], $0x1980  }
0x11: {  	[sflag:s11] =	ssyncset.done $0x0  }
0x12: {  	[sflag:s11] =	ssyncadd.s32 $0xFFFFE680  }
0x13: {  	s16 =	sadd.s32 $0x0, s9;
	[bflag:$0x0] =	sbarrier.arrive $0xFFFF  }
0x14: {  	[tilespmem:s12], [sflag:$0x1] =	stream.linear.gather [hbm4b:s16+s3], $0xC8, $0x38;
	[tilespmem:$0x13100] =	vst v63  }
0x15: {  	_ =	swait.ge [sflag:s11], $0xC8  }
0x16: {  	[sflag:s11] =	ssyncset.done $0x0  }
0x17: {  	[sflag:s11] =	ssyncadd.s32 $0xFFFFFF38  }
0x18: {  	[tilespmem:s13], [sflag:$0x1] =	stream.linear.gather [hbm4b:s8+s3], $0x6400, $0x38;
	[tilespmem:$0x13100] =	vst v63  }
0x19: {  	_ =	swait.ge [sflag:s11], $0x6400  }
0x1a: {  	[sflag:s11] =	ssyncset.done $0x0  }
0x1b: {  	[sflag:s11] =	ssyncadd.s32 $0xFFFF9C00  }
0x1c: {  	[spmem:s2] =	stream.indirect.scatter.add.f32 [tilespmem:s13], [sflag:$0x1], $0x80, s12, s14, $0xb8;
	[tilespmem:$0x13100] =	vst v63  }
0x1d: {  	s17 =	simm.s32 $0x19;
	_ =	swait.ge [sflag:s11], $0x6400  }
0x1e: {  	s18 =	simm.s32 $0x32;
	s16 =	sadd.s32 $0xC80, s8;
	[sflag:s11] =	ssyncset.done $0x0  }
.LBB2_2:
0x1f: {  	s19 =	sadd.s32 s17, s9  }
0x20: {  	[sflag:s11] =	ssyncadd.s32 $0xFFFF9C00;
	s17 =	smov.u32 s18;
	s20 =	sadd.s32 $0x19, s18  }
0x21: {  	[tilespmem:s12], [sflag:$0x1] =	stream.linear.gather [hbm4b:s19+s3], $0xC8, $0x38;
	[tilespmem:$0x13100] =	vst v63  }
0x22: {  	p0 =	sne.s32 s18, $0x627;
	_ =	swait.ge [sflag:s11], $0xC8  }
0x23: {  	[sflag:s11] =	ssyncset.done $0x0  }
0x24: {  	[sflag:s11] =	ssyncadd.s32 $0xFFFFFF38  }
0x25: {  	[tilespmem:s13], [sflag:$0x1] =	stream.linear.gather [hbm4b:s16+s3], $0x6400, $0x38;
	[tilespmem:$0x13100] =	vst v63  }
0x26: {  	_ =	swait.ge [sflag:s11], $0x6400  }
.Ltmp0:
0x27: {  	[sflag:s11] =	ssyncset.done $0x0;
	(pc) =	sbr.rel @p0 .LBB2_2-.Ltmp0, $4  }
0x28: {  	[sflag:s11] =	ssyncadd.s32 $0xFFFF9C00  }
0x29: {  	[spmem:s2] =	stream.indirect.scatter.add.f32 [tilespmem:s13], [sflag:$0x1], $0x80, s12, s14, $0xb8;
	[tilespmem:$0x13100] =	vst v63  }
0x2a: {  	_ =	swait.ge [sflag:s11], $0x6400  }
0x2b: {  	s18 =	smov.u32 s20;
	s16 =	sadd.s32 $0xC80, s16;
	[sflag:s11] =	ssyncset.done $0x0  }
0x2c: {  	s17 =	sadd.s32 s17, s9;
	[sflag:s11] =	ssyncadd.s32 $0xFFFF9C00  }
0x2d: {  	[tilespmem:s12], [sflag:$0x1] =	stream.linear.gather [hbm4b:s17+s3], $0xC8, $0x38;
	[tilespmem:$0x13100] =	vst v63  }
0x2e: {  	_ =	swait.ge [sflag:s11], $0xC8  }
0x2f: {  	[sflag:s11] =	ssyncset.done $0x0  }
0x30: {  	[sflag:s11] =	ssyncadd.s32 $0xFFFFFF38  }
0x31: {  	[tilespmem:s13], [sflag:$0x1] =	stream.linear.gather [hbm4b:s16+s3], $0x6400, $0x38;
	[tilespmem:$0x13100] =	vst v63  }
0x32: {  	_ =	swait.ge [sflag:s11], $0x6400  }
0x33: {  	[sflag:s11] =	ssyncset.done $0x0  }
0x34: {  	[sflag:s11] =	ssyncadd.s32 $0xFFFF9C00  }
0x35: {  	[spmem:s2] =	stream.indirect.scatter.add.f32 [tilespmem:s13], [sflag:$0x1], $0x80, s12, s14, $0xb8;
	[tilespmem:$0x13100] =	vst v63  }
0x36: {  	_ =	swait.ge [sflag:s11], $0x6400  }
0x37: {  	s15 =	sadd.s32 $0x1, s15;
	[sflag:s11] =	ssyncset.done $0x0  }
0x38: {  	p0 =	sne.s32 s15, s7;
	[sflag:s11] =	ssyncadd.s32 $0xFFFF9C00  }
.Ltmp1:
0x39: {  	[bflag:$0x0] =	sbarrier.arrive $0xFFFF;
	(pc) =	sbr.rel @p0 .LBB2_1-.Ltmp1, $4  }
0x3a: {  	[hbm:s6], [sflag:s5] =	dma.local [spmem:s10], $0x1980  }
0x3b: {  	_ =	swait.ge [sflag:s11], $0x1980  }
0x3c: {  	[sflag:s11] =	ssyncset.done $0x0  }
0x3d: {  	[sflag:s11] =	ssyncadd.s32 $0xFFFFE680  }
0x3e: {  	_ =	sfence.sel $0x180000  }
0x3f: {  	[bflag:$0x0] =	sbarrier.arrive $0xFFFF  }
0x40: {  	p0 =	sne.s32 s0, $0x0;
	_ =	strace $0x9000004D  }
0x41: {  	s0 =	sadd.s32 @!p0 $0x100000, s1;
	[bflag:$0x2] =	sbarrier.arrive $0xFFFF  }
0x42: {  	[sflag:s0] =	ssyncadd.tile.s32 @!p0 $0x1;
	_ =	shalt  }
.Lfunc_end2:
_tile_overlayer_lowered:
.L_overlay_start_2:
0x43: {  	(tag) =	ssettag $0x2  }
0x44: {  	s0 =	rddreg [dreg:$0x0];
	s2 =	stileid.u32  }
0x45: {  	s1 =	rddreg [dreg:$0x1];
	p0 =	sne.s32 s2, $0x0  }
0x46: {  	s3 =	rddreg [dreg:$0x2];
	[bflag:$0x3] =	sbarrier.arrive $0xFFFF;
	s2 =	simm.s32 @!p0 $0x1C01  }
0x47: {  	[timem:s3], [sflag:s2] =	dma.local @!p0 [hbm:s0], s1  }
0x48: {  	s0 =	simm.s32 @!p0 $0x1  }
0x49: {  	_ =	swait.ge @!p0 [sflag:s0], s1  }
0x4a: {  	s1 =	ssub.s32 @!p0 $0x0, s1;
	[sflag:s0] =	ssyncset.done @!p0 $0x0  }
0x4b: {  	[sflag:s0] =	ssyncadd.s32 @!p0 s1  }
0x4c: {  	[bflag:$0x3] =	sbarrier.arrive $0xFFFF  }
0x4d: {  	_ =	shalt  }

// kernel: kernel.38.cloned.1.call-start
scs
__scs_entry_jumppad:
0x0: {  	(pc) =	sbr.rel $0x88, $3  }
0x1: {  	(tag) =	ssettag $0x0;
	lr =	simm.s32 $0x1  }
0x2: {  	[smem:$0x3F88] =	sst lr;
	_ =	strace $0xD0000000  }
0x3: {  	_ = 	snop  }
0x4: {  	_ = 	snop  }
0x5: {  	_ = 	snop  }
0x6: {  	_ = 	snop  }
0x7: {  	_ = 	snop  }
__scs_overlays_trampoline_lowered:
0x8: {  	[smem:$0x3F97] =	sst s0  }
0x9: {  	[smem:$0x3F98] =	sst s1  }
0xa: {  	[smem:$0x3F99] =	sst s2  }
0xb: {  	[smem:$0x3F9A] =	sst s3  }
0xc: {  	[smem:$0x3F9B] =	sst s4  }
0xd: {  	[smem:$0x3F9C] =	sst s5  }
0xe: {  	[smem:$0x3F9D] =	sst s6  }
0xf: {  	[smem:$0x3F9E] =	sst s7  }
0x10: {  	[smem:$0x3F9F] =	sst s8  }
0x11: {  	[smem:$0x3FA0] =	sst s9;
	s0 =	simm.s32 @!p0 $0x0  }
0x12: {  	s1 =	sld [smem:$0x3F86];
	s0 =	simm.s32 @p0 $0x1  }
0x13: {  	[smem:$0x3FA1] =	sst s0;
	s0 =	simm.s32 @!p1 $0x0  }
0x14: {  	s2 =	sld [smem:$0x3F85];
	s0 =	simm.s32 @p1 $0x1  }
0x15: {  	[smem:$0x3FA2] =	sst s0;
	s0 =	simm.s32 @!p2 $0x0  }
0x16: {  	s3 =	sld [smem:$0x3FDB];
	s0 =	simm.s32 @p2 $0x1  }
0x17: {  	s4 =	simm.s32 $0x1BF5;
	[smem:$0x3FA4] =	sst s0  }
0x18: {  	s0 =	sld [smem:$0x3F87];
	_ =	swait.ge [sflag:s4], $0x0  }
0x19: {  	s7 =	sld [smem:$0x3F88]  }
0x1a: {  	s8 =	sadd.s32 $0xFFFFE003, lr  }
0x1b: {  	s9 =	sadd.s32 $0xFFFFFEF7, lr;
	s5 =	simm.s32 $0xFFFFFFFF;
	p2 =	slt.u32 s8, $0xFFFFF086  }
0x1c: {  	p1 =	slt.u32 s9, $0xF7A;
	s5 =	simm.s32 @!p2 $0x0  }
0x1d: {  	s5 =	simm.s32 @p1 $0x1;
	p0 =	seq.s32 s7, s2  }
0x1e: {  	s7 =	smul.u32 @!p0 $0xF7A, s2;
	p2 =	seq.s32 @!p0 s5, $0x0  }
0x1f: {  	s9 =	smul.u32 $0xF7A, s1;
	s8 =	simm.s32 @!p0 $0x1BF5;
	p2 =	por !p2, p0  }
0x20: {  	[sflag:s8] =	ssyncset.s32 @!p0 $0xFFFFF086;
	s6 =	sadd.s32 @!p0 s3, s7;
	s7 =	simm.s32 @!p0 $0x108  }
0x21: {  	s3 =	sadd.s32 s3, s9;
	s6 =	sadd.s32 @!p0 $0x88, s6;
	s7 =	simm.s32 @p2 $0x1082  }
0x22: {  	[simem:s7], [sflag:s8] =	dma.local @!p0 [hbm:s6], $0xF7A  }
0x23: {  	s9 =	sor.u32 $0xD0000000, s2;
	s6 =	simm.s32 $0x108;
	_ =	swait.ge @!p0 [sflag:s8], $0x0  }
0x24: {  	s3 =	sadd.s32 $0x88, s3;
	s6 =	simm.s32 @!p1 $0x1082;
	[sflag:s4] =	ssyncset.s32 $0xFFFFF086  }
0x25: {  	[simem:s6], [sflag:s4] =	dma.local [hbm:s3], $0xF7A  }
0x26: {  	[smem:$0x3F88] =	sst s1;
	(tag) =	ssettag s2;
	_ =	strace s9  }
0x27: {  	s1 =	sld [smem:$0x3F98]  }
0x28: {  	s2 =	sld [smem:$0x3F99]  }
0x29: {  	s4 =	sld [smem:$0x3F9B]  }
0x2a: {  	p0 =	seq.s32 s5, $0x0;
	s5 =	sld [smem:$0x3F9C]  }
0x2b: {  	s6 =	sld [smem:$0x3F9D]  }
0x2c: {  	s7 =	sld [smem:$0x3F9E]  }
0x2d: {  	s3 =	simm.s32 $0x108;
	s8 =	sld [smem:$0x3F9F]  }
0x2e: {  	s3 =	simm.s32 @!p0 $0x1082;
	s9 =	sld [smem:$0x3FA0]  }
0x2f: {  	lr =	sadd.s32 s0, s3;
	s0 =	sld [smem:$0x3F97]  }
0x30: {  	s3 =	sld [smem:$0x3F9A]  }
0x31: {  	[smem:$0x3FA3] =	sst s10  }
0x32: {  	s10 =	sld [smem:$0x3FA1];
	_ =	sdelay $0x3  }
0x33: {  	p0 =	seq.s32 s10, $0x1;
	s10 =	sld [smem:$0x3FA3];
	_ =	sdelay $0x3  }
0x34: {  	[smem:$0x3FA3] =	sst s10  }
0x35: {  	s10 =	sld [smem:$0x3FA2];
	_ =	sdelay $0x3  }
0x36: {  	p1 =	seq.s32 s10, $0x1;
	s10 =	sld [smem:$0x3FA3];
	_ =	sdelay $0x3  }
0x37: {  	[smem:$0x3FA3] =	sst s10  }
0x38: {  	s10 =	sld [smem:$0x3FA4]  }
0x39: {  	_ = 	snop;
	(pc) =	sbr.ind lr, $3  }
0x3a: {  	_ = 	snop  }
0x3b: {  	_ = 	snop  }
0x3c: {  	p2 =	seq.s32 s10, $0x1;
	s10 =	sld [smem:$0x3FA3]  }
0x3d: {  	_ =	shalt  }
0x3e: {  	_ =	shalt  }
0x3f: {  	_ =	shalt  }
0x40: {  	_ =	shalt  }
0x41: {  	_ =	shalt  }
0x42: {  	_ =	shalt  }
0x43: {  	_ =	shalt  }
0x44: {  	_ =	shalt  }
0x45: {  	_ =	shalt  }
0x46: {  	_ =	shalt  }
0x47: {  	_ =	shalt  }
0x48: {  	_ =	shalt  }
0x49: {  	_ =	shalt  }
0x4a: {  	_ =	shalt  }
0x4b: {  	_ =	shalt  }
0x4c: {  	_ =	shalt  }
0x4d: {  	_ =	shalt  }
0x4e: {  	_ =	shalt  }
0x4f: {  	_ =	shalt  }
0x50: {  	_ =	shalt  }
0x51: {  	_ =	shalt  }
0x52: {  	_ =	shalt  }
0x53: {  	_ =	shalt  }
0x54: {  	_ =	shalt  }
0x55: {  	_ =	shalt  }
0x56: {  	_ =	shalt  }
0x57: {  	_ =	shalt  }
0x58: {  	_ =	shalt  }
0x59: {  	_ =	shalt  }
0x5a: {  	_ =	shalt  }
0x5b: {  	_ =	shalt  }
0x5c: {  	_ =	shalt  }
0x5d: {  	_ =	shalt  }
0x5e: {  	_ =	shalt  }
0x5f: {  	_ =	shalt  }
0x60: {  	_ =	shalt  }
0x61: {  	_ =	shalt  }
0x62: {  	_ =	shalt  }
0x63: {  	_ =	shalt  }
0x64: {  	_ =	shalt  }
0x65: {  	_ =	shalt  }
0x66: {  	_ =	shalt  }
0x67: {  	_ =	shalt  }
0x68: {  	_ =	shalt  }
0x69: {  	_ =	shalt  }
0x6a: {  	_ =	shalt  }
0x6b: {  	_ =	shalt  }
0x6c: {  	_ =	shalt  }
0x6d: {  	_ =	shalt  }
0x6e: {  	_ =	shalt  }
0x6f: {  	_ =	shalt  }
0x70: {  	_ =	shalt  }
0x71: {  	_ =	shalt  }
0x72: {  	_ =	shalt  }
0x73: {  	_ =	shalt  }
0x74: {  	_ =	shalt  }
0x75: {  	_ =	shalt  }
0x76: {  	_ =	shalt  }
0x77: {  	_ =	shalt  }
0x78: {  	_ =	shalt  }
0x79: {  	_ =	shalt  }
0x7a: {  	_ =	shalt  }
0x7b: {  	_ =	shalt  }
0x7c: {  	_ =	shalt  }
0x7d: {  	_ =	shalt  }
0x7e: {  	_ =	shalt  }
0x7f: {  	_ =	shalt  }
0x80: {  	_ =	shalt  }
0x81: {  	_ =	shalt  }
0x82: {  	_ =	shalt  }
0x83: {  	_ =	shalt  }
0x84: {  	_ =	shalt  }
0x85: {  	_ =	shalt  }
0x86: {  	_ =	shalt  }
0x87: {  	_ =	shalt  }
.Lfunc_end0:
.L_simem_size_0:
called_computation.3_lowered:
.L_overlay_start_0:
0x88: {  	s2 =	sld [smem:$0x3FD9]  }
0x89: {  	s3 =	sld [smem:$0x3FFE];
	_ =	sdelay $0x1  }
0x8a: {  	s1 =	srdreg.scid  }
0x8b: {  	s0 =	sand.u32 $0x1, s1  }
0x8c: {  	s17 =	sshll.u32 s0, $0xA;
	s2 =	sadd.s32 s3, s2  }
0x8d: {  	s2 =	sadd.s32 s2, s17  }
0x8e: {  	[smem:$0x3FAF] =	sst s2  }
0x8f: {  	_ = 	snop  }
0x90: {  	(tm) =	ssettm $0x1  }
0x91: {  	s18 =	sld [smem:$0x3FFB];
	_ =	sdelay $0x3  }
0x92: {  	_ =	strace s18  }
0x93: {  	s2 =	sld [smem:$0x3FFC];
	_ =	sdelay $0x3  }
0x94: {  	_ =	strace s2  }
0x95: {  	s2 =	sld [smem:$0x3FFD];
	_ =	sdelay $0x3  }
0x96: {  	_ =	strace s2  }
0x97: {  	_ =	strace $0x8FFFFFFF  }
0x98: {  	s19 =	sld [smem:$0x3FDB];
	_ =	sdelay $0x1  }
0x99: {  	s20 =	simm.s32 $_scs_section_size  }
0x9a: {  	s4 =	simm.s32 $_size__tile_overlayer_lowered;
	s5 =	simm.s32 $_tile_overlayer_lowered  }
0x9b: {  	s6 =	simm.s32 $0x1BFF;
	s21 =	sshll.u32 s5, $0x1;
	s3 =	sadd.s32 s20, s19  }
0x9c: {  	s22 =	simm.s32 $0x0;
	s4 =	sshll.u32 s4, $0x1;
	s5 =	sadd.s32 s21, s3  }
0x9d: {  	[timem:s22], [sflag:s6] =	dma.local [hbm:s5], s4  }
0x9e: {  	_ =	swait.ge [sflag:s6], s4  }
0x9f: {  	s4 =	ssub.s32 $0x0, s4;
	[sflag:s6] =	ssyncset.done $0x0  }
0xa0: {  	[sflag:s6] =	ssyncadd.s32 s4;
	_ =	sdelay $0x1  }
0xa1: {  	s23 =	simm.s32 $0x1B8B  }
0xa2: {  	_ =	swait.ge [sflag:s23], $0x1  }
0xa3: {  	[sflag:s23] =	ssyncset.done $0x0  }
0xa4: {  	[sflag:s23] =	ssyncadd.s32 $0xFFFFFFFF  }
0xa5: {  	s4 =	sld [smem:$0x0]  }
0xa6: {  	s5 =	sand.u32 $0xFFFFFFFE, s1  }
0xa7: {  	p0 =	sne.s32 s1, s5  }
0xa8: {  	s5 =	sshll.u32 @p0 s5, $0xE  }
0xa9: {  	s5 =	sadd.s32 @p0 $0x11B8D, s5;
	s6 =	sshll.u32 @p0 s4, $0x11  }
0xaa: {  	s5 =	sor.u32 @p0 s6, s5  }
0xab: {  	[sflag:s5] =	ssyncadd.remote.s32 @p0 $0x1;
	_ =	sdelay $0x1  }
0xac: {  	s5 =	simm.s32 @p0 $0x1B8D  }
0xad: {  	_ =	swait.eq @p0 [sflag:s5], $0x1  }
0xae: {  	[sflag:s5] =	ssyncadd.s32 @p0 $0xFFFFFFFF  }
0xaf: {  	s6 =	sshll.u32 @!p0 s1, $0xE  }
0xb0: {  	s6 =	sor.u32 @!p0 $0x4000, s6;
	s5 =	simm.s32 @!p0 $0x1B8D  }
0xb1: {  	s4 =	sshll.u32 @!p0 s4, $0x11;
	s6 =	sadd.s32 @!p0 $0x11B8D, s6;
	_ =	swait.eq @!p0 [sflag:s5], $0x1  }
0xb2: {  	s4 =	sor.u32 @!p0 s4, s6;
	[sflag:s5] =	ssyncadd.s32 @!p0 $0xFFFFFFFF  }
0xb3: {  	s25 =	simm.s32 $0x1B8E;
	s24 =	sld [smem:$0x3FFE];
	[sflag:s4] =	ssyncadd.remote.s32 @!p0 $0x1  }
0xb4: {  	s26 =	simm.s32 $execute0_lowered;
	[smem:$0x3FD2] =	sst s25  }
0xb5: {  	s5 =	sshll.u32 s26, $0x1;
	_ =	strace $0x80000052;
	[dreg:$0x1] =	wrdreg $0xFFFFFFFF  }
0xb6: {  	s28 =	simm.s32 $_size_execute0_lowered;
	s3 =	sadd.s32 s3, s5;
	[dreg:$0x0] =	wrdreg $0x0  }
0xb7: {  	s5 =	sshll.u32 s28, $0x1;
	[dreg:$0x2] =	wrdreg s3  }
0xb8: {  	[dreg:$0x3] =	wrdreg s5  }
0xb9: {  	[dreg:$0x4] =	wrdreg $0xC0  }
0xba: {  	_ =	task [dreg:s22], $0x5FFFF  }
0xbb: {  	[dreg:$0x1] =	wrdreg $0xFFFFFFFF  }
0xbc: {  	[dreg:$0x0] =	wrdreg $0x60  }
0xbd: {  	[dreg:$0x2] =	wrdreg s24  }
0xbe: {  	[dreg:$0x3] =	wrdreg $0x9  }
0xbf: {  	_ =	task.clear_ibuf [dreg:s22], $0x4FFFF;
	_ =	strace $0x90000052  }
0xc0: {  	s29 =	simm.s32 $0x9;
	_ =	strace $0x80000054  }
0xc1: {  	_ =	swait.ge [sflag:s29], $0x1  }
0xc2: {  	[sflag:s29] =	ssyncadd.s32 $0xFFFFFFFF  }
0xc3: {  	_ =	strace $0x90000054  }
0xc4: {  	_ =	sfence  }
0xc5: {  	s30 =	sld [smem:$0x0];
	_ =	sdelay $0x2  }
0xc6: {  	s31 =	sshll.u32 s1, $0xD;
	s1 =	sshrl.u32 s1, $0x2  }
0xc7: {  	s4 =	sand.u32 $0x4000, s31;
	s1 =	sadd.s32 s1, s30  }
0xc8: {  	s0 =	sor.u32 s4, s0;
	s1 =	sshll.u32 s1, $0x11  }
0xc9: {  	s0 =	sor.u32 s1, s0  }
0xca: {  	s0 =	sadd.s32 $0x8F2B, s0  }
0xcb: {  	[sflag:s0] =	ssyncadd.remote.s32 $0x1  }
0xcc: {  	_ =	sfence.sel $0xFFFF  }
0xcd: {  	[dreg:$0x0] =	wrdreg $0xFFFFFFFF;
	(pc) =	sbr.abs _section_cstart, $3  }
0xce: {  	[dreg:$0x1] =	wrdreg $0xFFFFFFFF  }
0xcf: {  	_ =	task.clear_ibuf [dreg:s22], $0x2FFFF;
	_ =	strace $0x9FFFFFFF  }
0xd0: {  	(tm) =	ssettm $0x7FFFFFFF  }
0xd1: {  	_ =	shalt  }
tec
execute0_lowered:
.L_overlay_start_1:
0x0: {  	(tag) =	ssettag $0x1  }
0x1: {  	s4 =	rddreg [dreg:$0x0]  }
0x2: {  	s0 =	rddreg [dreg:$0x1]  }
0x3: {  	s3 =	srdreg.scid;
	s1 =	stileid.u32;
	s2 =	simm.s32 $0x0  }
0x4: {  	s10 =	simm.s32 $0x1;
	s11 =	simm.s32 $0x0;
	s6 =	smul.u32 $0x3200, s1  }
0x5: {  	s5 =	sand.u32 $0x1, s3;
	[smem:$0x7FF] =	sst s2;
	s8 =	smul.u32 $0x32000, s1  }
0x6: {  	s3 =	sadd.s32 $0x7E200, s4;
	s7 =	smul.u32 $0x1900, s5;
	s9 =	ssub.s32 $0x2, s5  }
0x7: {  	_ =	strace $0x80000053;
	s5 =	smul.u32 $0x19000, s5;
	s31 =	sshrl.u32 s9, $0x1  }
0x8: {  	s30 =	sadd.s32 s8, s4;
	s6 =	sadd.s32 s7, s6;
	s8 =	ssub.s32 s9, s31  }
0x9: {  	s5 =	sadd.s32 s5, s30;
	s7 =	simm.s32 $0x2;
	s6 =	sshrl.u32 s6, $0x3  }
0xa: {  	s9 =	simm.s32 $0x200;
	s5 =	sadd.s32 $0x421E00, s5;
	s6 =	sadd.s32 s6, s4  }
0xb: {  	s4 =	smax.u32 s8, $0x1;
	s8 =	simm.s32 $0x190;
	s6 =	sadd.s32 $0x402200, s6  }
.LBB2_1:
0xc: {  	s12 =	sadd.s32 $0x0, s6  }
0xd: {  	[tilespmem:s2], [sflag:$0x2] =	stream.linear.gather [hbm4b:s12+s2], $0x190, $0x38;
	[tilespmem:$0xCA00] =	vst v63  }
0xe: {  	_ =	swait.ge [sflag:s7], $0x190  }
0xf: {  	[sflag:s7] =	ssyncset.done $0x0  }
0x10: {  	[sflag:s7] =	ssyncadd.s32 $0xFFFFFE70  }
0x11: {  	[tilespmem:s9], [sflag:$0x1] =	stream.indirect.gather [hbm4b:s3+s8], $0x80, s2, s8, $0xb8;
	[tilespmem:$0xCA00] =	vst v63  }
0x12: {  	_ =	swait.ge [sflag:s10], $0xC800  }
0x13: {  	[sflag:s10] =	ssyncset.done $0x0  }
0x14: {  	[sflag:s10] =	ssyncadd.s32 $0xFFFF3800  }
0x15: {  	[hbm4b:s5+s2] =	stream.linear.scatter [tilespmem:s9], [sflag:$0x2], $0xC800, $0x38;
	[tilespmem:$0xCA00] =	vst v63  }
0x16: {  	s13 =	simm.s32 $0x32;
	_ =	swait.ge [sflag:s7], $0xC800  }
0x17: {  	s14 =	simm.s32 $0x64;
	s12 =	sadd.s32 $0x1900, s5;
	[sflag:s7] =	ssyncset.done $0x0  }
.LBB2_2:
0x18: {  	s15 =	sadd.s32 s13, s6  }
0x19: {  	[sflag:s7] =	ssyncadd.s32 $0xFFFF3800;
	s13 =	smov.u32 s14;
	s16 =	sadd.s32 $0x32, s14  }
0x1a: {  	[tilespmem:s2], [sflag:$0x2] =	stream.linear.gather [hbm4b:s15+s2], $0x190, $0x38;
	[tilespmem:$0xCA00] =	vst v63  }
0x1b: {  	p0 =	sne.s32 s14, $0x2EE;
	_ =	swait.ge [sflag:s7], $0x190  }
0x1c: {  	[sflag:s7] =	ssyncset.done $0x0  }
0x1d: {  	[sflag:s7] =	ssyncadd.s32 $0xFFFFFE70  }
0x1e: {  	[tilespmem:s9], [sflag:$0x1] =	stream.indirect.gather [hbm4b:s3+s8], $0x80, s2, s8, $0xb8;
	[tilespmem:$0xCA00] =	vst v63  }
0x1f: {  	_ =	swait.ge [sflag:s10], $0xC800  }
.Ltmp0:
0x20: {  	[sflag:s10] =	ssyncset.done $0x0;
	(pc) =	sbr.rel @p0 .LBB2_2-.Ltmp0, $4  }
0x21: {  	[sflag:s10] =	ssyncadd.s32 $0xFFFF3800  }
0x22: {  	[hbm4b:s12+s2] =	stream.linear.scatter [tilespmem:s9], [sflag:$0x2], $0xC800, $0x38;
	[tilespmem:$0xCA00] =	vst v63  }
0x23: {  	_ =	swait.ge [sflag:s7], $0xC800  }
0x24: {  	s14 =	smov.u32 s16;
	s12 =	sadd.s32 $0x1900, s12;
	[sflag:s7] =	ssyncset.done $0x0  }
0x25: {  	s13 =	sadd.s32 s13, s6;
	[sflag:s7] =	ssyncadd.s32 $0xFFFF3800  }
0x26: {  	[tilespmem:s2], [sflag:$0x2] =	stream.linear.gather [hbm4b:s13+s2], $0x190, $0x38;
	[tilespmem:$0xCA00] =	vst v63  }
0x27: {  	_ =	swait.ge [sflag:s7], $0x190  }
0x28: {  	[sflag:s7] =	ssyncset.done $0x0  }
0x29: {  	[sflag:s7] =	ssyncadd.s32 $0xFFFFFE70  }
0x2a: {  	[tilespmem:s9], [sflag:$0x1] =	stream.indirect.gather [hbm4b:s3+s8], $0x80, s2, s8, $0xb8;
	[tilespmem:$0xCA00] =	vst v63  }
0x2b: {  	s11 =	sadd.s32 $0x1, s11;
	_ =	swait.ge [sflag:s10], $0xC800  }
0x2c: {  	p0 =	sne.s32 s11, s4;
	[sflag:s10] =	ssyncset.done $0x0  }
.Ltmp1:
0x2d: {  	[sflag:s10] =	ssyncadd.s32 $0xFFFF3800;
	(pc) =	sbr.rel @p0 .LBB2_1-.Ltmp1, $4  }
0x2e: {  	[hbm4b:s12+s2] =	stream.linear.scatter [tilespmem:s9], [sflag:$0x2], $0xC800, $0x38;
	[tilespmem:$0xCA00] =	vst v63  }
0x2f: {  	_ =	swait.ge [sflag:s7], $0xC800  }
0x30: {  	[sflag:s7] =	ssyncset.done $0x0  }
0x31: {  	[sflag:s7] =	ssyncadd.s32 $0xFFFF3800  }
0x32: {  	_ =	sfence.sel $0x180000  }
0x33: {  	[bflag:$0x0] =	sbarrier.arrive $0xFFFF  }
0x34: {  	p0 =	sne.s32 s1, $0x0;
	_ =	strace $0x90000053  }
0x35: {  	s0 =	sadd.s32 @!p0 $0x100000, s0;
	[bflag:$0x2] =	sbarrier.arrive $0xFFFF  }
0x36: {  	[sflag:s0] =	ssyncadd.tile.s32 @!p0 $0x1;
	_ =	shalt  }
.Lfunc_end2:
_tile_overlayer_lowered:
.L_overlay_start_2:
0x37: {  	(tag) =	ssettag $0x2  }
0x38: {  	s0 =	rddreg [dreg:$0x0];
	s2 =	stileid.u32  }
0x39: {  	s1 =	rddreg [dreg:$0x1];
	p0 =	sne.s32 s2, $0x0  }
0x3a: {  	s3 =	rddreg [dreg:$0x2];
	[bflag:$0x3] =	sbarrier.arrive $0xFFFF;
	s2 =	simm.s32 @!p0 $0x1C02  }
0x3b: {  	[timem:s3], [sflag:s2] =	dma.local @!p0 [hbm:s0], s1  }
0x3c: {  	s0 =	simm.s32 @!p0 $0x2  }
0x3d: {  	_ =	swait.ge @!p0 [sflag:s0], s1  }
0x3e: {  	s1 =	ssub.s32 @!p0 $0x0, s1;
	[sflag:s0] =	ssyncset.done @!p0 $0x0  }
0x3f: {  	[sflag:s0] =	ssyncadd.s32 @!p0 s1  }
0x40: {  	[bflag:$0x3] =	sbarrier.arrive $0xFFFF  }
0x41: {  	_ =	shalt  }

// kernel: kernel.41.cloned.1.call-start
scs
__scs_entry_jumppad:
0x0: {  	(pc) =	sbr.rel $0x88, $3  }
0x1: {  	(tag) =	ssettag $0x0;
	lr =	simm.s32 $0x1  }
0x2: {  	[smem:$0x3F88] =	sst lr;
	_ =	strace $0xD0000000  }
0x3: {  	_ = 	snop  }
0x4: {  	_ = 	snop  }
0x5: {  	_ = 	snop  }
0x6: {  	_ = 	snop  }
0x7: {  	_ = 	snop  }
__scs_overlays_trampoline_lowered:
0x8: {  	[smem:$0x3F97] =	sst s0  }
0x9: {  	[smem:$0x3F98] =	sst s1  }
0xa: {  	[smem:$0x3F99] =	sst s2  }
0xb: {  	[smem:$0x3F9A] =	sst s3  }
0xc: {  	[smem:$0x3F9B] =	sst s4  }
0xd: {  	[smem:$0x3F9C] =	sst s5  }
0xe: {  	[smem:$0x3F9D] =	sst s6  }
0xf: {  	[smem:$0x3F9E] =	sst s7  }
0x10: {  	[smem:$0x3F9F] =	sst s8  }
0x11: {  	[smem:$0x3FA0] =	sst s9;
	s0 =	simm.s32 @!p0 $0x0  }
0x12: {  	s1 =	sld [smem:$0x3F86];
	s0 =	simm.s32 @p0 $0x1  }
0x13: {  	[smem:$0x3FA1] =	sst s0;
	s0 =	simm.s32 @!p1 $0x0  }
0x14: {  	s2 =	sld [smem:$0x3F85];
	s0 =	simm.s32 @p1 $0x1  }
0x15: {  	[smem:$0x3FA2] =	sst s0;
	s0 =	simm.s32 @!p2 $0x0  }
0x16: {  	s3 =	sld [smem:$0x3FDB];
	s0 =	simm.s32 @p2 $0x1  }
0x17: {  	s4 =	simm.s32 $0x1BF5;
	[smem:$0x3FA4] =	sst s0  }
0x18: {  	s0 =	sld [smem:$0x3F87];
	_ =	swait.ge [sflag:s4], $0x0  }
0x19: {  	s7 =	sld [smem:$0x3F88]  }
0x1a: {  	s8 =	sadd.s32 $0xFFFFE003, lr  }
0x1b: {  	s9 =	sadd.s32 $0xFFFFFEF7, lr;
	s5 =	simm.s32 $0xFFFFFFFF;
	p2 =	slt.u32 s8, $0xFFFFF086  }
0x1c: {  	p1 =	slt.u32 s9, $0xF7A;
	s5 =	simm.s32 @!p2 $0x0  }
0x1d: {  	s5 =	simm.s32 @p1 $0x1;
	p0 =	seq.s32 s7, s2  }
0x1e: {  	s7 =	smul.u32 @!p0 $0xF7A, s2;
	p2 =	seq.s32 @!p0 s5, $0x0  }
0x1f: {  	s9 =	smul.u32 $0xF7A, s1;
	s8 =	simm.s32 @!p0 $0x1BF5;
	p2 =	por !p2, p0  }
0x20: {  	[sflag:s8] =	ssyncset.s32 @!p0 $0xFFFFF086;
	s6 =	sadd.s32 @!p0 s3, s7;
	s7 =	simm.s32 @!p0 $0x108  }
0x21: {  	s3 =	sadd.s32 s3, s9;
	s6 =	sadd.s32 @!p0 $0x88, s6;
	s7 =	simm.s32 @p2 $0x1082  }
0x22: {  	[simem:s7], [sflag:s8] =	dma.local @!p0 [hbm:s6], $0xF7A  }
0x23: {  	s9 =	sor.u32 $0xD0000000, s2;
	s6 =	simm.s32 $0x108;
	_ =	swait.ge @!p0 [sflag:s8], $0x0  }
0x24: {  	s3 =	sadd.s32 $0x88, s3;
	s6 =	simm.s32 @!p1 $0x1082;
	[sflag:s4] =	ssyncset.s32 $0xFFFFF086  }
0x25: {  	[simem:s6], [sflag:s4] =	dma.local [hbm:s3], $0xF7A  }
0x26: {  	[smem:$0x3F88] =	sst s1;
	(tag) =	ssettag s2;
	_ =	strace s9  }
0x27: {  	s1 =	sld [smem:$0x3F98]  }
0x28: {  	s2 =	sld [smem:$0x3F99]  }
0x29: {  	s4 =	sld [smem:$0x3F9B]  }
0x2a: {  	p0 =	seq.s32 s5, $0x0;
	s5 =	sld [smem:$0x3F9C]  }
0x2b: {  	s6 =	sld [smem:$0x3F9D]  }
0x2c: {  	s7 =	sld [smem:$0x3F9E]  }
0x2d: {  	s3 =	simm.s32 $0x108;
	s8 =	sld [smem:$0x3F9F]  }
0x2e: {  	s3 =	simm.s32 @!p0 $0x1082;
	s9 =	sld [smem:$0x3FA0]  }
0x2f: {  	lr =	sadd.s32 s0, s3;
	s0 =	sld [smem:$0x3F97]  }
0x30: {  	s3 =	sld [smem:$0x3F9A]  }
0x31: {  	[smem:$0x3FA3] =	sst s10  }
0x32: {  	s10 =	sld [smem:$0x3FA1];
	_ =	sdelay $0x3  }
0x33: {  	p0 =	seq.s32 s10, $0x1;
	s10 =	sld [smem:$0x3FA3];
	_ =	sdelay $0x3  }
0x34: {  	[smem:$0x3FA3] =	sst s10  }
0x35: {  	s10 =	sld [smem:$0x3FA2];
	_ =	sdelay $0x3  }
0x36: {  	p1 =	seq.s32 s10, $0x1;
	s10 =	sld [smem:$0x3FA3];
	_ =	sdelay $0x3  }
0x37: {  	[smem:$0x3FA3] =	sst s10  }
0x38: {  	s10 =	sld [smem:$0x3FA4]  }
0x39: {  	_ = 	snop;
	(pc) =	sbr.ind lr, $3  }
0x3a: {  	_ = 	snop  }
0x3b: {  	_ = 	snop  }
0x3c: {  	p2 =	seq.s32 s10, $0x1;
	s10 =	sld [smem:$0x3FA3]  }
0x3d: {  	_ =	shalt  }
0x3e: {  	_ =	shalt  }
0x3f: {  	_ =	shalt  }
0x40: {  	_ =	shalt  }
0x41: {  	_ =	shalt  }
0x42: {  	_ =	shalt  }
0x43: {  	_ =	shalt  }
0x44: {  	_ =	shalt  }
0x45: {  	_ =	shalt  }
0x46: {  	_ =	shalt  }
0x47: {  	_ =	shalt  }
0x48: {  	_ =	shalt  }
0x49: {  	_ =	shalt  }
0x4a: {  	_ =	shalt  }
0x4b: {  	_ =	shalt  }
0x4c: {  	_ =	shalt  }
0x4d: {  	_ =	shalt  }
0x4e: {  	_ =	shalt  }
0x4f: {  	_ =	shalt  }
0x50: {  	_ =	shalt  }
0x51: {  	_ =	shalt  }
0x52: {  	_ =	shalt  }
0x53: {  	_ =	shalt  }
0x54: {  	_ =	shalt  }
0x55: {  	_ =	shalt  }
0x56: {  	_ =	shalt  }
0x57: {  	_ =	shalt  }
0x58: {  	_ =	shalt  }
0x59: {  	_ =	shalt  }
0x5a: {  	_ =	shalt  }
0x5b: {  	_ =	shalt  }
0x5c: {  	_ =	shalt  }
0x5d: {  	_ =	shalt  }
0x5e: {  	_ =	shalt  }
0x5f: {  	_ =	shalt  }
0x60: {  	_ =	shalt  }
0x61: {  	_ =	shalt  }
0x62: {  	_ =	shalt  }
0x63: {  	_ =	shalt  }
0x64: {  	_ =	shalt  }
0x65: {  	_ =	shalt  }
0x66: {  	_ =	shalt  }
0x67: {  	_ =	shalt  }
0x68: {  	_ =	shalt  }
0x69: {  	_ =	shalt  }
0x6a: {  	_ =	shalt  }
0x6b: {  	_ =	shalt  }
0x6c: {  	_ =	shalt  }
0x6d: {  	_ =	shalt  }
0x6e: {  	_ =	shalt  }
0x6f: {  	_ =	shalt  }
0x70: {  	_ =	shalt  }
0x71: {  	_ =	shalt  }
0x72: {  	_ =	shalt  }
0x73: {  	_ =	shalt  }
0x74: {  	_ =	shalt  }
0x75: {  	_ =	shalt  }
0x76: {  	_ =	shalt  }
0x77: {  	_ =	shalt  }
0x78: {  	_ =	shalt  }
0x79: {  	_ =	shalt  }
0x7a: {  	_ =	shalt  }
0x7b: {  	_ =	shalt  }
0x7c: {  	_ =	shalt  }
0x7d: {  	_ =	shalt  }
0x7e: {  	_ =	shalt  }
0x7f: {  	_ =	shalt  }
0x80: {  	_ =	shalt  }
0x81: {  	_ =	shalt  }
0x82: {  	_ =	shalt  }
0x83: {  	_ =	shalt  }
0x84: {  	_ =	shalt  }
0x85: {  	_ =	shalt  }
0x86: {  	_ =	shalt  }
0x87: {  	_ =	shalt  }
.Lfunc_end0:
.L_simem_size_0:
called_computation.4_lowered:
.L_overlay_start_0:
0x88: {  	s2 =	sld [smem:$0x3FD9]  }
0x89: {  	s3 =	sld [smem:$0x3FFE];
	_ =	sdelay $0x1  }
0x8a: {  	s1 =	srdreg.scid  }
0x8b: {  	s0 =	sand.u32 $0x1, s1  }
0x8c: {  	s16 =	sshll.u32 s0, $0xA;
	s2 =	sadd.s32 s3, s2  }
0x8d: {  	s2 =	sadd.s32 s2, s16  }
0x8e: {  	[smem:$0x3FAF] =	sst s2  }
0x8f: {  	_ = 	snop  }
0x90: {  	(tm) =	ssettm $0x1  }
0x91: {  	s17 =	sld [smem:$0x3FFB];
	_ =	sdelay $0x3  }
0x92: {  	_ =	strace s17  }
0x93: {  	s2 =	sld [smem:$0x3FFC];
	_ =	sdelay $0x3  }
0x94: {  	_ =	strace s2  }
0x95: {  	s2 =	sld [smem:$0x3FFD];
	_ =	sdelay $0x3  }
0x96: {  	_ =	strace s2  }
0x97: {  	_ =	strace $0x8FFFFFFF  }
0x98: {  	s18 =	sld [smem:$0x3FDB];
	_ =	sdelay $0x1  }
0x99: {  	s19 =	simm.s32 $_scs_section_size  }
0x9a: {  	s4 =	simm.s32 $_size__tile_overlayer_lowered;
	s5 =	simm.s32 $_tile_overlayer_lowered  }
0x9b: {  	s22 =	simm.s32 $0x1BFF;
	s21 =	sshll.u32 s5, $0x1;
	s2 =	sadd.s32 s19, s18  }
0x9c: {  	s6 =	simm.s32 $0x0;
	s20 =	sshll.u32 s4, $0x1;
	s4 =	sadd.s32 s21, s2  }
0x9d: {  	[timem:s6], [sflag:s22] =	dma.local [hbm:s4], s20  }
0x9e: {  	_ =	swait.ge [sflag:s22], s20  }
0x9f: {  	s3 =	ssub.s32 $0x0, s20;
	[sflag:s22] =	ssyncset.done $0x0  }
0xa0: {  	[sflag:s22] =	ssyncadd.s32 s3;
	_ =	sdelay $0x1  }
0xa1: {  	s23 =	simm.s32 $0x1B8B  }
0xa2: {  	_ =	swait.ge [sflag:s23], $0x1  }
0xa3: {  	[sflag:s23] =	ssyncset.done $0x0  }
0xa4: {  	s25 =	simm.s32 $0x1B8E;
	s24 =	sld [smem:$0x3FFE];
	[sflag:s23] =	ssyncadd.s32 $0xFFFFFFFF  }
0xa5: {  	s26 =	simm.s32 $execute0_lowered;
	[smem:$0x3FD2] =	sst s25  }
0xa6: {  	s4 =	sshll.u32 s26, $0x1;
	_ =	strace $0x8000004F;
	[dreg:$0x1] =	wrdreg $0xFFFFFFFF  }
0xa7: {  	s28 =	simm.s32 $_size_execute0_lowered;
	s2 =	sadd.s32 s2, s4;
	[dreg:$0x0] =	wrdreg $0x0  }
0xa8: {  	s4 =	sshll.u32 s28, $0x1;
	[dreg:$0x2] =	wrdreg s2  }
0xa9: {  	[dreg:$0x3] =	wrdreg s4  }
0xaa: {  	[dreg:$0x4] =	wrdreg $0xC0  }
0xab: {  	_ =	task [dreg:s6], $0x5FFFF  }
0xac: {  	[dreg:$0x1] =	wrdreg $0xFFFFFFFF  }
0xad: {  	[dreg:$0x0] =	wrdreg $0x60  }
0xae: {  	[dreg:$0x2] =	wrdreg s24  }
0xaf: {  	[dreg:$0x3] =	wrdreg $0xA  }
0xb0: {  	_ =	task.clear_ibuf [dreg:s6], $0x4FFFF;
	_ =	strace $0x9000004F  }
0xb1: {  	s29 =	simm.s32 $0xA;
	_ =	strace $0x80000051  }
0xb2: {  	_ =	swait.ge [sflag:s29], $0x1  }
0xb3: {  	[sflag:s29] =	ssyncadd.s32 $0xFFFFFFFF  }
0xb4: {  	_ =	strace $0x90000051  }
0xb5: {  	_ =	sfence  }
0xb6: {  	s30 =	sld [smem:$0x0];
	_ =	sdelay $0x2  }
0xb7: {  	s31 =	sshll.u32 s1, $0xD;
	s1 =	sshrl.u32 s1, $0x2  }
0xb8: {  	s3 =	sand.u32 $0x4000, s31;
	s1 =	sadd.s32 s1, s30  }
0xb9: {  	s0 =	sor.u32 s3, s0;
	s1 =	sshll.u32 s1, $0x11  }
0xba: {  	s0 =	sor.u32 s1, s0  }
0xbb: {  	s0 =	sadd.s32 $0x8F2B, s0  }
0xbc: {  	[sflag:s0] =	ssyncadd.remote.s32 $0x1  }
0xbd: {  	_ =	sfence.sel $0xFFFF  }
0xbe: {  	[dreg:$0x0] =	wrdreg $0xFFFFFFFF;
	(pc) =	sbr.abs _section_cstart, $3  }
0xbf: {  	[dreg:$0x1] =	wrdreg $0xFFFFFFFF  }
0xc0: {  	_ =	task.clear_ibuf [dreg:s6], $0x2FFFF;
	_ =	strace $0x9FFFFFFF  }
0xc1: {  	(tm) =	ssettm $0x7FFFFFFF  }
tec
execute0_lowered:
.L_overlay_start_1:
0x0: {  	(tag) =	ssettag $0x1  }
0x1: {  	s4 =	rddreg [dreg:$0x0]  }
0x2: {  	s0 =	rddreg [dreg:$0x1]  }
0x3: {  	s3 =	srdreg.scid;
	s1 =	stileid.u32;
	s2 =	simm.s32 $0x0  }
0x4: {  	s10 =	simm.s32 $0x1;
	s11 =	simm.s32 $0x0;
	s6 =	smul.u32 $0x3200, s1  }
0x5: {  	s5 =	sand.u32 $0x1, s3;
	[smem:$0x7FF] =	sst s2;
	s8 =	smul.u32 $0x32000, s1  }
0x6: {  	s3 =	sadd.s32 $0x4C200, s4;
	s7 =	smul.u32 $0x1900, s5;
	s9 =	ssub.s32 $0x2, s5  }
0x7: {  	_ =	strace $0x80000050;
	s5 =	smul.u32 $0x19000, s5;
	s31 =	sshrl.u32 s9, $0x1  }
0x8: {  	s30 =	sadd.s32 s8, s4;
	s6 =	sadd.s32 s7, s6;
	s8 =	ssub.s32 s9, s31  }
0x9: {  	s5 =	sadd.s32 s5, s30;
	s7 =	simm.s32 $0x2;
	s6 =	sshrl.u32 s6, $0x3  }
0xa: {  	s9 =	simm.s32 $0x200;
	s5 =	sadd.s32 $0xB0200, s5;
	s6 =	sadd.s32 s6, s4  }
0xb: {  	s4 =	smax.u32 s8, $0x1;
	s8 =	simm.s32 $0x190;
	s6 =	sadd.s32 $0x15000, s6  }
.LBB2_1:
0xc: {  	s12 =	sadd.s32 $0x0, s6  }
0xd: {  	[tilespmem:s2], [sflag:$0x2] =	stream.linear.gather [hbm4b:s12+s2], $0x190, $0x38;
	[tilespmem:$0xCA00] =	vst v63  }
0xe: {  	_ =	swait.ge [sflag:s7], $0x190  }
0xf: {  	[sflag:s7] =	ssyncset.done $0x0  }
0x10: {  	[sflag:s7] =	ssyncadd.s32 $0xFFFFFE70  }
0x11: {  	[tilespmem:s9], [sflag:$0x1] =	stream.indirect.gather [hbm4b:s3+s8], $0x80, s2, s8, $0xb8;
	[tilespmem:$0xCA00] =	vst v63  }
0x12: {  	_ =	swait.ge [sflag:s10], $0xC800  }
0x13: {  	[sflag:s10] =	ssyncset.done $0x0  }
0x14: {  	[sflag:s10] =	ssyncadd.s32 $0xFFFF3800  }
0x15: {  	[hbm4b:s5+s2] =	stream.linear.scatter [tilespmem:s9], [sflag:$0x2], $0xC800, $0x38;
	[tilespmem:$0xCA00] =	vst v63  }
0x16: {  	s13 =	simm.s32 $0x32;
	_ =	swait.ge [sflag:s7], $0xC800  }
0x17: {  	s14 =	simm.s32 $0x64;
	s12 =	sadd.s32 $0x1900, s5;
	[sflag:s7] =	ssyncset.done $0x0  }
.LBB2_2:
0x18: {  	s15 =	sadd.s32 s13, s6  }
0x19: {  	[sflag:s7] =	ssyncadd.s32 $0xFFFF3800;
	s13 =	smov.u32 s14;
	s16 =	sadd.s32 $0x32, s14  }
0x1a: {  	[tilespmem:s2], [sflag:$0x2] =	stream.linear.gather [hbm4b:s15+s2], $0x190, $0x38;
	[tilespmem:$0xCA00] =	vst v63  }
0x1b: {  	p0 =	sne.s32 s14, $0x2EE;
	_ =	swait.ge [sflag:s7], $0x190  }
0x1c: {  	[sflag:s7] =	ssyncset.done $0x0  }
0x1d: {  	[sflag:s7] =	ssyncadd.s32 $0xFFFFFE70  }
0x1e: {  	[tilespmem:s9], [sflag:$0x1] =	stream.indirect.gather [hbm4b:s3+s8], $0x80, s2, s8, $0xb8;
	[tilespmem:$0xCA00] =	vst v63  }
0x1f: {  	_ =	swait.ge [sflag:s10], $0xC800  }
.Ltmp0:
0x20: {  	[sflag:s10] =	ssyncset.done $0x0;
	(pc) =	sbr.rel @p0 .LBB2_2-.Ltmp0, $4  }
0x21: {  	[sflag:s10] =	ssyncadd.s32 $0xFFFF3800  }
0x22: {  	[hbm4b:s12+s2] =	stream.linear.scatter [tilespmem:s9], [sflag:$0x2], $0xC800, $0x38;
	[tilespmem:$0xCA00] =	vst v63  }
0x23: {  	_ =	swait.ge [sflag:s7], $0xC800  }
0x24: {  	s14 =	smov.u32 s16;
	s12 =	sadd.s32 $0x1900, s12;
	[sflag:s7] =	ssyncset.done $0x0  }
0x25: {  	s13 =	sadd.s32 s13, s6;
	[sflag:s7] =	ssyncadd.s32 $0xFFFF3800  }
0x26: {  	[tilespmem:s2], [sflag:$0x2] =	stream.linear.gather [hbm4b:s13+s2], $0x190, $0x38;
	[tilespmem:$0xCA00] =	vst v63  }
0x27: {  	_ =	swait.ge [sflag:s7], $0x190  }
0x28: {  	[sflag:s7] =	ssyncset.done $0x0  }
0x29: {  	[sflag:s7] =	ssyncadd.s32 $0xFFFFFE70  }
0x2a: {  	[tilespmem:s9], [sflag:$0x1] =	stream.indirect.gather [hbm4b:s3+s8], $0x80, s2, s8, $0xb8;
	[tilespmem:$0xCA00] =	vst v63  }
0x2b: {  	s11 =	sadd.s32 $0x1, s11;
	_ =	swait.ge [sflag:s10], $0xC800  }
0x2c: {  	p0 =	sne.s32 s11, s4;
	[sflag:s10] =	ssyncset.done $0x0  }
.Ltmp1:
0x2d: {  	[sflag:s10] =	ssyncadd.s32 $0xFFFF3800;
	(pc) =	sbr.rel @p0 .LBB2_1-.Ltmp1, $4  }
0x2e: {  	[hbm4b:s12+s2] =	stream.linear.scatter [tilespmem:s9], [sflag:$0x2], $0xC800, $0x38;
	[tilespmem:$0xCA00] =	vst v63  }
0x2f: {  	_ =	swait.ge [sflag:s7], $0xC800  }
0x30: {  	[sflag:s7] =	ssyncset.done $0x0  }
0x31: {  	[sflag:s7] =	ssyncadd.s32 $0xFFFF3800  }
0x32: {  	_ =	sfence.sel $0x180000  }
0x33: {  	[bflag:$0x0] =	sbarrier.arrive $0xFFFF  }
0x34: {  	p0 =	sne.s32 s1, $0x0;
	_ =	strace $0x90000050  }
0x35: {  	s0 =	sadd.s32 @!p0 $0x100000, s0;
	[bflag:$0x2] =	sbarrier.arrive $0xFFFF  }
0x36: {  	[sflag:s0] =	ssyncadd.tile.s32 @!p0 $0x1;
	_ =	shalt  }
.Lfunc_end2:
_tile_overlayer_lowered:
.L_overlay_start_2:
0x37: {  	(tag) =	ssettag $0x2  }
0x38: {  	s0 =	rddreg [dreg:$0x0];
	s2 =	stileid.u32  }
0x39: {  	s1 =	rddreg [dreg:$0x1];
	p0 =	sne.s32 s2, $0x0  }
0x3a: {  	s3 =	rddreg [dreg:$0x2];
	[bflag:$0x3] =	sbarrier.arrive $0xFFFF;
	s2 =	simm.s32 @!p0 $0x1C02  }
0x3b: {  	[timem:s3], [sflag:s2] =	dma.local @!p0 [hbm:s0], s1  }
0x3c: {  	s0 =	simm.s32 @!p0 $0x2  }
0x3d: {  	_ =	swait.ge @!p0 [sflag:s0], s1  }
0x3e: {  	s1 =	ssub.s32 @!p0 $0x0, s1;
	[sflag:s0] =	ssyncset.done @!p0 $0x0  }
0x3f: {  	[sflag:s0] =	ssyncadd.s32 @!p0 s1  }
0x40: {  	[bflag:$0x3] =	sbarrier.arrive $0xFFFF  }
0x41: {  	_ =	shalt  }

// kernel: kernel.44.cloned.1.call-start
scs
__scs_entry_jumppad:
0x0: {  	(pc) =	sbr.rel $0x88, $3  }
0x1: {  	(tag) =	ssettag $0x0;
	lr =	simm.s32 $0x1  }
0x2: {  	[smem:$0x3F88] =	sst lr;
	_ =	strace $0xD0000000  }
0x3: {  	_ = 	snop  }
0x4: {  	_ = 	snop  }
0x5: {  	_ = 	snop  }
0x6: {  	_ = 	snop  }
0x7: {  	_ = 	snop  }
__scs_overlays_trampoline_lowered:
0x8: {  	[smem:$0x3F97] =	sst s0  }
0x9: {  	[smem:$0x3F98] =	sst s1  }
0xa: {  	[smem:$0x3F99] =	sst s2  }
0xb: {  	[smem:$0x3F9A] =	sst s3  }
0xc: {  	[smem:$0x3F9B] =	sst s4  }
0xd: {  	[smem:$0x3F9C] =	sst s5  }
0xe: {  	[smem:$0x3F9D] =	sst s6  }
0xf: {  	[smem:$0x3F9E] =	sst s7  }
0x10: {  	[smem:$0x3F9F] =	sst s8  }
0x11: {  	[smem:$0x3FA0] =	sst s9;
	s0 =	simm.s32 @!p0 $0x0  }
0x12: {  	s1 =	sld [smem:$0x3F86];
	s0 =	simm.s32 @p0 $0x1  }
0x13: {  	[smem:$0x3FA1] =	sst s0;
	s0 =	simm.s32 @!p1 $0x0  }
0x14: {  	s2 =	sld [smem:$0x3F85];
	s0 =	simm.s32 @p1 $0x1  }
0x15: {  	[smem:$0x3FA2] =	sst s0;
	s0 =	simm.s32 @!p2 $0x0  }
0x16: {  	s3 =	sld [smem:$0x3FDB];
	s0 =	simm.s32 @p2 $0x1  }
0x17: {  	s4 =	simm.s32 $0x1BF5;
	[smem:$0x3FA4] =	sst s0  }
0x18: {  	s0 =	sld [smem:$0x3F87];
	_ =	swait.ge [sflag:s4], $0x0  }
0x19: {  	s7 =	sld [smem:$0x3F88]  }
0x1a: {  	s8 =	sadd.s32 $0xFFFFE003, lr  }
0x1b: {  	s9 =	sadd.s32 $0xFFFFFEF7, lr;
	s5 =	simm.s32 $0xFFFFFFFF;
	p2 =	slt.u32 s8, $0xFFFFF086  }
0x1c: {  	p1 =	slt.u32 s9, $0xF7A;
	s5 =	simm.s32 @!p2 $0x0  }
0x1d: {  	s5 =	simm.s32 @p1 $0x1;
	p0 =	seq.s32 s7, s2  }
0x1e: {  	s7 =	smul.u32 @!p0 $0xF7A, s2;
	p2 =	seq.s32 @!p0 s5, $0x0  }
0x1f: {  	s9 =	smul.u32 $0xF7A, s1;
	s8 =	simm.s32 @!p0 $0x1BF5;
	p2 =	por !p2, p0  }
0x20: {  	[sflag:s8] =	ssyncset.s32 @!p0 $0xFFFFF086;
	s6 =	sadd.s32 @!p0 s3, s7;
	s7 =	simm.s32 @!p0 $0x108  }
0x21: {  	s3 =	sadd.s32 s3, s9;
	s6 =	sadd.s32 @!p0 $0x88, s6;
	s7 =	simm.s32 @p2 $0x1082  }
0x22: {  	[simem:s7], [sflag:s8] =	dma.local @!p0 [hbm:s6], $0xF7A  }
0x23: {  	s9 =	sor.u32 $0xD0000000, s2;
	s6 =	simm.s32 $0x108;
	_ =	swait.ge @!p0 [sflag:s8], $0x0  }
0x24: {  	s3 =	sadd.s32 $0x88, s3;
	s6 =	simm.s32 @!p1 $0x1082;
	[sflag:s4] =	ssyncset.s32 $0xFFFFF086  }
0x25: {  	[simem:s6], [sflag:s4] =	dma.local [hbm:s3], $0xF7A  }
0x26: {  	[smem:$0x3F88] =	sst s1;
	(tag) =	ssettag s2;
	_ =	strace s9  }
0x27: {  	s1 =	sld [smem:$0x3F98]  }
0x28: {  	s2 =	sld [smem:$0x3F99]  }
0x29: {  	s4 =	sld [smem:$0x3F9B]  }
0x2a: {  	p0 =	seq.s32 s5, $0x0;
	s5 =	sld [smem:$0x3F9C]  }
0x2b: {  	s6 =	sld [smem:$0x3F9D]  }
0x2c: {  	s7 =	sld [smem:$0x3F9E]  }
0x2d: {  	s3 =	simm.s32 $0x108;
	s8 =	sld [smem:$0x3F9F]  }
0x2e: {  	s3 =	simm.s32 @!p0 $0x1082;
	s9 =	sld [smem:$0x3FA0]  }
0x2f: {  	lr =	sadd.s32 s0, s3;
	s0 =	sld [smem:$0x3F97]  }
0x30: {  	s3 =	sld [smem:$0x3F9A]  }
0x31: {  	[smem:$0x3FA3] =	sst s10  }
0x32: {  	s10 =	sld [smem:$0x3FA1];
	_ =	sdelay $0x3  }
0x33: {  	p0 =	seq.s32 s10, $0x1;
	s10 =	sld [smem:$0x3FA3];
	_ =	sdelay $0x3  }
0x34: {  	[smem:$0x3FA3] =	sst s10  }
0x35: {  	s10 =	sld [smem:$0x3FA2];
	_ =	sdelay $0x3  }
0x36: {  	p1 =	seq.s32 s10, $0x1;
	s10 =	sld [smem:$0x3FA3];
	_ =	sdelay $0x3  }
0x37: {  	[smem:$0x3FA3] =	sst s10  }
0x38: {  	s10 =	sld [smem:$0x3FA4]  }
0x39: {  	_ = 	snop;
	(pc) =	sbr.ind lr, $3  }
0x3a: {  	_ = 	snop  }
0x3b: {  	_ = 	snop  }
0x3c: {  	p2 =	seq.s32 s10, $0x1;
	s10 =	sld [smem:$0x3FA3]  }
0x3d: {  	_ =	shalt  }
0x3e: {  	_ =	shalt  }
0x3f: {  	_ =	shalt  }
0x40: {  	_ =	shalt  }
0x41: {  	_ =	shalt  }
0x42: {  	_ =	shalt  }
0x43: {  	_ =	shalt  }
0x44: {  	_ =	shalt  }
0x45: {  	_ =	shalt  }
0x46: {  	_ =	shalt  }
0x47: {  	_ =	shalt  }
0x48: {  	_ =	shalt  }
0x49: {  	_ =	shalt  }
0x4a: {  	_ =	shalt  }
0x4b: {  	_ =	shalt  }
0x4c: {  	_ =	shalt  }
0x4d: {  	_ =	shalt  }
0x4e: {  	_ =	shalt  }
0x4f: {  	_ =	shalt  }
0x50: {  	_ =	shalt  }
0x51: {  	_ =	shalt  }
0x52: {  	_ =	shalt  }
0x53: {  	_ =	shalt  }
0x54: {  	_ =	shalt  }
0x55: {  	_ =	shalt  }
0x56: {  	_ =	shalt  }
0x57: {  	_ =	shalt  }
0x58: {  	_ =	shalt  }
0x59: {  	_ =	shalt  }
0x5a: {  	_ =	shalt  }
0x5b: {  	_ =	shalt  }
0x5c: {  	_ =	shalt  }
0x5d: {  	_ =	shalt  }
0x5e: {  	_ =	shalt  }
0x5f: {  	_ =	shalt  }
0x60: {  	_ =	shalt  }
0x61: {  	_ =	shalt  }
0x62: {  	_ =	shalt  }
0x63: {  	_ =	shalt  }
0x64: {  	_ =	shalt  }
0x65: {  	_ =	shalt  }
0x66: {  	_ =	shalt  }
0x67: {  	_ =	shalt  }
0x68: {  	_ =	shalt  }
0x69: {  	_ =	shalt  }
0x6a: {  	_ =	shalt  }
0x6b: {  	_ =	shalt  }
0x6c: {  	_ =	shalt  }
0x6d: {  	_ =	shalt  }
0x6e: {  	_ =	shalt  }
0x6f: {  	_ =	shalt  }
0x70: {  	_ =	shalt  }
0x71: {  	_ =	shalt  }
0x72: {  	_ =	shalt  }
0x73: {  	_ =	shalt  }
0x74: {  	_ =	shalt  }
0x75: {  	_ =	shalt  }
0x76: {  	_ =	shalt  }
0x77: {  	_ =	shalt  }
0x78: {  	_ =	shalt  }
0x79: {  	_ =	shalt  }
0x7a: {  	_ =	shalt  }
0x7b: {  	_ =	shalt  }
0x7c: {  	_ =	shalt  }
0x7d: {  	_ =	shalt  }
0x7e: {  	_ =	shalt  }
0x7f: {  	_ =	shalt  }
0x80: {  	_ =	shalt  }
0x81: {  	_ =	shalt  }
0x82: {  	_ =	shalt  }
0x83: {  	_ =	shalt  }
0x84: {  	_ =	shalt  }
0x85: {  	_ =	shalt  }
0x86: {  	_ =	shalt  }
0x87: {  	_ =	shalt  }
.Lfunc_end0:
.L_simem_size_0:
called_computation.5_lowered:
.L_overlay_start_0:
0x88: {  	s2 =	sld [smem:$0x3FD9]  }
0x89: {  	s3 =	sld [smem:$0x3FFE];
	_ =	sdelay $0x1  }
0x8a: {  	s1 =	srdreg.scid  }
0x8b: {  	s0 =	sand.u32 $0x1, s1  }
0x8c: {  	s16 =	sshll.u32 s0, $0xA;
	s2 =	sadd.s32 s3, s2  }
0x8d: {  	s2 =	sadd.s32 s2, s16  }
0x8e: {  	[smem:$0x3FAF] =	sst s2  }
0x8f: {  	_ = 	snop  }
0x90: {  	(tm) =	ssettm $0x1  }
0x91: {  	s17 =	sld [smem:$0x3FFB];
	_ =	sdelay $0x3  }
0x92: {  	_ =	strace s17  }
0x93: {  	s2 =	sld [smem:$0x3FFC];
	_ =	sdelay $0x3  }
0x94: {  	_ =	strace s2  }
0x95: {  	s2 =	sld [smem:$0x3FFD];
	_ =	sdelay $0x3  }
0x96: {  	_ =	strace s2  }
0x97: {  	_ =	strace $0x8FFFFFFF  }
0x98: {  	s18 =	sld [smem:$0x3FDB];
	_ =	sdelay $0x1  }
0x99: {  	s19 =	simm.s32 $_scs_section_size  }
0x9a: {  	s4 =	simm.s32 $_size__tile_overlayer_lowered;
	s5 =	simm.s32 $_tile_overlayer_lowered  }
0x9b: {  	s22 =	simm.s32 $0x1BFF;
	s21 =	sshll.u32 s5, $0x1;
	s2 =	sadd.s32 s19, s18  }
0x9c: {  	s6 =	simm.s32 $0x0;
	s20 =	sshll.u32 s4, $0x1;
	s4 =	sadd.s32 s21, s2  }
0x9d: {  	[timem:s6], [sflag:s22] =	dma.local [hbm:s4], s20  }
0x9e: {  	_ =	swait.ge [sflag:s22], s20  }
0x9f: {  	s3 =	ssub.s32 $0x0, s20;
	[sflag:s22] =	ssyncset.done $0x0  }
0xa0: {  	[sflag:s22] =	ssyncadd.s32 s3;
	_ =	sdelay $0x1  }
0xa1: {  	s23 =	simm.s32 $0x1B8B  }
0xa2: {  	_ =	swait.ge [sflag:s23], $0x1  }
0xa3: {  	[sflag:s23] =	ssyncset.done $0x0  }
0xa4: {  	s25 =	simm.s32 $0x1B8E;
	s24 =	sld [smem:$0x3FFE];
	[sflag:s23] =	ssyncadd.s32 $0xFFFFFFFF  }
0xa5: {  	s26 =	simm.s32 $execute0_lowered;
	[smem:$0x3FD2] =	sst s25  }
0xa6: {  	s4 =	sshll.u32 s26, $0x1;
	_ =	strace $0x80000055;
	[dreg:$0x1] =	wrdreg $0xFFFFFFFF  }
0xa7: {  	s28 =	simm.s32 $_size_execute0_lowered;
	s2 =	sadd.s32 s2, s4;
	[dreg:$0x0] =	wrdreg $0x0  }
0xa8: {  	s4 =	sshll.u32 s28, $0x1;
	[dreg:$0x2] =	wrdreg s2  }
0xa9: {  	[dreg:$0x3] =	wrdreg s4  }
0xaa: {  	[dreg:$0x4] =	wrdreg $0xC0  }
0xab: {  	_ =	task [dreg:s6], $0x5FFFF  }
0xac: {  	[dreg:$0x1] =	wrdreg $0xFFFFFFFF  }
0xad: {  	[dreg:$0x0] =	wrdreg $0x60  }
0xae: {  	[dreg:$0x2] =	wrdreg s24  }
0xaf: {  	[dreg:$0x3] =	wrdreg $0x0  }
0xb0: {  	[dreg:$0x4] =	wrdreg $0x9  }
0xb1: {  	_ =	task.clear_ibuf [dreg:s6], $0x5FFFF;
	_ =	strace $0x90000055  }
0xb2: {  	s29 =	simm.s32 $0x9;
	_ =	strace $0x80000057  }
0xb3: {  	_ =	swait.ge [sflag:s29], $0x1  }
0xb4: {  	[sflag:s29] =	ssyncadd.s32 $0xFFFFFFFF  }
0xb5: {  	_ =	strace $0x90000057  }
0xb6: {  	_ =	sfence  }
0xb7: {  	s30 =	sld [smem:$0x0];
	_ =	sdelay $0x2  }
0xb8: {  	s31 =	sshll.u32 s1, $0xD;
	s1 =	sshrl.u32 s1, $0x2  }
0xb9: {  	s3 =	sand.u32 $0x4000, s31;
	s1 =	sadd.s32 s1, s30  }
0xba: {  	s0 =	sor.u32 s3, s0;
	s1 =	sshll.u32 s1, $0x11  }
0xbb: {  	s0 =	sor.u32 s1, s0  }
0xbc: {  	s0 =	sadd.s32 $0x8F2B, s0  }
0xbd: {  	[sflag:s0] =	ssyncadd.remote.s32 $0x1  }
0xbe: {  	_ =	sfence.sel $0xFFFF  }
0xbf: {  	[dreg:$0x0] =	wrdreg $0xFFFFFFFF;
	(pc) =	sbr.abs _section_cstart, $3  }
0xc0: {  	[dreg:$0x1] =	wrdreg $0xFFFFFFFF  }
0xc1: {  	_ =	task.clear_ibuf [dreg:s6], $0x2FFFF;
	_ =	strace $0x9FFFFFFF  }
0xc2: {  	(tm) =	ssettm $0x7FFFFFFF  }
0xc3: {  	_ =	shalt  }
tec
execute0_lowered:
.L_overlay_start_1:
0x0: {  	(tag) =	ssettag $0x1  }
0x1: {  	s0 =	stileid.u32;
	s4 =	rddreg [dreg:$0x0]  }
0x2: {  	s1 =	srdreg.scid;
	s2 =	rddreg [dreg:$0x1]  }
0x3: {  	s3 =	simm.s32 $0x0;
	s12 =	simm.s32 $0xCC00;
	s6 =	smul.u32 $0x3200, s0  }
0x4: {  	s13 =	simm.s32 $0xCD00;
	s14 =	simm.s32 $0xC8;
	s8 =	smul.u32 $0x32000, s0  }
0x5: {  	s5 =	sand.u32 $0x1, s1;
	s1 =	rddreg [dreg:$0x2];
	s26 =	smul.u32 $0x1980, s0  }
0x6: {  	s15 =	simm.s32 $0x0;
	[smem:$0x7FF] =	sst s3;
	s11 =	smul.u32 $0x33000, s0  }
0x7: {  	s31 =	sshll.u32 s0, $0x6;
	s7 =	smul.u32 $0x32000, s5;
	_ =	strace $0x80000056  }
0x8: {  	s9 =	smul.u32 $0x19800, s5;
	s5 =	ssub.s32 $0x2, s5;
	s8 =	sadd.s32 s8, s4  }
0x9: {  	s29 =	sshrl.u32 s5, $0x1;
	s30 =	sshrl.u32 s11, $0x2;
	s6 =	sadd.s32 s6, s7  }
0xa: {  	s28 =	sadd.s32 s26, s9;
	s7 =	sadd.s32 s26, s4;
	s9 =	ssub.s32 s5, s29  }
0xb: {  	s11 =	sadd.s32 s30, s2;
	s5 =	sor.u32 $0x1C01, s31;
	s6 =	sshrl.u32 s6, $0x3  }
0xc: {  	s8 =	sadd.s32 $0x741E00, s8;
	s10 =	sadd.s32 s6, s4;
	s6 =	sadd.s32 s28, s4  }
0xd: {  	s4 =	sadd.s32 $0x408600, s7;
	s7 =	smax.u32 s9, $0x1;
	s6 =	sadd.s32 $0x421E00, s6  }
0xe: {  	s9 =	sadd.s32 $0x8800, s10;
	s10 =	sshrl.u32 s11, $0x3;
	s11 =	simm.s32 $0x1  }
.LBB2_1:
0xf: {  	[spmem:s10], [sflag:s5] =	dma.local [hbm:s4], $0x1980  }
0x10: {  	_ =	swait.ge [sflag:s11], $0x1980  }
0x11: {  	[sflag:s11] =	ssyncset.done $0x0  }
0x12: {  	[sflag:s11] =	ssyncadd.s32 $0xFFFFE680  }
0x13: {  	s16 =	sadd.s32 $0x0, s9;
	[bflag:$0x0] =	sbarrier.arrive $0xFFFF  }
0x14: {  	[tilespmem:s12], [sflag:$0x1] =	stream.linear.gather [hbm4b:s16+s3], $0xC8, $0x38;
	[tilespmem:$0x13100] =	vst v63  }
0x15: {  	_ =	swait.ge [sflag:s11], $0xC8  }
0x16: {  	[sflag:s11] =	ssyncset.done $0x0  }
0x17: {  	[sflag:s11] =	ssyncadd.s32 $0xFFFFFF38  }
0x18: {  	[tilespmem:s13], [sflag:$0x1] =	stream.linear.gather [hbm4b:s8+s3], $0x6400, $0x38;
	[tilespmem:$0x13100] =	vst v63  }
0x19: {  	_ =	swait.ge [sflag:s11], $0x6400  }
0x1a: {  	[sflag:s11] =	ssyncset.done $0x0  }
0x1b: {  	[sflag:s11] =	ssyncadd.s32 $0xFFFF9C00  }
0x1c: {  	[spmem:s2] =	stream.indirect.scatter.add.f32 [tilespmem:s13], [sflag:$0x1], $0x80, s12, s14, $0xb8;
	[tilespmem:$0x13100] =	vst v63  }
0x1d: {  	s17 =	simm.s32 $0x19;
	_ =	swait.ge [sflag:s11], $0x6400  }
0x1e: {  	s18 =	simm.s32 $0x32;
	s16 =	sadd.s32 $0xC80, s8;
	[sflag:s11] =	ssyncset.done $0x0  }
.LBB2_2:
0x1f: {  	s19 =	sadd.s32 s17, s9  }
0x20: {  	[sflag:s11] =	ssyncadd.s32 $0xFFFF9C00;
	s17 =	smov.u32 s18;
	s20 =	sadd.s32 $0x19, s18  }
0x21: {  	[tilespmem:s12], [sflag:$0x1] =	stream.linear.gather [hbm4b:s19+s3], $0xC8, $0x38;
	[tilespmem:$0x13100] =	vst v63  }
0x22: {  	p0 =	sne.s32 s18, $0x627;
	_ =	swait.ge [sflag:s11], $0xC8  }
0x23: {  	[sflag:s11] =	ssyncset.done $0x0  }
0x24: {  	[sflag:s11] =	ssyncadd.s32 $0xFFFFFF38  }
0x25: {  	[tilespmem:s13], [sflag:$0x1] =	stream.linear.gather [hbm4b:s16+s3], $0x6400, $0x38;
	[tilespmem:$0x13100] =	vst v63  }
0x26: {  	_ =	swait.ge [sflag:s11], $0x6400  }
.Ltmp0:
0x27: {  	[sflag:s11] =	ssyncset.done $0x0;
	(pc) =	sbr.rel @p0 .LBB2_2-.Ltmp0, $4  }
0x28: {  	[sflag:s11] =	ssyncadd.s32 $0xFFFF9C00  }
0x29: {  	[spmem:s2] =	stream.indirect.scatter.add.f32 [tilespmem:s13], [sflag:$0x1], $0x80, s12, s14, $0xb8;
	[tilespmem:$0x13100] =	vst v63  }
0x2a: {  	_ =	swait.ge [sflag:s11], $0x6400  }
0x2b: {  	s18 =	smov.u32 s20;
	s16 =	sadd.s32 $0xC80, s16;
	[sflag:s11] =	ssyncset.done $0x0  }
0x2c: {  	s17 =	sadd.s32 s17, s9;
	[sflag:s11] =	ssyncadd.s32 $0xFFFF9C00  }
0x2d: {  	[tilespmem:s12], [sflag:$0x1] =	stream.linear.gather [hbm4b:s17+s3], $0xC8, $0x38;
	[tilespmem:$0x13100] =	vst v63  }
0x2e: {  	_ =	swait.ge [sflag:s11], $0xC8  }
0x2f: {  	[sflag:s11] =	ssyncset.done $0x0  }
0x30: {  	[sflag:s11] =	ssyncadd.s32 $0xFFFFFF38  }
0x31: {  	[tilespmem:s13], [sflag:$0x1] =	stream.linear.gather [hbm4b:s16+s3], $0x6400, $0x38;
	[tilespmem:$0x13100] =	vst v63  }
0x32: {  	_ =	swait.ge [sflag:s11], $0x6400  }
0x33: {  	[sflag:s11] =	ssyncset.done $0x0  }
0x34: {  	[sflag:s11] =	ssyncadd.s32 $0xFFFF9C00  }
0x35: {  	[spmem:s2] =	stream.indirect.scatter.add.f32 [tilespmem:s13], [sflag:$0x1], $0x80, s12, s14, $0xb8;
	[tilespmem:$0x13100] =	vst v63  }
0x36: {  	_ =	swait.ge [sflag:s11], $0x6400  }
0x37: {  	s15 =	sadd.s32 $0x1, s15;
	[sflag:s11] =	ssyncset.done $0x0  }
0x38: {  	p0 =	sne.s32 s15, s7;
	[sflag:s11] =	ssyncadd.s32 $0xFFFF9C00  }
.Ltmp1:
0x39: {  	[bflag:$0x0] =	sbarrier.arrive $0xFFFF;
	(pc) =	sbr.rel @p0 .LBB2_1-.Ltmp1, $4  }
0x3a: {  	[hbm:s6], [sflag:s5] =	dma.local [spmem:s10], $0x1980  }
0x3b: {  	_ =	swait.ge [sflag:s11], $0x1980  }
0x3c: {  	[sflag:s11] =	ssyncset.done $0x0  }
0x3d: {  	[sflag:s11] =	ssyncadd.s32 $0xFFFFE680  }
0x3e: {  	_ =	sfence.sel $0x180000  }
0x3f: {  	[bflag:$0x0] =	sbarrier.arrive $0xFFFF  }
0x40: {  	p0 =	sne.s32 s0, $0x0;
	_ =	strace $0x90000056  }
0x41: {  	s0 =	sadd.s32 @!p0 $0x100000, s1;
	[bflag:$0x2] =	sbarrier.arrive $0xFFFF  }
0x42: {  	[sflag:s0] =	ssyncadd.tile.s32 @!p0 $0x1;
	_ =	shalt  }
.Lfunc_end2:
_tile_overlayer_lowered:
.L_overlay_start_2:
0x43: {  	(tag) =	ssettag $0x2  }
0x44: {  	s0 =	rddreg [dreg:$0x0];
	s2 =	stileid.u32  }
0x45: {  	s1 =	rddreg [dreg:$0x1];
	p0 =	sne.s32 s2, $0x0  }
0x46: {  	s3 =	rddreg [dreg:$0x2];
	[bflag:$0x3] =	sbarrier.arrive $0xFFFF;
	s2 =	simm.s32 @!p0 $0x1C01  }
0x47: {  	[timem:s3], [sflag:s2] =	dma.local @!p0 [hbm:s0], s1  }
0x48: {  	s0 =	simm.s32 @!p0 $0x1  }
0x49: {  	_ =	swait.ge @!p0 [sflag:s0], s1  }
0x4a: {  	s1 =	ssub.s32 @!p0 $0x0, s1;
	[sflag:s0] =	ssyncset.done @!p0 $0x0  }
0x4b: {  	[sflag:s0] =	ssyncadd.s32 @!p0 s1  }
0x4c: {  	[bflag:$0x3] =	sbarrier.arrive $0xFFFF  }
0x4d: {  	_ =	shalt  }

// kernel: kernel.47.cloned.1.call-start
scs
__scs_entry_jumppad:
0x0: {  	(pc) =	sbr.rel $0x88, $3  }
0x1: {  	(tag) =	ssettag $0x0;
	lr =	simm.s32 $0x1  }
0x2: {  	[smem:$0x3F88] =	sst lr;
	_ =	strace $0xD0000000  }
0x3: {  	_ = 	snop  }
0x4: {  	_ = 	snop  }
0x5: {  	_ = 	snop  }
0x6: {  	_ = 	snop  }
0x7: {  	_ = 	snop  }
__scs_overlays_trampoline_lowered:
0x8: {  	[smem:$0x3F97] =	sst s0  }
0x9: {  	[smem:$0x3F98] =	sst s1  }
0xa: {  	[smem:$0x3F99] =	sst s2  }
0xb: {  	[smem:$0x3F9A] =	sst s3  }
0xc: {  	[smem:$0x3F9B] =	sst s4  }
0xd: {  	[smem:$0x3F9C] =	sst s5  }
0xe: {  	[smem:$0x3F9D] =	sst s6  }
0xf: {  	[smem:$0x3F9E] =	sst s7  }
0x10: {  	[smem:$0x3F9F] =	sst s8  }
0x11: {  	[smem:$0x3FA0] =	sst s9;
	s0 =	simm.s32 @!p0 $0x0  }
0x12: {  	s1 =	sld [smem:$0x3F86];
	s0 =	simm.s32 @p0 $0x1  }
0x13: {  	[smem:$0x3FA1] =	sst s0;
	s0 =	simm.s32 @!p1 $0x0  }
0x14: {  	s2 =	sld [smem:$0x3F85];
	s0 =	simm.s32 @p1 $0x1  }
0x15: {  	[smem:$0x3FA2] =	sst s0;
	s0 =	simm.s32 @!p2 $0x0  }
0x16: {  	s3 =	sld [smem:$0x3FDB];
	s0 =	simm.s32 @p2 $0x1  }
0x17: {  	s4 =	simm.s32 $0x1BF5;
	[smem:$0x3FA4] =	sst s0  }
0x18: {  	s0 =	sld [smem:$0x3F87];
	_ =	swait.ge [sflag:s4], $0x0  }
0x19: {  	s7 =	sld [smem:$0x3F88]  }
0x1a: {  	s8 =	sadd.s32 $0xFFFFE003, lr  }
0x1b: {  	s9 =	sadd.s32 $0xFFFFFEF7, lr;
	s5 =	simm.s32 $0xFFFFFFFF;
	p2 =	slt.u32 s8, $0xFFFFF086  }
0x1c: {  	p1 =	slt.u32 s9, $0xF7A;
	s5 =	simm.s32 @!p2 $0x0  }
0x1d: {  	s5 =	simm.s32 @p1 $0x1;
	p0 =	seq.s32 s7, s2  }
0x1e: {  	s7 =	smul.u32 @!p0 $0xF7A, s2;
	p2 =	seq.s32 @!p0 s5, $0x0  }
0x1f: {  	s9 =	smul.u32 $0xF7A, s1;
	s8 =	simm.s32 @!p0 $0x1BF5;
	p2 =	por !p2, p0  }
0x20: {  	[sflag:s8] =	ssyncset.s32 @!p0 $0xFFFFF086;
	s6 =	sadd.s32 @!p0 s3, s7;
	s7 =	simm.s32 @!p0 $0x108  }
0x21: {  	s3 =	sadd.s32 s3, s9;
	s6 =	sadd.s32 @!p0 $0x88, s6;
	s7 =	simm.s32 @p2 $0x1082  }
0x22: {  	[simem:s7], [sflag:s8] =	dma.local @!p0 [hbm:s6], $0xF7A  }
0x23: {  	s9 =	sor.u32 $0xD0000000, s2;
	s6 =	simm.s32 $0x108;
	_ =	swait.ge @!p0 [sflag:s8], $0x0  }
0x24: {  	s3 =	sadd.s32 $0x88, s3;
	s6 =	simm.s32 @!p1 $0x1082;
	[sflag:s4] =	ssyncset.s32 $0xFFFFF086  }
0x25: {  	[simem:s6], [sflag:s4] =	dma.local [hbm:s3], $0xF7A  }
0x26: {  	[smem:$0x3F88] =	sst s1;
	(tag) =	ssettag s2;
	_ =	strace s9  }
0x27: {  	s1 =	sld [smem:$0x3F98]  }
0x28: {  	s2 =	sld [smem:$0x3F99]  }
0x29: {  	s4 =	sld [smem:$0x3F9B]  }
0x2a: {  	p0 =	seq.s32 s5, $0x0;
	s5 =	sld [smem:$0x3F9C]  }
0x2b: {  	s6 =	sld [smem:$0x3F9D]  }
0x2c: {  	s7 =	sld [smem:$0x3F9E]  }
0x2d: {  	s3 =	simm.s32 $0x108;
	s8 =	sld [smem:$0x3F9F]  }
0x2e: {  	s3 =	simm.s32 @!p0 $0x1082;
	s9 =	sld [smem:$0x3FA0]  }
0x2f: {  	lr =	sadd.s32 s0, s3;
	s0 =	sld [smem:$0x3F97]  }
0x30: {  	s3 =	sld [smem:$0x3F9A]  }
0x31: {  	[smem:$0x3FA3] =	sst s10  }
0x32: {  	s10 =	sld [smem:$0x3FA1];
	_ =	sdelay $0x3  }
0x33: {  	p0 =	seq.s32 s10, $0x1;
	s10 =	sld [smem:$0x3FA3];
	_ =	sdelay $0x3  }
0x34: {  	[smem:$0x3FA3] =	sst s10  }
0x35: {  	s10 =	sld [smem:$0x3FA2];
	_ =	sdelay $0x3  }
0x36: {  	p1 =	seq.s32 s10, $0x1;
	s10 =	sld [smem:$0x3FA3];
	_ =	sdelay $0x3  }
0x37: {  	[smem:$0x3FA3] =	sst s10  }
0x38: {  	s10 =	sld [smem:$0x3FA4]  }
0x39: {  	_ = 	snop;
	(pc) =	sbr.ind lr, $3  }
0x3a: {  	_ = 	snop  }
0x3b: {  	_ = 	snop  }
0x3c: {  	p2 =	seq.s32 s10, $0x1;
	s10 =	sld [smem:$0x3FA3]  }
0x3d: {  	_ =	shalt  }
0x3e: {  	_ =	shalt  }
0x3f: {  	_ =	shalt  }
0x40: {  	_ =	shalt  }
0x41: {  	_ =	shalt  }
0x42: {  	_ =	shalt  }
0x43: {  	_ =	shalt  }
0x44: {  	_ =	shalt  }
0x45: {  	_ =	shalt  }
0x46: {  	_ =	shalt  }
0x47: {  	_ =	shalt  }
0x48: {  	_ =	shalt  }
0x49: {  	_ =	shalt  }
0x4a: {  	_ =	shalt  }
0x4b: {  	_ =	shalt  }
0x4c: {  	_ =	shalt  }
0x4d: {  	_ =	shalt  }
0x4e: {  	_ =	shalt  }
0x4f: {  	_ =	shalt  }
0x50: {  	_ =	shalt  }
0x51: {  	_ =	shalt  }
0x52: {  	_ =	shalt  }
0x53: {  	_ =	shalt  }
0x54: {  	_ =	shalt  }
0x55: {  	_ =	shalt  }
0x56: {  	_ =	shalt  }
0x57: {  	_ =	shalt  }
0x58: {  	_ =	shalt  }
0x59: {  	_ =	shalt  }
0x5a: {  	_ =	shalt  }
0x5b: {  	_ =	shalt  }
0x5c: {  	_ =	shalt  }
0x5d: {  	_ =	shalt  }
0x5e: {  	_ =	shalt  }
0x5f: {  	_ =	shalt  }
0x60: {  	_ =	shalt  }
0x61: {  	_ =	shalt  }
0x62: {  	_ =	shalt  }
0x63: {  	_ =	shalt  }
0x64: {  	_ =	shalt  }
0x65: {  	_ =	shalt  }
0x66: {  	_ =	shalt  }
0x67: {  	_ =	shalt  }
0x68: {  	_ =	shalt  }
0x69: {  	_ =	shalt  }
0x6a: {  	_ =	shalt  }
0x6b: {  	_ =	shalt  }
0x6c: {  	_ =	shalt  }
0x6d: {  	_ =	shalt  }
0x6e: {  	_ =	shalt  }
0x6f: {  	_ =	shalt  }
0x70: {  	_ =	shalt  }
0x71: {  	_ =	shalt  }
0x72: {  	_ =	shalt  }
0x73: {  	_ =	shalt  }
0x74: {  	_ =	shalt  }
0x75: {  	_ =	shalt  }
0x76: {  	_ =	shalt  }
0x77: {  	_ =	shalt  }
0x78: {  	_ =	shalt  }
0x79: {  	_ =	shalt  }
0x7a: {  	_ =	shalt  }
0x7b: {  	_ =	shalt  }
0x7c: {  	_ =	shalt  }
0x7d: {  	_ =	shalt  }
0x7e: {  	_ =	shalt  }
0x7f: {  	_ =	shalt  }
0x80: {  	_ =	shalt  }
0x81: {  	_ =	shalt  }
0x82: {  	_ =	shalt  }
0x83: {  	_ =	shalt  }
0x84: {  	_ =	shalt  }
0x85: {  	_ =	shalt  }
0x86: {  	_ =	shalt  }
0x87: {  	_ =	shalt  }
.Lfunc_end0:
.L_simem_size_0:
called_computation.6_lowered:
.L_overlay_start_0:
0x88: {  	s2 =	sld [smem:$0x3FD9]  }
0x89: {  	s3 =	sld [smem:$0x3FFE];
	_ =	sdelay $0x1  }
0x8a: {  	s1 =	srdreg.scid  }
0x8b: {  	s0 =	sand.u32 $0x1, s1  }
0x8c: {  	s17 =	sshll.u32 s0, $0xA;
	s2 =	sadd.s32 s3, s2  }
0x8d: {  	s2 =	sadd.s32 s2, s17  }
0x8e: {  	[smem:$0x3FAF] =	sst s2  }
0x8f: {  	_ = 	snop  }
0x90: {  	s2 =	sld [smem:$0x3FD0];
	(tm) =	ssettm $0x1  }
0x91: {  	s18 =	sld [smem:$0x3FFB];
	_ =	sdelay $0x3  }
0x92: {  	_ =	strace s18  }
0x93: {  	s3 =	sld [smem:$0x3FFC];
	_ =	sdelay $0x3  }
0x94: {  	_ =	strace s3  }
0x95: {  	s3 =	sld [smem:$0x3FFD];
	_ =	sdelay $0x3  }
0x96: {  	_ =	strace s3  }
0x97: {  	_ =	strace $0x8FFFFFFF  }
0x98: {  	s19 =	sld [smem:$0x3FDB];
	_ =	sdelay $0x1  }
0x99: {  	s4 =	simm.s32 $_scs_section_size  }
0x9a: {  	s5 =	simm.s32 $_size__tile_overlayer_lowered;
	s6 =	simm.s32 $_tile_overlayer_lowered  }
0x9b: {  	s22 =	simm.s32 $0x1BFF;
	s21 =	sshll.u32 s6, $0x1;
	s3 =	sadd.s32 s4, s19  }
0x9c: {  	s7 =	simm.s32 $0x0;
	s20 =	sshll.u32 s5, $0x1;
	s5 =	sadd.s32 s21, s3  }
0x9d: {  	[timem:s7], [sflag:s22] =	dma.local [hbm:s5], s20  }
0x9e: {  	_ =	swait.ge [sflag:s22], s20  }
0x9f: {  	s4 =	ssub.s32 $0x0, s20;
	[sflag:s22] =	ssyncset.done $0x0  }
0xa0: {  	[sflag:s22] =	ssyncadd.s32 s4;
	_ =	sdelay $0x1  }
0xa1: {  	s23 =	simm.s32 $0x1B8B  }
0xa2: {  	_ =	swait.ge [sflag:s23], $0x1  }
0xa3: {  	[sflag:s23] =	ssyncset.done $0x0  }
0xa4: {  	s25 =	simm.s32 $0x1B8E;
	s24 =	sld [smem:$0x3FFE];
	[sflag:s23] =	ssyncadd.s32 $0xFFFFFFFF  }
0xa5: {  	s26 =	simm.s32 $execute0_lowered;
	[smem:$0x3FD2] =	sst s25  }
0xa6: {  	s5 =	sshll.u32 s26, $0x1;
	_ =	strace $0x80000058;
	[dreg:$0x1] =	wrdreg $0xFFFFFFFF  }
0xa7: {  	s28 =	simm.s32 $_size_execute0_lowered;
	s3 =	sadd.s32 s3, s5;
	[dreg:$0x0] =	wrdreg $0x0  }
0xa8: {  	s5 =	sshll.u32 s28, $0x1;
	[dreg:$0x2] =	wrdreg s3  }
0xa9: {  	[dreg:$0x3] =	wrdreg s5  }
0xaa: {  	[dreg:$0x4] =	wrdreg $0xC0  }
0xab: {  	_ =	task [dreg:s7], $0x5FFFF  }
0xac: {  	[dreg:$0x1] =	wrdreg $0xFFFFFFFF  }
0xad: {  	[dreg:$0x0] =	wrdreg $0x60  }
0xae: {  	[dreg:$0x2] =	wrdreg s24  }
0xaf: {  	[dreg:$0x3] =	wrdreg s2  }
0xb0: {  	[dreg:$0x4] =	wrdreg $0x9  }
0xb1: {  	_ =	task.clear_ibuf [dreg:s7], $0x5FFFF;
	_ =	strace $0x90000058  }
0xb2: {  	s29 =	simm.s32 $0x9;
	_ =	strace $0x8000005A  }
0xb3: {  	_ =	swait.ge [sflag:s29], $0x1  }
0xb4: {  	[sflag:s29] =	ssyncadd.s32 $0xFFFFFFFF  }
0xb5: {  	_ =	strace $0x9000005A  }
0xb6: {  	_ =	sfence  }
0xb7: {  	s30 =	sld [smem:$0x0];
	_ =	sdelay $0x2  }
0xb8: {  	s31 =	sshll.u32 s1, $0xD;
	s1 =	sshrl.u32 s1, $0x2  }
0xb9: {  	s3 =	sand.u32 $0x4000, s31;
	s1 =	sadd.s32 s1, s30  }
0xba: {  	s0 =	sor.u32 s3, s0;
	s1 =	sshll.u32 s1, $0x11  }
0xbb: {  	s0 =	sor.u32 s1, s0  }
0xbc: {  	s0 =	sadd.s32 $0x8F2B, s0  }
0xbd: {  	[sflag:s0] =	ssyncadd.remote.s32 $0x1  }
0xbe: {  	_ =	sfence.sel $0xFFFF  }
0xbf: {  	[dreg:$0x0] =	wrdreg $0xFFFFFFFF;
	(pc) =	sbr.abs _section_cstart, $3  }
0xc0: {  	[dreg:$0x1] =	wrdreg $0xFFFFFFFF  }
0xc1: {  	_ =	task.clear_ibuf [dreg:s7], $0x2FFFF;
	_ =	strace $0x9FFFFFFF  }
0xc2: {  	(tm) =	ssettm $0x7FFFFFFF  }
0xc3: {  	_ =	shalt  }
tec
execute0_lowered:
.L_overlay_start_1:
0x0: {  	(tag) =	ssettag $0x1  }
0x1: {  	s4 =	rddreg [dreg:$0x0]  }
0x2: {  	s0 =	stileid.u32;
	s1 =	srdreg.scid  }
0x3: {  	s6 =	rddreg [dreg:$0x1];
	s5 =	smul.u32 $0x25800, s0  }
0x4: {  	s2 =	simm.s32 $0x0;
	s3 =	sand.u32 $0x1, s1;
	s8 =	smul.u32 $0x2580, s0  }
0x5: {  	s11 =	simm.s32 $0x0;
	s1 =	rddreg [dreg:$0x2];
	s7 =	smul.u32 $0x12C00, s3  }
0x6: {  	[smem:$0x7FF] =	sst s2;
	s9 =	ssub.s32 $0x2, s3;
	s10 =	smul.u32 $0x12C0, s3  }
0x7: {  	s3 =	sadd.s32 $0x8800, s4;
	s4 =	sadd.s32 s5, s4;
	s30 =	sshrl.u32 s9, $0x1  }
0x8: {  	_ =	strace $0x80000059;
	s5 =	ssub.s32 s9, s30;
	s7 =	sadd.s32 s7, s4  }
0x9: {  	s8 =	sadd.s32 s10, s8;
	s9 =	simm.s32 $0x200;
	s10 =	simm.s32 $0x1  }
0xa: {  	s4 =	smax.u32 s5, $0x1;
	s5 =	sadd.s32 $0x3A800, s7;
	s31 =	sshrl.u32 s8, $0x3  }
0xb: {  	s7 =	simm.s32 $0x2;
	s8 =	simm.s32 $0x190;
	s6 =	sadd.s32 s31, s6  }
.LBB2_1:
0xc: {  	s12 =	sadd.s32 $0x0, s6  }
0xd: {  	[tilespmem:s2], [sflag:$0x2] =	stream.linear.gather [hbm4b:s12+s2], $0x190, $0x38;
	[tilespmem:$0xCA00] =	vst v63  }
0xe: {  	_ =	swait.ge [sflag:s7], $0x190  }
0xf: {  	[sflag:s7] =	ssyncset.done $0x0  }
0x10: {  	[sflag:s7] =	ssyncadd.s32 $0xFFFFFE70  }
0x11: {  	[tilespmem:s9], [sflag:$0x1] =	stream.indirect.gather [hbm4b:s3+s8], $0x80, s2, s8, $0xb8;
	[tilespmem:$0xCA00] =	vst v63  }
0x12: {  	_ =	swait.ge [sflag:s10], $0xC800  }
0x13: {  	[sflag:s10] =	ssyncset.done $0x0  }
0x14: {  	[sflag:s10] =	ssyncadd.s32 $0xFFFF3800  }
0x15: {  	[hbm4b:s5+s2] =	stream.linear.scatter [tilespmem:s9], [sflag:$0x2], $0xC800, $0x38;
	[tilespmem:$0xCA00] =	vst v63  }
0x16: {  	s13 =	simm.s32 $0x32;
	_ =	swait.ge [sflag:s7], $0xC800  }
0x17: {  	s14 =	simm.s32 $0x64;
	s12 =	sadd.s32 $0x1900, s5;
	[sflag:s7] =	ssyncset.done $0x0  }
.LBB2_2:
0x18: {  	s15 =	sadd.s32 s13, s6  }
0x19: {  	[sflag:s7] =	ssyncadd.s32 $0xFFFF3800;
	s13 =	smov.u32 s14;
	s16 =	sadd.s32 $0x32, s14  }
0x1a: {  	[tilespmem:s2], [sflag:$0x2] =	stream.linear.gather [hbm4b:s15+s2], $0x190, $0x38;
	[tilespmem:$0xCA00] =	vst v63  }
0x1b: {  	p0 =	sne.s32 s14, $0x226;
	_ =	swait.ge [sflag:s7], $0x190  }
0x1c: {  	[sflag:s7] =	ssyncset.done $0x0  }
0x1d: {  	[sflag:s7] =	ssyncadd.s32 $0xFFFFFE70  }
0x1e: {  	[tilespmem:s9], [sflag:$0x1] =	stream.indirect.gather [hbm4b:s3+s8], $0x80, s2, s8, $0xb8;
	[tilespmem:$0xCA00] =	vst v63  }
0x1f: {  	_ =	swait.ge [sflag:s10], $0xC800  }
.Ltmp0:
0x20: {  	[sflag:s10] =	ssyncset.done $0x0;
	(pc) =	sbr.rel @p0 .LBB2_2-.Ltmp0, $4  }
0x21: {  	[sflag:s10] =	ssyncadd.s32 $0xFFFF3800  }
0x22: {  	[hbm4b:s12+s2] =	stream.linear.scatter [tilespmem:s9], [sflag:$0x2], $0xC800, $0x38;
	[tilespmem:$0xCA00] =	vst v63  }
0x23: {  	_ =	swait.ge [sflag:s7], $0xC800  }
0x24: {  	s14 =	smov.u32 s16;
	s12 =	sadd.s32 $0x1900, s12;
	[sflag:s7] =	ssyncset.done $0x0  }
0x25: {  	s13 =	sadd.s32 s13, s6;
	[sflag:s7] =	ssyncadd.s32 $0xFFFF3800  }
0x26: {  	[tilespmem:s2], [sflag:$0x2] =	stream.linear.gather [hbm4b:s13+s2], $0x190, $0x38;
	[tilespmem:$0xCA00] =	vst v63  }
0x27: {  	_ =	swait.ge [sflag:s7], $0x190  }
0x28: {  	[sflag:s7] =	ssyncset.done $0x0  }
0x29: {  	[sflag:s7] =	ssyncadd.s32 $0xFFFFFE70  }
0x2a: {  	[tilespmem:s9], [sflag:$0x1] =	stream.indirect.gather [hbm4b:s3+s8], $0x80, s2, s8, $0xb8;
	[tilespmem:$0xCA00] =	vst v63  }
0x2b: {  	s11 =	sadd.s32 $0x1, s11;
	_ =	swait.ge [sflag:s10], $0xC800  }
0x2c: {  	p0 =	sne.s32 s11, s4;
	[sflag:s10] =	ssyncset.done $0x0  }
.Ltmp1:
0x2d: {  	[sflag:s10] =	ssyncadd.s32 $0xFFFF3800;
	(pc) =	sbr.rel @p0 .LBB2_1-.Ltmp1, $4  }
0x2e: {  	[hbm4b:s12+s2] =	stream.linear.scatter [tilespmem:s9], [sflag:$0x2], $0xC800, $0x38;
	[tilespmem:$0xCA00] =	vst v63  }
0x2f: {  	_ =	swait.ge [sflag:s7], $0xC800  }
0x30: {  	[sflag:s7] =	ssyncset.done $0x0  }
0x31: {  	[sflag:s7] =	ssyncadd.s32 $0xFFFF3800  }
0x32: {  	_ =	sfence.sel $0x180000  }
0x33: {  	[bflag:$0x0] =	sbarrier.arrive $0xFFFF  }
0x34: {  	p0 =	sne.s32 s0, $0x0;
	_ =	strace $0x90000059  }
0x35: {  	s0 =	sadd.s32 @!p0 $0x100000, s1;
	[bflag:$0x2] =	sbarrier.arrive $0xFFFF  }
0x36: {  	[sflag:s0] =	ssyncadd.tile.s32 @!p0 $0x1;
	_ =	shalt  }
.Lfunc_end2:
_tile_overlayer_lowered:
.L_overlay_start_2:
0x37: {  	(tag) =	ssettag $0x2  }
0x38: {  	s0 =	rddreg [dreg:$0x0];
	s2 =	stileid.u32  }
0x39: {  	s1 =	rddreg [dreg:$0x1];
	p0 =	sne.s32 s2, $0x0  }
0x3a: {  	s3 =	rddreg [dreg:$0x2];
	[bflag:$0x3] =	sbarrier.arrive $0xFFFF;
	s2 =	simm.s32 @!p0 $0x1C02  }
0x3b: {  	[timem:s3], [sflag:s2] =	dma.local @!p0 [hbm:s0], s1  }
0x3c: {  	s0 =	simm.s32 @!p0 $0x2  }
0x3d: {  	_ =	swait.ge @!p0 [sflag:s0], s1  }
0x3e: {  	s1 =	ssub.s32 @!p0 $0x0, s1;
	[sflag:s0] =	ssyncset.done @!p0 $0x0  }
0x3f: {  	[sflag:s0] =	ssyncadd.s32 @!p0 s1  }
0x40: {  	[bflag:$0x3] =	sbarrier.arrive $0xFFFF  }
0x41: {  	_ =	shalt  }

// kernel: kernel.50.cloned.1.call-start
scs
__scs_entry_jumppad:
0x0: {  	(pc) =	sbr.rel $0x88, $3  }
0x1: {  	(tag) =	ssettag $0x0;
	lr =	simm.s32 $0x1  }
0x2: {  	[smem:$0x3F88] =	sst lr;
	_ =	strace $0xD0000000  }
0x3: {  	_ = 	snop  }
0x4: {  	_ = 	snop  }
0x5: {  	_ = 	snop  }
0x6: {  	_ = 	snop  }
0x7: {  	_ = 	snop  }
__scs_overlays_trampoline_lowered:
0x8: {  	[smem:$0x3F97] =	sst s0  }
0x9: {  	[smem:$0x3F98] =	sst s1  }
0xa: {  	[smem:$0x3F99] =	sst s2  }
0xb: {  	[smem:$0x3F9A] =	sst s3  }
0xc: {  	[smem:$0x3F9B] =	sst s4  }
0xd: {  	[smem:$0x3F9C] =	sst s5  }
0xe: {  	[smem:$0x3F9D] =	sst s6  }
0xf: {  	[smem:$0x3F9E] =	sst s7  }
0x10: {  	[smem:$0x3F9F] =	sst s8  }
0x11: {  	[smem:$0x3FA0] =	sst s9;
	s0 =	simm.s32 @!p0 $0x0  }
0x12: {  	s1 =	sld [smem:$0x3F86];
	s0 =	simm.s32 @p0 $0x1  }
0x13: {  	[smem:$0x3FA1] =	sst s0;
	s0 =	simm.s32 @!p1 $0x0  }
0x14: {  	s2 =	sld [smem:$0x3F85];
	s0 =	simm.s32 @p1 $0x1  }
0x15: {  	[smem:$0x3FA2] =	sst s0;
	s0 =	simm.s32 @!p2 $0x0  }
0x16: {  	s3 =	sld [smem:$0x3FDB];
	s0 =	simm.s32 @p2 $0x1  }
0x17: {  	s4 =	simm.s32 $0x1BF5;
	[smem:$0x3FA4] =	sst s0  }
0x18: {  	s0 =	sld [smem:$0x3F87];
	_ =	swait.ge [sflag:s4], $0x0  }
0x19: {  	s7 =	sld [smem:$0x3F88]  }
0x1a: {  	s8 =	sadd.s32 $0xFFFFE003, lr  }
0x1b: {  	s9 =	sadd.s32 $0xFFFFFEF7, lr;
	s5 =	simm.s32 $0xFFFFFFFF;
	p2 =	slt.u32 s8, $0xFFFFF086  }
0x1c: {  	p1 =	slt.u32 s9, $0xF7A;
	s5 =	simm.s32 @!p2 $0x0  }
0x1d: {  	s5 =	simm.s32 @p1 $0x1;
	p0 =	seq.s32 s7, s2  }
0x1e: {  	s7 =	smul.u32 @!p0 $0xF7A, s2;
	p2 =	seq.s32 @!p0 s5, $0x0  }
0x1f: {  	s9 =	smul.u32 $0xF7A, s1;
	s8 =	simm.s32 @!p0 $0x1BF5;
	p2 =	por !p2, p0  }
0x20: {  	[sflag:s8] =	ssyncset.s32 @!p0 $0xFFFFF086;
	s6 =	sadd.s32 @!p0 s3, s7;
	s7 =	simm.s32 @!p0 $0x108  }
0x21: {  	s3 =	sadd.s32 s3, s9;
	s6 =	sadd.s32 @!p0 $0x88, s6;
	s7 =	simm.s32 @p2 $0x1082  }
0x22: {  	[simem:s7], [sflag:s8] =	dma.local @!p0 [hbm:s6], $0xF7A  }
0x23: {  	s9 =	sor.u32 $0xD0000000, s2;
	s6 =	simm.s32 $0x108;
	_ =	swait.ge @!p0 [sflag:s8], $0x0  }
0x24: {  	s3 =	sadd.s32 $0x88, s3;
	s6 =	simm.s32 @!p1 $0x1082;
	[sflag:s4] =	ssyncset.s32 $0xFFFFF086  }
0x25: {  	[simem:s6], [sflag:s4] =	dma.local [hbm:s3], $0xF7A  }
0x26: {  	[smem:$0x3F88] =	sst s1;
	(tag) =	ssettag s2;
	_ =	strace s9  }
0x27: {  	s1 =	sld [smem:$0x3F98]  }
0x28: {  	s2 =	sld [smem:$0x3F99]  }
0x29: {  	s4 =	sld [smem:$0x3F9B]  }
0x2a: {  	p0 =	seq.s32 s5, $0x0;
	s5 =	sld [smem:$0x3F9C]  }
0x2b: {  	s6 =	sld [smem:$0x3F9D]  }
0x2c: {  	s7 =	sld [smem:$0x3F9E]  }
0x2d: {  	s3 =	simm.s32 $0x108;
	s8 =	sld [smem:$0x3F9F]  }
0x2e: {  	s3 =	simm.s32 @!p0 $0x1082;
	s9 =	sld [smem:$0x3FA0]  }
0x2f: {  	lr =	sadd.s32 s0, s3;
	s0 =	sld [smem:$0x3F97]  }
0x30: {  	s3 =	sld [smem:$0x3F9A]  }
0x31: {  	[smem:$0x3FA3] =	sst s10  }
0x32: {  	s10 =	sld [smem:$0x3FA1];
	_ =	sdelay $0x3  }
0x33: {  	p0 =	seq.s32 s10, $0x1;
	s10 =	sld [smem:$0x3FA3];
	_ =	sdelay $0x3  }
0x34: {  	[smem:$0x3FA3] =	sst s10  }
0x35: {  	s10 =	sld [smem:$0x3FA2];
	_ =	sdelay $0x3  }
0x36: {  	p1 =	seq.s32 s10, $0x1;
	s10 =	sld [smem:$0x3FA3];
	_ =	sdelay $0x3  }
0x37: {  	[smem:$0x3FA3] =	sst s10  }
0x38: {  	s10 =	sld [smem:$0x3FA4]  }
0x39: {  	_ = 	snop;
	(pc) =	sbr.ind lr, $3  }
0x3a: {  	_ = 	snop  }
0x3b: {  	_ = 	snop  }
0x3c: {  	p2 =	seq.s32 s10, $0x1;
	s10 =	sld [smem:$0x3FA3]  }
0x3d: {  	_ =	shalt  }
0x3e: {  	_ =	shalt  }
0x3f: {  	_ =	shalt  }
0x40: {  	_ =	shalt  }
0x41: {  	_ =	shalt  }
0x42: {  	_ =	shalt  }
0x43: {  	_ =	shalt  }
0x44: {  	_ =	shalt  }
0x45: {  	_ =	shalt  }
0x46: {  	_ =	shalt  }
0x47: {  	_ =	shalt  }
0x48: {  	_ =	shalt  }
0x49: {  	_ =	shalt  }
0x4a: {  	_ =	shalt  }
0x4b: {  	_ =	shalt  }
0x4c: {  	_ =	shalt  }
0x4d: {  	_ =	shalt  }
0x4e: {  	_ =	shalt  }
0x4f: {  	_ =	shalt  }
0x50: {  	_ =	shalt  }
0x51: {  	_ =	shalt  }
0x52: {  	_ =	shalt  }
0x53: {  	_ =	shalt  }
0x54: {  	_ =	shalt  }
0x55: {  	_ =	shalt  }
0x56: {  	_ =	shalt  }
0x57: {  	_ =	shalt  }
0x58: {  	_ =	shalt  }
0x59: {  	_ =	shalt  }
0x5a: {  	_ =	shalt  }
0x5b: {  	_ =	shalt  }
0x5c: {  	_ =	shalt  }
0x5d: {  	_ =	shalt  }
0x5e: {  	_ =	shalt  }
0x5f: {  	_ =	shalt  }
0x60: {  	_ =	shalt  }
0x61: {  	_ =	shalt  }
0x62: {  	_ =	shalt  }
0x63: {  	_ =	shalt  }
0x64: {  	_ =	shalt  }
0x65: {  	_ =	shalt  }
0x66: {  	_ =	shalt  }
0x67: {  	_ =	shalt  }
0x68: {  	_ =	shalt  }
0x69: {  	_ =	shalt  }
0x6a: {  	_ =	shalt  }
0x6b: {  	_ =	shalt  }
0x6c: {  	_ =	shalt  }
0x6d: {  	_ =	shalt  }
0x6e: {  	_ =	shalt  }
0x6f: {  	_ =	shalt  }
0x70: {  	_ =	shalt  }
0x71: {  	_ =	shalt  }
0x72: {  	_ =	shalt  }
0x73: {  	_ =	shalt  }
0x74: {  	_ =	shalt  }
0x75: {  	_ =	shalt  }
0x76: {  	_ =	shalt  }
0x77: {  	_ =	shalt  }
0x78: {  	_ =	shalt  }
0x79: {  	_ =	shalt  }
0x7a: {  	_ =	shalt  }
0x7b: {  	_ =	shalt  }
0x7c: {  	_ =	shalt  }
0x7d: {  	_ =	shalt  }
0x7e: {  	_ =	shalt  }
0x7f: {  	_ =	shalt  }
0x80: {  	_ =	shalt  }
0x81: {  	_ =	shalt  }
0x82: {  	_ =	shalt  }
0x83: {  	_ =	shalt  }
0x84: {  	_ =	shalt  }
0x85: {  	_ =	shalt  }
0x86: {  	_ =	shalt  }
0x87: {  	_ =	shalt  }
.Lfunc_end0:
.L_simem_size_0:
called_computation.7_lowered:
.L_overlay_start_0:
0x88: {  	s2 =	sld [smem:$0x3FD9]  }
0x89: {  	s3 =	sld [smem:$0x3FFE];
	_ =	sdelay $0x1  }
0x8a: {  	s1 =	srdreg.scid  }
0x8b: {  	s0 =	sand.u32 $0x1, s1  }
0x8c: {  	s16 =	sshll.u32 s0, $0xA;
	s2 =	sadd.s32 s3, s2  }
0x8d: {  	s2 =	sadd.s32 s2, s16  }
0x8e: {  	[smem:$0x3FAF] =	sst s2  }
0x8f: {  	_ = 	snop  }
0x90: {  	(tm) =	ssettm $0x1  }
0x91: {  	s17 =	sld [smem:$0x3FFB];
	_ =	sdelay $0x3  }
0x92: {  	_ =	strace s17  }
0x93: {  	s2 =	sld [smem:$0x3FFC];
	_ =	sdelay $0x3  }
0x94: {  	_ =	strace s2  }
0x95: {  	s2 =	sld [smem:$0x3FFD];
	_ =	sdelay $0x3  }
0x96: {  	_ =	strace s2  }
0x97: {  	_ =	strace $0x8FFFFFFF  }
0x98: {  	s18 =	sld [smem:$0x3FDB];
	_ =	sdelay $0x1  }
0x99: {  	s19 =	simm.s32 $_scs_section_size  }
0x9a: {  	s4 =	simm.s32 $_size__tile_overlayer_lowered;
	s5 =	simm.s32 $_tile_overlayer_lowered  }
0x9b: {  	s22 =	simm.s32 $0x1BFF;
	s21 =	sshll.u32 s5, $0x1;
	s2 =	sadd.s32 s19, s18  }
0x9c: {  	s6 =	simm.s32 $0x0;
	s20 =	sshll.u32 s4, $0x1;
	s4 =	sadd.s32 s21, s2  }
0x9d: {  	[timem:s6], [sflag:s22] =	dma.local [hbm:s4], s20  }
0x9e: {  	_ =	swait.ge [sflag:s22], s20  }
0x9f: {  	s3 =	ssub.s32 $0x0, s20;
	[sflag:s22] =	ssyncset.done $0x0  }
0xa0: {  	[sflag:s22] =	ssyncadd.s32 s3;
	_ =	sdelay $0x1  }
0xa1: {  	s23 =	simm.s32 $0x1B8B  }
0xa2: {  	_ =	swait.ge [sflag:s23], $0x1  }
0xa3: {  	[sflag:s23] =	ssyncset.done $0x0  }
0xa4: {  	s25 =	simm.s32 $0x1B8E;
	s24 =	sld [smem:$0x3FFE];
	[sflag:s23] =	ssyncadd.s32 $0xFFFFFFFF  }
0xa5: {  	s26 =	simm.s32 $execute0_lowered;
	[smem:$0x3FD2] =	sst s25  }
0xa6: {  	s4 =	sshll.u32 s26, $0x1;
	_ =	strace $0x8000005B;
	[dreg:$0x1] =	wrdreg $0xFFFFFFFF  }
0xa7: {  	s28 =	simm.s32 $_size_execute0_lowered;
	s2 =	sadd.s32 s2, s4;
	[dreg:$0x0] =	wrdreg $0x0  }
0xa8: {  	s4 =	sshll.u32 s28, $0x1;
	[dreg:$0x2] =	wrdreg s2  }
0xa9: {  	[dreg:$0x3] =	wrdreg s4  }
0xaa: {  	[dreg:$0x4] =	wrdreg $0xC0  }
0xab: {  	_ =	task [dreg:s6], $0x5FFFF  }
0xac: {  	[dreg:$0x1] =	wrdreg $0xFFFFFFFF  }
0xad: {  	[dreg:$0x0] =	wrdreg $0x60  }
0xae: {  	[dreg:$0x2] =	wrdreg s24  }
0xaf: {  	[dreg:$0x3] =	wrdreg $0x9  }
0xb0: {  	_ =	task.clear_ibuf [dreg:s6], $0x4FFFF;
	_ =	strace $0x9000005B  }
0xb1: {  	s29 =	simm.s32 $0x9;
	_ =	strace $0x8000005D  }
0xb2: {  	_ =	swait.ge [sflag:s29], $0x1  }
0xb3: {  	[sflag:s29] =	ssyncadd.s32 $0xFFFFFFFF  }
0xb4: {  	_ =	strace $0x9000005D  }
0xb5: {  	_ =	sfence  }
0xb6: {  	s30 =	sld [smem:$0x0];
	_ =	sdelay $0x2  }
0xb7: {  	s31 =	sshll.u32 s1, $0xD;
	s1 =	sshrl.u32 s1, $0x2  }
0xb8: {  	s3 =	sand.u32 $0x4000, s31;
	s1 =	sadd.s32 s1, s30  }
0xb9: {  	s0 =	sor.u32 s3, s0;
	s1 =	sshll.u32 s1, $0x11  }
0xba: {  	s0 =	sor.u32 s1, s0  }
0xbb: {  	s0 =	sadd.s32 $0x8F2B, s0  }
0xbc: {  	[sflag:s0] =	ssyncadd.remote.s32 $0x1  }
0xbd: {  	_ =	sfence.sel $0xFFFF  }
0xbe: {  	[dreg:$0x0] =	wrdreg $0xFFFFFFFF;
	(pc) =	sbr.abs _section_cstart, $3  }
0xbf: {  	[dreg:$0x1] =	wrdreg $0xFFFFFFFF  }
0xc0: {  	_ =	task.clear_ibuf [dreg:s6], $0x2FFFF;
	_ =	strace $0x9FFFFFFF  }
0xc1: {  	(tm) =	ssettm $0x7FFFFFFF  }
tec
execute0_lowered:
.L_overlay_start_1:
0x0: {  	(tag) =	ssettag $0x1  }
0x1: {  	s4 =	rddreg [dreg:$0x0]  }
0x2: {  	s0 =	rddreg [dreg:$0x1]  }
0x3: {  	s3 =	srdreg.scid;
	s1 =	stileid.u32;
	s2 =	simm.s32 $0x0  }
0x4: {  	s10 =	simm.s32 $0x1;
	s11 =	simm.s32 $0x0;
	s6 =	smul.u32 $0xC350, s1  }
0x5: {  	s5 =	sand.u32 $0x1, s3;
	[smem:$0x7FF] =	sst s2;
	s8 =	smul.u32 $0xC3500, s1  }
0x6: {  	s3 =	sadd.s32 $0x421E00, s4;
	s7 =	smul.u32 $0x61A8, s5;
	s9 =	ssub.s32 $0x2, s5  }
0x7: {  	_ =	strace $0x8000005C;
	s5 =	smul.u32 $0x61A80, s5;
	s31 =	sshrl.u32 s9, $0x1  }
0x8: {  	s30 =	sadd.s32 s8, s4;
	s6 =	sadd.s32 s7, s6;
	s8 =	ssub.s32 s9, s31  }
0x9: {  	s5 =	sadd.s32 s5, s30;
	s7 =	simm.s32 $0x2;
	s6 =	sshrl.u32 s6, $0x3  }
0xa: {  	s9 =	simm.s32 $0x100;
	s5 =	sadd.s32 $0x4E9E00, s5;
	s6 =	sadd.s32 s6, s4  }
0xb: {  	s4 =	smax.u32 s8, $0x1;
	s8 =	simm.s32 $0xC8;
	s6 =	sadd.s32 $0x373000, s6  }
.LBB2_1:
0xc: {  	s12 =	sadd.s32 $0x0, s6  }
0xd: {  	[tilespmem:s2], [sflag:$0x2] =	stream.linear.gather [hbm4b:s12+s2], $0xC8, $0x38;
	[tilespmem:$0x6500] =	vst v63  }
0xe: {  	_ =	swait.ge [sflag:s7], $0xC8  }
0xf: {  	[sflag:s7] =	ssyncset.done $0x0  }
0x10: {  	[sflag:s7] =	ssyncadd.s32 $0xFFFFFF38  }
0x11: {  	[tilespmem:s9], [sflag:$0x1] =	stream.indirect.gather [hbm4b:s3+s8], $0x80, s2, s8, $0xb8;
	[tilespmem:$0x6500] =	vst v63  }
0x12: {  	_ =	swait.ge [sflag:s10], $0x6400  }
0x13: {  	[sflag:s10] =	ssyncset.done $0x0  }
0x14: {  	[sflag:s10] =	ssyncadd.s32 $0xFFFF9C00  }
0x15: {  	[hbm4b:s5+s2] =	stream.linear.scatter [tilespmem:s9], [sflag:$0x2], $0x6400, $0x38;
	[tilespmem:$0x6500] =	vst v63  }
0x16: {  	s13 =	simm.s32 $0x19;
	_ =	swait.ge [sflag:s7], $0x6400  }
0x17: {  	s14 =	simm.s32 $0x32;
	s12 =	sadd.s32 $0xC80, s5;
	[sflag:s7] =	ssyncset.done $0x0  }
.LBB2_2:
0x18: {  	s15 =	sadd.s32 s13, s6  }
0x19: {  	[sflag:s7] =	ssyncadd.s32 $0xFFFF9C00;
	s13 =	smov.u32 s14;
	s16 =	sadd.s32 $0x19, s14  }
0x1a: {  	[tilespmem:s2], [sflag:$0x2] =	stream.linear.gather [hbm4b:s15+s2], $0xC8, $0x38;
	[tilespmem:$0x6500] =	vst v63  }
0x1b: {  	p0 =	sne.s32 s14, $0xC1C;
	_ =	swait.ge [sflag:s7], $0xC8  }
0x1c: {  	[sflag:s7] =	ssyncset.done $0x0  }
0x1d: {  	[sflag:s7] =	ssyncadd.s32 $0xFFFFFF38  }
0x1e: {  	[tilespmem:s9], [sflag:$0x1] =	stream.indirect.gather [hbm4b:s3+s8], $0x80, s2, s8, $0xb8;
	[tilespmem:$0x6500] =	vst v63  }
0x1f: {  	_ =	swait.ge [sflag:s10], $0x6400  }
.Ltmp0:
0x20: {  	[sflag:s10] =	ssyncset.done $0x0;
	(pc) =	sbr.rel @p0 .LBB2_2-.Ltmp0, $4  }
0x21: {  	[sflag:s10] =	ssyncadd.s32 $0xFFFF9C00  }
0x22: {  	[hbm4b:s12+s2] =	stream.linear.scatter [tilespmem:s9], [sflag:$0x2], $0x6400, $0x38;
	[tilespmem:$0x6500] =	vst v63  }
0x23: {  	_ =	swait.ge [sflag:s7], $0x6400  }
0x24: {  	s14 =	smov.u32 s16;
	s12 =	sadd.s32 $0xC80, s12;
	[sflag:s7] =	ssyncset.done $0x0  }
0x25: {  	s13 =	sadd.s32 s13, s6;
	[sflag:s7] =	ssyncadd.s32 $0xFFFF9C00  }
0x26: {  	[tilespmem:s2], [sflag:$0x2] =	stream.linear.gather [hbm4b:s13+s2], $0xC8, $0x38;
	[tilespmem:$0x6500] =	vst v63  }
0x27: {  	_ =	swait.ge [sflag:s7], $0xC8  }
0x28: {  	[sflag:s7] =	ssyncset.done $0x0  }
0x29: {  	[sflag:s7] =	ssyncadd.s32 $0xFFFFFF38  }
0x2a: {  	[tilespmem:s9], [sflag:$0x1] =	stream.indirect.gather [hbm4b:s3+s8], $0x80, s2, s8, $0xb8;
	[tilespmem:$0x6500] =	vst v63  }
0x2b: {  	s11 =	sadd.s32 $0x1, s11;
	_ =	swait.ge [sflag:s10], $0x6400  }
0x2c: {  	p0 =	sne.s32 s11, s4;
	[sflag:s10] =	ssyncset.done $0x0  }
.Ltmp1:
0x2d: {  	[sflag:s10] =	ssyncadd.s32 $0xFFFF9C00;
	(pc) =	sbr.rel @p0 .LBB2_1-.Ltmp1, $4  }
0x2e: {  	[hbm4b:s12+s2] =	stream.linear.scatter [tilespmem:s9], [sflag:$0x2], $0x6400, $0x38;
	[tilespmem:$0x6500] =	vst v63  }
0x2f: {  	_ =	swait.ge [sflag:s7], $0x6400  }
0x30: {  	[sflag:s7] =	ssyncset.done $0x0  }
0x31: {  	[sflag:s7] =	ssyncadd.s32 $0xFFFF9C00  }
0x32: {  	_ =	sfence.sel $0x180000  }
0x33: {  	[bflag:$0x0] =	sbarrier.arrive $0xFFFF  }
0x34: {  	p0 =	sne.s32 s1, $0x0;
	_ =	strace $0x9000005C  }
0x35: {  	s0 =	sadd.s32 @!p0 $0x100000, s0;
	[bflag:$0x2] =	sbarrier.arrive $0xFFFF  }
0x36: {  	[sflag:s0] =	ssyncadd.tile.s32 @!p0 $0x1;
	_ =	shalt  }
.Lfunc_end2:
_tile_overlayer_lowered:
.L_overlay_start_2:
0x37: {  	(tag) =	ssettag $0x2  }
0x38: {  	s0 =	rddreg [dreg:$0x0];
	s2 =	stileid.u32  }
0x39: {  	s1 =	rddreg [dreg:$0x1];
	p0 =	sne.s32 s2, $0x0  }
0x3a: {  	s3 =	rddreg [dreg:$0x2];
	[bflag:$0x3] =	sbarrier.arrive $0xFFFF;
	s2 =	simm.s32 @!p0 $0x1C02  }
0x3b: {  	[timem:s3], [sflag:s2] =	dma.local @!p0 [hbm:s0], s1  }
0x3c: {  	s0 =	simm.s32 @!p0 $0x2  }
0x3d: {  	_ =	swait.ge @!p0 [sflag:s0], s1  }
0x3e: {  	s1 =	ssub.s32 @!p0 $0x0, s1;
	[sflag:s0] =	ssyncset.done @!p0 $0x0  }
0x3f: {  	[sflag:s0] =	ssyncadd.s32 @!p0 s1  }
0x40: {  	[bflag:$0x3] =	sbarrier.arrive $0xFFFF  }
0x41: {  	_ =	shalt  }

// kernel: kernel.53.cloned.1.call-start
scs
__scs_entry_jumppad:
0x0: {  	(pc) =	sbr.rel $0x88, $3  }
0x1: {  	(tag) =	ssettag $0x0;
	lr =	simm.s32 $0x1  }
0x2: {  	[smem:$0x3F88] =	sst lr;
	_ =	strace $0xD0000000  }
0x3: {  	_ = 	snop  }
0x4: {  	_ = 	snop  }
0x5: {  	_ = 	snop  }
0x6: {  	_ = 	snop  }
0x7: {  	_ = 	snop  }
__scs_overlays_trampoline_lowered:
0x8: {  	[smem:$0x3F97] =	sst s0  }
0x9: {  	[smem:$0x3F98] =	sst s1  }
0xa: {  	[smem:$0x3F99] =	sst s2  }
0xb: {  	[smem:$0x3F9A] =	sst s3  }
0xc: {  	[smem:$0x3F9B] =	sst s4  }
0xd: {  	[smem:$0x3F9C] =	sst s5  }
0xe: {  	[smem:$0x3F9D] =	sst s6  }
0xf: {  	[smem:$0x3F9E] =	sst s7  }
0x10: {  	[smem:$0x3F9F] =	sst s8  }
0x11: {  	[smem:$0x3FA0] =	sst s9;
	s0 =	simm.s32 @!p0 $0x0  }
0x12: {  	s1 =	sld [smem:$0x3F86];
	s0 =	simm.s32 @p0 $0x1  }
0x13: {  	[smem:$0x3FA1] =	sst s0;
	s0 =	simm.s32 @!p1 $0x0  }
0x14: {  	s2 =	sld [smem:$0x3F85];
	s0 =	simm.s32 @p1 $0x1  }
0x15: {  	[smem:$0x3FA2] =	sst s0;
	s0 =	simm.s32 @!p2 $0x0  }
0x16: {  	s3 =	sld [smem:$0x3FDB];
	s0 =	simm.s32 @p2 $0x1  }
0x17: {  	s4 =	simm.s32 $0x1BF5;
	[smem:$0x3FA4] =	sst s0  }
0x18: {  	s0 =	sld [smem:$0x3F87];
	_ =	swait.ge [sflag:s4], $0x0  }
0x19: {  	s7 =	sld [smem:$0x3F88]  }
0x1a: {  	s8 =	sadd.s32 $0xFFFFE003, lr  }
0x1b: {  	s9 =	sadd.s32 $0xFFFFFEF7, lr;
	s5 =	simm.s32 $0xFFFFFFFF;
	p2 =	slt.u32 s8, $0xFFFFF086  }
0x1c: {  	p1 =	slt.u32 s9, $0xF7A;
	s5 =	simm.s32 @!p2 $0x0  }
0x1d: {  	s5 =	simm.s32 @p1 $0x1;
	p0 =	seq.s32 s7, s2  }
0x1e: {  	s7 =	smul.u32 @!p0 $0xF7A, s2;
	p2 =	seq.s32 @!p0 s5, $0x0  }
0x1f: {  	s9 =	smul.u32 $0xF7A, s1;
	s8 =	simm.s32 @!p0 $0x1BF5;
	p2 =	por !p2, p0  }
0x20: {  	[sflag:s8] =	ssyncset.s32 @!p0 $0xFFFFF086;
	s6 =	sadd.s32 @!p0 s3, s7;
	s7 =	simm.s32 @!p0 $0x108  }
0x21: {  	s3 =	sadd.s32 s3, s9;
	s6 =	sadd.s32 @!p0 $0x88, s6;
	s7 =	simm.s32 @p2 $0x1082  }
0x22: {  	[simem:s7], [sflag:s8] =	dma.local @!p0 [hbm:s6], $0xF7A  }
0x23: {  	s9 =	sor.u32 $0xD0000000, s2;
	s6 =	simm.s32 $0x108;
	_ =	swait.ge @!p0 [sflag:s8], $0x0  }
0x24: {  	s3 =	sadd.s32 $0x88, s3;
	s6 =	simm.s32 @!p1 $0x1082;
	[sflag:s4] =	ssyncset.s32 $0xFFFFF086  }
0x25: {  	[simem:s6], [sflag:s4] =	dma.local [hbm:s3], $0xF7A  }
0x26: {  	[smem:$0x3F88] =	sst s1;
	(tag) =	ssettag s2;
	_ =	strace s9  }
0x27: {  	s1 =	sld [smem:$0x3F98]  }
0x28: {  	s2 =	sld [smem:$0x3F99]  }
0x29: {  	s4 =	sld [smem:$0x3F9B]  }
0x2a: {  	p0 =	seq.s32 s5, $0x0;
	s5 =	sld [smem:$0x3F9C]  }
0x2b: {  	s6 =	sld [smem:$0x3F9D]  }
0x2c: {  	s7 =	sld [smem:$0x3F9E]  }
0x2d: {  	s3 =	simm.s32 $0x108;
	s8 =	sld [smem:$0x3F9F]  }
0x2e: {  	s3 =	simm.s32 @!p0 $0x1082;
	s9 =	sld [smem:$0x3FA0]  }
0x2f: {  	lr =	sadd.s32 s0, s3;
	s0 =	sld [smem:$0x3F97]  }
0x30: {  	s3 =	sld [smem:$0x3F9A]  }
0x31: {  	[smem:$0x3FA3] =	sst s10  }
0x32: {  	s10 =	sld [smem:$0x3FA1];
	_ =	sdelay $0x3  }
0x33: {  	p0 =	seq.s32 s10, $0x1;
	s10 =	sld [smem:$0x3FA3];
	_ =	sdelay $0x3  }
0x34: {  	[smem:$0x3FA3] =	sst s10  }
0x35: {  	s10 =	sld [smem:$0x3FA2];
	_ =	sdelay $0x3  }
0x36: {  	p1 =	seq.s32 s10, $0x1;
	s10 =	sld [smem:$0x3FA3];
	_ =	sdelay $0x3  }
0x37: {  	[smem:$0x3FA3] =	sst s10  }
0x38: {  	s10 =	sld [smem:$0x3FA4]  }
0x39: {  	_ = 	snop;
	(pc) =	sbr.ind lr, $3  }
0x3a: {  	_ = 	snop  }
0x3b: {  	_ = 	snop  }
0x3c: {  	p2 =	seq.s32 s10, $0x1;
	s10 =	sld [smem:$0x3FA3]  }
0x3d: {  	_ =	shalt  }
0x3e: {  	_ =	shalt  }
0x3f: {  	_ =	shalt  }
0x40: {  	_ =	shalt  }
0x41: {  	_ =	shalt  }
0x42: {  	_ =	shalt  }
0x43: {  	_ =	shalt  }
0x44: {  	_ =	shalt  }
0x45: {  	_ =	shalt  }
0x46: {  	_ =	shalt  }
0x47: {  	_ =	shalt  }
0x48: {  	_ =	shalt  }
0x49: {  	_ =	shalt  }
0x4a: {  	_ =	shalt  }
0x4b: {  	_ =	shalt  }
0x4c: {  	_ =	shalt  }
0x4d: {  	_ =	shalt  }
0x4e: {  	_ =	shalt  }
0x4f: {  	_ =	shalt  }
0x50: {  	_ =	shalt  }
0x51: {  	_ =	shalt  }
0x52: {  	_ =	shalt  }
0x53: {  	_ =	shalt  }
0x54: {  	_ =	shalt  }
0x55: {  	_ =	shalt  }
0x56: {  	_ =	shalt  }
0x57: {  	_ =	shalt  }
0x58: {  	_ =	shalt  }
0x59: {  	_ =	shalt  }
0x5a: {  	_ =	shalt  }
0x5b: {  	_ =	shalt  }
0x5c: {  	_ =	shalt  }
0x5d: {  	_ =	shalt  }
0x5e: {  	_ =	shalt  }
0x5f: {  	_ =	shalt  }
0x60: {  	_ =	shalt  }
0x61: {  	_ =	shalt  }
0x62: {  	_ =	shalt  }
0x63: {  	_ =	shalt  }
0x64: {  	_ =	shalt  }
0x65: {  	_ =	shalt  }
0x66: {  	_ =	shalt  }
0x67: {  	_ =	shalt  }
0x68: {  	_ =	shalt  }
0x69: {  	_ =	shalt  }
0x6a: {  	_ =	shalt  }
0x6b: {  	_ =	shalt  }
0x6c: {  	_ =	shalt  }
0x6d: {  	_ =	shalt  }
0x6e: {  	_ =	shalt  }
0x6f: {  	_ =	shalt  }
0x70: {  	_ =	shalt  }
0x71: {  	_ =	shalt  }
0x72: {  	_ =	shalt  }
0x73: {  	_ =	shalt  }
0x74: {  	_ =	shalt  }
0x75: {  	_ =	shalt  }
0x76: {  	_ =	shalt  }
0x77: {  	_ =	shalt  }
0x78: {  	_ =	shalt  }
0x79: {  	_ =	shalt  }
0x7a: {  	_ =	shalt  }
0x7b: {  	_ =	shalt  }
0x7c: {  	_ =	shalt  }
0x7d: {  	_ =	shalt  }
0x7e: {  	_ =	shalt  }
0x7f: {  	_ =	shalt  }
0x80: {  	_ =	shalt  }
0x81: {  	_ =	shalt  }
0x82: {  	_ =	shalt  }
0x83: {  	_ =	shalt  }
0x84: {  	_ =	shalt  }
0x85: {  	_ =	shalt  }
0x86: {  	_ =	shalt  }
0x87: {  	_ =	shalt  }
.Lfunc_end0:
.L_simem_size_0:
called_computation.8_lowered:
.L_overlay_start_0:
0x88: {  	s2 =	sld [smem:$0x3FD9]  }
0x89: {  	s3 =	sld [smem:$0x3FFE];
	_ =	sdelay $0x1  }
0x8a: {  	s1 =	srdreg.scid  }
0x8b: {  	s0 =	sand.u32 $0x1, s1  }
0x8c: {  	s17 =	sshll.u32 s0, $0xA;
	s2 =	sadd.s32 s3, s2  }
0x8d: {  	s2 =	sadd.s32 s2, s17  }
0x8e: {  	[smem:$0x3FAF] =	sst s2  }
0x8f: {  	_ = 	snop  }
0x90: {  	(tm) =	ssettm $0x1  }
0x91: {  	s18 =	sld [smem:$0x3FFB];
	_ =	sdelay $0x3  }
0x92: {  	_ =	strace s18  }
0x93: {  	s2 =	sld [smem:$0x3FFC];
	_ =	sdelay $0x3  }
0x94: {  	_ =	strace s2  }
0x95: {  	s2 =	sld [smem:$0x3FFD];
	_ =	sdelay $0x3  }
0x96: {  	_ =	strace s2  }
0x97: {  	_ =	strace $0x8FFFFFFF  }
0x98: {  	s19 =	sld [smem:$0x3FDB];
	_ =	sdelay $0x1  }
0x99: {  	s20 =	simm.s32 $_scs_section_size  }
0x9a: {  	s4 =	simm.s32 $_size__tile_overlayer_lowered;
	s5 =	simm.s32 $_tile_overlayer_lowered  }
0x9b: {  	s6 =	simm.s32 $0x1BFF;
	s21 =	sshll.u32 s5, $0x1;
	s3 =	sadd.s32 s20, s19  }
0x9c: {  	s22 =	simm.s32 $0x0;
	s4 =	sshll.u32 s4, $0x1;
	s5 =	sadd.s32 s21, s3  }
0x9d: {  	[timem:s22], [sflag:s6] =	dma.local [hbm:s5], s4  }
0x9e: {  	_ =	swait.ge [sflag:s6], s4  }
0x9f: {  	s4 =	ssub.s32 $0x0, s4;
	[sflag:s6] =	ssyncset.done $0x0  }
0xa0: {  	[sflag:s6] =	ssyncadd.s32 s4;
	_ =	sdelay $0x1  }
0xa1: {  	s23 =	simm.s32 $0x1B8B  }
0xa2: {  	_ =	swait.ge [sflag:s23], $0x1  }
0xa3: {  	[sflag:s23] =	ssyncset.done $0x0  }
0xa4: {  	[sflag:s23] =	ssyncadd.s32 $0xFFFFFFFF  }
0xa5: {  	s4 =	sld [smem:$0x0]  }
0xa6: {  	s5 =	sand.u32 $0xFFFFFFFE, s1  }
0xa7: {  	p0 =	sne.s32 s1, s5  }
0xa8: {  	s5 =	sshll.u32 @p0 s5, $0xE  }
0xa9: {  	s5 =	sadd.s32 @p0 $0x11B8D, s5;
	s6 =	sshll.u32 @p0 s4, $0x11  }
0xaa: {  	s5 =	sor.u32 @p0 s6, s5  }
0xab: {  	[sflag:s5] =	ssyncadd.remote.s32 @p0 $0x1;
	_ =	sdelay $0x1  }
0xac: {  	s5 =	simm.s32 @p0 $0x1B8D  }
0xad: {  	_ =	swait.eq @p0 [sflag:s5], $0x1  }
0xae: {  	[sflag:s5] =	ssyncadd.s32 @p0 $0xFFFFFFFF  }
0xaf: {  	s6 =	sshll.u32 @!p0 s1, $0xE  }
0xb0: {  	s6 =	sor.u32 @!p0 $0x4000, s6;
	s5 =	simm.s32 @!p0 $0x1B8D  }
0xb1: {  	s4 =	sshll.u32 @!p0 s4, $0x11;
	s6 =	sadd.s32 @!p0 $0x11B8D, s6;
	_ =	swait.eq @!p0 [sflag:s5], $0x1  }
0xb2: {  	s4 =	sor.u32 @!p0 s4, s6;
	[sflag:s5] =	ssyncadd.s32 @!p0 $0xFFFFFFFF  }
0xb3: {  	s25 =	simm.s32 $0x1B8E;
	s24 =	sld [smem:$0x3FFE];
	[sflag:s4] =	ssyncadd.remote.s32 @!p0 $0x1  }
0xb4: {  	s26 =	simm.s32 $execute0_lowered;
	[smem:$0x3FD2] =	sst s25  }
0xb5: {  	s5 =	sshll.u32 s26, $0x1;
	_ =	strace $0x8000005E;
	[dreg:$0x1] =	wrdreg $0xFFFFFFFF  }
0xb6: {  	s28 =	simm.s32 $_size_execute0_lowered;
	s3 =	sadd.s32 s3, s5;
	[dreg:$0x0] =	wrdreg $0x0  }
0xb7: {  	s5 =	sshll.u32 s28, $0x1;
	[dreg:$0x2] =	wrdreg s3  }
0xb8: {  	[dreg:$0x3] =	wrdreg s5  }
0xb9: {  	[dreg:$0x4] =	wrdreg $0xC0  }
0xba: {  	_ =	task [dreg:s22], $0x5FFFF  }
0xbb: {  	[dreg:$0x1] =	wrdreg $0xFFFFFFFF  }
0xbc: {  	[dreg:$0x0] =	wrdreg $0x60  }
0xbd: {  	[dreg:$0x2] =	wrdreg s24  }
0xbe: {  	[dreg:$0x3] =	wrdreg $0xA  }
0xbf: {  	_ =	task.clear_ibuf [dreg:s22], $0x4FFFF;
	_ =	strace $0x9000005E  }
0xc0: {  	s29 =	simm.s32 $0xA;
	_ =	strace $0x80000060  }
0xc1: {  	_ =	swait.ge [sflag:s29], $0x1  }
0xc2: {  	[sflag:s29] =	ssyncadd.s32 $0xFFFFFFFF  }
0xc3: {  	_ =	strace $0x90000060  }
0xc4: {  	_ =	sfence  }
0xc5: {  	s30 =	sld [smem:$0x0];
	_ =	sdelay $0x2  }
0xc6: {  	s31 =	sshll.u32 s1, $0xD;
	s1 =	sshrl.u32 s1, $0x2  }
0xc7: {  	s4 =	sand.u32 $0x4000, s31;
	s1 =	sadd.s32 s1, s30  }
0xc8: {  	s0 =	sor.u32 s4, s0;
	s1 =	sshll.u32 s1, $0x11  }
0xc9: {  	s0 =	sor.u32 s1, s0  }
0xca: {  	s0 =	sadd.s32 $0x8F2B, s0  }
0xcb: {  	[sflag:s0] =	ssyncadd.remote.s32 $0x1  }
0xcc: {  	_ =	sfence.sel $0xFFFF  }
0xcd: {  	[dreg:$0x0] =	wrdreg $0xFFFFFFFF;
	(pc) =	sbr.abs _section_cstart, $3  }
0xce: {  	[dreg:$0x1] =	wrdreg $0xFFFFFFFF  }
0xcf: {  	_ =	task.clear_ibuf [dreg:s22], $0x2FFFF;
	_ =	strace $0x9FFFFFFF  }
0xd0: {  	(tm) =	ssettm $0x7FFFFFFF  }
0xd1: {  	_ =	shalt  }
tec
execute0_lowered:
.L_overlay_start_1:
0x0: {  	(tag) =	ssettag $0x1  }
0x1: {  	s4 =	rddreg [dreg:$0x0]  }
0x2: {  	s0 =	rddreg [dreg:$0x1]  }
0x3: {  	s3 =	srdreg.scid;
	s1 =	stileid.u32;
	s2 =	simm.s32 $0x0  }
0x4: {  	s10 =	simm.s32 $0x1;
	s11 =	simm.s32 $0x0;
	s6 =	smul.u32 $0xC350, s1  }
0x5: {  	s5 =	sand.u32 $0x1, s3;
	[smem:$0x7FF] =	sst s2;
	s8 =	smul.u32 $0xC3500, s1  }
0x6: {  	s3 =	sadd.s32 $0x8800, s4;
	s7 =	smul.u32 $0x61A8, s5;
	s9 =	ssub.s32 $0x2, s5  }
0x7: {  	_ =	strace $0x8000005F;
	s5 =	smul.u32 $0x61A80, s5;
	s31 =	sshrl.u32 s9, $0x1  }
0x8: {  	s30 =	sadd.s32 s8, s4;
	s6 =	sadd.s32 s7, s6;
	s8 =	ssub.s32 s9, s31  }
0x9: {  	s5 =	sadd.s32 s5, s30;
	s7 =	simm.s32 $0x2;
	s6 =	sshrl.u32 s6, $0x3  }
0xa: {  	s9 =	simm.s32 $0x100;
	s5 =	sadd.s32 $0x111EE00, s5;
	s6 =	sadd.s32 s6, s4  }
0xb: {  	s4 =	smax.u32 s8, $0x1;
	s8 =	simm.s32 $0xC8;
	s6 =	sadd.s32 $0x35A800, s6  }
.LBB2_1:
0xc: {  	s12 =	sadd.s32 $0x0, s6  }
0xd: {  	[tilespmem:s2], [sflag:$0x2] =	stream.linear.gather [hbm4b:s12+s2], $0xC8, $0x38;
	[tilespmem:$0x6500] =	vst v63  }
0xe: {  	_ =	swait.ge [sflag:s7], $0xC8  }
0xf: {  	[sflag:s7] =	ssyncset.done $0x0  }
0x10: {  	[sflag:s7] =	ssyncadd.s32 $0xFFFFFF38  }
0x11: {  	[tilespmem:s9], [sflag:$0x1] =	stream.indirect.gather [hbm4b:s3+s8], $0x80, s2, s8, $0xb8;
	[tilespmem:$0x6500] =	vst v63  }
0x12: {  	_ =	swait.ge [sflag:s10], $0x6400  }
0x13: {  	[sflag:s10] =	ssyncset.done $0x0  }
0x14: {  	[sflag:s10] =	ssyncadd.s32 $0xFFFF9C00  }
0x15: {  	[hbm4b:s5+s2] =	stream.linear.scatter [tilespmem:s9], [sflag:$0x2], $0x6400, $0x38;
	[tilespmem:$0x6500] =	vst v63  }
0x16: {  	s13 =	simm.s32 $0x19;
	_ =	swait.ge [sflag:s7], $0x6400  }
0x17: {  	s14 =	simm.s32 $0x32;
	s12 =	sadd.s32 $0xC80, s5;
	[sflag:s7] =	ssyncset.done $0x0  }
.LBB2_2:
0x18: {  	s15 =	sadd.s32 s13, s6  }
0x19: {  	[sflag:s7] =	ssyncadd.s32 $0xFFFF9C00;
	s13 =	smov.u32 s14;
	s16 =	sadd.s32 $0x19, s14  }
0x1a: {  	[tilespmem:s2], [sflag:$0x2] =	stream.linear.gather [hbm4b:s15+s2], $0xC8, $0x38;
	[tilespmem:$0x6500] =	vst v63  }
0x1b: {  	p0 =	sne.s32 s14, $0xC1C;
	_ =	swait.ge [sflag:s7], $0xC8  }
0x1c: {  	[sflag:s7] =	ssyncset.done $0x0  }
0x1d: {  	[sflag:s7] =	ssyncadd.s32 $0xFFFFFF38  }
0x1e: {  	[tilespmem:s9], [sflag:$0x1] =	stream.indirect.gather [hbm4b:s3+s8], $0x80, s2, s8, $0xb8;
	[tilespmem:$0x6500] =	vst v63  }
0x1f: {  	_ =	swait.ge [sflag:s10], $0x6400  }
.Ltmp0:
0x20: {  	[sflag:s10] =	ssyncset.done $0x0;
	(pc) =	sbr.rel @p0 .LBB2_2-.Ltmp0, $4  }
0x21: {  	[sflag:s10] =	ssyncadd.s32 $0xFFFF9C00  }
0x22: {  	[hbm4b:s12+s2] =	stream.linear.scatter [tilespmem:s9], [sflag:$0x2], $0x6400, $0x38;
	[tilespmem:$0x6500] =	vst v63  }
0x23: {  	_ =	swait.ge [sflag:s7], $0x6400  }
0x24: {  	s14 =	smov.u32 s16;
	s12 =	sadd.s32 $0xC80, s12;
	[sflag:s7] =	ssyncset.done $0x0  }
0x25: {  	s13 =	sadd.s32 s13, s6;
	[sflag:s7] =	ssyncadd.s32 $0xFFFF9C00  }
0x26: {  	[tilespmem:s2], [sflag:$0x2] =	stream.linear.gather [hbm4b:s13+s2], $0xC8, $0x38;
	[tilespmem:$0x6500] =	vst v63  }
0x27: {  	_ =	swait.ge [sflag:s7], $0xC8  }
0x28: {  	[sflag:s7] =	ssyncset.done $0x0  }
0x29: {  	[sflag:s7] =	ssyncadd.s32 $0xFFFFFF38  }
0x2a: {  	[tilespmem:s9], [sflag:$0x1] =	stream.indirect.gather [hbm4b:s3+s8], $0x80, s2, s8, $0xb8;
	[tilespmem:$0x6500] =	vst v63  }
0x2b: {  	s11 =	sadd.s32 $0x1, s11;
	_ =	swait.ge [sflag:s10], $0x6400  }
0x2c: {  	p0 =	sne.s32 s11, s4;
	[sflag:s10] =	ssyncset.done $0x0  }
.Ltmp1:
0x2d: {  	[sflag:s10] =	ssyncadd.s32 $0xFFFF9C00;
	(pc) =	sbr.rel @p0 .LBB2_1-.Ltmp1, $4  }
0x2e: {  	[hbm4b:s12+s2] =	stream.linear.scatter [tilespmem:s9], [sflag:$0x2], $0x6400, $0x38;
	[tilespmem:$0x6500] =	vst v63  }
0x2f: {  	_ =	swait.ge [sflag:s7], $0x6400  }
0x30: {  	[sflag:s7] =	ssyncset.done $0x0  }
0x31: {  	[sflag:s7] =	ssyncadd.s32 $0xFFFF9C00  }
0x32: {  	_ =	sfence.sel $0x180000  }
0x33: {  	[bflag:$0x0] =	sbarrier.arrive $0xFFFF  }
0x34: {  	p0 =	sne.s32 s1, $0x0;
	_ =	strace $0x9000005F  }
0x35: {  	s0 =	sadd.s32 @!p0 $0x100000, s0;
	[bflag:$0x2] =	sbarrier.arrive $0xFFFF  }
0x36: {  	[sflag:s0] =	ssyncadd.tile.s32 @!p0 $0x1;
	_ =	shalt  }
.Lfunc_end2:
_tile_overlayer_lowered:
.L_overlay_start_2:
0x37: {  	(tag) =	ssettag $0x2  }
0x38: {  	s0 =	rddreg [dreg:$0x0];
	s2 =	stileid.u32  }
0x39: {  	s1 =	rddreg [dreg:$0x1];
	p0 =	sne.s32 s2, $0x0  }
0x3a: {  	s3 =	rddreg [dreg:$0x2];
	[bflag:$0x3] =	sbarrier.arrive $0xFFFF;
	s2 =	simm.s32 @!p0 $0x1C02  }
0x3b: {  	[timem:s3], [sflag:s2] =	dma.local @!p0 [hbm:s0], s1  }
0x3c: {  	s0 =	simm.s32 @!p0 $0x2  }
0x3d: {  	_ =	swait.ge @!p0 [sflag:s0], s1  }
0x3e: {  	s1 =	ssub.s32 @!p0 $0x0, s1;
	[sflag:s0] =	ssyncset.done @!p0 $0x0  }
0x3f: {  	[sflag:s0] =	ssyncadd.s32 @!p0 s1  }
0x40: {  	[bflag:$0x3] =	sbarrier.arrive $0xFFFF  }
0x41: {  	_ =	shalt  }

// kernel: kernel.56.cloned.1.call-start
scs
__scs_entry_jumppad:
0x0: {  	(pc) =	sbr.rel $0x88, $3  }
0x1: {  	(tag) =	ssettag $0x0;
	lr =	simm.s32 $0x1  }
0x2: {  	[smem:$0x3F88] =	sst lr;
	_ =	strace $0xD0000000  }
0x3: {  	_ = 	snop  }
0x4: {  	_ = 	snop  }
0x5: {  	_ = 	snop  }
0x6: {  	_ = 	snop  }
0x7: {  	_ = 	snop  }
__scs_overlays_trampoline_lowered:
0x8: {  	[smem:$0x3F97] =	sst s0  }
0x9: {  	[smem:$0x3F98] =	sst s1  }
0xa: {  	[smem:$0x3F99] =	sst s2  }
0xb: {  	[smem:$0x3F9A] =	sst s3  }
0xc: {  	[smem:$0x3F9B] =	sst s4  }
0xd: {  	[smem:$0x3F9C] =	sst s5  }
0xe: {  	[smem:$0x3F9D] =	sst s6  }
0xf: {  	[smem:$0x3F9E] =	sst s7  }
0x10: {  	[smem:$0x3F9F] =	sst s8  }
0x11: {  	[smem:$0x3FA0] =	sst s9;
	s0 =	simm.s32 @!p0 $0x0  }
0x12: {  	s1 =	sld [smem:$0x3F86];
	s0 =	simm.s32 @p0 $0x1  }
0x13: {  	[smem:$0x3FA1] =	sst s0;
	s0 =	simm.s32 @!p1 $0x0  }
0x14: {  	s2 =	sld [smem:$0x3F85];
	s0 =	simm.s32 @p1 $0x1  }
0x15: {  	[smem:$0x3FA2] =	sst s0;
	s0 =	simm.s32 @!p2 $0x0  }
0x16: {  	s3 =	sld [smem:$0x3FDB];
	s0 =	simm.s32 @p2 $0x1  }
0x17: {  	s4 =	simm.s32 $0x1BF5;
	[smem:$0x3FA4] =	sst s0  }
0x18: {  	s0 =	sld [smem:$0x3F87];
	_ =	swait.ge [sflag:s4], $0x0  }
0x19: {  	s7 =	sld [smem:$0x3F88]  }
0x1a: {  	s8 =	sadd.s32 $0xFFFFE003, lr  }
0x1b: {  	s9 =	sadd.s32 $0xFFFFFEF7, lr;
	s5 =	simm.s32 $0xFFFFFFFF;
	p2 =	slt.u32 s8, $0xFFFFF086  }
0x1c: {  	p1 =	slt.u32 s9, $0xF7A;
	s5 =	simm.s32 @!p2 $0x0  }
0x1d: {  	s5 =	simm.s32 @p1 $0x1;
	p0 =	seq.s32 s7, s2  }
0x1e: {  	s7 =	smul.u32 @!p0 $0xF7A, s2;
	p2 =	seq.s32 @!p0 s5, $0x0  }
0x1f: {  	s9 =	smul.u32 $0xF7A, s1;
	s8 =	simm.s32 @!p0 $0x1BF5;
	p2 =	por !p2, p0  }
0x20: {  	[sflag:s8] =	ssyncset.s32 @!p0 $0xFFFFF086;
	s6 =	sadd.s32 @!p0 s3, s7;
	s7 =	simm.s32 @!p0 $0x108  }
0x21: {  	s3 =	sadd.s32 s3, s9;
	s6 =	sadd.s32 @!p0 $0x88, s6;
	s7 =	simm.s32 @p2 $0x1082  }
0x22: {  	[simem:s7], [sflag:s8] =	dma.local @!p0 [hbm:s6], $0xF7A  }
0x23: {  	s9 =	sor.u32 $0xD0000000, s2;
	s6 =	simm.s32 $0x108;
	_ =	swait.ge @!p0 [sflag:s8], $0x0  }
0x24: {  	s3 =	sadd.s32 $0x88, s3;
	s6 =	simm.s32 @!p1 $0x1082;
	[sflag:s4] =	ssyncset.s32 $0xFFFFF086  }
0x25: {  	[simem:s6], [sflag:s4] =	dma.local [hbm:s3], $0xF7A  }
0x26: {  	[smem:$0x3F88] =	sst s1;
	(tag) =	ssettag s2;
	_ =	strace s9  }
0x27: {  	s1 =	sld [smem:$0x3F98]  }
0x28: {  	s2 =	sld [smem:$0x3F99]  }
0x29: {  	s4 =	sld [smem:$0x3F9B]  }
0x2a: {  	p0 =	seq.s32 s5, $0x0;
	s5 =	sld [smem:$0x3F9C]  }
0x2b: {  	s6 =	sld [smem:$0x3F9D]  }
0x2c: {  	s7 =	sld [smem:$0x3F9E]  }
0x2d: {  	s3 =	simm.s32 $0x108;
	s8 =	sld [smem:$0x3F9F]  }
0x2e: {  	s3 =	simm.s32 @!p0 $0x1082;
	s9 =	sld [smem:$0x3FA0]  }
0x2f: {  	lr =	sadd.s32 s0, s3;
	s0 =	sld [smem:$0x3F97]  }
0x30: {  	s3 =	sld [smem:$0x3F9A]  }
0x31: {  	[smem:$0x3FA3] =	sst s10  }
0x32: {  	s10 =	sld [smem:$0x3FA1];
	_ =	sdelay $0x3  }
0x33: {  	p0 =	seq.s32 s10, $0x1;
	s10 =	sld [smem:$0x3FA3];
	_ =	sdelay $0x3  }
0x34: {  	[smem:$0x3FA3] =	sst s10  }
0x35: {  	s10 =	sld [smem:$0x3FA2];
	_ =	sdelay $0x3  }
0x36: {  	p1 =	seq.s32 s10, $0x1;
	s10 =	sld [smem:$0x3FA3];
	_ =	sdelay $0x3  }
0x37: {  	[smem:$0x3FA3] =	sst s10  }
0x38: {  	s10 =	sld [smem:$0x3FA4]  }
0x39: {  	_ = 	snop;
	(pc) =	sbr.ind lr, $3  }
0x3a: {  	_ = 	snop  }
0x3b: {  	_ = 	snop  }
0x3c: {  	p2 =	seq.s32 s10, $0x1;
	s10 =	sld [smem:$0x3FA3]  }
0x3d: {  	_ =	shalt  }
0x3e: {  	_ =	shalt  }
0x3f: {  	_ =	shalt  }
0x40: {  	_ =	shalt  }
0x41: {  	_ =	shalt  }
0x42: {  	_ =	shalt  }
0x43: {  	_ =	shalt  }
0x44: {  	_ =	shalt  }
0x45: {  	_ =	shalt  }
0x46: {  	_ =	shalt  }
0x47: {  	_ =	shalt  }
0x48: {  	_ =	shalt  }
0x49: {  	_ =	shalt  }
0x4a: {  	_ =	shalt  }
0x4b: {  	_ =	shalt  }
0x4c: {  	_ =	shalt  }
0x4d: {  	_ =	shalt  }
0x4e: {  	_ =	shalt  }
0x4f: {  	_ =	shalt  }
0x50: {  	_ =	shalt  }
0x51: {  	_ =	shalt  }
0x52: {  	_ =	shalt  }
0x53: {  	_ =	shalt  }
0x54: {  	_ =	shalt  }
0x55: {  	_ =	shalt  }
0x56: {  	_ =	shalt  }
0x57: {  	_ =	shalt  }
0x58: {  	_ =	shalt  }
0x59: {  	_ =	shalt  }
0x5a: {  	_ =	shalt  }
0x5b: {  	_ =	shalt  }
0x5c: {  	_ =	shalt  }
0x5d: {  	_ =	shalt  }
0x5e: {  	_ =	shalt  }
0x5f: {  	_ =	shalt  }
0x60: {  	_ =	shalt  }
0x61: {  	_ =	shalt  }
0x62: {  	_ =	shalt  }
0x63: {  	_ =	shalt  }
0x64: {  	_ =	shalt  }
0x65: {  	_ =	shalt  }
0x66: {  	_ =	shalt  }
0x67: {  	_ =	shalt  }
0x68: {  	_ =	shalt  }
0x69: {  	_ =	shalt  }
0x6a: {  	_ =	shalt  }
0x6b: {  	_ =	shalt  }
0x6c: {  	_ =	shalt  }
0x6d: {  	_ =	shalt  }
0x6e: {  	_ =	shalt  }
0x6f: {  	_ =	shalt  }
0x70: {  	_ =	shalt  }
0x71: {  	_ =	shalt  }
0x72: {  	_ =	shalt  }
0x73: {  	_ =	shalt  }
0x74: {  	_ =	shalt  }
0x75: {  	_ =	shalt  }
0x76: {  	_ =	shalt  }
0x77: {  	_ =	shalt  }
0x78: {  	_ =	shalt  }
0x79: {  	_ =	shalt  }
0x7a: {  	_ =	shalt  }
0x7b: {  	_ =	shalt  }
0x7c: {  	_ =	shalt  }
0x7d: {  	_ =	shalt  }
0x7e: {  	_ =	shalt  }
0x7f: {  	_ =	shalt  }
0x80: {  	_ =	shalt  }
0x81: {  	_ =	shalt  }
0x82: {  	_ =	shalt  }
0x83: {  	_ =	shalt  }
0x84: {  	_ =	shalt  }
0x85: {  	_ =	shalt  }
0x86: {  	_ =	shalt  }
0x87: {  	_ =	shalt  }
.Lfunc_end0:
.L_simem_size_0:
called_computation.9_lowered:
.L_overlay_start_0:
0x88: {  	s2 =	sld [smem:$0x3FD9]  }
0x89: {  	s3 =	sld [smem:$0x3FFE];
	_ =	sdelay $0x1  }
0x8a: {  	s1 =	srdreg.scid  }
0x8b: {  	s0 =	sand.u32 $0x1, s1  }
0x8c: {  	s16 =	sshll.u32 s0, $0xA;
	s2 =	sadd.s32 s3, s2  }
0x8d: {  	s2 =	sadd.s32 s2, s16  }
0x8e: {  	[smem:$0x3FAF] =	sst s2  }
0x8f: {  	_ = 	snop  }
0x90: {  	(tm) =	ssettm $0x1  }
0x91: {  	s17 =	sld [smem:$0x3FFB];
	_ =	sdelay $0x3  }
0x92: {  	_ =	strace s17  }
0x93: {  	s2 =	sld [smem:$0x3FFC];
	_ =	sdelay $0x3  }
0x94: {  	_ =	strace s2  }
0x95: {  	s2 =	sld [smem:$0x3FFD];
	_ =	sdelay $0x3  }
0x96: {  	_ =	strace s2  }
0x97: {  	_ =	strace $0x8FFFFFFF  }
0x98: {  	s18 =	sld [smem:$0x3FDB];
	_ =	sdelay $0x1  }
0x99: {  	s19 =	simm.s32 $_scs_section_size  }
0x9a: {  	s4 =	simm.s32 $_size__tile_overlayer_lowered;
	s5 =	simm.s32 $_tile_overlayer_lowered  }
0x9b: {  	s22 =	simm.s32 $0x1BFF;
	s21 =	sshll.u32 s5, $0x1;
	s2 =	sadd.s32 s19, s18  }
0x9c: {  	s6 =	simm.s32 $0x0;
	s20 =	sshll.u32 s4, $0x1;
	s4 =	sadd.s32 s21, s2  }
0x9d: {  	[timem:s6], [sflag:s22] =	dma.local [hbm:s4], s20  }
0x9e: {  	_ =	swait.ge [sflag:s22], s20  }
0x9f: {  	s3 =	ssub.s32 $0x0, s20;
	[sflag:s22] =	ssyncset.done $0x0  }
0xa0: {  	[sflag:s22] =	ssyncadd.s32 s3;
	_ =	sdelay $0x1  }
0xa1: {  	s23 =	simm.s32 $0x1B8B  }
0xa2: {  	_ =	swait.ge [sflag:s23], $0x1  }
0xa3: {  	[sflag:s23] =	ssyncset.done $0x0  }
0xa4: {  	s25 =	simm.s32 $0x1B8E;
	s24 =	sld [smem:$0x3FFE];
	[sflag:s23] =	ssyncadd.s32 $0xFFFFFFFF  }
0xa5: {  	s26 =	simm.s32 $execute0_lowered;
	[smem:$0x3FD2] =	sst s25  }
0xa6: {  	s4 =	sshll.u32 s26, $0x1;
	_ =	strace $0x80000061;
	[dreg:$0x1] =	wrdreg $0xFFFFFFFF  }
0xa7: {  	s28 =	simm.s32 $_size_execute0_lowered;
	s2 =	sadd.s32 s2, s4;
	[dreg:$0x0] =	wrdreg $0x0  }
0xa8: {  	s4 =	sshll.u32 s28, $0x1;
	[dreg:$0x2] =	wrdreg s2  }
0xa9: {  	[dreg:$0x3] =	wrdreg s4  }
0xaa: {  	[dreg:$0x4] =	wrdreg $0xC0  }
0xab: {  	_ =	task [dreg:s6], $0x5FFFF  }
0xac: {  	[dreg:$0x1] =	wrdreg $0xFFFFFFFF  }
0xad: {  	[dreg:$0x0] =	wrdreg $0x60  }
0xae: {  	[dreg:$0x2] =	wrdreg s24  }
0xaf: {  	[dreg:$0x3] =	wrdreg $0x0  }
0xb0: {  	[dreg:$0x4] =	wrdreg $0x9  }
0xb1: {  	_ =	task.clear_ibuf [dreg:s6], $0x5FFFF;
	_ =	strace $0x90000061  }
0xb2: {  	s29 =	simm.s32 $0x9;
	_ =	strace $0x80000063  }
0xb3: {  	_ =	swait.ge [sflag:s29], $0x1  }
0xb4: {  	[sflag:s29] =	ssyncadd.s32 $0xFFFFFFFF  }
0xb5: {  	_ =	strace $0x90000063  }
0xb6: {  	_ =	sfence  }
0xb7: {  	s30 =	sld [smem:$0x0];
	_ =	sdelay $0x2  }
0xb8: {  	s31 =	sshll.u32 s1, $0xD;
	s1 =	sshrl.u32 s1, $0x2  }
0xb9: {  	s3 =	sand.u32 $0x4000, s31;
	s1 =	sadd.s32 s1, s30  }
0xba: {  	s0 =	sor.u32 s3, s0;
	s1 =	sshll.u32 s1, $0x11  }
0xbb: {  	s0 =	sor.u32 s1, s0  }
0xbc: {  	s0 =	sadd.s32 $0x8F2B, s0  }
0xbd: {  	[sflag:s0] =	ssyncadd.remote.s32 $0x1  }
0xbe: {  	_ =	sfence.sel $0xFFFF  }
0xbf: {  	[dreg:$0x0] =	wrdreg $0xFFFFFFFF;
	(pc) =	sbr.abs _section_cstart, $3  }
0xc0: {  	[dreg:$0x1] =	wrdreg $0xFFFFFFFF  }
0xc1: {  	_ =	task.clear_ibuf [dreg:s6], $0x2FFFF;
	_ =	strace $0x9FFFFFFF  }
0xc2: {  	(tm) =	ssettm $0x7FFFFFFF  }
0xc3: {  	_ =	shalt  }
tec
execute0_lowered:
.L_overlay_start_1:
0x0: {  	(tag) =	ssettag $0x1  }
0x1: {  	s4 =	rddreg [dreg:$0x0];
	s1 =	stileid.u32  }
0x2: {  	s2 =	rddreg [dreg:$0x1];
	s5 =	smul.u32 $0xC3500, s1  }
0x3: {  	s0 =	rddreg [dreg:$0x2];
	s3 =	simm.s32 $0x0;
	s6 =	smul.u32 $0x1980, s1  }
0x4: {  	s7 =	srdreg.scid;
	s19 =	simm.s32 $0xCD00;
	s8 =	smul.u32 $0x33000, s1  }
0x5: {  	[smem:$0x7FF] =	sst s3;
	s15 =	sadd.s32 $0xD0800, s4;
	s10 =	smul.u32 $0x198, s1  }
0x6: {  	s20 =	sand.u32 $0x1, s7;
	s9 =	sadd.s32 $0x193E00, s4;
	s13 =	smul.u32 $0xC350, s1  }
0x7: {  	s17 =	sshll.u32 s1, $0x6;
	_ =	strace $0x80000062;
	s14 =	smul.u32 $0x30D400, s20  }
0x8: {  	s7 =	ssub.s32 $0x2, s20;
	s23 =	sshll.u32 s20, $0x2;
	s24 =	smul.u32 $0x6600, s20  }
0x9: {  	s18 =	sshllo.u32 s20, $0x2;
	s20 =	simm.s32 $0xC8;
	s11 =	sadd.s32 s5, s4  }
0xa: {  	s6 =	sadd.s32 s6, s4;
	s21 =	sshrl.u32 s7, $0x1;
	s22 =	sshrl.u32 s8, $0x2  }
0xb: {  	s25 =	sor.u32 $0x1, s23;
	s5 =	sor.u32 $0x1C01, s17;
	s26 =	smul.u32 $0x1980, s18  }
0xc: {  	s18 =	simm.s32 $0xCC00;
	s12 =	ssub.s32 s7, s21;
	s16 =	sadd.s32 s22, s2  }
0xd: {  	s4 =	sadd.s32 $0x408600, s6;
	s8 =	smul.u32 $0x1980, s25;
	s7 =	sor.u32 $0x2, s23  }
0xe: {  	s6 =	sadd.s32 s10, s24;
	s13 =	sadd.s32 s13, s14;
	s11 =	sadd.s32 $0x1D53E00, s11  }
0xf: {  	s21 =	simm.s32 $0x0;
	s7 =	smul.u32 $0x1980, s7;
	s6 =	sshll.u32 s6, $0x4  }
0x10: {  	s29 =	sshrl.u32 s13, $0x3;
	s14 =	sadd.s32 $0xC3500, s13;
	s30 =	sadd.s32 $0x186A00, s13  }
0x11: {  	s13 =	sadd.s32 $0x249F00, s13;
	s16 =	sshrl.u32 s16, $0x3;
	s6 =	sadd.s32 s9, s6  }
0x12: {  	s8 =	sadd.s32 s10, s8;
	s14 =	sshrl.u32 s14, $0x3;
	s17 =	sshrl.u32 s30, $0x3  }
0x13: {  	s31 =	sshrl.u32 s13, $0x3;
	s7 =	sadd.s32 s10, s7;
	s8 =	sshll.u32 s8, $0x4  }
0x14: {  	s10 =	sadd.s32 s10, s26;
	s13 =	sadd.s32 s14, s15;
	s14 =	sadd.s32 s17, s15  }
0x15: {  	s17 =	simm.s32 $0x1;
	s28 =	sshll.u32 s7, $0x4;
	s10 =	sshll.u32 s10, $0x4  }
0x16: {  	s7 =	sadd.s32 s9, s8;
	s8 =	sadd.s32 s9, s28;
	s9 =	sadd.s32 s9, s10  }
0x17: {  	s10 =	smax.u32 s12, $0x1;
	s12 =	sadd.s32 s29, s15;
	s15 =	sadd.s32 s31, s15  }
.LBB2_1:
0x18: {  	[spmem:s16], [sflag:s5] =	dma.local [hbm:s4], $0x1980  }
0x19: {  	_ =	swait.ge [sflag:s17], $0x1980  }
0x1a: {  	[sflag:s17] =	ssyncset.done $0x0  }
0x1b: {  	[sflag:s17] =	ssyncadd.s32 $0xFFFFE680  }
0x1c: {  	s22 =	sadd.s32 $0x0, s12;
	[bflag:$0x0] =	sbarrier.arrive $0xFFFF  }
0x1d: {  	[tilespmem:s18], [sflag:$0x1] =	stream.linear.gather [hbm4b:s22+s3], $0xC8, $0x38;
	[tilespmem:$0x13100] =	vst v63  }
0x1e: {  	_ =	swait.ge [sflag:s17], $0xC8  }
0x1f: {  	[sflag:s17] =	ssyncset.done $0x0  }
0x20: {  	[sflag:s17] =	ssyncadd.s32 $0xFFFFFF38  }
0x21: {  	[tilespmem:s19], [sflag:$0x1] =	stream.linear.gather [hbm4b:s11+s3], $0x6400, $0x38;
	[tilespmem:$0x13100] =	vst v63  }
0x22: {  	_ =	swait.ge [sflag:s17], $0x6400  }
0x23: {  	[sflag:s17] =	ssyncset.done $0x0  }
0x24: {  	[sflag:s17] =	ssyncadd.s32 $0xFFFF9C00  }
0x25: {  	[spmem:s2] =	stream.indirect.scatter.add.f32 [tilespmem:s19], [sflag:$0x1], $0x80, s18, s20, $0xb8;
	[tilespmem:$0x13100] =	vst v63  }
0x26: {  	s23 =	simm.s32 $0x19;
	_ =	swait.ge [sflag:s17], $0x6400  }
0x27: {  	s24 =	simm.s32 $0x32;
	s22 =	sadd.s32 $0xC80, s11;
	[sflag:s17] =	ssyncset.done $0x0  }
.LBB2_2:
0x28: {  	s25 =	sadd.s32 s23, s12  }
0x29: {  	[sflag:s17] =	ssyncadd.s32 $0xFFFF9C00;
	s23 =	smov.u32 s24;
	s26 =	sadd.s32 $0x19, s24  }
0x2a: {  	[tilespmem:s18], [sflag:$0x1] =	stream.linear.gather [hbm4b:s25+s3], $0xC8, $0x38;
	[tilespmem:$0x13100] =	vst v63  }
0x2b: {  	p0 =	sne.s32 s24, $0x1851;
	_ =	swait.ge [sflag:s17], $0xC8  }
0x2c: {  	[sflag:s17] =	ssyncset.done $0x0  }
0x2d: {  	[sflag:s17] =	ssyncadd.s32 $0xFFFFFF38  }
0x2e: {  	[tilespmem:s19], [sflag:$0x1] =	stream.linear.gather [hbm4b:s22+s3], $0x6400, $0x38;
	[tilespmem:$0x13100] =	vst v63  }
0x2f: {  	_ =	swait.ge [sflag:s17], $0x6400  }
.Ltmp0:
0x30: {  	[sflag:s17] =	ssyncset.done $0x0;
	(pc) =	sbr.rel @p0 .LBB2_2-.Ltmp0, $4  }
0x31: {  	[sflag:s17] =	ssyncadd.s32 $0xFFFF9C00  }
0x32: {  	[spmem:s2] =	stream.indirect.scatter.add.f32 [tilespmem:s19], [sflag:$0x1], $0x80, s18, s20, $0xb8;
	[tilespmem:$0x13100] =	vst v63  }
0x33: {  	_ =	swait.ge [sflag:s17], $0x6400  }
0x34: {  	s24 =	smov.u32 s26;
	s22 =	sadd.s32 $0xC80, s22;
	[sflag:s17] =	ssyncset.done $0x0  }
0x35: {  	s23 =	sadd.s32 s23, s12;
	[sflag:s17] =	ssyncadd.s32 $0xFFFF9C00  }
0x36: {  	[tilespmem:s18], [sflag:$0x1] =	stream.linear.gather [hbm4b:s23+s3], $0xC8, $0x38;
	[tilespmem:$0x13100] =	vst v63  }
0x37: {  	_ =	swait.ge [sflag:s17], $0xC8  }
0x38: {  	[sflag:s17] =	ssyncset.done $0x0  }
0x39: {  	[sflag:s17] =	ssyncadd.s32 $0xFFFFFF38  }
0x3a: {  	[tilespmem:s19], [sflag:$0x1] =	stream.linear.gather [hbm4b:s22+s3], $0x6400, $0x38;
	[tilespmem:$0x13100] =	vst v63  }
0x3b: {  	_ =	swait.ge [sflag:s17], $0x6400  }
0x3c: {  	[sflag:s17] =	ssyncset.done $0x0  }
0x3d: {  	[sflag:s17] =	ssyncadd.s32 $0xFFFF9C00  }
0x3e: {  	[spmem:s2] =	stream.indirect.scatter.add.f32 [tilespmem:s19], [sflag:$0x1], $0x80, s18, s20, $0xb8;
	[tilespmem:$0x13100] =	vst v63  }
0x3f: {  	_ =	swait.ge [sflag:s17], $0x6400  }
0x40: {  	[sflag:s17] =	ssyncset.done $0x0  }
0x41: {  	[sflag:s17] =	ssyncadd.s32 $0xFFFF9C00  }
0x42: {  	[bflag:$0x0] =	sbarrier.arrive $0xFFFF  }
0x43: {  	[hbm:s6], [sflag:s5] =	dma.local [spmem:s16], $0x1980  }
0x44: {  	_ =	swait.ge [sflag:s17], $0x1980  }
0x45: {  	[sflag:s17] =	ssyncset.done $0x0  }
0x46: {  	[sflag:s17] =	ssyncadd.s32 $0xFFFFE680  }
0x47: {  	[bflag:$0x0] =	sbarrier.arrive $0xFFFF  }
0x48: {  	[spmem:s16], [sflag:s5] =	dma.local [hbm:s4], $0x1980  }
0x49: {  	_ =	swait.ge [sflag:s17], $0x1980  }
0x4a: {  	[sflag:s17] =	ssyncset.done $0x0  }
0x4b: {  	[sflag:s17] =	ssyncadd.s32 $0xFFFFE680  }
0x4c: {  	s31 =	sadd.s32 $0x0, s13;
	[bflag:$0x0] =	sbarrier.arrive $0xFFFF  }
0x4d: {  	[tilespmem:s18], [sflag:$0x1] =	stream.linear.gather [hbm4b:s31+s3], $0xC8, $0x38;
	[tilespmem:$0x13100] =	vst v63  }
0x4e: {  	_ =	swait.ge [sflag:s17], $0xC8  }
0x4f: {  	[sflag:s17] =	ssyncset.done $0x0  }
0x50: {  	[sflag:s17] =	ssyncadd.s32 $0xFFFFFF38  }
0x51: {  	[tilespmem:s19], [sflag:$0x1] =	stream.linear.gather [hbm4b:s11+s3], $0x6400, $0x38;
	[tilespmem:$0x13100] =	vst v63  }
0x52: {  	_ =	swait.ge [sflag:s17], $0x6400  }
0x53: {  	[sflag:s17] =	ssyncset.done $0x0  }
0x54: {  	[sflag:s17] =	ssyncadd.s32 $0xFFFF9C00  }
0x55: {  	[spmem:s2] =	stream.indirect.scatter.add.f32 [tilespmem:s19], [sflag:$0x1], $0x80, s18, s20, $0xb8;
	[tilespmem:$0x13100] =	vst v63  }
0x56: {  	s24 =	simm.s32 $0x32;
	_ =	swait.ge [sflag:s17], $0x6400  }
0x57: {  	s23 =	simm.s32 $0x19;
	s22 =	sadd.s32 $0xC80, s11;
	[sflag:s17] =	ssyncset.done $0x0  }
.LBB2_4:
0x58: {  	s25 =	sadd.s32 s23, s13  }
0x59: {  	[sflag:s17] =	ssyncadd.s32 $0xFFFF9C00;
	s23 =	smov.u32 s24;
	s26 =	sadd.s32 $0x19, s24  }
0x5a: {  	[tilespmem:s18], [sflag:$0x1] =	stream.linear.gather [hbm4b:s25+s3], $0xC8, $0x38;
	[tilespmem:$0x13100] =	vst v63  }
0x5b: {  	p0 =	sne.s32 s24, $0x1851;
	_ =	swait.ge [sflag:s17], $0xC8  }
0x5c: {  	[sflag:s17] =	ssyncset.done $0x0  }
0x5d: {  	[sflag:s17] =	ssyncadd.s32 $0xFFFFFF38  }
0x5e: {  	[tilespmem:s19], [sflag:$0x1] =	stream.linear.gather [hbm4b:s22+s3], $0x6400, $0x38;
	[tilespmem:$0x13100] =	vst v63  }
0x5f: {  	_ =	swait.ge [sflag:s17], $0x6400  }
.Ltmp1:
0x60: {  	[sflag:s17] =	ssyncset.done $0x0;
	(pc) =	sbr.rel @p0 .LBB2_4-.Ltmp1, $4  }
0x61: {  	[sflag:s17] =	ssyncadd.s32 $0xFFFF9C00  }
0x62: {  	[spmem:s2] =	stream.indirect.scatter.add.f32 [tilespmem:s19], [sflag:$0x1], $0x80, s18, s20, $0xb8;
	[tilespmem:$0x13100] =	vst v63  }
0x63: {  	_ =	swait.ge [sflag:s17], $0x6400  }
0x64: {  	s24 =	smov.u32 s26;
	s22 =	sadd.s32 $0xC80, s22;
	[sflag:s17] =	ssyncset.done $0x0  }
0x65: {  	s23 =	sadd.s32 s23, s13;
	[sflag:s17] =	ssyncadd.s32 $0xFFFF9C00  }
0x66: {  	[tilespmem:s18], [sflag:$0x1] =	stream.linear.gather [hbm4b:s23+s3], $0xC8, $0x38;
	[tilespmem:$0x13100] =	vst v63  }
0x67: {  	_ =	swait.ge [sflag:s17], $0xC8  }
0x68: {  	[sflag:s17] =	ssyncset.done $0x0  }
0x69: {  	[sflag:s17] =	ssyncadd.s32 $0xFFFFFF38  }
0x6a: {  	[tilespmem:s19], [sflag:$0x1] =	stream.linear.gather [hbm4b:s22+s3], $0x6400, $0x38;
	[tilespmem:$0x13100] =	vst v63  }
0x6b: {  	_ =	swait.ge [sflag:s17], $0x6400  }
0x6c: {  	[sflag:s17] =	ssyncset.done $0x0  }
0x6d: {  	[sflag:s17] =	ssyncadd.s32 $0xFFFF9C00  }
0x6e: {  	[spmem:s2] =	stream.indirect.scatter.add.f32 [tilespmem:s19], [sflag:$0x1], $0x80, s18, s20, $0xb8;
	[tilespmem:$0x13100] =	vst v63  }
0x6f: {  	_ =	swait.ge [sflag:s17], $0x6400  }
0x70: {  	[sflag:s17] =	ssyncset.done $0x0  }
0x71: {  	[sflag:s17] =	ssyncadd.s32 $0xFFFF9C00  }
0x72: {  	[bflag:$0x0] =	sbarrier.arrive $0xFFFF  }
0x73: {  	[hbm:s7], [sflag:s5] =	dma.local [spmem:s16], $0x1980  }
0x74: {  	_ =	swait.ge [sflag:s17], $0x1980  }
0x75: {  	[sflag:s17] =	ssyncset.done $0x0  }
0x76: {  	[sflag:s17] =	ssyncadd.s32 $0xFFFFE680  }
0x77: {  	[bflag:$0x0] =	sbarrier.arrive $0xFFFF  }
0x78: {  	[spmem:s16], [sflag:s5] =	dma.local [hbm:s4], $0x1980  }
0x79: {  	_ =	swait.ge [sflag:s17], $0x1980  }
0x7a: {  	[sflag:s17] =	ssyncset.done $0x0  }
0x7b: {  	[sflag:s17] =	ssyncadd.s32 $0xFFFFE680  }
0x7c: {  	s31 =	sadd.s32 $0x0, s14;
	[bflag:$0x0] =	sbarrier.arrive $0xFFFF  }
0x7d: {  	[tilespmem:s18], [sflag:$0x1] =	stream.linear.gather [hbm4b:s31+s3], $0xC8, $0x38;
	[tilespmem:$0x13100] =	vst v63  }
0x7e: {  	_ =	swait.ge [sflag:s17], $0xC8  }
0x7f: {  	[sflag:s17] =	ssyncset.done $0x0  }
0x80: {  	[sflag:s17] =	ssyncadd.s32 $0xFFFFFF38  }
0x81: {  	[tilespmem:s19], [sflag:$0x1] =	stream.linear.gather [hbm4b:s11+s3], $0x6400, $0x38;
	[tilespmem:$0x13100] =	vst v63  }
0x82: {  	_ =	swait.ge [sflag:s17], $0x6400  }
0x83: {  	[sflag:s17] =	ssyncset.done $0x0  }
0x84: {  	[sflag:s17] =	ssyncadd.s32 $0xFFFF9C00  }
0x85: {  	[spmem:s2] =	stream.indirect.scatter.add.f32 [tilespmem:s19], [sflag:$0x1], $0x80, s18, s20, $0xb8;
	[tilespmem:$0x13100] =	vst v63  }
0x86: {  	s24 =	simm.s32 $0x32;
	_ =	swait.ge [sflag:s17], $0x6400  }
0x87: {  	s23 =	simm.s32 $0x19;
	s22 =	sadd.s32 $0xC80, s11;
	[sflag:s17] =	ssyncset.done $0x0  }
.LBB2_6:
0x88: {  	s25 =	sadd.s32 s23, s14  }
0x89: {  	[sflag:s17] =	ssyncadd.s32 $0xFFFF9C00;
	s23 =	smov.u32 s24;
	s26 =	sadd.s32 $0x19, s24  }
0x8a: {  	[tilespmem:s18], [sflag:$0x1] =	stream.linear.gather [hbm4b:s25+s3], $0xC8, $0x38;
	[tilespmem:$0x13100] =	vst v63  }
0x8b: {  	p0 =	sne.s32 s24, $0x1851;
	_ =	swait.ge [sflag:s17], $0xC8  }
0x8c: {  	[sflag:s17] =	ssyncset.done $0x0  }
0x8d: {  	[sflag:s17] =	ssyncadd.s32 $0xFFFFFF38  }
0x8e: {  	[tilespmem:s19], [sflag:$0x1] =	stream.linear.gather [hbm4b:s22+s3], $0x6400, $0x38;
	[tilespmem:$0x13100] =	vst v63  }
0x8f: {  	_ =	swait.ge [sflag:s17], $0x6400  }
.Ltmp2:
0x90: {  	[sflag:s17] =	ssyncset.done $0x0;
	(pc) =	sbr.rel @p0 .LBB2_6-.Ltmp2, $4  }
0x91: {  	[sflag:s17] =	ssyncadd.s32 $0xFFFF9C00  }
0x92: {  	[spmem:s2] =	stream.indirect.scatter.add.f32 [tilespmem:s19], [sflag:$0x1], $0x80, s18, s20, $0xb8;
	[tilespmem:$0x13100] =	vst v63  }
0x93: {  	_ =	swait.ge [sflag:s17], $0x6400  }
0x94: {  	s24 =	smov.u32 s26;
	s22 =	sadd.s32 $0xC80, s22;
	[sflag:s17] =	ssyncset.done $0x0  }
0x95: {  	s23 =	sadd.s32 s23, s14;
	[sflag:s17] =	ssyncadd.s32 $0xFFFF9C00  }
0x96: {  	[tilespmem:s18], [sflag:$0x1] =	stream.linear.gather [hbm4b:s23+s3], $0xC8, $0x38;
	[tilespmem:$0x13100] =	vst v63  }
0x97: {  	_ =	swait.ge [sflag:s17], $0xC8  }
0x98: {  	[sflag:s17] =	ssyncset.done $0x0  }
0x99: {  	[sflag:s17] =	ssyncadd.s32 $0xFFFFFF38  }
0x9a: {  	[tilespmem:s19], [sflag:$0x1] =	stream.linear.gather [hbm4b:s22+s3], $0x6400, $0x38;
	[tilespmem:$0x13100] =	vst v63  }
0x9b: {  	_ =	swait.ge [sflag:s17], $0x6400  }
0x9c: {  	[sflag:s17] =	ssyncset.done $0x0  }
0x9d: {  	[sflag:s17] =	ssyncadd.s32 $0xFFFF9C00  }
0x9e: {  	[spmem:s2] =	stream.indirect.scatter.add.f32 [tilespmem:s19], [sflag:$0x1], $0x80, s18, s20, $0xb8;
	[tilespmem:$0x13100] =	vst v63  }
0x9f: {  	_ =	swait.ge [sflag:s17], $0x6400  }
0xa0: {  	[sflag:s17] =	ssyncset.done $0x0  }
0xa1: {  	[sflag:s17] =	ssyncadd.s32 $0xFFFF9C00  }
0xa2: {  	[bflag:$0x0] =	sbarrier.arrive $0xFFFF  }
0xa3: {  	[hbm:s8], [sflag:s5] =	dma.local [spmem:s16], $0x1980  }
0xa4: {  	_ =	swait.ge [sflag:s17], $0x1980  }
0xa5: {  	[sflag:s17] =	ssyncset.done $0x0  }
0xa6: {  	[sflag:s17] =	ssyncadd.s32 $0xFFFFE680  }
0xa7: {  	[bflag:$0x0] =	sbarrier.arrive $0xFFFF  }
0xa8: {  	[spmem:s16], [sflag:s5] =	dma.local [hbm:s4], $0x1980  }
0xa9: {  	_ =	swait.ge [sflag:s17], $0x1980  }
0xaa: {  	[sflag:s17] =	ssyncset.done $0x0  }
0xab: {  	[sflag:s17] =	ssyncadd.s32 $0xFFFFE680  }
0xac: {  	s31 =	sadd.s32 $0x0, s15;
	[bflag:$0x0] =	sbarrier.arrive $0xFFFF  }
0xad: {  	[tilespmem:s18], [sflag:$0x1] =	stream.linear.gather [hbm4b:s31+s3], $0xC8, $0x38;
	[tilespmem:$0x13100] =	vst v63  }
0xae: {  	_ =	swait.ge [sflag:s17], $0xC8  }
0xaf: {  	[sflag:s17] =	ssyncset.done $0x0  }
0xb0: {  	[sflag:s17] =	ssyncadd.s32 $0xFFFFFF38  }
0xb1: {  	[tilespmem:s19], [sflag:$0x1] =	stream.linear.gather [hbm4b:s11+s3], $0x6400, $0x38;
	[tilespmem:$0x13100] =	vst v63  }
0xb2: {  	_ =	swait.ge [sflag:s17], $0x6400  }
0xb3: {  	[sflag:s17] =	ssyncset.done $0x0  }
0xb4: {  	[sflag:s17] =	ssyncadd.s32 $0xFFFF9C00  }
0xb5: {  	[spmem:s2] =	stream.indirect.scatter.add.f32 [tilespmem:s19], [sflag:$0x1], $0x80, s18, s20, $0xb8;
	[tilespmem:$0x13100] =	vst v63  }
0xb6: {  	s24 =	simm.s32 $0x32;
	_ =	swait.ge [sflag:s17], $0x6400  }
0xb7: {  	s23 =	simm.s32 $0x19;
	s22 =	sadd.s32 $0xC80, s11;
	[sflag:s17] =	ssyncset.done $0x0  }
.LBB2_8:
0xb8: {  	s25 =	sadd.s32 s23, s15  }
0xb9: {  	[sflag:s17] =	ssyncadd.s32 $0xFFFF9C00;
	s23 =	smov.u32 s24;
	s26 =	sadd.s32 $0x19, s24  }
0xba: {  	[tilespmem:s18], [sflag:$0x1] =	stream.linear.gather [hbm4b:s25+s3], $0xC8, $0x38;
	[tilespmem:$0x13100] =	vst v63  }
0xbb: {  	p0 =	sne.s32 s24, $0x1851;
	_ =	swait.ge [sflag:s17], $0xC8  }
0xbc: {  	[sflag:s17] =	ssyncset.done $0x0  }
0xbd: {  	[sflag:s17] =	ssyncadd.s32 $0xFFFFFF38  }
0xbe: {  	[tilespmem:s19], [sflag:$0x1] =	stream.linear.gather [hbm4b:s22+s3], $0x6400, $0x38;
	[tilespmem:$0x13100] =	vst v63  }
0xbf: {  	_ =	swait.ge [sflag:s17], $0x6400  }
.Ltmp3:
0xc0: {  	[sflag:s17] =	ssyncset.done $0x0;
	(pc) =	sbr.rel @p0 .LBB2_8-.Ltmp3, $4  }
0xc1: {  	[sflag:s17] =	ssyncadd.s32 $0xFFFF9C00  }
0xc2: {  	[spmem:s2] =	stream.indirect.scatter.add.f32 [tilespmem:s19], [sflag:$0x1], $0x80, s18, s20, $0xb8;
	[tilespmem:$0x13100] =	vst v63  }
0xc3: {  	_ =	swait.ge [sflag:s17], $0x6400  }
0xc4: {  	s24 =	smov.u32 s26;
	s22 =	sadd.s32 $0xC80, s22;
	[sflag:s17] =	ssyncset.done $0x0  }
0xc5: {  	s23 =	sadd.s32 s23, s15;
	[sflag:s17] =	ssyncadd.s32 $0xFFFF9C00  }
0xc6: {  	[tilespmem:s18], [sflag:$0x1] =	stream.linear.gather [hbm4b:s23+s3], $0xC8, $0x38;
	[tilespmem:$0x13100] =	vst v63  }
0xc7: {  	_ =	swait.ge [sflag:s17], $0xC8  }
0xc8: {  	[sflag:s17] =	ssyncset.done $0x0  }
0xc9: {  	[sflag:s17] =	ssyncadd.s32 $0xFFFFFF38  }
0xca: {  	[tilespmem:s19], [sflag:$0x1] =	stream.linear.gather [hbm4b:s22+s3], $0x6400, $0x38;
	[tilespmem:$0x13100] =	vst v63  }
0xcb: {  	_ =	swait.ge [sflag:s17], $0x6400  }
0xcc: {  	[sflag:s17] =	ssyncset.done $0x0  }
0xcd: {  	[sflag:s17] =	ssyncadd.s32 $0xFFFF9C00  }
0xce: {  	[spmem:s2] =	stream.indirect.scatter.add.f32 [tilespmem:s19], [sflag:$0x1], $0x80, s18, s20, $0xb8;
	[tilespmem:$0x13100] =	vst v63  }
0xcf: {  	_ =	swait.ge [sflag:s17], $0x6400  }
0xd0: {  	s21 =	sadd.s32 $0x1, s21;
	[sflag:s17] =	ssyncset.done $0x0  }
0xd1: {  	p0 =	sne.s32 s21, s10;
	[sflag:s17] =	ssyncadd.s32 $0xFFFF9C00  }
.Ltmp4:
0xd2: {  	[bflag:$0x0] =	sbarrier.arrive $0xFFFF;
	(pc) =	sbr.rel @p0 .LBB2_1-.Ltmp4, $4  }
0xd3: {  	[hbm:s9], [sflag:s5] =	dma.local [spmem:s16], $0x1980  }
0xd4: {  	_ =	swait.ge [sflag:s17], $0x1980  }
0xd5: {  	[sflag:s17] =	ssyncset.done $0x0  }
0xd6: {  	[sflag:s17] =	ssyncadd.s32 $0xFFFFE680  }
0xd7: {  	_ =	sfence.sel $0x180000  }
0xd8: {  	[bflag:$0x0] =	sbarrier.arrive $0xFFFF  }
0xd9: {  	p0 =	sne.s32 s1, $0x0;
	_ =	strace $0x90000062  }
0xda: {  	s0 =	sadd.s32 @!p0 $0x100000, s0;
	[bflag:$0x2] =	sbarrier.arrive $0xFFFF  }
0xdb: {  	[sflag:s0] =	ssyncadd.tile.s32 @!p0 $0x1;
	_ =	shalt  }
.Lfunc_end2:
_tile_overlayer_lowered:
.L_overlay_start_2:
0xdc: {  	(tag) =	ssettag $0x2  }
0xdd: {  	s0 =	rddreg [dreg:$0x0];
	s2 =	stileid.u32  }
0xde: {  	s1 =	rddreg [dreg:$0x1];
	p0 =	sne.s32 s2, $0x0  }
0xdf: {  	s3 =	rddreg [dreg:$0x2];
	[bflag:$0x3] =	sbarrier.arrive $0xFFFF;
	s2 =	simm.s32 @!p0 $0x1C01  }
0xe0: {  	[timem:s3], [sflag:s2] =	dma.local @!p0 [hbm:s0], s1  }
0xe1: {  	s0 =	simm.s32 @!p0 $0x1  }
0xe2: {  	_ =	swait.ge @!p0 [sflag:s0], s1  }
0xe3: {  	s1 =	ssub.s32 @!p0 $0x0, s1;
	[sflag:s0] =	ssyncset.done @!p0 $0x0  }
0xe4: {  	[sflag:s0] =	ssyncadd.s32 @!p0 s1  }
0xe5: {  	[bflag:$0x3] =	sbarrier.arrive $0xFFFF  }
0xe6: {  	_ =	shalt  }

// kernel: kernel.59.cloned.1.call-start
scs
__scs_entry_jumppad:
0x0: {  	(pc) =	sbr.rel $0x88, $3  }
0x1: {  	(tag) =	ssettag $0x0;
	lr =	simm.s32 $0x1  }
0x2: {  	[smem:$0x3F88] =	sst lr;
	_ =	strace $0xD0000000  }
0x3: {  	_ = 	snop  }
0x4: {  	_ = 	snop  }
0x5: {  	_ = 	snop  }
0x6: {  	_ = 	snop  }
0x7: {  	_ = 	snop  }
__scs_overlays_trampoline_lowered:
0x8: {  	[smem:$0x3F97] =	sst s0  }
0x9: {  	[smem:$0x3F98] =	sst s1  }
0xa: {  	[smem:$0x3F99] =	sst s2  }
0xb: {  	[smem:$0x3F9A] =	sst s3  }
0xc: {  	[smem:$0x3F9B] =	sst s4  }
0xd: {  	[smem:$0x3F9C] =	sst s5  }
0xe: {  	[smem:$0x3F9D] =	sst s6  }
0xf: {  	[smem:$0x3F9E] =	sst s7  }
0x10: {  	[smem:$0x3F9F] =	sst s8  }
0x11: {  	[smem:$0x3FA0] =	sst s9;
	s0 =	simm.s32 @!p0 $0x0  }
0x12: {  	s1 =	sld [smem:$0x3F86];
	s0 =	simm.s32 @p0 $0x1  }
0x13: {  	[smem:$0x3FA1] =	sst s0;
	s0 =	simm.s32 @!p1 $0x0  }
0x14: {  	s2 =	sld [smem:$0x3F85];
	s0 =	simm.s32 @p1 $0x1  }
0x15: {  	[smem:$0x3FA2] =	sst s0;
	s0 =	simm.s32 @!p2 $0x0  }
0x16: {  	s3 =	sld [smem:$0x3FDB];
	s0 =	simm.s32 @p2 $0x1  }
0x17: {  	s4 =	simm.s32 $0x1BF5;
	[smem:$0x3FA4] =	sst s0  }
0x18: {  	s0 =	sld [smem:$0x3F87];
	_ =	swait.ge [sflag:s4], $0x0  }
0x19: {  	s7 =	sld [smem:$0x3F88]  }
0x1a: {  	s8 =	sadd.s32 $0xFFFFE003, lr  }
0x1b: {  	s9 =	sadd.s32 $0xFFFFFEF7, lr;
	s5 =	simm.s32 $0xFFFFFFFF;
	p2 =	slt.u32 s8, $0xFFFFF086  }
0x1c: {  	p1 =	slt.u32 s9, $0xF7A;
	s5 =	simm.s32 @!p2 $0x0  }
0x1d: {  	s5 =	simm.s32 @p1 $0x1;
	p0 =	seq.s32 s7, s2  }
0x1e: {  	s7 =	smul.u32 @!p0 $0xF7A, s2;
	p2 =	seq.s32 @!p0 s5, $0x0  }
0x1f: {  	s9 =	smul.u32 $0xF7A, s1;
	s8 =	simm.s32 @!p0 $0x1BF5;
	p2 =	por !p2, p0  }
0x20: {  	[sflag:s8] =	ssyncset.s32 @!p0 $0xFFFFF086;
	s6 =	sadd.s32 @!p0 s3, s7;
	s7 =	simm.s32 @!p0 $0x108  }
0x21: {  	s3 =	sadd.s32 s3, s9;
	s6 =	sadd.s32 @!p0 $0x88, s6;
	s7 =	simm.s32 @p2 $0x1082  }
0x22: {  	[simem:s7], [sflag:s8] =	dma.local @!p0 [hbm:s6], $0xF7A  }
0x23: {  	s9 =	sor.u32 $0xD0000000, s2;
	s6 =	simm.s32 $0x108;
	_ =	swait.ge @!p0 [sflag:s8], $0x0  }
0x24: {  	s3 =	sadd.s32 $0x88, s3;
	s6 =	simm.s32 @!p1 $0x1082;
	[sflag:s4] =	ssyncset.s32 $0xFFFFF086  }
0x25: {  	[simem:s6], [sflag:s4] =	dma.local [hbm:s3], $0xF7A  }
0x26: {  	[smem:$0x3F88] =	sst s1;
	(tag) =	ssettag s2;
	_ =	strace s9  }
0x27: {  	s1 =	sld [smem:$0x3F98]  }
0x28: {  	s2 =	sld [smem:$0x3F99]  }
0x29: {  	s4 =	sld [smem:$0x3F9B]  }
0x2a: {  	p0 =	seq.s32 s5, $0x0;
	s5 =	sld [smem:$0x3F9C]  }
0x2b: {  	s6 =	sld [smem:$0x3F9D]  }
0x2c: {  	s7 =	sld [smem:$0x3F9E]  }
0x2d: {  	s3 =	simm.s32 $0x108;
	s8 =	sld [smem:$0x3F9F]  }
0x2e: {  	s3 =	simm.s32 @!p0 $0x1082;
	s9 =	sld [smem:$0x3FA0]  }
0x2f: {  	lr =	sadd.s32 s0, s3;
	s0 =	sld [smem:$0x3F97]  }
0x30: {  	s3 =	sld [smem:$0x3F9A]  }
0x31: {  	[smem:$0x3FA3] =	sst s10  }
0x32: {  	s10 =	sld [smem:$0x3FA1];
	_ =	sdelay $0x3  }
0x33: {  	p0 =	seq.s32 s10, $0x1;
	s10 =	sld [smem:$0x3FA3];
	_ =	sdelay $0x3  }
0x34: {  	[smem:$0x3FA3] =	sst s10  }
0x35: {  	s10 =	sld [smem:$0x3FA2];
	_ =	sdelay $0x3  }
0x36: {  	p1 =	seq.s32 s10, $0x1;
	s10 =	sld [smem:$0x3FA3];
	_ =	sdelay $0x3  }
0x37: {  	[smem:$0x3FA3] =	sst s10  }
0x38: {  	s10 =	sld [smem:$0x3FA4]  }
0x39: {  	_ = 	snop;
	(pc) =	sbr.ind lr, $3  }
0x3a: {  	_ = 	snop  }
0x3b: {  	_ = 	snop  }
0x3c: {  	p2 =	seq.s32 s10, $0x1;
	s10 =	sld [smem:$0x3FA3]  }
0x3d: {  	_ =	shalt  }
0x3e: {  	_ =	shalt  }
0x3f: {  	_ =	shalt  }
0x40: {  	_ =	shalt  }
0x41: {  	_ =	shalt  }
0x42: {  	_ =	shalt  }
0x43: {  	_ =	shalt  }
0x44: {  	_ =	shalt  }
0x45: {  	_ =	shalt  }
0x46: {  	_ =	shalt  }
0x47: {  	_ =	shalt  }
0x48: {  	_ =	shalt  }
0x49: {  	_ =	shalt  }
0x4a: {  	_ =	shalt  }
0x4b: {  	_ =	shalt  }
0x4c: {  	_ =	shalt  }
0x4d: {  	_ =	shalt  }
0x4e: {  	_ =	shalt  }
0x4f: {  	_ =	shalt  }
0x50: {  	_ =	shalt  }
0x51: {  	_ =	shalt  }
0x52: {  	_ =	shalt  }
0x53: {  	_ =	shalt  }
0x54: {  	_ =	shalt  }
0x55: {  	_ =	shalt  }
0x56: {  	_ =	shalt  }
0x57: {  	_ =	shalt  }
0x58: {  	_ =	shalt  }
0x59: {  	_ =	shalt  }
0x5a: {  	_ =	shalt  }
0x5b: {  	_ =	shalt  }
0x5c: {  	_ =	shalt  }
0x5d: {  	_ =	shalt  }
0x5e: {  	_ =	shalt  }
0x5f: {  	_ =	shalt  }
0x60: {  	_ =	shalt  }
0x61: {  	_ =	shalt  }
0x62: {  	_ =	shalt  }
0x63: {  	_ =	shalt  }
0x64: {  	_ =	shalt  }
0x65: {  	_ =	shalt  }
0x66: {  	_ =	shalt  }
0x67: {  	_ =	shalt  }
0x68: {  	_ =	shalt  }
0x69: {  	_ =	shalt  }
0x6a: {  	_ =	shalt  }
0x6b: {  	_ =	shalt  }
0x6c: {  	_ =	shalt  }
0x6d: {  	_ =	shalt  }
0x6e: {  	_ =	shalt  }
0x6f: {  	_ =	shalt  }
0x70: {  	_ =	shalt  }
0x71: {  	_ =	shalt  }
0x72: {  	_ =	shalt  }
0x73: {  	_ =	shalt  }
0x74: {  	_ =	shalt  }
0x75: {  	_ =	shalt  }
0x76: {  	_ =	shalt  }
0x77: {  	_ =	shalt  }
0x78: {  	_ =	shalt  }
0x79: {  	_ =	shalt  }
0x7a: {  	_ =	shalt  }
0x7b: {  	_ =	shalt  }
0x7c: {  	_ =	shalt  }
0x7d: {  	_ =	shalt  }
0x7e: {  	_ =	shalt  }
0x7f: {  	_ =	shalt  }
0x80: {  	_ =	shalt  }
0x81: {  	_ =	shalt  }
0x82: {  	_ =	shalt  }
0x83: {  	_ =	shalt  }
0x84: {  	_ =	shalt  }
0x85: {  	_ =	shalt  }
0x86: {  	_ =	shalt  }
0x87: {  	_ =	shalt  }
.Lfunc_end0:
.L_simem_size_0:
called_computation.10_lowered:
.L_overlay_start_0:
0x88: {  	s2 =	sld [smem:$0x3FD9]  }
0x89: {  	s3 =	sld [smem:$0x3FFE];
	_ =	sdelay $0x1  }
0x8a: {  	s1 =	srdreg.scid  }
0x8b: {  	s0 =	sand.u32 $0x1, s1  }
0x8c: {  	s17 =	sshll.u32 s0, $0xA;
	s2 =	sadd.s32 s3, s2  }
0x8d: {  	s2 =	sadd.s32 s2, s17  }
0x8e: {  	[smem:$0x3FAF] =	sst s2  }
0x8f: {  	_ = 	snop  }
0x90: {  	(tm) =	ssettm $0x1  }
0x91: {  	s18 =	sld [smem:$0x3FFB];
	_ =	sdelay $0x3  }
0x92: {  	_ =	strace s18  }
0x93: {  	s2 =	sld [smem:$0x3FFC];
	_ =	sdelay $0x3  }
0x94: {  	_ =	strace s2  }
0x95: {  	s2 =	sld [smem:$0x3FFD];
	_ =	sdelay $0x3  }
0x96: {  	_ =	strace s2  }
0x97: {  	_ =	strace $0x8FFFFFFF  }
0x98: {  	s19 =	sld [smem:$0x3FDB];
	_ =	sdelay $0x1  }
0x99: {  	s20 =	simm.s32 $_scs_section_size  }
0x9a: {  	s4 =	simm.s32 $_size__tile_overlayer_lowered;
	s5 =	simm.s32 $_tile_overlayer_lowered  }
0x9b: {  	s6 =	simm.s32 $0x1BFF;
	s21 =	sshll.u32 s5, $0x1;
	s3 =	sadd.s32 s20, s19  }
0x9c: {  	s22 =	simm.s32 $0x0;
	s4 =	sshll.u32 s4, $0x1;
	s5 =	sadd.s32 s21, s3  }
0x9d: {  	[timem:s22], [sflag:s6] =	dma.local [hbm:s5], s4  }
0x9e: {  	_ =	swait.ge [sflag:s6], s4  }
0x9f: {  	s4 =	ssub.s32 $0x0, s4;
	[sflag:s6] =	ssyncset.done $0x0  }
0xa0: {  	[sflag:s6] =	ssyncadd.s32 s4;
	_ =	sdelay $0x1  }
0xa1: {  	s23 =	simm.s32 $0x1B8B  }
0xa2: {  	_ =	swait.ge [sflag:s23], $0x1  }
0xa3: {  	[sflag:s23] =	ssyncset.done $0x0  }
0xa4: {  	[sflag:s23] =	ssyncadd.s32 $0xFFFFFFFF  }
0xa5: {  	s4 =	sld [smem:$0x0]  }
0xa6: {  	s5 =	sand.u32 $0xFFFFFFFE, s1  }
0xa7: {  	p0 =	sne.s32 s1, s5  }
0xa8: {  	s5 =	sshll.u32 @p0 s5, $0xE  }
0xa9: {  	s5 =	sadd.s32 @p0 $0x11B8D, s5;
	s6 =	sshll.u32 @p0 s4, $0x11  }
0xaa: {  	s5 =	sor.u32 @p0 s6, s5  }
0xab: {  	[sflag:s5] =	ssyncadd.remote.s32 @p0 $0x1;
	_ =	sdelay $0x1  }
0xac: {  	s5 =	simm.s32 @p0 $0x1B8D  }
0xad: {  	_ =	swait.eq @p0 [sflag:s5], $0x1  }
0xae: {  	[sflag:s5] =	ssyncadd.s32 @p0 $0xFFFFFFFF  }
0xaf: {  	s6 =	sshll.u32 @!p0 s1, $0xE  }
0xb0: {  	s6 =	sor.u32 @!p0 $0x4000, s6;
	s5 =	simm.s32 @!p0 $0x1B8D  }
0xb1: {  	s4 =	sshll.u32 @!p0 s4, $0x11;
	s6 =	sadd.s32 @!p0 $0x11B8D, s6;
	_ =	swait.eq @!p0 [sflag:s5], $0x1  }
0xb2: {  	s4 =	sor.u32 @!p0 s4, s6;
	[sflag:s5] =	ssyncadd.s32 @!p0 $0xFFFFFFFF  }
0xb3: {  	s25 =	simm.s32 $0x1B8E;
	s24 =	sld [smem:$0x3FFE];
	[sflag:s4] =	ssyncadd.remote.s32 @!p0 $0x1  }
0xb4: {  	s26 =	simm.s32 $execute0_lowered;
	[smem:$0x3FD2] =	sst s25  }
0xb5: {  	s5 =	sshll.u32 s26, $0x1;
	_ =	strace $0x80000067;
	[dreg:$0x1] =	wrdreg $0xFFFFFFFF  }
0xb6: {  	s28 =	simm.s32 $_size_execute0_lowered;
	s3 =	sadd.s32 s3, s5;
	[dreg:$0x0] =	wrdreg $0x0  }
0xb7: {  	s5 =	sshll.u32 s28, $0x1;
	[dreg:$0x2] =	wrdreg s3  }
0xb8: {  	[dreg:$0x3] =	wrdreg s5  }
0xb9: {  	[dreg:$0x4] =	wrdreg $0xC0  }
0xba: {  	_ =	task [dreg:s22], $0x5FFFF  }
0xbb: {  	[dreg:$0x1] =	wrdreg $0xFFFFFFFF  }
0xbc: {  	[dreg:$0x0] =	wrdreg $0x60  }
0xbd: {  	[dreg:$0x2] =	wrdreg s24  }
0xbe: {  	[dreg:$0x3] =	wrdreg $0x9  }
0xbf: {  	_ =	task.clear_ibuf [dreg:s22], $0x4FFFF;
	_ =	strace $0x90000067  }
0xc0: {  	s29 =	simm.s32 $0x9;
	_ =	strace $0x80000069  }
0xc1: {  	_ =	swait.ge [sflag:s29], $0x1  }
0xc2: {  	[sflag:s29] =	ssyncadd.s32 $0xFFFFFFFF  }
0xc3: {  	_ =	strace $0x90000069  }
0xc4: {  	_ =	sfence  }
0xc5: {  	s30 =	sld [smem:$0x0];
	_ =	sdelay $0x2  }
0xc6: {  	s31 =	sshll.u32 s1, $0xD;
	s1 =	sshrl.u32 s1, $0x2  }
0xc7: {  	s4 =	sand.u32 $0x4000, s31;
	s1 =	sadd.s32 s1, s30  }
0xc8: {  	s0 =	sor.u32 s4, s0;
	s1 =	sshll.u32 s1, $0x11  }
0xc9: {  	s0 =	sor.u32 s1, s0  }
0xca: {  	s0 =	sadd.s32 $0x8F2B, s0  }
0xcb: {  	[sflag:s0] =	ssyncadd.remote.s32 $0x1  }
0xcc: {  	_ =	sfence.sel $0xFFFF  }
0xcd: {  	[dreg:$0x0] =	wrdreg $0xFFFFFFFF;
	(pc) =	sbr.abs _section_cstart, $3  }
0xce: {  	[dreg:$0x1] =	wrdreg $0xFFFFFFFF  }
0xcf: {  	_ =	task.clear_ibuf [dreg:s22], $0x2FFFF;
	_ =	strace $0x9FFFFFFF  }
0xd0: {  	(tm) =	ssettm $0x7FFFFFFF  }
0xd1: {  	_ =	shalt  }
tec
execute0_lowered:
.L_overlay_start_1:
0x0: {  	(tag) =	ssettag $0x1  }
0x1: {  	s4 =	rddreg [dreg:$0x0]  }
0x2: {  	s0 =	rddreg [dreg:$0x1]  }
0x3: {  	s3 =	srdreg.scid;
	s1 =	stileid.u32;
	s2 =	simm.s32 $0x0  }
0x4: {  	s10 =	simm.s32 $0x1;
	s11 =	simm.s32 $0x0;
	s6 =	smul.u32 $0xC350, s1  }
0x5: {  	s5 =	sand.u32 $0x1, s3;
	[smem:$0x7FF] =	sst s2;
	s8 =	smul.u32 $0xC3500, s1  }
0x6: {  	s3 =	sadd.s32 $0x421E00, s4;
	s7 =	smul.u32 $0x61A8, s5;
	s9 =	ssub.s32 $0x2, s5  }
0x7: {  	_ =	strace $0x80000068;
	s5 =	smul.u32 $0x61A80, s5;
	s31 =	sshrl.u32 s9, $0x1  }
0x8: {  	s30 =	sadd.s32 s8, s4;
	s6 =	sadd.s32 s7, s6;
	s8 =	ssub.s32 s9, s31  }
0x9: {  	s5 =	sadd.s32 s5, s30;
	s7 =	simm.s32 $0x2;
	s6 =	sshrl.u32 s6, $0x3  }
0xa: {  	s9 =	simm.s32 $0x100;
	s5 =	sadd.s32 $0x111EE00, s5;
	s6 =	sadd.s32 s6, s4  }
0xb: {  	s4 =	smax.u32 s8, $0x1;
	s8 =	simm.s32 $0xC8;
	s6 =	sadd.s32 $0x373000, s6  }
.LBB2_1:
0xc: {  	s12 =	sadd.s32 $0x0, s6  }
0xd: {  	[tilespmem:s2], [sflag:$0x2] =	stream.linear.gather [hbm4b:s12+s2], $0xC8, $0x38;
	[tilespmem:$0x6500] =	vst v63  }
0xe: {  	_ =	swait.ge [sflag:s7], $0xC8  }
0xf: {  	[sflag:s7] =	ssyncset.done $0x0  }
0x10: {  	[sflag:s7] =	ssyncadd.s32 $0xFFFFFF38  }
0x11: {  	[tilespmem:s9], [sflag:$0x1] =	stream.indirect.gather [hbm4b:s3+s8], $0x80, s2, s8, $0xb8;
	[tilespmem:$0x6500] =	vst v63  }
0x12: {  	_ =	swait.ge [sflag:s10], $0x6400  }
0x13: {  	[sflag:s10] =	ssyncset.done $0x0  }
0x14: {  	[sflag:s10] =	ssyncadd.s32 $0xFFFF9C00  }
0x15: {  	[hbm4b:s5+s2] =	stream.linear.scatter [tilespmem:s9], [sflag:$0x2], $0x6400, $0x38;
	[tilespmem:$0x6500] =	vst v63  }
0x16: {  	s13 =	simm.s32 $0x19;
	_ =	swait.ge [sflag:s7], $0x6400  }
0x17: {  	s14 =	simm.s32 $0x32;
	s12 =	sadd.s32 $0xC80, s5;
	[sflag:s7] =	ssyncset.done $0x0  }
.LBB2_2:
0x18: {  	s15 =	sadd.s32 s13, s6  }
0x19: {  	[sflag:s7] =	ssyncadd.s32 $0xFFFF9C00;
	s13 =	smov.u32 s14;
	s16 =	sadd.s32 $0x19, s14  }
0x1a: {  	[tilespmem:s2], [sflag:$0x2] =	stream.linear.gather [hbm4b:s15+s2], $0xC8, $0x38;
	[tilespmem:$0x6500] =	vst v63  }
0x1b: {  	p0 =	sne.s32 s14, $0xC1C;
	_ =	swait.ge [sflag:s7], $0xC8  }
0x1c: {  	[sflag:s7] =	ssyncset.done $0x0  }
0x1d: {  	[sflag:s7] =	ssyncadd.s32 $0xFFFFFF38  }
0x1e: {  	[tilespmem:s9], [sflag:$0x1] =	stream.indirect.gather [hbm4b:s3+s8], $0x80, s2, s8, $0xb8;
	[tilespmem:$0x6500] =	vst v63  }
0x1f: {  	_ =	swait.ge [sflag:s10], $0x6400  }
.Ltmp0:
0x20: {  	[sflag:s10] =	ssyncset.done $0x0;
	(pc) =	sbr.rel @p0 .LBB2_2-.Ltmp0, $4  }
0x21: {  	[sflag:s10] =	ssyncadd.s32 $0xFFFF9C00  }
0x22: {  	[hbm4b:s12+s2] =	stream.linear.scatter [tilespmem:s9], [sflag:$0x2], $0x6400, $0x38;
	[tilespmem:$0x6500] =	vst v63  }
0x23: {  	_ =	swait.ge [sflag:s7], $0x6400  }
0x24: {  	s14 =	smov.u32 s16;
	s12 =	sadd.s32 $0xC80, s12;
	[sflag:s7] =	ssyncset.done $0x0  }
0x25: {  	s13 =	sadd.s32 s13, s6;
	[sflag:s7] =	ssyncadd.s32 $0xFFFF9C00  }
0x26: {  	[tilespmem:s2], [sflag:$0x2] =	stream.linear.gather [hbm4b:s13+s2], $0xC8, $0x38;
	[tilespmem:$0x6500] =	vst v63  }
0x27: {  	_ =	swait.ge [sflag:s7], $0xC8  }
0x28: {  	[sflag:s7] =	ssyncset.done $0x0  }
0x29: {  	[sflag:s7] =	ssyncadd.s32 $0xFFFFFF38  }
0x2a: {  	[tilespmem:s9], [sflag:$0x1] =	stream.indirect.gather [hbm4b:s3+s8], $0x80, s2, s8, $0xb8;
	[tilespmem:$0x6500] =	vst v63  }
0x2b: {  	s11 =	sadd.s32 $0x1, s11;
	_ =	swait.ge [sflag:s10], $0x6400  }
0x2c: {  	p0 =	sne.s32 s11, s4;
	[sflag:s10] =	ssyncset.done $0x0  }
.Ltmp1:
0x2d: {  	[sflag:s10] =	ssyncadd.s32 $0xFFFF9C00;
	(pc) =	sbr.rel @p0 .LBB2_1-.Ltmp1, $4  }
0x2e: {  	[hbm4b:s12+s2] =	stream.linear.scatter [tilespmem:s9], [sflag:$0x2], $0x6400, $0x38;
	[tilespmem:$0x6500] =	vst v63  }
0x2f: {  	_ =	swait.ge [sflag:s7], $0x6400  }
0x30: {  	[sflag:s7] =	ssyncset.done $0x0  }
0x31: {  	[sflag:s7] =	ssyncadd.s32 $0xFFFF9C00  }
0x32: {  	_ =	sfence.sel $0x180000  }
0x33: {  	[bflag:$0x0] =	sbarrier.arrive $0xFFFF  }
0x34: {  	p0 =	sne.s32 s1, $0x0;
	_ =	strace $0x90000068  }
0x35: {  	s0 =	sadd.s32 @!p0 $0x100000, s0;
	[bflag:$0x2] =	sbarrier.arrive $0xFFFF  }
0x36: {  	[sflag:s0] =	ssyncadd.tile.s32 @!p0 $0x1;
	_ =	shalt  }
.Lfunc_end2:
_tile_overlayer_lowered:
.L_overlay_start_2:
0x37: {  	(tag) =	ssettag $0x2  }
0x38: {  	s0 =	rddreg [dreg:$0x0];
	s2 =	stileid.u32  }
0x39: {  	s1 =	rddreg [dreg:$0x1];
	p0 =	sne.s32 s2, $0x0  }
0x3a: {  	s3 =	rddreg [dreg:$0x2];
	[bflag:$0x3] =	sbarrier.arrive $0xFFFF;
	s2 =	simm.s32 @!p0 $0x1C02  }
0x3b: {  	[timem:s3], [sflag:s2] =	dma.local @!p0 [hbm:s0], s1  }
0x3c: {  	s0 =	simm.s32 @!p0 $0x2  }
0x3d: {  	_ =	swait.ge @!p0 [sflag:s0], s1  }
0x3e: {  	s1 =	ssub.s32 @!p0 $0x0, s1;
	[sflag:s0] =	ssyncset.done @!p0 $0x0  }
0x3f: {  	[sflag:s0] =	ssyncadd.s32 @!p0 s1  }
0x40: {  	[bflag:$0x3] =	sbarrier.arrive $0xFFFF  }
0x41: {  	_ =	shalt  }

// kernel: kernel.62.cloned.1.call-start
scs
__scs_entry_jumppad:
0x0: {  	(pc) =	sbr.rel $0x88, $3  }
0x1: {  	(tag) =	ssettag $0x0;
	lr =	simm.s32 $0x1  }
0x2: {  	[smem:$0x3F88] =	sst lr;
	_ =	strace $0xD0000000  }
0x3: {  	_ = 	snop  }
0x4: {  	_ = 	snop  }
0x5: {  	_ = 	snop  }
0x6: {  	_ = 	snop  }
0x7: {  	_ = 	snop  }
__scs_overlays_trampoline_lowered:
0x8: {  	[smem:$0x3F97] =	sst s0  }
0x9: {  	[smem:$0x3F98] =	sst s1  }
0xa: {  	[smem:$0x3F99] =	sst s2  }
0xb: {  	[smem:$0x3F9A] =	sst s3  }
0xc: {  	[smem:$0x3F9B] =	sst s4  }
0xd: {  	[smem:$0x3F9C] =	sst s5  }
0xe: {  	[smem:$0x3F9D] =	sst s6  }
0xf: {  	[smem:$0x3F9E] =	sst s7  }
0x10: {  	[smem:$0x3F9F] =	sst s8  }
0x11: {  	[smem:$0x3FA0] =	sst s9;
	s0 =	simm.s32 @!p0 $0x0  }
0x12: {  	s1 =	sld [smem:$0x3F86];
	s0 =	simm.s32 @p0 $0x1  }
0x13: {  	[smem:$0x3FA1] =	sst s0;
	s0 =	simm.s32 @!p1 $0x0  }
0x14: {  	s2 =	sld [smem:$0x3F85];
	s0 =	simm.s32 @p1 $0x1  }
0x15: {  	[smem:$0x3FA2] =	sst s0;
	s0 =	simm.s32 @!p2 $0x0  }
0x16: {  	s3 =	sld [smem:$0x3FDB];
	s0 =	simm.s32 @p2 $0x1  }
0x17: {  	s4 =	simm.s32 $0x1BF5;
	[smem:$0x3FA4] =	sst s0  }
0x18: {  	s0 =	sld [smem:$0x3F87];
	_ =	swait.ge [sflag:s4], $0x0  }
0x19: {  	s7 =	sld [smem:$0x3F88]  }
0x1a: {  	s8 =	sadd.s32 $0xFFFFE003, lr  }
0x1b: {  	s9 =	sadd.s32 $0xFFFFFEF7, lr;
	s5 =	simm.s32 $0xFFFFFFFF;
	p2 =	slt.u32 s8, $0xFFFFF086  }
0x1c: {  	p1 =	slt.u32 s9, $0xF7A;
	s5 =	simm.s32 @!p2 $0x0  }
0x1d: {  	s5 =	simm.s32 @p1 $0x1;
	p0 =	seq.s32 s7, s2  }
0x1e: {  	s7 =	smul.u32 @!p0 $0xF7A, s2;
	p2 =	seq.s32 @!p0 s5, $0x0  }
0x1f: {  	s9 =	smul.u32 $0xF7A, s1;
	s8 =	simm.s32 @!p0 $0x1BF5;
	p2 =	por !p2, p0  }
0x20: {  	[sflag:s8] =	ssyncset.s32 @!p0 $0xFFFFF086;
	s6 =	sadd.s32 @!p0 s3, s7;
	s7 =	simm.s32 @!p0 $0x108  }
0x21: {  	s3 =	sadd.s32 s3, s9;
	s6 =	sadd.s32 @!p0 $0x88, s6;
	s7 =	simm.s32 @p2 $0x1082  }
0x22: {  	[simem:s7], [sflag:s8] =	dma.local @!p0 [hbm:s6], $0xF7A  }
0x23: {  	s9 =	sor.u32 $0xD0000000, s2;
	s6 =	simm.s32 $0x108;
	_ =	swait.ge @!p0 [sflag:s8], $0x0  }
0x24: {  	s3 =	sadd.s32 $0x88, s3;
	s6 =	simm.s32 @!p1 $0x1082;
	[sflag:s4] =	ssyncset.s32 $0xFFFFF086  }
0x25: {  	[simem:s6], [sflag:s4] =	dma.local [hbm:s3], $0xF7A  }
0x26: {  	[smem:$0x3F88] =	sst s1;
	(tag) =	ssettag s2;
	_ =	strace s9  }
0x27: {  	s1 =	sld [smem:$0x3F98]  }
0x28: {  	s2 =	sld [smem:$0x3F99]  }
0x29: {  	s4 =	sld [smem:$0x3F9B]  }
0x2a: {  	p0 =	seq.s32 s5, $0x0;
	s5 =	sld [smem:$0x3F9C]  }
0x2b: {  	s6 =	sld [smem:$0x3F9D]  }
0x2c: {  	s7 =	sld [smem:$0x3F9E]  }
0x2d: {  	s3 =	simm.s32 $0x108;
	s8 =	sld [smem:$0x3F9F]  }
0x2e: {  	s3 =	simm.s32 @!p0 $0x1082;
	s9 =	sld [smem:$0x3FA0]  }
0x2f: {  	lr =	sadd.s32 s0, s3;
	s0 =	sld [smem:$0x3F97]  }
0x30: {  	s3 =	sld [smem:$0x3F9A]  }
0x31: {  	[smem:$0x3FA3] =	sst s10  }
0x32: {  	s10 =	sld [smem:$0x3FA1];
	_ =	sdelay $0x3  }
0x33: {  	p0 =	seq.s32 s10, $0x1;
	s10 =	sld [smem:$0x3FA3];
	_ =	sdelay $0x3  }
0x34: {  	[smem:$0x3FA3] =	sst s10  }
0x35: {  	s10 =	sld [smem:$0x3FA2];
	_ =	sdelay $0x3  }
0x36: {  	p1 =	seq.s32 s10, $0x1;
	s10 =	sld [smem:$0x3FA3];
	_ =	sdelay $0x3  }
0x37: {  	[smem:$0x3FA3] =	sst s10  }
0x38: {  	s10 =	sld [smem:$0x3FA4]  }
0x39: {  	_ = 	snop;
	(pc) =	sbr.ind lr, $3  }
0x3a: {  	_ = 	snop  }
0x3b: {  	_ = 	snop  }
0x3c: {  	p2 =	seq.s32 s10, $0x1;
	s10 =	sld [smem:$0x3FA3]  }
0x3d: {  	_ =	shalt  }
0x3e: {  	_ =	shalt  }
0x3f: {  	_ =	shalt  }
0x40: {  	_ =	shalt  }
0x41: {  	_ =	shalt  }
0x42: {  	_ =	shalt  }
0x43: {  	_ =	shalt  }
0x44: {  	_ =	shalt  }
0x45: {  	_ =	shalt  }
0x46: {  	_ =	shalt  }
0x47: {  	_ =	shalt  }
0x48: {  	_ =	shalt  }
0x49: {  	_ =	shalt  }
0x4a: {  	_ =	shalt  }
0x4b: {  	_ =	shalt  }
0x4c: {  	_ =	shalt  }
0x4d: {  	_ =	shalt  }
0x4e: {  	_ =	shalt  }
0x4f: {  	_ =	shalt  }
0x50: {  	_ =	shalt  }
0x51: {  	_ =	shalt  }
0x52: {  	_ =	shalt  }
0x53: {  	_ =	shalt  }
0x54: {  	_ =	shalt  }
0x55: {  	_ =	shalt  }
0x56: {  	_ =	shalt  }
0x57: {  	_ =	shalt  }
0x58: {  	_ =	shalt  }
0x59: {  	_ =	shalt  }
0x5a: {  	_ =	shalt  }
0x5b: {  	_ =	shalt  }
0x5c: {  	_ =	shalt  }
0x5d: {  	_ =	shalt  }
0x5e: {  	_ =	shalt  }
0x5f: {  	_ =	shalt  }
0x60: {  	_ =	shalt  }
0x61: {  	_ =	shalt  }
0x62: {  	_ =	shalt  }
0x63: {  	_ =	shalt  }
0x64: {  	_ =	shalt  }
0x65: {  	_ =	shalt  }
0x66: {  	_ =	shalt  }
0x67: {  	_ =	shalt  }
0x68: {  	_ =	shalt  }
0x69: {  	_ =	shalt  }
0x6a: {  	_ =	shalt  }
0x6b: {  	_ =	shalt  }
0x6c: {  	_ =	shalt  }
0x6d: {  	_ =	shalt  }
0x6e: {  	_ =	shalt  }
0x6f: {  	_ =	shalt  }
0x70: {  	_ =	shalt  }
0x71: {  	_ =	shalt  }
0x72: {  	_ =	shalt  }
0x73: {  	_ =	shalt  }
0x74: {  	_ =	shalt  }
0x75: {  	_ =	shalt  }
0x76: {  	_ =	shalt  }
0x77: {  	_ =	shalt  }
0x78: {  	_ =	shalt  }
0x79: {  	_ =	shalt  }
0x7a: {  	_ =	shalt  }
0x7b: {  	_ =	shalt  }
0x7c: {  	_ =	shalt  }
0x7d: {  	_ =	shalt  }
0x7e: {  	_ =	shalt  }
0x7f: {  	_ =	shalt  }
0x80: {  	_ =	shalt  }
0x81: {  	_ =	shalt  }
0x82: {  	_ =	shalt  }
0x83: {  	_ =	shalt  }
0x84: {  	_ =	shalt  }
0x85: {  	_ =	shalt  }
0x86: {  	_ =	shalt  }
0x87: {  	_ =	shalt  }
.Lfunc_end0:
.L_simem_size_0:
called_computation.11_lowered:
.L_overlay_start_0:
0x88: {  	s2 =	sld [smem:$0x3FD9]  }
0x89: {  	s3 =	sld [smem:$0x3FFE];
	_ =	sdelay $0x1  }
0x8a: {  	s1 =	srdreg.scid  }
0x8b: {  	s0 =	sand.u32 $0x1, s1  }
0x8c: {  	s16 =	sshll.u32 s0, $0xA;
	s2 =	sadd.s32 s3, s2  }
0x8d: {  	s2 =	sadd.s32 s2, s16  }
0x8e: {  	[smem:$0x3FAF] =	sst s2  }
0x8f: {  	_ = 	snop  }
0x90: {  	(tm) =	ssettm $0x1  }
0x91: {  	s17 =	sld [smem:$0x3FFB];
	_ =	sdelay $0x3  }
0x92: {  	_ =	strace s17  }
0x93: {  	s2 =	sld [smem:$0x3FFC];
	_ =	sdelay $0x3  }
0x94: {  	_ =	strace s2  }
0x95: {  	s2 =	sld [smem:$0x3FFD];
	_ =	sdelay $0x3  }
0x96: {  	_ =	strace s2  }
0x97: {  	_ =	strace $0x8FFFFFFF  }
0x98: {  	s18 =	sld [smem:$0x3FDB];
	_ =	sdelay $0x1  }
0x99: {  	s19 =	simm.s32 $_scs_section_size  }
0x9a: {  	s4 =	simm.s32 $_size__tile_overlayer_lowered;
	s5 =	simm.s32 $_tile_overlayer_lowered  }
0x9b: {  	s22 =	simm.s32 $0x1BFF;
	s21 =	sshll.u32 s5, $0x1;
	s2 =	sadd.s32 s19, s18  }
0x9c: {  	s6 =	simm.s32 $0x0;
	s20 =	sshll.u32 s4, $0x1;
	s4 =	sadd.s32 s21, s2  }
0x9d: {  	[timem:s6], [sflag:s22] =	dma.local [hbm:s4], s20  }
0x9e: {  	_ =	swait.ge [sflag:s22], s20  }
0x9f: {  	s3 =	ssub.s32 $0x0, s20;
	[sflag:s22] =	ssyncset.done $0x0  }
0xa0: {  	[sflag:s22] =	ssyncadd.s32 s3;
	_ =	sdelay $0x1  }
0xa1: {  	s23 =	simm.s32 $0x1B8B  }
0xa2: {  	_ =	swait.ge [sflag:s23], $0x1  }
0xa3: {  	[sflag:s23] =	ssyncset.done $0x0  }
0xa4: {  	s25 =	simm.s32 $0x1B8E;
	s24 =	sld [smem:$0x3FFE];
	[sflag:s23] =	ssyncadd.s32 $0xFFFFFFFF  }
0xa5: {  	s26 =	simm.s32 $execute0_lowered;
	[smem:$0x3FD2] =	sst s25  }
0xa6: {  	s4 =	sshll.u32 s26, $0x1;
	_ =	strace $0x80000064;
	[dreg:$0x1] =	wrdreg $0xFFFFFFFF  }
0xa7: {  	s28 =	simm.s32 $_size_execute0_lowered;
	s2 =	sadd.s32 s2, s4;
	[dreg:$0x0] =	wrdreg $0x0  }
0xa8: {  	s4 =	sshll.u32 s28, $0x1;
	[dreg:$0x2] =	wrdreg s2  }
0xa9: {  	[dreg:$0x3] =	wrdreg s4  }
0xaa: {  	[dreg:$0x4] =	wrdreg $0xC0  }
0xab: {  	_ =	task [dreg:s6], $0x5FFFF  }
0xac: {  	[dreg:$0x1] =	wrdreg $0xFFFFFFFF  }
0xad: {  	[dreg:$0x0] =	wrdreg $0x60  }
0xae: {  	[dreg:$0x2] =	wrdreg s24  }
0xaf: {  	[dreg:$0x3] =	wrdreg $0xA  }
0xb0: {  	_ =	task.clear_ibuf [dreg:s6], $0x4FFFF;
	_ =	strace $0x90000064  }
0xb1: {  	s29 =	simm.s32 $0xA;
	_ =	strace $0x80000066  }
0xb2: {  	_ =	swait.ge [sflag:s29], $0x1  }
0xb3: {  	[sflag:s29] =	ssyncadd.s32 $0xFFFFFFFF  }
0xb4: {  	_ =	strace $0x90000066  }
0xb5: {  	_ =	sfence  }
0xb6: {  	s30 =	sld [smem:$0x0];
	_ =	sdelay $0x2  }
0xb7: {  	s31 =	sshll.u32 s1, $0xD;
	s1 =	sshrl.u32 s1, $0x2  }
0xb8: {  	s3 =	sand.u32 $0x4000, s31;
	s1 =	sadd.s32 s1, s30  }
0xb9: {  	s0 =	sor.u32 s3, s0;
	s1 =	sshll.u32 s1, $0x11  }
0xba: {  	s0 =	sor.u32 s1, s0  }
0xbb: {  	s0 =	sadd.s32 $0x8F2B, s0  }
0xbc: {  	[sflag:s0] =	ssyncadd.remote.s32 $0x1  }
0xbd: {  	_ =	sfence.sel $0xFFFF  }
0xbe: {  	[dreg:$0x0] =	wrdreg $0xFFFFFFFF;
	(pc) =	sbr.abs _section_cstart, $3  }
0xbf: {  	[dreg:$0x1] =	wrdreg $0xFFFFFFFF  }
0xc0: {  	_ =	task.clear_ibuf [dreg:s6], $0x2FFFF;
	_ =	strace $0x9FFFFFFF  }
0xc1: {  	(tm) =	ssettm $0x7FFFFFFF  }
tec
execute0_lowered:
.L_overlay_start_1:
0x0: {  	(tag) =	ssettag $0x1  }
0x1: {  	s4 =	rddreg [dreg:$0x0]  }
0x2: {  	s0 =	rddreg [dreg:$0x1]  }
0x3: {  	s3 =	srdreg.scid;
	s1 =	stileid.u32;
	s2 =	simm.s32 $0x0  }
0x4: {  	s10 =	simm.s32 $0x1;
	s11 =	simm.s32 $0x0;
	s6 =	smul.u32 $0xC350, s1  }
0x5: {  	s5 =	sand.u32 $0x1, s3;
	[smem:$0x7FF] =	sst s2;
	s8 =	smul.u32 $0xC3500, s1  }
0x6: {  	s3 =	sadd.s32 $0x8800, s4;
	s7 =	smul.u32 $0x61A8, s5;
	s9 =	ssub.s32 $0x2, s5  }
0x7: {  	_ =	strace $0x80000065;
	s5 =	smul.u32 $0x61A80, s5;
	s31 =	sshrl.u32 s9, $0x1  }
0x8: {  	s30 =	sadd.s32 s8, s4;
	s6 =	sadd.s32 s7, s6;
	s8 =	ssub.s32 s9, s31  }
0x9: {  	s5 =	sadd.s32 s5, s30;
	s7 =	simm.s32 $0x2;
	s6 =	sshrl.u32 s6, $0x3  }
0xa: {  	s9 =	simm.s32 $0x100;
	s5 =	sadd.s32 $0x4E9E00, s5;
	s6 =	sadd.s32 s6, s4  }
0xb: {  	s4 =	smax.u32 s8, $0x1;
	s8 =	simm.s32 $0xC8;
	s6 =	sadd.s32 $0x35A800, s6  }
.LBB2_1:
0xc: {  	s12 =	sadd.s32 $0x0, s6  }
0xd: {  	[tilespmem:s2], [sflag:$0x2] =	stream.linear.gather [hbm4b:s12+s2], $0xC8, $0x38;
	[tilespmem:$0x6500] =	vst v63  }
0xe: {  	_ =	swait.ge [sflag:s7], $0xC8  }
0xf: {  	[sflag:s7] =	ssyncset.done $0x0  }
0x10: {  	[sflag:s7] =	ssyncadd.s32 $0xFFFFFF38  }
0x11: {  	[tilespmem:s9], [sflag:$0x1] =	stream.indirect.gather [hbm4b:s3+s8], $0x80, s2, s8, $0xb8;
	[tilespmem:$0x6500] =	vst v63  }
0x12: {  	_ =	swait.ge [sflag:s10], $0x6400  }
0x13: {  	[sflag:s10] =	ssyncset.done $0x0  }
0x14: {  	[sflag:s10] =	ssyncadd.s32 $0xFFFF9C00  }
0x15: {  	[hbm4b:s5+s2] =	stream.linear.scatter [tilespmem:s9], [sflag:$0x2], $0x6400, $0x38;
	[tilespmem:$0x6500] =	vst v63  }
0x16: {  	s13 =	simm.s32 $0x19;
	_ =	swait.ge [sflag:s7], $0x6400  }
0x17: {  	s14 =	simm.s32 $0x32;
	s12 =	sadd.s32 $0xC80, s5;
	[sflag:s7] =	ssyncset.done $0x0  }
.LBB2_2:
0x18: {  	s15 =	sadd.s32 s13, s6  }
0x19: {  	[sflag:s7] =	ssyncadd.s32 $0xFFFF9C00;
	s13 =	smov.u32 s14;
	s16 =	sadd.s32 $0x19, s14  }
0x1a: {  	[tilespmem:s2], [sflag:$0x2] =	stream.linear.gather [hbm4b:s15+s2], $0xC8, $0x38;
	[tilespmem:$0x6500] =	vst v63  }
0x1b: {  	p0 =	sne.s32 s14, $0xC1C;
	_ =	swait.ge [sflag:s7], $0xC8  }
0x1c: {  	[sflag:s7] =	ssyncset.done $0x0  }
0x1d: {  	[sflag:s7] =	ssyncadd.s32 $0xFFFFFF38  }
0x1e: {  	[tilespmem:s9], [sflag:$0x1] =	stream.indirect.gather [hbm4b:s3+s8], $0x80, s2, s8, $0xb8;
	[tilespmem:$0x6500] =	vst v63  }
0x1f: {  	_ =	swait.ge [sflag:s10], $0x6400  }
.Ltmp0:
0x20: {  	[sflag:s10] =	ssyncset.done $0x0;
	(pc) =	sbr.rel @p0 .LBB2_2-.Ltmp0, $4  }
0x21: {  	[sflag:s10] =	ssyncadd.s32 $0xFFFF9C00  }
0x22: {  	[hbm4b:s12+s2] =	stream.linear.scatter [tilespmem:s9], [sflag:$0x2], $0x6400, $0x38;
	[tilespmem:$0x6500] =	vst v63  }
0x23: {  	_ =	swait.ge [sflag:s7], $0x6400  }
0x24: {  	s14 =	smov.u32 s16;
	s12 =	sadd.s32 $0xC80, s12;
	[sflag:s7] =	ssyncset.done $0x0  }
0x25: {  	s13 =	sadd.s32 s13, s6;
	[sflag:s7] =	ssyncadd.s32 $0xFFFF9C00  }
0x26: {  	[tilespmem:s2], [sflag:$0x2] =	stream.linear.gather [hbm4b:s13+s2], $0xC8, $0x38;
	[tilespmem:$0x6500] =	vst v63  }
0x27: {  	_ =	swait.ge [sflag:s7], $0xC8  }
0x28: {  	[sflag:s7] =	ssyncset.done $0x0  }
0x29: {  	[sflag:s7] =	ssyncadd.s32 $0xFFFFFF38  }
0x2a: {  	[tilespmem:s9], [sflag:$0x1] =	stream.indirect.gather [hbm4b:s3+s8], $0x80, s2, s8, $0xb8;
	[tilespmem:$0x6500] =	vst v63  }
0x2b: {  	s11 =	sadd.s32 $0x1, s11;
	_ =	swait.ge [sflag:s10], $0x6400  }
0x2c: {  	p0 =	sne.s32 s11, s4;
	[sflag:s10] =	ssyncset.done $0x0  }
.Ltmp1:
0x2d: {  	[sflag:s10] =	ssyncadd.s32 $0xFFFF9C00;
	(pc) =	sbr.rel @p0 .LBB2_1-.Ltmp1, $4  }
0x2e: {  	[hbm4b:s12+s2] =	stream.linear.scatter [tilespmem:s9], [sflag:$0x2], $0x6400, $0x38;
	[tilespmem:$0x6500] =	vst v63  }
0x2f: {  	_ =	swait.ge [sflag:s7], $0x6400  }
0x30: {  	[sflag:s7] =	ssyncset.done $0x0  }
0x31: {  	[sflag:s7] =	ssyncadd.s32 $0xFFFF9C00  }
0x32: {  	_ =	sfence.sel $0x180000  }
0x33: {  	[bflag:$0x0] =	sbarrier.arrive $0xFFFF  }
0x34: {  	p0 =	sne.s32 s1, $0x0;
	_ =	strace $0x90000065  }
0x35: {  	s0 =	sadd.s32 @!p0 $0x100000, s0;
	[bflag:$0x2] =	sbarrier.arrive $0xFFFF  }
0x36: {  	[sflag:s0] =	ssyncadd.tile.s32 @!p0 $0x1;
	_ =	shalt  }
.Lfunc_end2:
_tile_overlayer_lowered:
.L_overlay_start_2:
0x37: {  	(tag) =	ssettag $0x2  }
0x38: {  	s0 =	rddreg [dreg:$0x0];
	s2 =	stileid.u32  }
0x39: {  	s1 =	rddreg [dreg:$0x1];
	p0 =	sne.s32 s2, $0x0  }
0x3a: {  	s3 =	rddreg [dreg:$0x2];
	[bflag:$0x3] =	sbarrier.arrive $0xFFFF;
	s2 =	simm.s32 @!p0 $0x1C02  }
0x3b: {  	[timem:s3], [sflag:s2] =	dma.local @!p0 [hbm:s0], s1  }
0x3c: {  	s0 =	simm.s32 @!p0 $0x2  }
0x3d: {  	_ =	swait.ge @!p0 [sflag:s0], s1  }
0x3e: {  	s1 =	ssub.s32 @!p0 $0x0, s1;
	[sflag:s0] =	ssyncset.done @!p0 $0x0  }
0x3f: {  	[sflag:s0] =	ssyncadd.s32 @!p0 s1  }
0x40: {  	[bflag:$0x3] =	sbarrier.arrive $0xFFFF  }
0x41: {  	_ =	shalt  }

// kernel: kernel.65.cloned.1.call-start
scs
__scs_entry_jumppad:
0x0: {  	(pc) =	sbr.rel $0x88, $3  }
0x1: {  	(tag) =	ssettag $0x0;
	lr =	simm.s32 $0x1  }
0x2: {  	[smem:$0x3F88] =	sst lr;
	_ =	strace $0xD0000000  }
0x3: {  	_ = 	snop  }
0x4: {  	_ = 	snop  }
0x5: {  	_ = 	snop  }
0x6: {  	_ = 	snop  }
0x7: {  	_ = 	snop  }
__scs_overlays_trampoline_lowered:
0x8: {  	[smem:$0x3F97] =	sst s0  }
0x9: {  	[smem:$0x3F98] =	sst s1  }
0xa: {  	[smem:$0x3F99] =	sst s2  }
0xb: {  	[smem:$0x3F9A] =	sst s3  }
0xc: {  	[smem:$0x3F9B] =	sst s4  }
0xd: {  	[smem:$0x3F9C] =	sst s5  }
0xe: {  	[smem:$0x3F9D] =	sst s6  }
0xf: {  	[smem:$0x3F9E] =	sst s7  }
0x10: {  	[smem:$0x3F9F] =	sst s8  }
0x11: {  	[smem:$0x3FA0] =	sst s9;
	s0 =	simm.s32 @!p0 $0x0  }
0x12: {  	s1 =	sld [smem:$0x3F86];
	s0 =	simm.s32 @p0 $0x1  }
0x13: {  	[smem:$0x3FA1] =	sst s0;
	s0 =	simm.s32 @!p1 $0x0  }
0x14: {  	s2 =	sld [smem:$0x3F85];
	s0 =	simm.s32 @p1 $0x1  }
0x15: {  	[smem:$0x3FA2] =	sst s0;
	s0 =	simm.s32 @!p2 $0x0  }
0x16: {  	s3 =	sld [smem:$0x3FDB];
	s0 =	simm.s32 @p2 $0x1  }
0x17: {  	s4 =	simm.s32 $0x1BF5;
	[smem:$0x3FA4] =	sst s0  }
0x18: {  	s0 =	sld [smem:$0x3F87];
	_ =	swait.ge [sflag:s4], $0x0  }
0x19: {  	s7 =	sld [smem:$0x3F88]  }
0x1a: {  	s8 =	sadd.s32 $0xFFFFE003, lr  }
0x1b: {  	s9 =	sadd.s32 $0xFFFFFEF7, lr;
	s5 =	simm.s32 $0xFFFFFFFF;
	p2 =	slt.u32 s8, $0xFFFFF086  }
0x1c: {  	p1 =	slt.u32 s9, $0xF7A;
	s5 =	simm.s32 @!p2 $0x0  }
0x1d: {  	s5 =	simm.s32 @p1 $0x1;
	p0 =	seq.s32 s7, s2  }
0x1e: {  	s7 =	smul.u32 @!p0 $0xF7A, s2;
	p2 =	seq.s32 @!p0 s5, $0x0  }
0x1f: {  	s9 =	smul.u32 $0xF7A, s1;
	s8 =	simm.s32 @!p0 $0x1BF5;
	p2 =	por !p2, p0  }
0x20: {  	[sflag:s8] =	ssyncset.s32 @!p0 $0xFFFFF086;
	s6 =	sadd.s32 @!p0 s3, s7;
	s7 =	simm.s32 @!p0 $0x108  }
0x21: {  	s3 =	sadd.s32 s3, s9;
	s6 =	sadd.s32 @!p0 $0x88, s6;
	s7 =	simm.s32 @p2 $0x1082  }
0x22: {  	[simem:s7], [sflag:s8] =	dma.local @!p0 [hbm:s6], $0xF7A  }
0x23: {  	s9 =	sor.u32 $0xD0000000, s2;
	s6 =	simm.s32 $0x108;
	_ =	swait.ge @!p0 [sflag:s8], $0x0  }
0x24: {  	s3 =	sadd.s32 $0x88, s3;
	s6 =	simm.s32 @!p1 $0x1082;
	[sflag:s4] =	ssyncset.s32 $0xFFFFF086  }
0x25: {  	[simem:s6], [sflag:s4] =	dma.local [hbm:s3], $0xF7A  }
0x26: {  	[smem:$0x3F88] =	sst s1;
	(tag) =	ssettag s2;
	_ =	strace s9  }
0x27: {  	s1 =	sld [smem:$0x3F98]  }
0x28: {  	s2 =	sld [smem:$0x3F99]  }
0x29: {  	s4 =	sld [smem:$0x3F9B]  }
0x2a: {  	p0 =	seq.s32 s5, $0x0;
	s5 =	sld [smem:$0x3F9C]  }
0x2b: {  	s6 =	sld [smem:$0x3F9D]  }
0x2c: {  	s7 =	sld [smem:$0x3F9E]  }
0x2d: {  	s3 =	simm.s32 $0x108;
	s8 =	sld [smem:$0x3F9F]  }
0x2e: {  	s3 =	simm.s32 @!p0 $0x1082;
	s9 =	sld [smem:$0x3FA0]  }
0x2f: {  	lr =	sadd.s32 s0, s3;
	s0 =	sld [smem:$0x3F97]  }
0x30: {  	s3 =	sld [smem:$0x3F9A]  }
0x31: {  	[smem:$0x3FA3] =	sst s10  }
0x32: {  	s10 =	sld [smem:$0x3FA1];
	_ =	sdelay $0x3  }
0x33: {  	p0 =	seq.s32 s10, $0x1;
	s10 =	sld [smem:$0x3FA3];
	_ =	sdelay $0x3  }
0x34: {  	[smem:$0x3FA3] =	sst s10  }
0x35: {  	s10 =	sld [smem:$0x3FA2];
	_ =	sdelay $0x3  }
0x36: {  	p1 =	seq.s32 s10, $0x1;
	s10 =	sld [smem:$0x3FA3];
	_ =	sdelay $0x3  }
0x37: {  	[smem:$0x3FA3] =	sst s10  }
0x38: {  	s10 =	sld [smem:$0x3FA4]  }
0x39: {  	_ = 	snop;
	(pc) =	sbr.ind lr, $3  }
0x3a: {  	_ = 	snop  }
0x3b: {  	_ = 	snop  }
0x3c: {  	p2 =	seq.s32 s10, $0x1;
	s10 =	sld [smem:$0x3FA3]  }
0x3d: {  	_ =	shalt  }
0x3e: {  	_ =	shalt  }
0x3f: {  	_ =	shalt  }
0x40: {  	_ =	shalt  }
0x41: {  	_ =	shalt  }
0x42: {  	_ =	shalt  }
0x43: {  	_ =	shalt  }
0x44: {  	_ =	shalt  }
0x45: {  	_ =	shalt  }
0x46: {  	_ =	shalt  }
0x47: {  	_ =	shalt  }
0x48: {  	_ =	shalt  }
0x49: {  	_ =	shalt  }
0x4a: {  	_ =	shalt  }
0x4b: {  	_ =	shalt  }
0x4c: {  	_ =	shalt  }
0x4d: {  	_ =	shalt  }
0x4e: {  	_ =	shalt  }
0x4f: {  	_ =	shalt  }
0x50: {  	_ =	shalt  }
0x51: {  	_ =	shalt  }
0x52: {  	_ =	shalt  }
0x53: {  	_ =	shalt  }
0x54: {  	_ =	shalt  }
0x55: {  	_ =	shalt  }
0x56: {  	_ =	shalt  }
0x57: {  	_ =	shalt  }
0x58: {  	_ =	shalt  }
0x59: {  	_ =	shalt  }
0x5a: {  	_ =	shalt  }
0x5b: {  	_ =	shalt  }
0x5c: {  	_ =	shalt  }
0x5d: {  	_ =	shalt  }
0x5e: {  	_ =	shalt  }
0x5f: {  	_ =	shalt  }
0x60: {  	_ =	shalt  }
0x61: {  	_ =	shalt  }
0x62: {  	_ =	shalt  }
0x63: {  	_ =	shalt  }
0x64: {  	_ =	shalt  }
0x65: {  	_ =	shalt  }
0x66: {  	_ =	shalt  }
0x67: {  	_ =	shalt  }
0x68: {  	_ =	shalt  }
0x69: {  	_ =	shalt  }
0x6a: {  	_ =	shalt  }
0x6b: {  	_ =	shalt  }
0x6c: {  	_ =	shalt  }
0x6d: {  	_ =	shalt  }
0x6e: {  	_ =	shalt  }
0x6f: {  	_ =	shalt  }
0x70: {  	_ =	shalt  }
0x71: {  	_ =	shalt  }
0x72: {  	_ =	shalt  }
0x73: {  	_ =	shalt  }
0x74: {  	_ =	shalt  }
0x75: {  	_ =	shalt  }
0x76: {  	_ =	shalt  }
0x77: {  	_ =	shalt  }
0x78: {  	_ =	shalt  }
0x79: {  	_ =	shalt  }
0x7a: {  	_ =	shalt  }
0x7b: {  	_ =	shalt  }
0x7c: {  	_ =	shalt  }
0x7d: {  	_ =	shalt  }
0x7e: {  	_ =	shalt  }
0x7f: {  	_ =	shalt  }
0x80: {  	_ =	shalt  }
0x81: {  	_ =	shalt  }
0x82: {  	_ =	shalt  }
0x83: {  	_ =	shalt  }
0x84: {  	_ =	shalt  }
0x85: {  	_ =	shalt  }
0x86: {  	_ =	shalt  }
0x87: {  	_ =	shalt  }
.Lfunc_end0:
.L_simem_size_0:
called_computation.12_lowered:
.L_overlay_start_0:
0x88: {  	s2 =	sld [smem:$0x3FD9]  }
0x89: {  	s3 =	sld [smem:$0x3FFE];
	_ =	sdelay $0x1  }
0x8a: {  	s1 =	srdreg.scid  }
0x8b: {  	s0 =	sand.u32 $0x1, s1  }
0x8c: {  	s16 =	sshll.u32 s0, $0xA;
	s2 =	sadd.s32 s3, s2  }
0x8d: {  	s2 =	sadd.s32 s2, s16  }
0x8e: {  	[smem:$0x3FAF] =	sst s2  }
0x8f: {  	_ = 	snop  }
0x90: {  	(tm) =	ssettm $0x1  }
0x91: {  	s17 =	sld [smem:$0x3FFB];
	_ =	sdelay $0x3  }
0x92: {  	_ =	strace s17  }
0x93: {  	s2 =	sld [smem:$0x3FFC];
	_ =	sdelay $0x3  }
0x94: {  	_ =	strace s2  }
0x95: {  	s2 =	sld [smem:$0x3FFD];
	_ =	sdelay $0x3  }
0x96: {  	_ =	strace s2  }
0x97: {  	_ =	strace $0x8FFFFFFF  }
0x98: {  	s18 =	sld [smem:$0x3FDB];
	_ =	sdelay $0x1  }
0x99: {  	s19 =	simm.s32 $_scs_section_size  }
0x9a: {  	s4 =	simm.s32 $_size__tile_overlayer_lowered;
	s5 =	simm.s32 $_tile_overlayer_lowered  }
0x9b: {  	s22 =	simm.s32 $0x1BFF;
	s21 =	sshll.u32 s5, $0x1;
	s2 =	sadd.s32 s19, s18  }
0x9c: {  	s6 =	simm.s32 $0x0;
	s20 =	sshll.u32 s4, $0x1;
	s4 =	sadd.s32 s21, s2  }
0x9d: {  	[timem:s6], [sflag:s22] =	dma.local [hbm:s4], s20  }
0x9e: {  	_ =	swait.ge [sflag:s22], s20  }
0x9f: {  	s3 =	ssub.s32 $0x0, s20;
	[sflag:s22] =	ssyncset.done $0x0  }
0xa0: {  	[sflag:s22] =	ssyncadd.s32 s3;
	_ =	sdelay $0x1  }
0xa1: {  	s23 =	simm.s32 $0x1B8B  }
0xa2: {  	_ =	swait.ge [sflag:s23], $0x1  }
0xa3: {  	[sflag:s23] =	ssyncset.done $0x0  }
0xa4: {  	s25 =	simm.s32 $0x1B8E;
	s24 =	sld [smem:$0x3FFE];
	[sflag:s23] =	ssyncadd.s32 $0xFFFFFFFF  }
0xa5: {  	s26 =	simm.s32 $execute0_lowered;
	[smem:$0x3FD2] =	sst s25  }
0xa6: {  	s4 =	sshll.u32 s26, $0x1;
	_ =	strace $0x8000006A;
	[dreg:$0x1] =	wrdreg $0xFFFFFFFF  }
0xa7: {  	s28 =	simm.s32 $_size_execute0_lowered;
	s2 =	sadd.s32 s2, s4;
	[dreg:$0x0] =	wrdreg $0x0  }
0xa8: {  	s4 =	sshll.u32 s28, $0x1;
	[dreg:$0x2] =	wrdreg s2  }
0xa9: {  	[dreg:$0x3] =	wrdreg s4  }
0xaa: {  	[dreg:$0x4] =	wrdreg $0xC0  }
0xab: {  	_ =	task [dreg:s6], $0x5FFFF  }
0xac: {  	[dreg:$0x1] =	wrdreg $0xFFFFFFFF  }
0xad: {  	[dreg:$0x0] =	wrdreg $0x60  }
0xae: {  	[dreg:$0x2] =	wrdreg s24  }
0xaf: {  	[dreg:$0x3] =	wrdreg $0x0  }
0xb0: {  	[dreg:$0x4] =	wrdreg $0x9  }
0xb1: {  	_ =	task.clear_ibuf [dreg:s6], $0x5FFFF;
	_ =	strace $0x9000006A  }
0xb2: {  	s29 =	simm.s32 $0x9;
	_ =	strace $0x8000006C  }
0xb3: {  	_ =	swait.ge [sflag:s29], $0x1  }
0xb4: {  	[sflag:s29] =	ssyncadd.s32 $0xFFFFFFFF  }
0xb5: {  	_ =	strace $0x9000006C  }
0xb6: {  	_ =	sfence  }
0xb7: {  	s30 =	sld [smem:$0x0];
	_ =	sdelay $0x2  }
0xb8: {  	s31 =	sshll.u32 s1, $0xD;
	s1 =	sshrl.u32 s1, $0x2  }
0xb9: {  	s3 =	sand.u32 $0x4000, s31;
	s1 =	sadd.s32 s1, s30  }
0xba: {  	s0 =	sor.u32 s3, s0;
	s1 =	sshll.u32 s1, $0x11  }
0xbb: {  	s0 =	sor.u32 s1, s0  }
0xbc: {  	s0 =	sadd.s32 $0x8F2B, s0  }
0xbd: {  	[sflag:s0] =	ssyncadd.remote.s32 $0x1  }
0xbe: {  	_ =	sfence.sel $0xFFFF  }
0xbf: {  	[dreg:$0x0] =	wrdreg $0xFFFFFFFF;
	(pc) =	sbr.abs _section_cstart, $3  }
0xc0: {  	[dreg:$0x1] =	wrdreg $0xFFFFFFFF  }
0xc1: {  	_ =	task.clear_ibuf [dreg:s6], $0x2FFFF;
	_ =	strace $0x9FFFFFFF  }
0xc2: {  	(tm) =	ssettm $0x7FFFFFFF  }
0xc3: {  	_ =	shalt  }
tec
execute0_lowered:
.L_overlay_start_1:
0x0: {  	(tag) =	ssettag $0x1  }
0x1: {  	s4 =	rddreg [dreg:$0x0];
	s1 =	stileid.u32  }
0x2: {  	s2 =	rddreg [dreg:$0x1];
	s5 =	smul.u32 $0xC3500, s1  }
0x3: {  	s0 =	rddreg [dreg:$0x2];
	s3 =	simm.s32 $0x0;
	s6 =	smul.u32 $0x1980, s1  }
0x4: {  	s7 =	srdreg.scid;
	s19 =	simm.s32 $0xCD00;
	s8 =	smul.u32 $0x33000, s1  }
0x5: {  	[smem:$0x7FF] =	sst s3;
	s15 =	sadd.s32 $0xD0800, s4;
	s10 =	smul.u32 $0x198, s1  }
0x6: {  	s20 =	sand.u32 $0x1, s7;
	s9 =	sadd.s32 $0x193E00, s4;
	s13 =	smul.u32 $0xC350, s1  }
0x7: {  	s17 =	sshll.u32 s1, $0x6;
	_ =	strace $0x8000006B;
	s14 =	smul.u32 $0x30D400, s20  }
0x8: {  	s7 =	ssub.s32 $0x2, s20;
	s23 =	sshll.u32 s20, $0x2;
	s24 =	smul.u32 $0x6600, s20  }
0x9: {  	s18 =	sshllo.u32 s20, $0x2;
	s20 =	simm.s32 $0xC8;
	s11 =	sadd.s32 s5, s4  }
0xa: {  	s6 =	sadd.s32 s6, s4;
	s21 =	sshrl.u32 s7, $0x1;
	s22 =	sshrl.u32 s8, $0x2  }
0xb: {  	s25 =	sor.u32 $0x1, s23;
	s5 =	sor.u32 $0x1C01, s17;
	s26 =	smul.u32 $0x1980, s18  }
0xc: {  	s18 =	simm.s32 $0xCC00;
	s12 =	ssub.s32 s7, s21;
	s16 =	sadd.s32 s22, s2  }
0xd: {  	s4 =	sadd.s32 $0x408600, s6;
	s8 =	smul.u32 $0x1980, s25;
	s7 =	sor.u32 $0x2, s23  }
0xe: {  	s6 =	sadd.s32 s10, s24;
	s13 =	sadd.s32 s13, s14;
	s11 =	sadd.s32 $0x1D53E00, s11  }
0xf: {  	s21 =	simm.s32 $0x0;
	s7 =	smul.u32 $0x1980, s7;
	s6 =	sshll.u32 s6, $0x4  }
0x10: {  	s29 =	sshrl.u32 s13, $0x3;
	s14 =	sadd.s32 $0xC3500, s13;
	s30 =	sadd.s32 $0x186A00, s13  }
0x11: {  	s13 =	sadd.s32 $0x249F00, s13;
	s16 =	sshrl.u32 s16, $0x3;
	s6 =	sadd.s32 s9, s6  }
0x12: {  	s8 =	sadd.s32 s10, s8;
	s14 =	sshrl.u32 s14, $0x3;
	s17 =	sshrl.u32 s30, $0x3  }
0x13: {  	s31 =	sshrl.u32 s13, $0x3;
	s7 =	sadd.s32 s10, s7;
	s8 =	sshll.u32 s8, $0x4  }
0x14: {  	s10 =	sadd.s32 s10, s26;
	s13 =	sadd.s32 s14, s15;
	s14 =	sadd.s32 s17, s15  }
0x15: {  	s17 =	simm.s32 $0x1;
	s28 =	sshll.u32 s7, $0x4;
	s10 =	sshll.u32 s10, $0x4  }
0x16: {  	s7 =	sadd.s32 s9, s8;
	s8 =	sadd.s32 s9, s28;
	s9 =	sadd.s32 s9, s10  }
0x17: {  	s10 =	smax.u32 s12, $0x1;
	s12 =	sadd.s32 s29, s15;
	s15 =	sadd.s32 s31, s15  }
.LBB2_1:
0x18: {  	[spmem:s16], [sflag:s5] =	dma.local [hbm:s4], $0x1980  }
0x19: {  	_ =	swait.ge [sflag:s17], $0x1980  }
0x1a: {  	[sflag:s17] =	ssyncset.done $0x0  }
0x1b: {  	[sflag:s17] =	ssyncadd.s32 $0xFFFFE680  }
0x1c: {  	s22 =	sadd.s32 $0x0, s12;
	[bflag:$0x0] =	sbarrier.arrive $0xFFFF  }
0x1d: {  	[tilespmem:s18], [sflag:$0x1] =	stream.linear.gather [hbm4b:s22+s3], $0xC8, $0x38;
	[tilespmem:$0x13100] =	vst v63  }
0x1e: {  	_ =	swait.ge [sflag:s17], $0xC8  }
0x1f: {  	[sflag:s17] =	ssyncset.done $0x0  }
0x20: {  	[sflag:s17] =	ssyncadd.s32 $0xFFFFFF38  }
0x21: {  	[tilespmem:s19], [sflag:$0x1] =	stream.linear.gather [hbm4b:s11+s3], $0x6400, $0x38;
	[tilespmem:$0x13100] =	vst v63  }
0x22: {  	_ =	swait.ge [sflag:s17], $0x6400  }
0x23: {  	[sflag:s17] =	ssyncset.done $0x0  }
0x24: {  	[sflag:s17] =	ssyncadd.s32 $0xFFFF9C00  }
0x25: {  	[spmem:s2] =	stream.indirect.scatter.add.f32 [tilespmem:s19], [sflag:$0x1], $0x80, s18, s20, $0xb8;
	[tilespmem:$0x13100] =	vst v63  }
0x26: {  	s23 =	simm.s32 $0x19;
	_ =	swait.ge [sflag:s17], $0x6400  }
0x27: {  	s24 =	simm.s32 $0x32;
	s22 =	sadd.s32 $0xC80, s11;
	[sflag:s17] =	ssyncset.done $0x0  }
.LBB2_2:
0x28: {  	s25 =	sadd.s32 s23, s12  }
0x29: {  	[sflag:s17] =	ssyncadd.s32 $0xFFFF9C00;
	s23 =	smov.u32 s24;
	s26 =	sadd.s32 $0x19, s24  }
0x2a: {  	[tilespmem:s18], [sflag:$0x1] =	stream.linear.gather [hbm4b:s25+s3], $0xC8, $0x38;
	[tilespmem:$0x13100] =	vst v63  }
0x2b: {  	p0 =	sne.s32 s24, $0x1851;
	_ =	swait.ge [sflag:s17], $0xC8  }
0x2c: {  	[sflag:s17] =	ssyncset.done $0x0  }
0x2d: {  	[sflag:s17] =	ssyncadd.s32 $0xFFFFFF38  }
0x2e: {  	[tilespmem:s19], [sflag:$0x1] =	stream.linear.gather [hbm4b:s22+s3], $0x6400, $0x38;
	[tilespmem:$0x13100] =	vst v63  }
0x2f: {  	_ =	swait.ge [sflag:s17], $0x6400  }
.Ltmp0:
0x30: {  	[sflag:s17] =	ssyncset.done $0x0;
	(pc) =	sbr.rel @p0 .LBB2_2-.Ltmp0, $4  }
0x31: {  	[sflag:s17] =	ssyncadd.s32 $0xFFFF9C00  }
0x32: {  	[spmem:s2] =	stream.indirect.scatter.add.f32 [tilespmem:s19], [sflag:$0x1], $0x80, s18, s20, $0xb8;
	[tilespmem:$0x13100] =	vst v63  }
0x33: {  	_ =	swait.ge [sflag:s17], $0x6400  }
0x34: {  	s24 =	smov.u32 s26;
	s22 =	sadd.s32 $0xC80, s22;
	[sflag:s17] =	ssyncset.done $0x0  }
0x35: {  	s23 =	sadd.s32 s23, s12;
	[sflag:s17] =	ssyncadd.s32 $0xFFFF9C00  }
0x36: {  	[tilespmem:s18], [sflag:$0x1] =	stream.linear.gather [hbm4b:s23+s3], $0xC8, $0x38;
	[tilespmem:$0x13100] =	vst v63  }
0x37: {  	_ =	swait.ge [sflag:s17], $0xC8  }
0x38: {  	[sflag:s17] =	ssyncset.done $0x0  }
0x39: {  	[sflag:s17] =	ssyncadd.s32 $0xFFFFFF38  }
0x3a: {  	[tilespmem:s19], [sflag:$0x1] =	stream.linear.gather [hbm4b:s22+s3], $0x6400, $0x38;
	[tilespmem:$0x13100] =	vst v63  }
0x3b: {  	_ =	swait.ge [sflag:s17], $0x6400  }
0x3c: {  	[sflag:s17] =	ssyncset.done $0x0  }
0x3d: {  	[sflag:s17] =	ssyncadd.s32 $0xFFFF9C00  }
0x3e: {  	[spmem:s2] =	stream.indirect.scatter.add.f32 [tilespmem:s19], [sflag:$0x1], $0x80, s18, s20, $0xb8;
	[tilespmem:$0x13100] =	vst v63  }
0x3f: {  	_ =	swait.ge [sflag:s17], $0x6400  }
0x40: {  	[sflag:s17] =	ssyncset.done $0x0  }
0x41: {  	[sflag:s17] =	ssyncadd.s32 $0xFFFF9C00  }
0x42: {  	[bflag:$0x0] =	sbarrier.arrive $0xFFFF  }
0x43: {  	[hbm:s6], [sflag:s5] =	dma.local [spmem:s16], $0x1980  }
0x44: {  	_ =	swait.ge [sflag:s17], $0x1980  }
0x45: {  	[sflag:s17] =	ssyncset.done $0x0  }
0x46: {  	[sflag:s17] =	ssyncadd.s32 $0xFFFFE680  }
0x47: {  	[bflag:$0x0] =	sbarrier.arrive $0xFFFF  }
0x48: {  	[spmem:s16], [sflag:s5] =	dma.local [hbm:s4], $0x1980  }
0x49: {  	_ =	swait.ge [sflag:s17], $0x1980  }
0x4a: {  	[sflag:s17] =	ssyncset.done $0x0  }
0x4b: {  	[sflag:s17] =	ssyncadd.s32 $0xFFFFE680  }
0x4c: {  	s31 =	sadd.s32 $0x0, s13;
	[bflag:$0x0] =	sbarrier.arrive $0xFFFF  }
0x4d: {  	[tilespmem:s18], [sflag:$0x1] =	stream.linear.gather [hbm4b:s31+s3], $0xC8, $0x38;
	[tilespmem:$0x13100] =	vst v63  }
0x4e: {  	_ =	swait.ge [sflag:s17], $0xC8  }
0x4f: {  	[sflag:s17] =	ssyncset.done $0x0  }
0x50: {  	[sflag:s17] =	ssyncadd.s32 $0xFFFFFF38  }
0x51: {  	[tilespmem:s19], [sflag:$0x1] =	stream.linear.gather [hbm4b:s11+s3], $0x6400, $0x38;
	[tilespmem:$0x13100] =	vst v63  }
0x52: {  	_ =	swait.ge [sflag:s17], $0x6400  }
0x53: {  	[sflag:s17] =	ssyncset.done $0x0  }
0x54: {  	[sflag:s17] =	ssyncadd.s32 $0xFFFF9C00  }
0x55: {  	[spmem:s2] =	stream.indirect.scatter.add.f32 [tilespmem:s19], [sflag:$0x1], $0x80, s18, s20, $0xb8;
	[tilespmem:$0x13100] =	vst v63  }
0x56: {  	s24 =	simm.s32 $0x32;
	_ =	swait.ge [sflag:s17], $0x6400  }
0x57: {  	s23 =	simm.s32 $0x19;
	s22 =	sadd.s32 $0xC80, s11;
	[sflag:s17] =	ssyncset.done $0x0  }
.LBB2_4:
0x58: {  	s25 =	sadd.s32 s23, s13  }
0x59: {  	[sflag:s17] =	ssyncadd.s32 $0xFFFF9C00;
	s23 =	smov.u32 s24;
	s26 =	sadd.s32 $0x19, s24  }
0x5a: {  	[tilespmem:s18], [sflag:$0x1] =	stream.linear.gather [hbm4b:s25+s3], $0xC8, $0x38;
	[tilespmem:$0x13100] =	vst v63  }
0x5b: {  	p0 =	sne.s32 s24, $0x1851;
	_ =	swait.ge [sflag:s17], $0xC8  }
0x5c: {  	[sflag:s17] =	ssyncset.done $0x0  }
0x5d: {  	[sflag:s17] =	ssyncadd.s32 $0xFFFFFF38  }
0x5e: {  	[tilespmem:s19], [sflag:$0x1] =	stream.linear.gather [hbm4b:s22+s3], $0x6400, $0x38;
	[tilespmem:$0x13100] =	vst v63  }
0x5f: {  	_ =	swait.ge [sflag:s17], $0x6400  }
.Ltmp1:
0x60: {  	[sflag:s17] =	ssyncset.done $0x0;
	(pc) =	sbr.rel @p0 .LBB2_4-.Ltmp1, $4  }
0x61: {  	[sflag:s17] =	ssyncadd.s32 $0xFFFF9C00  }
0x62: {  	[spmem:s2] =	stream.indirect.scatter.add.f32 [tilespmem:s19], [sflag:$0x1], $0x80, s18, s20, $0xb8;
	[tilespmem:$0x13100] =	vst v63  }
0x63: {  	_ =	swait.ge [sflag:s17], $0x6400  }
0x64: {  	s24 =	smov.u32 s26;
	s22 =	sadd.s32 $0xC80, s22;
	[sflag:s17] =	ssyncset.done $0x0  }
0x65: {  	s23 =	sadd.s32 s23, s13;
	[sflag:s17] =	ssyncadd.s32 $0xFFFF9C00  }
0x66: {  	[tilespmem:s18], [sflag:$0x1] =	stream.linear.gather [hbm4b:s23+s3], $0xC8, $0x38;
	[tilespmem:$0x13100] =	vst v63  }
0x67: {  	_ =	swait.ge [sflag:s17], $0xC8  }
0x68: {  	[sflag:s17] =	ssyncset.done $0x0  }
0x69: {  	[sflag:s17] =	ssyncadd.s32 $0xFFFFFF38  }
0x6a: {  	[tilespmem:s19], [sflag:$0x1] =	stream.linear.gather [hbm4b:s22+s3], $0x6400, $0x38;
	[tilespmem:$0x13100] =	vst v63  }
0x6b: {  	_ =	swait.ge [sflag:s17], $0x6400  }
0x6c: {  	[sflag:s17] =	ssyncset.done $0x0  }
0x6d: {  	[sflag:s17] =	ssyncadd.s32 $0xFFFF9C00  }
0x6e: {  	[spmem:s2] =	stream.indirect.scatter.add.f32 [tilespmem:s19], [sflag:$0x1], $0x80, s18, s20, $0xb8;
	[tilespmem:$0x13100] =	vst v63  }
0x6f: {  	_ =	swait.ge [sflag:s17], $0x6400  }
0x70: {  	[sflag:s17] =	ssyncset.done $0x0  }
0x71: {  	[sflag:s17] =	ssyncadd.s32 $0xFFFF9C00  }
0x72: {  	[bflag:$0x0] =	sbarrier.arrive $0xFFFF  }
0x73: {  	[hbm:s7], [sflag:s5] =	dma.local [spmem:s16], $0x1980  }
0x74: {  	_ =	swait.ge [sflag:s17], $0x1980  }
0x75: {  	[sflag:s17] =	ssyncset.done $0x0  }
0x76: {  	[sflag:s17] =	ssyncadd.s32 $0xFFFFE680  }
0x77: {  	[bflag:$0x0] =	sbarrier.arrive $0xFFFF  }
0x78: {  	[spmem:s16], [sflag:s5] =	dma.local [hbm:s4], $0x1980  }
0x79: {  	_ =	swait.ge [sflag:s17], $0x1980  }
0x7a: {  	[sflag:s17] =	ssyncset.done $0x0  }
0x7b: {  	[sflag:s17] =	ssyncadd.s32 $0xFFFFE680  }
0x7c: {  	s31 =	sadd.s32 $0x0, s14;
	[bflag:$0x0] =	sbarrier.arrive $0xFFFF  }
0x7d: {  	[tilespmem:s18], [sflag:$0x1] =	stream.linear.gather [hbm4b:s31+s3], $0xC8, $0x38;
	[tilespmem:$0x13100] =	vst v63  }
0x7e: {  	_ =	swait.ge [sflag:s17], $0xC8  }
0x7f: {  	[sflag:s17] =	ssyncset.done $0x0  }
0x80: {  	[sflag:s17] =	ssyncadd.s32 $0xFFFFFF38  }
0x81: {  	[tilespmem:s19], [sflag:$0x1] =	stream.linear.gather [hbm4b:s11+s3], $0x6400, $0x38;
	[tilespmem:$0x13100] =	vst v63  }
0x82: {  	_ =	swait.ge [sflag:s17], $0x6400  }
0x83: {  	[sflag:s17] =	ssyncset.done $0x0  }
0x84: {  	[sflag:s17] =	ssyncadd.s32 $0xFFFF9C00  }
0x85: {  	[spmem:s2] =	stream.indirect.scatter.add.f32 [tilespmem:s19], [sflag:$0x1], $0x80, s18, s20, $0xb8;
	[tilespmem:$0x13100] =	vst v63  }
0x86: {  	s24 =	simm.s32 $0x32;
	_ =	swait.ge [sflag:s17], $0x6400  }
0x87: {  	s23 =	simm.s32 $0x19;
	s22 =	sadd.s32 $0xC80, s11;
	[sflag:s17] =	ssyncset.done $0x0  }
.LBB2_6:
0x88: {  	s25 =	sadd.s32 s23, s14  }
0x89: {  	[sflag:s17] =	ssyncadd.s32 $0xFFFF9C00;
	s23 =	smov.u32 s24;
	s26 =	sadd.s32 $0x19, s24  }
0x8a: {  	[tilespmem:s18], [sflag:$0x1] =	stream.linear.gather [hbm4b:s25+s3], $0xC8, $0x38;
	[tilespmem:$0x13100] =	vst v63  }
0x8b: {  	p0 =	sne.s32 s24, $0x1851;
	_ =	swait.ge [sflag:s17], $0xC8  }
0x8c: {  	[sflag:s17] =	ssyncset.done $0x0  }
0x8d: {  	[sflag:s17] =	ssyncadd.s32 $0xFFFFFF38  }
0x8e: {  	[tilespmem:s19], [sflag:$0x1] =	stream.linear.gather [hbm4b:s22+s3], $0x6400, $0x38;
	[tilespmem:$0x13100] =	vst v63  }
0x8f: {  	_ =	swait.ge [sflag:s17], $0x6400  }
.Ltmp2:
0x90: {  	[sflag:s17] =	ssyncset.done $0x0;
	(pc) =	sbr.rel @p0 .LBB2_6-.Ltmp2, $4  }
0x91: {  	[sflag:s17] =	ssyncadd.s32 $0xFFFF9C00  }
0x92: {  	[spmem:s2] =	stream.indirect.scatter.add.f32 [tilespmem:s19], [sflag:$0x1], $0x80, s18, s20, $0xb8;
	[tilespmem:$0x13100] =	vst v63  }
0x93: {  	_ =	swait.ge [sflag:s17], $0x6400  }
0x94: {  	s24 =	smov.u32 s26;
	s22 =	sadd.s32 $0xC80, s22;
	[sflag:s17] =	ssyncset.done $0x0  }
0x95: {  	s23 =	sadd.s32 s23, s14;
	[sflag:s17] =	ssyncadd.s32 $0xFFFF9C00  }
0x96: {  	[tilespmem:s18], [sflag:$0x1] =	stream.linear.gather [hbm4b:s23+s3], $0xC8, $0x38;
	[tilespmem:$0x13100] =	vst v63  }
0x97: {  	_ =	swait.ge [sflag:s17], $0xC8  }
0x98: {  	[sflag:s17] =	ssyncset.done $0x0  }
0x99: {  	[sflag:s17] =	ssyncadd.s32 $0xFFFFFF38  }
0x9a: {  	[tilespmem:s19], [sflag:$0x1] =	stream.linear.gather [hbm4b:s22+s3], $0x6400, $0x38;
	[tilespmem:$0x13100] =	vst v63  }
0x9b: {  	_ =	swait.ge [sflag:s17], $0x6400  }
0x9c: {  	[sflag:s17] =	ssyncset.done $0x0  }
0x9d: {  	[sflag:s17] =	ssyncadd.s32 $0xFFFF9C00  }
0x9e: {  	[spmem:s2] =	stream.indirect.scatter.add.f32 [tilespmem:s19], [sflag:$0x1], $0x80, s18, s20, $0xb8;
	[tilespmem:$0x13100] =	vst v63  }
0x9f: {  	_ =	swait.ge [sflag:s17], $0x6400  }
0xa0: {  	[sflag:s17] =	ssyncset.done $0x0  }
0xa1: {  	[sflag:s17] =	ssyncadd.s32 $0xFFFF9C00  }
0xa2: {  	[bflag:$0x0] =	sbarrier.arrive $0xFFFF  }
0xa3: {  	[hbm:s8], [sflag:s5] =	dma.local [spmem:s16], $0x1980  }
0xa4: {  	_ =	swait.ge [sflag:s17], $0x1980  }
0xa5: {  	[sflag:s17] =	ssyncset.done $0x0  }
0xa6: {  	[sflag:s17] =	ssyncadd.s32 $0xFFFFE680  }
0xa7: {  	[bflag:$0x0] =	sbarrier.arrive $0xFFFF  }
0xa8: {  	[spmem:s16], [sflag:s5] =	dma.local [hbm:s4], $0x1980  }
0xa9: {  	_ =	swait.ge [sflag:s17], $0x1980  }
0xaa: {  	[sflag:s17] =	ssyncset.done $0x0  }
0xab: {  	[sflag:s17] =	ssyncadd.s32 $0xFFFFE680  }
0xac: {  	s31 =	sadd.s32 $0x0, s15;
	[bflag:$0x0] =	sbarrier.arrive $0xFFFF  }
0xad: {  	[tilespmem:s18], [sflag:$0x1] =	stream.linear.gather [hbm4b:s31+s3], $0xC8, $0x38;
	[tilespmem:$0x13100] =	vst v63  }
0xae: {  	_ =	swait.ge [sflag:s17], $0xC8  }
0xaf: {  	[sflag:s17] =	ssyncset.done $0x0  }
0xb0: {  	[sflag:s17] =	ssyncadd.s32 $0xFFFFFF38  }
0xb1: {  	[tilespmem:s19], [sflag:$0x1] =	stream.linear.gather [hbm4b:s11+s3], $0x6400, $0x38;
	[tilespmem:$0x13100] =	vst v63  }
0xb2: {  	_ =	swait.ge [sflag:s17], $0x6400  }
0xb3: {  	[sflag:s17] =	ssyncset.done $0x0  }
0xb4: {  	[sflag:s17] =	ssyncadd.s32 $0xFFFF9C00  }
0xb5: {  	[spmem:s2] =	stream.indirect.scatter.add.f32 [tilespmem:s19], [sflag:$0x1], $0x80, s18, s20, $0xb8;
	[tilespmem:$0x13100] =	vst v63  }
0xb6: {  	s24 =	simm.s32 $0x32;
	_ =	swait.ge [sflag:s17], $0x6400  }
0xb7: {  	s23 =	simm.s32 $0x19;
	s22 =	sadd.s32 $0xC80, s11;
	[sflag:s17] =	ssyncset.done $0x0  }
.LBB2_8:
0xb8: {  	s25 =	sadd.s32 s23, s15  }
0xb9: {  	[sflag:s17] =	ssyncadd.s32 $0xFFFF9C00;
	s23 =	smov.u32 s24;
	s26 =	sadd.s32 $0x19, s24  }
0xba: {  	[tilespmem:s18], [sflag:$0x1] =	stream.linear.gather [hbm4b:s25+s3], $0xC8, $0x38;
	[tilespmem:$0x13100] =	vst v63  }
0xbb: {  	p0 =	sne.s32 s24, $0x1851;
	_ =	swait.ge [sflag:s17], $0xC8  }
0xbc: {  	[sflag:s17] =	ssyncset.done $0x0  }
0xbd: {  	[sflag:s17] =	ssyncadd.s32 $0xFFFFFF38  }
0xbe: {  	[tilespmem:s19], [sflag:$0x1] =	stream.linear.gather [hbm4b:s22+s3], $0x6400, $0x38;
	[tilespmem:$0x13100] =	vst v63  }
0xbf: {  	_ =	swait.ge [sflag:s17], $0x6400  }
.Ltmp3:
0xc0: {  	[sflag:s17] =	ssyncset.done $0x0;
	(pc) =	sbr.rel @p0 .LBB2_8-.Ltmp3, $4  }
0xc1: {  	[sflag:s17] =	ssyncadd.s32 $0xFFFF9C00  }
0xc2: {  	[spmem:s2] =	stream.indirect.scatter.add.f32 [tilespmem:s19], [sflag:$0x1], $0x80, s18, s20, $0xb8;
	[tilespmem:$0x13100] =	vst v63  }
0xc3: {  	_ =	swait.ge [sflag:s17], $0x6400  }
0xc4: {  	s24 =	smov.u32 s26;
	s22 =	sadd.s32 $0xC80, s22;
	[sflag:s17] =	ssyncset.done $0x0  }
0xc5: {  	s23 =	sadd.s32 s23, s15;
	[sflag:s17] =	ssyncadd.s32 $0xFFFF9C00  }
0xc6: {  	[tilespmem:s18], [sflag:$0x1] =	stream.linear.gather [hbm4b:s23+s3], $0xC8, $0x38;
	[tilespmem:$0x13100] =	vst v63  }
0xc7: {  	_ =	swait.ge [sflag:s17], $0xC8  }
0xc8: {  	[sflag:s17] =	ssyncset.done $0x0  }
0xc9: {  	[sflag:s17] =	ssyncadd.s32 $0xFFFFFF38  }
0xca: {  	[tilespmem:s19], [sflag:$0x1] =	stream.linear.gather [hbm4b:s22+s3], $0x6400, $0x38;
	[tilespmem:$0x13100] =	vst v63  }
0xcb: {  	_ =	swait.ge [sflag:s17], $0x6400  }
0xcc: {  	[sflag:s17] =	ssyncset.done $0x0  }
0xcd: {  	[sflag:s17] =	ssyncadd.s32 $0xFFFF9C00  }
0xce: {  	[spmem:s2] =	stream.indirect.scatter.add.f32 [tilespmem:s19], [sflag:$0x1], $0x80, s18, s20, $0xb8;
	[tilespmem:$0x13100] =	vst v63  }
0xcf: {  	_ =	swait.ge [sflag:s17], $0x6400  }
0xd0: {  	s21 =	sadd.s32 $0x1, s21;
	[sflag:s17] =	ssyncset.done $0x0  }
0xd1: {  	p0 =	sne.s32 s21, s10;
	[sflag:s17] =	ssyncadd.s32 $0xFFFF9C00  }
.Ltmp4:
0xd2: {  	[bflag:$0x0] =	sbarrier.arrive $0xFFFF;
	(pc) =	sbr.rel @p0 .LBB2_1-.Ltmp4, $4  }
0xd3: {  	[hbm:s9], [sflag:s5] =	dma.local [spmem:s16], $0x1980  }
0xd4: {  	_ =	swait.ge [sflag:s17], $0x1980  }
0xd5: {  	[sflag:s17] =	ssyncset.done $0x0  }
0xd6: {  	[sflag:s17] =	ssyncadd.s32 $0xFFFFE680  }
0xd7: {  	_ =	sfence.sel $0x180000  }
0xd8: {  	[bflag:$0x0] =	sbarrier.arrive $0xFFFF  }
0xd9: {  	p0 =	sne.s32 s1, $0x0;
	_ =	strace $0x9000006B  }
0xda: {  	s0 =	sadd.s32 @!p0 $0x100000, s0;
	[bflag:$0x2] =	sbarrier.arrive $0xFFFF  }
0xdb: {  	[sflag:s0] =	ssyncadd.tile.s32 @!p0 $0x1;
	_ =	shalt  }
.Lfunc_end2:
_tile_overlayer_lowered:
.L_overlay_start_2:
0xdc: {  	(tag) =	ssettag $0x2  }
0xdd: {  	s0 =	rddreg [dreg:$0x0];
	s2 =	stileid.u32  }
0xde: {  	s1 =	rddreg [dreg:$0x1];
	p0 =	sne.s32 s2, $0x0  }
0xdf: {  	s3 =	rddreg [dreg:$0x2];
	[bflag:$0x3] =	sbarrier.arrive $0xFFFF;
	s2 =	simm.s32 @!p0 $0x1C01  }
0xe0: {  	[timem:s3], [sflag:s2] =	dma.local @!p0 [hbm:s0], s1  }
0xe1: {  	s0 =	simm.s32 @!p0 $0x1  }
0xe2: {  	_ =	swait.ge @!p0 [sflag:s0], s1  }
0xe3: {  	s1 =	ssub.s32 @!p0 $0x0, s1;
	[sflag:s0] =	ssyncset.done @!p0 $0x0  }
0xe4: {  	[sflag:s0] =	ssyncadd.s32 @!p0 s1  }
0xe5: {  	[bflag:$0x3] =	sbarrier.arrive $0xFFFF  }
0xe6: {  	_ =	shalt  }

</sc_bundles>
